<compile_context>
chip_gen: v7x
topology: tpu7x:2x2x1
jax: 0.10.2.dev20260603
libtpu: 0.0.44.dev20260713+nightly
codegen_flags: <defaults>
</compile_context>

<pallas_src>
import functools

import jax
import jax.numpy as jnp
from jax import lax
from jax.experimental import pallas as pl
from jax.experimental.pallas import tpu as pltpu
from jax.experimental.pallas import tpu_sc as plsc

B = 16384
N = 50
D = 64
H = 4
NUM_LO = 1000
HUGE = 1e31

NC = 2
NS = 16
NW = NC * NS
CHUNK = 128
NSLICE = 4
BS = B // NSLICE
PW = BS // NW
assert PW == CHUNK


def _leaky(x, s):
    return jnp.where(x >= 0, x, s * x)


def _tables_body(embr_ref, embe_ref, wr_ref, we_ref, tr_ref, te_ref):
    tr_ref[...] = jnp.dot(embr_ref[...], wr_ref[...],
                          preferred_element_type=jnp.float32)
    te_ref[...] = jnp.dot(embe_ref[...], we_ref[...],
                          preferred_element_type=jnp.float32)


def _project_tables(emb_r, emb_e_lo, wr, we):
    return pl.pallas_call(
        _tables_body,
        out_shape=(
            jax.ShapeDtypeStruct((NUM_LO, 128), jnp.float32),
            jax.ShapeDtypeStruct((NUM_LO, 128), jnp.float32),
        ),
    )(emb_r, emb_e_lo, wr, we)


def _h_gather_body(table, idx_hbm, out_hbm, idx_v, rows_v, sem):
    wid = lax.axis_index("s") * NC + lax.axis_index("c")
    per_w = B // NW
    base = wid * per_w
    for ci in range(per_w // CHUNK):
        off = base + ci * CHUNK
        pltpu.sync_copy(idx_hbm.at[pl.ds(off, CHUNK)], idx_v)
        pltpu.async_copy(table.at[idx_v], rows_v, sem).wait()
        pltpu.sync_copy(rows_v, out_hbm.at[pl.ds(off, CHUNK)])


def _gather_h(emb_e, batch_e1):
    mesh = plsc.VectorSubcoreMesh(core_axis_name="c", subcore_axis_name="s")
    f = functools.partial(
        pl.kernel,
        out_type=jax.ShapeDtypeStruct((B, D), jnp.float32),
        mesh=mesh,
        scratch_types=[
            pltpu.VMEM((CHUNK,), jnp.int32),
            pltpu.VMEM((CHUNK, D), jnp.float32),
            pltpu.SemaphoreType.DMA,
        ],
        compiler_params=pltpu.CompilerParams(use_tc_tiling_on_sc=False),
    )(_h_gather_body)
    return f(emb_e, batch_e1)


def _g_gather_body(tr_hbm, te_hbm, ridx_hbm, eidx_hbm, out_hbm,
                   ridx_v, eidx_v, buf_r, buf_e, tr_sp, te_sp,
                   semr0, semr1, seme0, seme1):
    cid = lax.axis_index("c")
    sid = lax.axis_index("s")
    wid = sid * NC + cid

    @pl.when(sid == 0)
    def _stage():
        pltpu.sync_copy(tr_hbm, tr_sp)
        pltpu.sync_copy(te_hbm, te_sp)

    plsc.subcore_barrier()

    nidx = N * CHUNK
    pltpu.sync_copy(ridx_hbm.at[pl.ds(wid * nidx, nidx)], ridx_v)
    pltpu.sync_copy(eidx_hbm.at[pl.ds(wid * nidx, nidx)], eidx_v)

    sems_r = (semr0, semr1)
    sems_e = (seme0, seme1)

    def copies(ci, k):
        isl = pl.ds(ci * CHUNK, CHUNK)
        return (
            pltpu.make_async_copy(tr_sp.at[ridx_v.at[isl]], buf_r.at[k],
                                  sems_r[k]),
            pltpu.make_async_copy(te_sp.at[eidx_v.at[isl]], buf_e.at[k],
                                  sems_e[k]),
        )

    def start(ci, k):
        cr, ce = copies(ci, k)
        cr.start()
        ce.start()

    start(0, 0)
    start(1, 1)

    def body2(i2, carry):
        for k in range(2):
            ci = i2 * 2 + k
            cr, ce = copies(ci, k)
            cr.wait()
            ce.wait()

            def add_row(i, c):
                for j in range(8):
                    sl = pl.ds(j * 16, 16)
                    buf_r[k, i, sl] = buf_r[k, i, sl] + buf_e[k, i, sl]
                return c

            lax.fori_loop(0, CHUNK, add_row, 0)
            pltpu.sync_copy(buf_r.at[k],
                            out_hbm.at[pl.ds(ci * BS + wid * CHUNK, CHUNK)])
            nxt = ci + 2

            @pl.when(nxt < N)
            def _():
                start(nxt, k)
        return carry

    lax.fori_loop(0, N // 2, body2, 0)


def _gather_g(tr, te, ridx_wm, eidx_wm):
    mesh = plsc.VectorSubcoreMesh(core_axis_name="c", subcore_axis_name="s")
    f = functools.partial(
        pl.kernel,
        out_type=jax.ShapeDtypeStruct((N * BS, 128), jnp.float32),
        mesh=mesh,
        scratch_types=[
            pltpu.VMEM((N * CHUNK,), jnp.int32),
            pltpu.VMEM((N * CHUNK,), jnp.int32),
            pltpu.VMEM((2, CHUNK, 128), jnp.float32),
            pltpu.VMEM((2, CHUNK, 128), jnp.float32),
            pltpu.VMEM_SHARED((NUM_LO, 128), jnp.float32),
            pltpu.VMEM_SHARED((NUM_LO, 128), jnp.float32),
            pltpu.SemaphoreType.DMA,
            pltpu.SemaphoreType.DMA,
            pltpu.SemaphoreType.DMA,
            pltpu.SemaphoreType.DMA,
        ],
    )(_g_gather_body)
    return f(tr, te, ridx_wm, eidx_wm)


RB = 128


def _main_body(h_ref, g_ref, m_ref, w0_ref, b0_ref, aw0_ref, ab0_ref,
               w1_ref, b1_ref, aw1s_ref, aw1_ref, ab1_ref, sel_ref, out_ref):
    h = h_ref[...]
    g3 = g_ref[...]
    gflat = g3.reshape(N * RB, 128)
    mask = jnp.transpose(m_ref[...])
    neg = HUGE * (1.0 - mask)[:, :, None]

    base0 = jnp.dot(h, w0_ref[...], preferred_element_type=jnp.float32)
    base0 = base0 + b0_ref[...]
    u0 = jnp.dot(gflat, aw0_ref[...],
                 preferred_element_type=jnp.float32).reshape(N, RB, H)
    c0 = jnp.dot(base0, aw0_ref[...], preferred_element_type=jnp.float32)
    l0 = _leaky(u0 + c0[None, :, :] + ab0_ref[...][None, :, :], 0.1) - neg
    m0 = jnp.max(l0, axis=0, keepdims=True)
    e0 = jnp.exp(l0 - m0)
    a0 = e0 / jnp.sum(e0, axis=0, keepdims=True)

    heads = []
    for hh in range(H):
        s_h = jnp.sum(a0[:, :, hh][:, :, None] * g3, axis=0)
        heads.append(_leaky(base0 + s_h, 0.01))
    h_aug = jnp.concatenate(heads, axis=1)

    base1 = jnp.dot(h_aug, w1_ref[...], preferred_element_type=jnp.float32)
    base1 = base1 + b1_ref[...]
    u1 = jnp.dot(gflat, aw1s_ref[...],
                 preferred_element_type=jnp.float32).reshape(N, RB, H)
    c1 = jnp.dot(base1, aw1_ref[...], preferred_element_type=jnp.float32)
    l1 = _leaky(u1 + c1[None, :, :] + ab1_ref[...][None, :, :], 0.1) - neg
    m1 = jnp.max(l1, axis=0, keepdims=True)
    e1 = jnp.exp(l1 - m1)
    a1 = e1 / jnp.sum(e1, axis=0, keepdims=True)
    abar = jnp.mean(a1, axis=2)
    s1 = jnp.sum(abar[:, :, None] * g3, axis=0)
    out_ref[...] = h + base1 + jnp.dot(s1, sel_ref[...],
                                       preferred_element_type=jnp.float32)


def _main(s, h, g3, masks, w0p, b0p, aw0p, ab0, w1aug, b1, aw1p, aw1, ab1,
          sel):
    grid = (BS // RB,)
    soff = s * (BS // RB)
    full = lambda shape: pl.BlockSpec(shape, lambda i: tuple(0 for _ in shape))
    return pl.pallas_call(
        _main_body,
        grid=grid,
        in_specs=[
            pl.BlockSpec((RB, D), lambda i: (soff + i, 0)),
            pl.BlockSpec((N, RB, 128), lambda i: (0, i, 0)),
            pl.BlockSpec((RB, N), lambda i: (soff + i, 0)),
            full((D, 128)),
            full((1, 128)),
            full((128, H)),
            full((1, H)),
            full((512, D)),
            full((1, D)),
            full((128, H)),
            full((D, H)),
            full((1, H)),
            full((128, D)),
        ],
        out_specs=pl.BlockSpec((RB, D), lambda i: (i, 0)),
        out_shape=jax.ShapeDtypeStruct((BS, D), jnp.float32),
    )(h, g3, masks, w0p, b0p, aw0p, ab0, w1aug, b1, aw1p, aw1, ab1, sel)


def kernel(batch_e1, batch_q, neighbors, masks, emb_e, emb_r,
           ff_W0, ff_b0, ff_W1, ff_b1, attn_W0, attn_b0, attn_W1, attn_b1):
    del batch_q
    f32 = jnp.float32
    zeros = jnp.zeros

    wr = jnp.concatenate([ff_W0[64:128], ff_W1[256:320]], axis=1)
    we = jnp.concatenate([ff_W0[128:192], ff_W1[320:384]], axis=1)
    w0p = jnp.concatenate([ff_W0[:64], zeros((64, 64), f32)], axis=1)
    b0p = jnp.concatenate([ff_b0, zeros((64,), f32)]).reshape(1, 128)
    aw0 = attn_W0[:, :, 0].T
    aw0p = jnp.concatenate([aw0, zeros((64, H), f32)], axis=0)
    ab0 = attn_b0[:, 0].reshape(1, H)
    w1h = ff_W1[:256]
    w1aug = jnp.concatenate(
        [jnp.concatenate([w1h[hh * 64:(hh + 1) * 64],
                          zeros((64, 64), f32)], axis=0)
         for hh in range(H)], axis=0)
    b1 = ff_b1.reshape(1, D)
    aw1 = attn_W1[:, :, 0].T
    aw1p = jnp.concatenate([zeros((64, H), f32), aw1], axis=0)
    ab1 = attn_b1[:, 0].reshape(1, H)
    sel = jnp.concatenate([zeros((64, 64), f32), jnp.eye(64, dtype=f32)],
                          axis=0)

    tr, te = _project_tables(emb_r, emb_e[:NUM_LO], wr, we)
    h = _gather_h(emb_e, batch_e1.astype(jnp.int32))

    ridx = neighbors[:, :, 0].astype(jnp.int32)
    eidx = neighbors[:, :, 1].astype(jnp.int32)

    outs = []
    for s in range(NSLICE):
        s0 = s * BS
        r_wm = ridx[s0:s0 + BS].reshape(NW, CHUNK, N)
        r_wm = jnp.transpose(r_wm, (0, 2, 1)).reshape(NW * N * CHUNK)
        e_wm = eidx[s0:s0 + BS].reshape(NW, CHUNK, N)
        e_wm = jnp.transpose(e_wm, (0, 2, 1)).reshape(NW * N * CHUNK)
        g = _gather_g(tr, te, r_wm, e_wm)
        g3 = g.reshape(N, BS, 128)
        outs.append(_main(s, h, g3, masks,
                          w0p, b0p, aw0p, ab0, w1aug, b1,
                          aw1p, aw1, ab1, sel))
    return jnp.concatenate(outs, axis=0)

# --- scband reference (transcript-rebuilt; emitter-appended) ---
"""Pipeline reference for scband-gat-9096740733072 (READ-ONLY COPY).

The authoritative reference and input builder live on the scoring server;
editing this copy changes nothing except your own understanding.
"""

import jax, jax.numpy as jnp
import numpy as np

NUM_E = 1000000
NUM_R = 1000
D_E = 64
D_R = 64
NUM_HEADS = 4
HEAD_DIM = 64
B = 16384
N = 50
HUGE_INT = 1e31


def _leaky(x, slope):
    return jnp.where(x >= 0, x, slope * x)


def _attention(x, masks, W, b):
    # x: [B, N, HEAD_DIM]; W: [H, HEAD_DIM, 1]; b: [H, 1]
    outs = []
    for hh in range(NUM_HEADS):
        logits = _leaky(x @ W[hh] + b[hh], 0.1)[..., 0]  # [B, N]
        logits = logits - HUGE_INT * (1.0 - masks)
        outs.append(jax.nn.softmax(logits, axis=1))
    return outs


def setup_inputs(seed: int = 0) -> dict:
    key = jax.random.key(seed)
    ks = jax.random.split(key, 12)
    batch_e1 = jax.random.randint(ks[0], (B,), 0, NUM_E, dtype=jnp.int64 if jax.config.jax_enable_x64 else jnp.int32)
    batch_q = jax.random.randint(ks[1], (B,), 0, NUM_R, dtype=batch_e1.dtype)
    neighbors = jax.random.randint(ks[2], (B, N, 2), 0, NUM_R, dtype=batch_e1.dtype)
    masks = jnp.ones((B, N), dtype=jnp.float32)
    emb_e = jax.random.normal(ks[3], (NUM_E, D_E), dtype=jnp.float32) * 0.02
    emb_r = jax.random.normal(ks[4], (NUM_R, D_R), dtype=jnp.float32) * 0.02
    ff_W0 = jax.random.normal(ks[5], (2 * D_E + D_R, HEAD_DIM), dtype=jnp.float32) * 0.05
    ff_b0 = jnp.zeros((HEAD_DIM,), dtype=jnp.float32)
    ff_W1 = jax.random.normal(ks[6], (NUM_HEADS * HEAD_DIM + D_E + D_R, HEAD_DIM), dtype=jnp.float32) * 0.05
    ff_b1 = jnp.zeros((HEAD_DIM,), dtype=jnp.float32)
    attn_W0 = jax.random.normal(ks[7], (NUM_HEADS, HEAD_DIM, 1), dtype=jnp.float32) * 0.05
    attn_b0 = jnp.zeros((NUM_HEADS, 1), dtype=jnp.float32)
    attn_W1 = jax.random.normal(ks[8], (NUM_HEADS, HEAD_DIM, 1), dtype=jnp.float32) * 0.05
    attn_b1 = jnp.zeros((NUM_HEADS, 1), dtype=jnp.float32)
    return {
        'batch_e1': batch_e1, 'batch_q': batch_q, 'neighbors': neighbors, 'masks': masks,
        'emb_e': emb_e, 'emb_r': emb_r,
        'ff_W0': ff_W0, 'ff_b0': ff_b0, 'ff_W1': ff_W1, 'ff_b1': ff_b1,
        'attn_W0': attn_W0, 'attn_b0': attn_b0, 'attn_W1': attn_W1, 'attn_b1': attn_b1,
    }


def reference(batch_e1, batch_q, neighbors, masks, emb_e, emb_r,
              ff_W0, ff_b0, ff_W1, ff_b1, attn_W0, attn_b0, attn_W1, attn_b1):
    h = jnp.take(emb_e, batch_e1, axis=0)           # [B, D_E]
    _emb_q = jnp.take(emb_r, batch_q, axis=0)       # computed in original forward, unused
    r = jnp.take(emb_r, neighbors[:, :, 0], axis=0)  # [B, N, D_R]
    e = jnp.take(emb_e, neighbors[:, :, 1], axis=0)  # [B, N, D_E]
    h_ = h
    # layer 0 (not last)
    h_exp = jnp.broadcast_to(h_[:, None, :], (B, N, h_.shape[-1]))
    fact = jnp.concatenate([h_exp, r, e], axis=2)    # [B, N, 2*D_E + D_R]
    x = fact @ ff_W0 + ff_b0                         # [B, N, HEAD_DIM]
    A = _attention(x, masks, attn_W0, attn_b0)
    heads = [_leaky(jnp.einsum('bn,bnd->bd', a, x), 0.01) for a in A]
    h_ = jnp.concatenate(heads, axis=1)              # [B, NUM_HEADS*HEAD_DIM]
    # layer 1 (last)
    h_exp = jnp.broadcast_to(h_[:, None, :], (B, N, h_.shape[-1]))
    fact = jnp.concatenate([h_exp, r, e], axis=2)    # [B, N, NUM_HEADS*HEAD_DIM + D_E + D_R]
    x = fact @ ff_W1 + ff_b1                         # [B, N, HEAD_DIM]
    A = _attention(x, masks, attn_W1, attn_b1)
    xh = jnp.stack([jnp.einsum('bn,bnd->bd', a, x) for a in A], axis=1)  # [B, H, HEAD_DIM]
    h = h + jnp.mean(xh, axis=1)                     # [B, D_E]
    return h

if __name__ == "__main__":
    import jax
    _d = setup_inputs()
    print(jax.jit(kernel)(*tuple(_d.values())))

</pallas_src>

<mosaic_0001>
#map = affine_map<(d0, d1) -> (0, 0)>
#map1 = affine_map<(d0, d1) -> (0)>
module attributes {stable_mosaic.version = 14 : i64} {
  func.func @_g_gather_body(%arg0: i32, %arg1: i32, %arg2: memref<1000x128xf32, #tpu.memory_space<hbm>>, %arg3: memref<1000x128xf32, #tpu.memory_space<hbm>>, %arg4: memref<204800xi32, #tpu.memory_space<hbm>>, %arg5: memref<204800xi32, #tpu.memory_space<hbm>>, %arg6: memref<204800x128xf32, #tpu.memory_space<hbm>>, %arg7: memref<6400xi32, #tpu.memory_space<vmem>>, %arg8: memref<6400xi32, #tpu.memory_space<vmem>>, %arg9: memref<2x128x128xf32, #tpu.memory_space<vmem>>, %arg10: memref<2x128x128xf32, #tpu.memory_space<vmem>>, %arg11: memref<1000x128xf32, #tpu.memory_space<vmem_shared>>, %arg12: memref<1000x128xf32, #tpu.memory_space<vmem_shared>>, %arg13: memref<!tpu.dma_semaphore, #tpu.memory_space<semaphore_mem>>, %arg14: memref<!tpu.dma_semaphore, #tpu.memory_space<semaphore_mem>>, %arg15: memref<!tpu.dma_semaphore, #tpu.memory_space<semaphore_mem>>, %arg16: memref<!tpu.dma_semaphore, #tpu.memory_space<semaphore_mem>>) attributes {dimension_semantics = [#tpu.dimension_semantics<core_parallel>, #tpu.dimension_semantics<subcore_parallel>], iteration_bounds = array<i64: 2, 16>, scalar_prefetch = 0 : i64, scratch_operands = 10 : i64, tpu.core_type = #tpu.core_type<sc_vector_subcore>, window_params = [{transform_indices = #map}, {transform_indices = #map}, {transform_indices = #map1}, {transform_indices = #map1}, {transform_indices = #map}]} {
    %mul3A = arith.constant 2 : i32
    %mul3A_0 = arith.muli %arg1, %mul3A : i32
    %add3A = arith.addi %mul3A_0, %arg0 : i32
    %eq3A = arith.constant 0 : i32
    %eq3A_1 = arith.cmpi eq, %arg1, %eq3A : i32
    %convert_element_type3A = arith.extui %eq3A_1 : i1 to i32
    %cond3A = arith.constant 0 : i32
    %cond3A_2 = arith.cmpi ne, %convert_element_type3A, %cond3A : i32
    scf.if %cond3A_2 {
      "tpu.region"() ({
        %run_scoped3A = tpu.sem_alloc : memref<!tpu.dma_semaphore, #tpu.memory_space<semaphore_mem>>
        tpu.enqueue_dma source(%arg2 : memref<1000x128xf32, #tpu.memory_space<hbm>>) target(%arg11 : memref<1000x128xf32, #tpu.memory_space<vmem_shared>>) target_semaphore(%run_scoped3A : memref<!tpu.dma_semaphore, #tpu.memory_space<semaphore_mem>>)
        tpu.wait_dma2 semaphore(%run_scoped3A : memref<!tpu.dma_semaphore, #tpu.memory_space<semaphore_mem>>) src(%arg2 : memref<1000x128xf32, #tpu.memory_space<hbm>>) dst(%arg11 : memref<1000x128xf32, #tpu.memory_space<vmem_shared>>)
        tpu.yield
      }) : () -> ()
      "tpu.region"() ({
        %run_scoped3A = tpu.sem_alloc : memref<!tpu.dma_semaphore, #tpu.memory_space<semaphore_mem>>
        tpu.enqueue_dma source(%arg3 : memref<1000x128xf32, #tpu.memory_space<hbm>>) target(%arg12 : memref<1000x128xf32, #tpu.memory_space<vmem_shared>>) target_semaphore(%run_scoped3A : memref<!tpu.dma_semaphore, #tpu.memory_space<semaphore_mem>>)
        tpu.wait_dma2 semaphore(%run_scoped3A : memref<!tpu.dma_semaphore, #tpu.memory_space<semaphore_mem>>) src(%arg3 : memref<1000x128xf32, #tpu.memory_space<hbm>>) dst(%arg12 : memref<1000x128xf32, #tpu.memory_space<vmem_shared>>)
        tpu.yield
      }) : () -> ()
    } else {
    }
    %barrier3A = arith.constant 0 : index
    tpu.barrier barrier_id(%barrier3A)
    %mul3A_3 = arith.constant 6400 : i32
    %mul3A_4 = arith.muli %add3A, %mul3A_3 : i32
    "tpu.region"() ({
      %run_scoped3A = tpu.sem_alloc : memref<!tpu.dma_semaphore, #tpu.memory_space<semaphore_mem>>
      %dma_start3A_51 = tpu.memref_slice %arg4[%mul3A_4] : memref<204800xi32, #tpu.memory_space<hbm>> -> memref<6400xi32, #tpu.memory_space<hbm>>
      %dma_start3A_52 = tpu.memref_slice %arg4[%mul3A_4] : memref<204800xi32, #tpu.memory_space<hbm>> -> memref<6400xi32, #tpu.memory_space<hbm>>
      tpu.enqueue_dma source(%dma_start3A_52 : memref<6400xi32, #tpu.memory_space<hbm>>) target(%arg7 : memref<6400xi32, #tpu.memory_space<vmem>>) target_semaphore(%run_scoped3A : memref<!tpu.dma_semaphore, #tpu.memory_space<semaphore_mem>>)
      %dma_wait3A = tpu.memref_slice %arg4[%mul3A_4] : memref<204800xi32, #tpu.memory_space<hbm>> -> memref<6400xi32, #tpu.memory_space<hbm>>
      %dma_wait3A_53 = tpu.memref_slice %arg4[%mul3A_4] : memref<204800xi32, #tpu.memory_space<hbm>> -> memref<6400xi32, #tpu.memory_space<hbm>>
      tpu.wait_dma2 semaphore(%run_scoped3A : memref<!tpu.dma_semaphore, #tpu.memory_space<semaphore_mem>>) src(%dma_wait3A_53 : memref<6400xi32, #tpu.memory_space<hbm>>) dst(%arg7 : memref<6400xi32, #tpu.memory_space<vmem>>)
      tpu.yield
    }) : () -> ()
    %mul3A_5 = arith.constant 6400 : i32
    %mul3A_6 = arith.muli %add3A, %mul3A_5 : i32
    "tpu.region"() ({
      %run_scoped3A = tpu.sem_alloc : memref<!tpu.dma_semaphore, #tpu.memory_space<semaphore_mem>>
      %dma_start3A_51 = tpu.memref_slice %arg5[%mul3A_6] : memref<204800xi32, #tpu.memory_space<hbm>> -> memref<6400xi32, #tpu.memory_space<hbm>>
      %dma_start3A_52 = tpu.memref_slice %arg5[%mul3A_6] : memref<204800xi32, #tpu.memory_space<hbm>> -> memref<6400xi32, #tpu.memory_space<hbm>>
      tpu.enqueue_dma source(%dma_start3A_52 : memref<6400xi32, #tpu.memory_space<hbm>>) target(%arg8 : memref<6400xi32, #tpu.memory_space<vmem>>) target_semaphore(%run_scoped3A : memref<!tpu.dma_semaphore, #tpu.memory_space<semaphore_mem>>)
      %dma_wait3A = tpu.memref_slice %arg5[%mul3A_6] : memref<204800xi32, #tpu.memory_space<hbm>> -> memref<6400xi32, #tpu.memory_space<hbm>>
      %dma_wait3A_53 = tpu.memref_slice %arg5[%mul3A_6] : memref<204800xi32, #tpu.memory_space<hbm>> -> memref<6400xi32, #tpu.memory_space<hbm>>
      tpu.wait_dma2 semaphore(%run_scoped3A : memref<!tpu.dma_semaphore, #tpu.memory_space<semaphore_mem>>) src(%dma_wait3A_53 : memref<6400xi32, #tpu.memory_space<hbm>>) dst(%arg8 : memref<6400xi32, #tpu.memory_space<vmem>>)
      tpu.yield
    }) : () -> ()
    %dma_start3A = arith.constant 0 : i32
    %dma_start3A_7 = arith.constant 0 : i32
    %dma_start3A_8 = arith.constant 0 : i32
    %dma_start3A_9 = tpu.memref_slice %arg9[%dma_start3A, %dma_start3A_7, %dma_start3A_8] : memref<2x128x128xf32, #tpu.memory_space<vmem>> -> memref<1x128x128xf32, #tpu.memory_space<vmem>>
    %dma_start3A_10 = tpu.memref_squeeze %dma_start3A_9 : memref<1x128x128xf32, #tpu.memory_space<vmem>> -> memref<128x128xf32, #tpu.memory_space<vmem>>
    %dma_start3A_11 = arith.constant 0 : i32
    %dma_start3A_12 = tpu.memref_slice %arg7[%dma_start3A_11] : memref<6400xi32, #tpu.memory_space<vmem>> -> memref<128xi32, #tpu.memory_space<vmem>>
    %dma_start3A_13 = arith.constant 0 : i32
    %dma_start3A_14 = arith.constant 0 : i32
    %dma_start3A_15 = tpu.memref_slice %arg11[%dma_start3A_13, %dma_start3A_14] : memref<1000x128xf32, #tpu.memory_space<vmem_shared>> -> memref<1000x128xf32, #tpu.memory_space<vmem_shared>>
    tpu.enqueue_indirect_dma source(%dma_start3A_15 : memref<1000x128xf32, #tpu.memory_space<vmem_shared>>) target(%dma_start3A_10 : memref<128x128xf32, #tpu.memory_space<vmem>>) offsets(%dma_start3A_12 : memref<128xi32, #tpu.memory_space<vmem>>) semaphore(%arg13 : memref<!tpu.dma_semaphore, #tpu.memory_space<semaphore_mem>>)
    %dma_start3A_16 = arith.constant 0 : i32
    %dma_start3A_17 = arith.constant 0 : i32
    %dma_start3A_18 = arith.constant 0 : i32
    %dma_start3A_19 = tpu.memref_slice %arg10[%dma_start3A_16, %dma_start3A_17, %dma_start3A_18] : memref<2x128x128xf32, #tpu.memory_space<vmem>> -> memref<1x128x128xf32, #tpu.memory_space<vmem>>
    %dma_start3A_20 = tpu.memref_squeeze %dma_start3A_19 : memref<1x128x128xf32, #tpu.memory_space<vmem>> -> memref<128x128xf32, #tpu.memory_space<vmem>>
    %dma_start3A_21 = arith.constant 0 : i32
    %dma_start3A_22 = tpu.memref_slice %arg8[%dma_start3A_21] : memref<6400xi32, #tpu.memory_space<vmem>> -> memref<128xi32, #tpu.memory_space<vmem>>
    %dma_start3A_23 = arith.constant 0 : i32
    %dma_start3A_24 = arith.constant 0 : i32
    %dma_start3A_25 = tpu.memref_slice %arg12[%dma_start3A_23, %dma_start3A_24] : memref<1000x128xf32, #tpu.memory_space<vmem_shared>> -> memref<1000x128xf32, #tpu.memory_space<vmem_shared>>
    tpu.enqueue_indirect_dma source(%dma_start3A_25 : memref<1000x128xf32, #tpu.memory_space<vmem_shared>>) target(%dma_start3A_20 : memref<128x128xf32, #tpu.memory_space<vmem>>) offsets(%dma_start3A_22 : memref<128xi32, #tpu.memory_space<vmem>>) semaphore(%arg15 : memref<!tpu.dma_semaphore, #tpu.memory_space<semaphore_mem>>)
    %dma_start3A_26 = arith.constant 1 : i32
    %dma_start3A_27 = arith.constant 0 : i32
    %dma_start3A_28 = arith.constant 0 : i32
    %dma_start3A_29 = tpu.memref_slice %arg9[%dma_start3A_26, %dma_start3A_27, %dma_start3A_28] : memref<2x128x128xf32, #tpu.memory_space<vmem>> -> memref<1x128x128xf32, #tpu.memory_space<vmem>>
    %dma_start3A_30 = tpu.memref_squeeze %dma_start3A_29 : memref<1x128x128xf32, #tpu.memory_space<vmem>> -> memref<128x128xf32, #tpu.memory_space<vmem>>
    %dma_start3A_31 = arith.constant 128 : i32
    %dma_start3A_32 = tpu.memref_slice %arg7[%dma_start3A_31] : memref<6400xi32, #tpu.memory_space<vmem>> -> memref<128xi32, #tpu.memory_space<vmem>>
    %dma_start3A_33 = arith.constant 0 : i32
    %dma_start3A_34 = arith.constant 0 : i32
    %dma_start3A_35 = tpu.memref_slice %arg11[%dma_start3A_33, %dma_start3A_34] : memref<1000x128xf32, #tpu.memory_space<vmem_shared>> -> memref<1000x128xf32, #tpu.memory_space<vmem_shared>>
    tpu.enqueue_indirect_dma source(%dma_start3A_35 : memref<1000x128xf32, #tpu.memory_space<vmem_shared>>) target(%dma_start3A_30 : memref<128x128xf32, #tpu.memory_space<vmem>>) offsets(%dma_start3A_32 : memref<128xi32, #tpu.memory_space<vmem>>) semaphore(%arg14 : memref<!tpu.dma_semaphore, #tpu.memory_space<semaphore_mem>>)
    %dma_start3A_36 = arith.constant 1 : i32
    %dma_start3A_37 = arith.constant 0 : i32
    %dma_start3A_38 = arith.constant 0 : i32
    %dma_start3A_39 = tpu.memref_slice %arg10[%dma_start3A_36, %dma_start3A_37, %dma_start3A_38] : memref<2x128x128xf32, #tpu.memory_space<vmem>> -> memref<1x128x128xf32, #tpu.memory_space<vmem>>
    %dma_start3A_40 = tpu.memref_squeeze %dma_start3A_39 : memref<1x128x128xf32, #tpu.memory_space<vmem>> -> memref<128x128xf32, #tpu.memory_space<vmem>>
    %dma_start3A_41 = arith.constant 128 : i32
    %dma_start3A_42 = tpu.memref_slice %arg8[%dma_start3A_41] : memref<6400xi32, #tpu.memory_space<vmem>> -> memref<128xi32, #tpu.memory_space<vmem>>
    %dma_start3A_43 = arith.constant 0 : i32
    %dma_start3A_44 = arith.constant 0 : i32
    %dma_start3A_45 = tpu.memref_slice %arg12[%dma_start3A_43, %dma_start3A_44] : memref<1000x128xf32, #tpu.memory_space<vmem_shared>> -> memref<1000x128xf32, #tpu.memory_space<vmem_shared>>
    tpu.enqueue_indirect_dma source(%dma_start3A_45 : memref<1000x128xf32, #tpu.memory_space<vmem_shared>>) target(%dma_start3A_40 : memref<128x128xf32, #tpu.memory_space<vmem>>) offsets(%dma_start3A_42 : memref<128xi32, #tpu.memory_space<vmem>>) semaphore(%arg16 : memref<!tpu.dma_semaphore, #tpu.memory_space<semaphore_mem>>)
    %scan3A = arith.constant 0 : i32
    %scan3A_46 = arith.constant 0 : i32
    %scan3A_47 = arith.constant 25 : i32
    %scan3A_48 = arith.addi %scan3A_46, %scan3A_47 : i32
    %scan3A_49 = arith.constant 1 : i32
    scf.for %scan3A_51 = %scan3A_46 to %scan3A_48 step %scan3A_49  : i32 {
      %mul3A_52 = arith.constant 2 : i32
      %mul3A_53 = arith.muli %scan3A_51, %mul3A_52 : i32
      %add3A_54 = arith.constant 0 : i32
      %add3A_55 = arith.addi %mul3A_53, %add3A_54 : i32
      %mul3A_56 = arith.constant 128 : i32
      %mul3A_57 = arith.muli %add3A_55, %mul3A_56 : i32
      %dma_wait3A = arith.constant 0 : i32
      %dma_wait3A_58 = arith.constant 0 : i32
      %dma_wait3A_59 = arith.constant 0 : i32
      %dma_wait3A_60 = tpu.memref_slice %arg9[%dma_wait3A, %dma_wait3A_58, %dma_wait3A_59] : memref<2x128x128xf32, #tpu.memory_space<vmem>> -> memref<1x128x128xf32, #tpu.memory_space<vmem>>
      %dma_wait3A_61 = tpu.memref_squeeze %dma_wait3A_60 : memref<1x128x128xf32, #tpu.memory_space<vmem>> -> memref<128x128xf32, #tpu.memory_space<vmem>>
      %dma_wait3A_62 = tpu.memref_slice %arg7[%mul3A_57] : memref<6400xi32, #tpu.memory_space<vmem>> -> memref<128xi32, #tpu.memory_space<vmem>>
      %dma_wait3A_63 = arith.constant 0 : i32
      %dma_wait3A_64 = arith.constant 0 : i32
      %dma_wait3A_65 = tpu.memref_slice %arg11[%dma_wait3A_63, %dma_wait3A_64] : memref<1000x128xf32, #tpu.memory_space<vmem_shared>> -> memref<1000x128xf32, #tpu.memory_space<vmem_shared>>
      tpu.wait_indirect_dma semaphore(%arg13 : memref<!tpu.dma_semaphore, #tpu.memory_space<semaphore_mem>>) src(%dma_wait3A_65 : memref<1000x128xf32, #tpu.memory_space<vmem_shared>>) dst(%dma_wait3A_61 : memref<128x128xf32, #tpu.memory_space<vmem>>)
      %dma_wait3A_66 = arith.constant 0 : i32
      %dma_wait3A_67 = arith.constant 0 : i32
      %dma_wait3A_68 = arith.constant 0 : i32
      %dma_wait3A_69 = tpu.memref_slice %arg10[%dma_wait3A_66, %dma_wait3A_67, %dma_wait3A_68] : memref<2x128x128xf32, #tpu.memory_space<vmem>> -> memref<1x128x128xf32, #tpu.memory_space<vmem>>
      %dma_wait3A_70 = tpu.memref_squeeze %dma_wait3A_69 : memref<1x128x128xf32, #tpu.memory_space<vmem>> -> memref<128x128xf32, #tpu.memory_space<vmem>>
      %dma_wait3A_71 = tpu.memref_slice %arg8[%mul3A_57] : memref<6400xi32, #tpu.memory_space<vmem>> -> memref<128xi32, #tpu.memory_space<vmem>>
      %dma_wait3A_72 = arith.constant 0 : i32
      %dma_wait3A_73 = arith.constant 0 : i32
      %dma_wait3A_74 = tpu.memref_slice %arg12[%dma_wait3A_72, %dma_wait3A_73] : memref<1000x128xf32, #tpu.memory_space<vmem_shared>> -> memref<1000x128xf32, #tpu.memory_space<vmem_shared>>
      tpu.wait_indirect_dma semaphore(%arg15 : memref<!tpu.dma_semaphore, #tpu.memory_space<semaphore_mem>>) src(%dma_wait3A_74 : memref<1000x128xf32, #tpu.memory_space<vmem_shared>>) dst(%dma_wait3A_70 : memref<128x128xf32, #tpu.memory_space<vmem>>)
      %scan3A_75 = arith.constant 0 : i32
      %scan3A_76 = arith.constant 0 : i32
      %scan3A_77 = arith.constant 128 : i32
      %scan3A_78 = arith.addi %scan3A_76, %scan3A_77 : i32
      %scan3A_79 = arith.constant 1 : i32
      scf.for %scan3A_135 = %scan3A_76 to %scan3A_78 step %scan3A_79  : i32 {
        %get3A = arith.constant 0 : i32
        %get3A_136 = arith.index_cast %get3A : i32 to index
        %get3A_137 = arith.index_cast %scan3A_135 : i32 to index
        %get3A_138 = arith.constant 0 : index
        %get3A_139 = tpu.vector_load %arg9[%get3A_136, %get3A_137, %get3A_138] {strides = array<i32>} : memref<2x128x128xf32, #tpu.memory_space<vmem>>, vector<1x1x16xf32>,
        %get3A_140 = vector.shape_cast %get3A_139 : vector<1x1x16xf32> to vector<16xf32>
        %get3A_141 = arith.constant 0 : i32
        %get3A_142 = arith.index_cast %get3A_141 : i32 to index
        %get3A_143 = arith.index_cast %scan3A_135 : i32 to index
        %get3A_144 = arith.constant 0 : index
        %get3A_145 = tpu.vector_load %arg10[%get3A_142, %get3A_143, %get3A_144] {strides = array<i32>} : memref<2x128x128xf32, #tpu.memory_space<vmem>>, vector<1x1x16xf32>,
        %get3A_146 = vector.shape_cast %get3A_145 : vector<1x1x16xf32> to vector<16xf32>
        %add3A_147 = arith.addf %get3A_140, %get3A_146 : vector<16xf32>
        %swap3A = arith.constant 0 : i32
        %swap3A_148 = arith.index_cast %swap3A : i32 to index
        %swap3A_149 = arith.index_cast %scan3A_135 : i32 to index
        %swap3A_150 = arith.constant 0 : index
        %swap3A_151 = tpu.vector_load %arg9[%swap3A_148, %swap3A_149, %swap3A_150] {strides = array<i32>} : memref<2x128x128xf32, #tpu.memory_space<vmem>>, vector<1x1x16xf32>,
        %swap3A_152 = vector.shape_cast %swap3A_151 : vector<1x1x16xf32> to vector<16xf32>
        %swap3A_153 = vector.shape_cast %add3A_147 : vector<16xf32> to vector<1x1x16xf32>
        tpu.vector_store %arg9[%swap3A_148, %swap3A_149, %swap3A_150], %swap3A_153 {strides = array<i32>} : memref<2x128x128xf32, #tpu.memory_space<vmem>>, vector<1x1x16xf32>,
        %get3A_154 = arith.constant 0 : i32
        %get3A_155 = arith.index_cast %get3A_154 : i32 to index
        %get3A_156 = arith.index_cast %scan3A_135 : i32 to index
        %get3A_157 = arith.constant 16 : index
        %get3A_158 = tpu.vector_load %arg9[%get3A_155, %get3A_156, %get3A_157] {strides = array<i32>} : memref<2x128x128xf32, #tpu.memory_space<vmem>>, vector<1x1x16xf32>,
        %get3A_159 = vector.shape_cast %get3A_158 : vector<1x1x16xf32> to vector<16xf32>
        %get3A_160 = arith.constant 0 : i32
        %get3A_161 = arith.index_cast %get3A_160 : i32 to index
        %get3A_162 = arith.index_cast %scan3A_135 : i32 to index
        %get3A_163 = arith.constant 16 : index
        %get3A_164 = tpu.vector_load %arg10[%get3A_161, %get3A_162, %get3A_163] {strides = array<i32>} : memref<2x128x128xf32, #tpu.memory_space<vmem>>, vector<1x1x16xf32>,
        %get3A_165 = vector.shape_cast %get3A_164 : vector<1x1x16xf32> to vector<16xf32>
        %add3A_166 = arith.addf %get3A_159, %get3A_165 : vector<16xf32>
        %swap3A_167 = arith.constant 0 : i32
        %swap3A_168 = arith.index_cast %swap3A_167 : i32 to index
        %swap3A_169 = arith.index_cast %scan3A_135 : i32 to index
        %swap3A_170 = arith.constant 16 : index
        %swap3A_171 = tpu.vector_load %arg9[%swap3A_168, %swap3A_169, %swap3A_170] {strides = array<i32>} : memref<2x128x128xf32, #tpu.memory_space<vmem>>, vector<1x1x16xf32>,
        %swap3A_172 = vector.shape_cast %swap3A_171 : vector<1x1x16xf32> to vector<16xf32>
        %swap3A_173 = vector.shape_cast %add3A_166 : vector<16xf32> to vector<1x1x16xf32>
        tpu.vector_store %arg9[%swap3A_168, %swap3A_169, %swap3A_170], %swap3A_173 {strides = array<i32>} : memref<2x128x128xf32, #tpu.memory_space<vmem>>, vector<1x1x16xf32>,
        %get3A_174 = arith.constant 0 : i32
        %get3A_175 = arith.index_cast %get3A_174 : i32 to index
        %get3A_176 = arith.index_cast %scan3A_135 : i32 to index
        %get3A_177 = arith.constant 32 : index
        %get3A_178 = tpu.vector_load %arg9[%get3A_175, %get3A_176, %get3A_177] {strides = array<i32>} : memref<2x128x128xf32, #tpu.memory_space<vmem>>, vector<1x1x16xf32>,
        %get3A_179 = vector.shape_cast %get3A_178 : vector<1x1x16xf32> to vector<16xf32>
        %get3A_180 = arith.constant 0 : i32
        %get3A_181 = arith.index_cast %get3A_180 : i32 to index
        %get3A_182 = arith.index_cast %scan3A_135 : i32 to index
        %get3A_183 = arith.constant 32 : index
        %get3A_184 = tpu.vector_load %arg10[%get3A_181, %get3A_182, %get3A_183] {strides = array<i32>} : memref<2x128x128xf32, #tpu.memory_space<vmem>>, vector<1x1x16xf32>,
        %get3A_185 = vector.shape_cast %get3A_184 : vector<1x1x16xf32> to vector<16xf32>
        %add3A_186 = arith.addf %get3A_179, %get3A_185 : vector<16xf32>
        %swap3A_187 = arith.constant 0 : i32
        %swap3A_188 = arith.index_cast %swap3A_187 : i32 to index
        %swap3A_189 = arith.index_cast %scan3A_135 : i32 to index
        %swap3A_190 = arith.constant 32 : index
        %swap3A_191 = tpu.vector_load %arg9[%swap3A_188, %swap3A_189, %swap3A_190] {strides = array<i32>} : memref<2x128x128xf32, #tpu.memory_space<vmem>>, vector<1x1x16xf32>,
        %swap3A_192 = vector.shape_cast %swap3A_191 : vector<1x1x16xf32> to vector<16xf32>
        %swap3A_193 = vector.shape_cast %add3A_186 : vector<16xf32> to vector<1x1x16xf32>
        tpu.vector_store %arg9[%swap3A_188, %swap3A_189, %swap3A_190], %swap3A_193 {strides = array<i32>} : memref<2x128x128xf32, #tpu.memory_space<vmem>>, vector<1x1x16xf32>,
        %get3A_194 = arith.constant 0 : i32
        %get3A_195 = arith.index_cast %get3A_194 : i32 to index
        %get3A_196 = arith.index_cast %scan3A_135 : i32 to index
        %get3A_197 = arith.constant 48 : index
        %get3A_198 = tpu.vector_load %arg9[%get3A_195, %get3A_196, %get3A_197] {strides = array<i32>} : memref<2x128x128xf32, #tpu.memory_space<vmem>>, vector<1x1x16xf32>,
        %get3A_199 = vector.shape_cast %get3A_198 : vector<1x1x16xf32> to vector<16xf32>
        %get3A_200 = arith.constant 0 : i32
        %get3A_201 = arith.index_cast %get3A_200 : i32 to index
        %get3A_202 = arith.index_cast %scan3A_135 : i32 to index
        %get3A_203 = arith.constant 48 : index
        %get3A_204 = tpu.vector_load %arg10[%get3A_201, %get3A_202, %get3A_203] {strides = array<i32>} : memref<2x128x128xf32, #tpu.memory_space<vmem>>, vector<1x1x16xf32>,
        %get3A_205 = vector.shape_cast %get3A_204 : vector<1x1x16xf32> to vector<16xf32>
        %add3A_206 = arith.addf %get3A_199, %get3A_205 : vector<16xf32>
        %swap3A_207 = arith.constant 0 : i32
        %swap3A_208 = arith.index_cast %swap3A_207 : i32 to index
        %swap3A_209 = arith.index_cast %scan3A_135 : i32 to index
        %swap3A_210 = arith.constant 48 : index
        %swap3A_211 = tpu.vector_load %arg9[%swap3A_208, %swap3A_209, %swap3A_210] {strides = array<i32>} : memref<2x128x128xf32, #tpu.memory_space<vmem>>, vector<1x1x16xf32>,
        %swap3A_212 = vector.shape_cast %swap3A_211 : vector<1x1x16xf32> to vector<16xf32>
        %swap3A_213 = vector.shape_cast %add3A_206 : vector<16xf32> to vector<1x1x16xf32>
        tpu.vector_store %arg9[%swap3A_208, %swap3A_209, %swap3A_210], %swap3A_213 {strides = array<i32>} : memref<2x128x128xf32, #tpu.memory_space<vmem>>, vector<1x1x16xf32>,
        %get3A_214 = arith.constant 0 : i32
        %get3A_215 = arith.index_cast %get3A_214 : i32 to index
        %get3A_216 = arith.index_cast %scan3A_135 : i32 to index
        %get3A_217 = arith.constant 64 : index
        %get3A_218 = tpu.vector_load %arg9[%get3A_215, %get3A_216, %get3A_217] {strides = array<i32>} : memref<2x128x128xf32, #tpu.memory_space<vmem>>, vector<1x1x16xf32>,
        %get3A_219 = vector.shape_cast %get3A_218 : vector<1x1x16xf32> to vector<16xf32>
        %get3A_220 = arith.constant 0 : i32
        %get3A_221 = arith.index_cast %get3A_220 : i32 to index
        %get3A_222 = arith.index_cast %scan3A_135 : i32 to index
        %get3A_223 = arith.constant 64 : index
        %get3A_224 = tpu.vector_load %arg10[%get3A_221, %get3A_222, %get3A_223] {strides = array<i32>} : memref<2x128x128xf32, #tpu.memory_space<vmem>>, vector<1x1x16xf32>,
        %get3A_225 = vector.shape_cast %get3A_224 : vector<1x1x16xf32> to vector<16xf32>
        %add3A_226 = arith.addf %get3A_219, %get3A_225 : vector<16xf32>
        %swap3A_227 = arith.constant 0 : i32
        %swap3A_228 = arith.index_cast %swap3A_227 : i32 to index
        %swap3A_229 = arith.index_cast %scan3A_135 : i32 to index
        %swap3A_230 = arith.constant 64 : index
        %swap3A_231 = tpu.vector_load %arg9[%swap3A_228, %swap3A_229, %swap3A_230] {strides = array<i32>} : memref<2x128x128xf32, #tpu.memory_space<vmem>>, vector<1x1x16xf32>,
        %swap3A_232 = vector.shape_cast %swap3A_231 : vector<1x1x16xf32> to vector<16xf32>
        %swap3A_233 = vector.shape_cast %add3A_226 : vector<16xf32> to vector<1x1x16xf32>
        tpu.vector_store %arg9[%swap3A_228, %swap3A_229, %swap3A_230], %swap3A_233 {strides = array<i32>} : memref<2x128x128xf32, #tpu.memory_space<vmem>>, vector<1x1x16xf32>,
        %get3A_234 = arith.constant 0 : i32
        %get3A_235 = arith.index_cast %get3A_234 : i32 to index
        %get3A_236 = arith.index_cast %scan3A_135 : i32 to index
        %get3A_237 = arith.constant 80 : index
        %get3A_238 = tpu.vector_load %arg9[%get3A_235, %get3A_236, %get3A_237] {strides = array<i32>} : memref<2x128x128xf32, #tpu.memory_space<vmem>>, vector<1x1x16xf32>,
        %get3A_239 = vector.shape_cast %get3A_238 : vector<1x1x16xf32> to vector<16xf32>
        %get3A_240 = arith.constant 0 : i32
        %get3A_241 = arith.index_cast %get3A_240 : i32 to index
        %get3A_242 = arith.index_cast %scan3A_135 : i32 to index
        %get3A_243 = arith.constant 80 : index
        %get3A_244 = tpu.vector_load %arg10[%get3A_241, %get3A_242, %get3A_243] {strides = array<i32>} : memref<2x128x128xf32, #tpu.memory_space<vmem>>, vector<1x1x16xf32>,
        %get3A_245 = vector.shape_cast %get3A_244 : vector<1x1x16xf32> to vector<16xf32>
        %add3A_246 = arith.addf %get3A_239, %get3A_245 : vector<16xf32>
        %swap3A_247 = arith.constant 0 : i32
        %swap3A_248 = arith.index_cast %swap3A_247 : i32 to index
        %swap3A_249 = arith.index_cast %scan3A_135 : i32 to index
        %swap3A_250 = arith.constant 80 : index
        %swap3A_251 = tpu.vector_load %arg9[%swap3A_248, %swap3A_249, %swap3A_250] {strides = array<i32>} : memref<2x128x128xf32, #tpu.memory_space<vmem>>, vector<1x1x16xf32>,
        %swap3A_252 = vector.shape_cast %swap3A_251 : vector<1x1x16xf32> to vector<16xf32>
        %swap3A_253 = vector.shape_cast %add3A_246 : vector<16xf32> to vector<1x1x16xf32>
        tpu.vector_store %arg9[%swap3A_248, %swap3A_249, %swap3A_250], %swap3A_253 {strides = array<i32>} : memref<2x128x128xf32, #tpu.memory_space<vmem>>, vector<1x1x16xf32>,
        %get3A_254 = arith.constant 0 : i32
        %get3A_255 = arith.index_cast %get3A_254 : i32 to index
        %get3A_256 = arith.index_cast %scan3A_135 : i32 to index
        %get3A_257 = arith.constant 96 : index
        %get3A_258 = tpu.vector_load %arg9[%get3A_255, %get3A_256, %get3A_257] {strides = array<i32>} : memref<2x128x128xf32, #tpu.memory_space<vmem>>, vector<1x1x16xf32>,
        %get3A_259 = vector.shape_cast %get3A_258 : vector<1x1x16xf32> to vector<16xf32>
        %get3A_260 = arith.constant 0 : i32
        %get3A_261 = arith.index_cast %get3A_260 : i32 to index
        %get3A_262 = arith.index_cast %scan3A_135 : i32 to index
        %get3A_263 = arith.constant 96 : index
        %get3A_264 = tpu.vector_load %arg10[%get3A_261, %get3A_262, %get3A_263] {strides = array<i32>} : memref<2x128x128xf32, #tpu.memory_space<vmem>>, vector<1x1x16xf32>,
        %get3A_265 = vector.shape_cast %get3A_264 : vector<1x1x16xf32> to vector<16xf32>
        %add3A_266 = arith.addf %get3A_259, %get3A_265 : vector<16xf32>
        %swap3A_267 = arith.constant 0 : i32
        %swap3A_268 = arith.index_cast %swap3A_267 : i32 to index
        %swap3A_269 = arith.index_cast %scan3A_135 : i32 to index
        %swap3A_270 = arith.constant 96 : index
        %swap3A_271 = tpu.vector_load %arg9[%swap3A_268, %swap3A_269, %swap3A_270] {strides = array<i32>} : memref<2x128x128xf32, #tpu.memory_space<vmem>>, vector<1x1x16xf32>,
        %swap3A_272 = vector.shape_cast %swap3A_271 : vector<1x1x16xf32> to vector<16xf32>
        %swap3A_273 = vector.shape_cast %add3A_266 : vector<16xf32> to vector<1x1x16xf32>
        tpu.vector_store %arg9[%swap3A_268, %swap3A_269, %swap3A_270], %swap3A_273 {strides = array<i32>} : memref<2x128x128xf32, #tpu.memory_space<vmem>>, vector<1x1x16xf32>,
        %get3A_274 = arith.constant 0 : i32
        %get3A_275 = arith.index_cast %get3A_274 : i32 to index
        %get3A_276 = arith.index_cast %scan3A_135 : i32 to index
        %get3A_277 = arith.constant 112 : index
        %get3A_278 = tpu.vector_load %arg9[%get3A_275, %get3A_276, %get3A_277] {strides = array<i32>} : memref<2x128x128xf32, #tpu.memory_space<vmem>>, vector<1x1x16xf32>,
        %get3A_279 = vector.shape_cast %get3A_278 : vector<1x1x16xf32> to vector<16xf32>
        %get3A_280 = arith.constant 0 : i32
        %get3A_281 = arith.index_cast %get3A_280 : i32 to index
        %get3A_282 = arith.index_cast %scan3A_135 : i32 to index
        %get3A_283 = arith.constant 112 : index
        %get3A_284 = tpu.vector_load %arg10[%get3A_281, %get3A_282, %get3A_283] {strides = array<i32>} : memref<2x128x128xf32, #tpu.memory_space<vmem>>, vector<1x1x16xf32>,
        %get3A_285 = vector.shape_cast %get3A_284 : vector<1x1x16xf32> to vector<16xf32>
        %add3A_286 = arith.addf %get3A_279, %get3A_285 : vector<16xf32>
        %swap3A_287 = arith.constant 0 : i32
        %swap3A_288 = arith.index_cast %swap3A_287 : i32 to index
        %swap3A_289 = arith.index_cast %scan3A_135 : i32 to index
        %swap3A_290 = arith.constant 112 : index
        %swap3A_291 = tpu.vector_load %arg9[%swap3A_288, %swap3A_289, %swap3A_290] {strides = array<i32>} : memref<2x128x128xf32, #tpu.memory_space<vmem>>, vector<1x1x16xf32>,
        %swap3A_292 = vector.shape_cast %swap3A_291 : vector<1x1x16xf32> to vector<16xf32>
        %swap3A_293 = vector.shape_cast %add3A_286 : vector<16xf32> to vector<1x1x16xf32>
        tpu.vector_store %arg9[%swap3A_288, %swap3A_289, %swap3A_290], %swap3A_293 {strides = array<i32>} : memref<2x128x128xf32, #tpu.memory_space<vmem>>, vector<1x1x16xf32>,
      }
      %scan3A_80 = arith.constant 128 : i32
      %mul3A_81 = arith.constant 4096 : i32
      %mul3A_82 = arith.muli %add3A_55, %mul3A_81 : i32
      %mul3A_83 = arith.constant 128 : i32
      %mul3A_84 = arith.muli %add3A, %mul3A_83 : i32
      %add3A_85 = arith.addi %mul3A_82, %mul3A_84 : i32
      %run_scoped3A = arith.constant 0 : i32
      "tpu.region"() ({
        %run_scoped3A_135 = tpu.sem_alloc : memref<!tpu.dma_semaphore, #tpu.memory_space<semaphore_mem>>
        %dma_start3A_136 = arith.constant 0 : i32
        %dma_start3A_137 = arith.constant 0 : i32
        %dma_start3A_138 = tpu.memref_slice %arg9[%run_scoped3A, %dma_start3A_136, %dma_start3A_137] : memref<2x128x128xf32, #tpu.memory_space<vmem>> -> memref<1x128x128xf32, #tpu.memory_space<vmem>>
        %dma_start3A_139 = tpu.memref_squeeze %dma_start3A_138 : memref<1x128x128xf32, #tpu.memory_space<vmem>> -> memref<128x128xf32, #tpu.memory_space<vmem>>
        %dma_start3A_140 = arith.constant 0 : i32
        %dma_start3A_141 = tpu.memref_slice %arg6[%add3A_85, %dma_start3A_140] : memref<204800x128xf32, #tpu.memory_space<hbm>> -> memref<128x128xf32, #tpu.memory_space<hbm>>
        %dma_start3A_142 = arith.constant 0 : i32
        %dma_start3A_143 = tpu.memref_slice %arg6[%add3A_85, %dma_start3A_142] : memref<204800x128xf32, #tpu.memory_space<hbm>> -> memref<128x128xf32, #tpu.memory_space<hbm>>
        %dma_start3A_144 = arith.constant 0 : i32
        %dma_start3A_145 = arith.constant 0 : i32
        %dma_start3A_146 = tpu.memref_slice %arg9[%run_scoped3A, %dma_start3A_144, %dma_start3A_145] : memref<2x128x128xf32, #tpu.memory_space<vmem>> -> memref<1x128x128xf32, #tpu.memory_space<vmem>>
        %dma_start3A_147 = tpu.memref_squeeze %dma_start3A_146 : memref<1x128x128xf32, #tpu.memory_space<vmem>> -> memref<128x128xf32, #tpu.memory_space<vmem>>
        tpu.enqueue_dma source(%dma_start3A_147 : memref<128x128xf32, #tpu.memory_space<vmem>>) target(%dma_start3A_143 : memref<128x128xf32, #tpu.memory_space<hbm>>) target_semaphore(%run_scoped3A_135 : memref<!tpu.dma_semaphore, #tpu.memory_space<semaphore_mem>>)
        %dma_wait3A_148 = arith.constant 0 : i32
        %dma_wait3A_149 = arith.constant 0 : i32
        %dma_wait3A_150 = tpu.memref_slice %arg9[%run_scoped3A, %dma_wait3A_148, %dma_wait3A_149] : memref<2x128x128xf32, #tpu.memory_space<vmem>> -> memref<1x128x128xf32, #tpu.memory_space<vmem>>
        %dma_wait3A_151 = tpu.memref_squeeze %dma_wait3A_150 : memref<1x128x128xf32, #tpu.memory_space<vmem>> -> memref<128x128xf32, #tpu.memory_space<vmem>>
        %dma_wait3A_152 = arith.constant 0 : i32
        %dma_wait3A_153 = tpu.memref_slice %arg6[%add3A_85, %dma_wait3A_152] : memref<204800x128xf32, #tpu.memory_space<hbm>> -> memref<128x128xf32, #tpu.memory_space<hbm>>
        %dma_wait3A_154 = arith.constant 0 : i32
        %dma_wait3A_155 = tpu.memref_slice %arg6[%add3A_85, %dma_wait3A_154] : memref<204800x128xf32, #tpu.memory_space<hbm>> -> memref<128x128xf32, #tpu.memory_space<hbm>>
        %dma_wait3A_156 = arith.constant 0 : i32
        %dma_wait3A_157 = arith.constant 0 : i32
        %dma_wait3A_158 = tpu.memref_slice %arg9[%run_scoped3A, %dma_wait3A_156, %dma_wait3A_157] : memref<2x128x128xf32, #tpu.memory_space<vmem>> -> memref<1x128x128xf32, #tpu.memory_space<vmem>>
        %dma_wait3A_159 = tpu.memref_squeeze %dma_wait3A_158 : memref<1x128x128xf32, #tpu.memory_space<vmem>> -> memref<128x128xf32, #tpu.memory_space<vmem>>
        tpu.wait_dma2 semaphore(%run_scoped3A_135 : memref<!tpu.dma_semaphore, #tpu.memory_space<semaphore_mem>>) src(%dma_wait3A_159 : memref<128x128xf32, #tpu.memory_space<vmem>>) dst(%dma_wait3A_155 : memref<128x128xf32, #tpu.memory_space<hbm>>)
        tpu.yield
      }) : () -> ()
      %add3A_86 = arith.constant 2 : i32
      %add3A_87 = arith.addi %add3A_55, %add3A_86 : i32
      %lt3A = arith.constant 50 : i32
      %lt3A_88 = arith.cmpi slt, %add3A_87, %lt3A : i32
      %convert_element_type3A_89 = arith.extui %lt3A_88 : i1 to i32
      %cond3A_90 = arith.constant 0 : i32
      %cond3A_91 = arith.cmpi ne, %convert_element_type3A_89, %cond3A_90 : i32
      scf.if %cond3A_91 {
        %mul3A_135 = arith.constant 128 : i32
        %mul3A_136 = arith.muli %add3A_87, %mul3A_135 : i32
        %dma_start3A_137 = arith.constant 0 : i32
        %dma_start3A_138 = arith.constant 0 : i32
        %dma_start3A_139 = arith.constant 0 : i32
        %dma_start3A_140 = tpu.memref_slice %arg9[%dma_start3A_137, %dma_start3A_138, %dma_start3A_139] : memref<2x128x128xf32, #tpu.memory_space<vmem>> -> memref<1x128x128xf32, #tpu.memory_space<vmem>>
        %dma_start3A_141 = tpu.memref_squeeze %dma_start3A_140 : memref<1x128x128xf32, #tpu.memory_space<vmem>> -> memref<128x128xf32, #tpu.memory_space<vmem>>
        %dma_start3A_142 = tpu.memref_slice %arg7[%mul3A_136] : memref<6400xi32, #tpu.memory_space<vmem>> -> memref<128xi32, #tpu.memory_space<vmem>>
        %dma_start3A_143 = arith.constant 0 : i32
        %dma_start3A_144 = arith.constant 0 : i32
        %dma_start3A_145 = tpu.memref_slice %arg11[%dma_start3A_143, %dma_start3A_144] : memref<1000x128xf32, #tpu.memory_space<vmem_shared>> -> memref<1000x128xf32, #tpu.memory_space<vmem_shared>>
        tpu.enqueue_indirect_dma source(%dma_start3A_145 : memref<1000x128xf32, #tpu.memory_space<vmem_shared>>) target(%dma_start3A_141 : memref<128x128xf32, #tpu.memory_space<vmem>>) offsets(%dma_start3A_142 : memref<128xi32, #tpu.memory_space<vmem>>) semaphore(%arg13 : memref<!tpu.dma_semaphore, #tpu.memory_space<semaphore_mem>>)
        %dma_start3A_146 = arith.constant 0 : i32
        %dma_start3A_147 = arith.constant 0 : i32
        %dma_start3A_148 = arith.constant 0 : i32
        %dma_start3A_149 = tpu.memref_slice %arg10[%dma_start3A_146, %dma_start3A_147, %dma_start3A_148] : memref<2x128x128xf32, #tpu.memory_space<vmem>> -> memref<1x128x128xf32, #tpu.memory_space<vmem>>
        %dma_start3A_150 = tpu.memref_squeeze %dma_start3A_149 : memref<1x128x128xf32, #tpu.memory_space<vmem>> -> memref<128x128xf32, #tpu.memory_space<vmem>>
        %dma_start3A_151 = tpu.memref_slice %arg8[%mul3A_136] : memref<6400xi32, #tpu.memory_space<vmem>> -> memref<128xi32, #tpu.memory_space<vmem>>
        %dma_start3A_152 = arith.constant 0 : i32
        %dma_start3A_153 = arith.constant 0 : i32
        %dma_start3A_154 = tpu.memref_slice %arg12[%dma_start3A_152, %dma_start3A_153] : memref<1000x128xf32, #tpu.memory_space<vmem_shared>> -> memref<1000x128xf32, #tpu.memory_space<vmem_shared>>
        tpu.enqueue_indirect_dma source(%dma_start3A_154 : memref<1000x128xf32, #tpu.memory_space<vmem_shared>>) target(%dma_start3A_150 : memref<128x128xf32, #tpu.memory_space<vmem>>) offsets(%dma_start3A_151 : memref<128xi32, #tpu.memory_space<vmem>>) semaphore(%arg15 : memref<!tpu.dma_semaphore, #tpu.memory_space<semaphore_mem>>)
      } else {
      }
      %mul3A_92 = arith.constant 2 : i32
      %mul3A_93 = arith.muli %scan3A_51, %mul3A_92 : i32
      %add3A_94 = arith.constant 1 : i32
      %add3A_95 = arith.addi %mul3A_93, %add3A_94 : i32
      %mul3A_96 = arith.constant 128 : i32
      %mul3A_97 = arith.muli %add3A_95, %mul3A_96 : i32
      %dma_wait3A_98 = arith.constant 1 : i32
      %dma_wait3A_99 = arith.constant 0 : i32
      %dma_wait3A_100 = arith.constant 0 : i32
      %dma_wait3A_101 = tpu.memref_slice %arg9[%dma_wait3A_98, %dma_wait3A_99, %dma_wait3A_100] : memref<2x128x128xf32, #tpu.memory_space<vmem>> -> memref<1x128x128xf32, #tpu.memory_space<vmem>>
      %dma_wait3A_102 = tpu.memref_squeeze %dma_wait3A_101 : memref<1x128x128xf32, #tpu.memory_space<vmem>> -> memref<128x128xf32, #tpu.memory_space<vmem>>
      %dma_wait3A_103 = tpu.memref_slice %arg7[%mul3A_97] : memref<6400xi32, #tpu.memory_space<vmem>> -> memref<128xi32, #tpu.memory_space<vmem>>
      %dma_wait3A_104 = arith.constant 0 : i32
      %dma_wait3A_105 = arith.constant 0 : i32
      %dma_wait3A_106 = tpu.memref_slice %arg11[%dma_wait3A_104, %dma_wait3A_105] : memref<1000x128xf32, #tpu.memory_space<vmem_shared>> -> memref<1000x128xf32, #tpu.memory_space<vmem_shared>>
      tpu.wait_indirect_dma semaphore(%arg14 : memref<!tpu.dma_semaphore, #tpu.memory_space<semaphore_mem>>) src(%dma_wait3A_106 : memref<1000x128xf32, #tpu.memory_space<vmem_shared>>) dst(%dma_wait3A_102 : memref<128x128xf32, #tpu.memory_space<vmem>>)
      %dma_wait3A_107 = arith.constant 1 : i32
      %dma_wait3A_108 = arith.constant 0 : i32
      %dma_wait3A_109 = arith.constant 0 : i32
      %dma_wait3A_110 = tpu.memref_slice %arg10[%dma_wait3A_107, %dma_wait3A_108, %dma_wait3A_109] : memref<2x128x128xf32, #tpu.memory_space<vmem>> -> memref<1x128x128xf32, #tpu.memory_space<vmem>>
      %dma_wait3A_111 = tpu.memref_squeeze %dma_wait3A_110 : memref<1x128x128xf32, #tpu.memory_space<vmem>> -> memref<128x128xf32, #tpu.memory_space<vmem>>
      %dma_wait3A_112 = tpu.memref_slice %arg8[%mul3A_97] : memref<6400xi32, #tpu.memory_space<vmem>> -> memref<128xi32, #tpu.memory_space<vmem>>
      %dma_wait3A_113 = arith.constant 0 : i32
      %dma_wait3A_114 = arith.constant 0 : i32
      %dma_wait3A_115 = tpu.memref_slice %arg12[%dma_wait3A_113, %dma_wait3A_114] : memref<1000x128xf32, #tpu.memory_space<vmem_shared>> -> memref<1000x128xf32, #tpu.memory_space<vmem_shared>>
      tpu.wait_indirect_dma semaphore(%arg16 : memref<!tpu.dma_semaphore, #tpu.memory_space<semaphore_mem>>) src(%dma_wait3A_115 : memref<1000x128xf32, #tpu.memory_space<vmem_shared>>) dst(%dma_wait3A_111 : memref<128x128xf32, #tpu.memory_space<vmem>>)
      %scan3A_116 = arith.constant 0 : i32
      %scan3A_117 = arith.constant 0 : i32
      %scan3A_118 = arith.constant 128 : i32
      %scan3A_119 = arith.addi %scan3A_117, %scan3A_118 : i32
      %scan3A_120 = arith.constant 1 : i32
      scf.for %scan3A_135 = %scan3A_117 to %scan3A_119 step %scan3A_120  : i32 {
        %get3A = arith.constant 1 : i32
        %get3A_136 = arith.index_cast %get3A : i32 to index
        %get3A_137 = arith.index_cast %scan3A_135 : i32 to index
        %get3A_138 = arith.constant 0 : index
        %get3A_139 = tpu.vector_load %arg9[%get3A_136, %get3A_137, %get3A_138] {strides = array<i32>} : memref<2x128x128xf32, #tpu.memory_space<vmem>>, vector<1x1x16xf32>,
        %get3A_140 = vector.shape_cast %get3A_139 : vector<1x1x16xf32> to vector<16xf32>
        %get3A_141 = arith.constant 1 : i32
        %get3A_142 = arith.index_cast %get3A_141 : i32 to index
        %get3A_143 = arith.index_cast %scan3A_135 : i32 to index
        %get3A_144 = arith.constant 0 : index
        %get3A_145 = tpu.vector_load %arg10[%get3A_142, %get3A_143, %get3A_144] {strides = array<i32>} : memref<2x128x128xf32, #tpu.memory_space<vmem>>, vector<1x1x16xf32>,
        %get3A_146 = vector.shape_cast %get3A_145 : vector<1x1x16xf32> to vector<16xf32>
        %add3A_147 = arith.addf %get3A_140, %get3A_146 : vector<16xf32>
        %swap3A = arith.constant 1 : i32
        %swap3A_148 = arith.index_cast %swap3A : i32 to index
        %swap3A_149 = arith.index_cast %scan3A_135 : i32 to index
        %swap3A_150 = arith.constant 0 : index
        %swap3A_151 = tpu.vector_load %arg9[%swap3A_148, %swap3A_149, %swap3A_150] {strides = array<i32>} : memref<2x128x128xf32, #tpu.memory_space<vmem>>, vector<1x1x16xf32>,
        %swap3A_152 = vector.shape_cast %swap3A_151 : vector<1x1x16xf32> to vector<16xf32>
        %swap3A_153 = vector.shape_cast %add3A_147 : vector<16xf32> to vector<1x1x16xf32>
        tpu.vector_store %arg9[%swap3A_148, %swap3A_149, %swap3A_150], %swap3A_153 {strides = array<i32>} : memref<2x128x128xf32, #tpu.memory_space<vmem>>, vector<1x1x16xf32>,
        %get3A_154 = arith.constant 1 : i32
        %get3A_155 = arith.index_cast %get3A_154 : i32 to index
        %get3A_156 = arith.index_cast %scan3A_135 : i32 to index
        %get3A_157 = arith.constant 16 : index
        %get3A_158 = tpu.vector_load %arg9[%get3A_155, %get3A_156, %get3A_157] {strides = array<i32>} : memref<2x128x128xf32, #tpu.memory_space<vmem>>, vector<1x1x16xf32>,
        %get3A_159 = vector.shape_cast %get3A_158 : vector<1x1x16xf32> to vector<16xf32>
        %get3A_160 = arith.constant 1 : i32
        %get3A_161 = arith.index_cast %get3A_160 : i32 to index
        %get3A_162 = arith.index_cast %scan3A_135 : i32 to index
        %get3A_163 = arith.constant 16 : index
        %get3A_164 = tpu.vector_load %arg10[%get3A_161, %get3A_162, %get3A_163] {strides = array<i32>} : memref<2x128x128xf32, #tpu.memory_space<vmem>>, vector<1x1x16xf32>,
        %get3A_165 = vector.shape_cast %get3A_164 : vector<1x1x16xf32> to vector<16xf32>
        %add3A_166 = arith.addf %get3A_159, %get3A_165 : vector<16xf32>
        %swap3A_167 = arith.constant 1 : i32
        %swap3A_168 = arith.index_cast %swap3A_167 : i32 to index
        %swap3A_169 = arith.index_cast %scan3A_135 : i32 to index
        %swap3A_170 = arith.constant 16 : index
        %swap3A_171 = tpu.vector_load %arg9[%swap3A_168, %swap3A_169, %swap3A_170] {strides = array<i32>} : memref<2x128x128xf32, #tpu.memory_space<vmem>>, vector<1x1x16xf32>,
        %swap3A_172 = vector.shape_cast %swap3A_171 : vector<1x1x16xf32> to vector<16xf32>
        %swap3A_173 = vector.shape_cast %add3A_166 : vector<16xf32> to vector<1x1x16xf32>
        tpu.vector_store %arg9[%swap3A_168, %swap3A_169, %swap3A_170], %swap3A_173 {strides = array<i32>} : memref<2x128x128xf32, #tpu.memory_space<vmem>>, vector<1x1x16xf32>,
        %get3A_174 = arith.constant 1 : i32
        %get3A_175 = arith.index_cast %get3A_174 : i32 to index
        %get3A_176 = arith.index_cast %scan3A_135 : i32 to index
        %get3A_177 = arith.constant 32 : index
        %get3A_178 = tpu.vector_load %arg9[%get3A_175, %get3A_176, %get3A_177] {strides = array<i32>} : memref<2x128x128xf32, #tpu.memory_space<vmem>>, vector<1x1x16xf32>,
        %get3A_179 = vector.shape_cast %get3A_178 : vector<1x1x16xf32> to vector<16xf32>
        %get3A_180 = arith.constant 1 : i32
        %get3A_181 = arith.index_cast %get3A_180 : i32 to index
        %get3A_182 = arith.index_cast %scan3A_135 : i32 to index
        %get3A_183 = arith.constant 32 : index
        %get3A_184 = tpu.vector_load %arg10[%get3A_181, %get3A_182, %get3A_183] {strides = array<i32>} : memref<2x128x128xf32, #tpu.memory_space<vmem>>, vector<1x1x16xf32>,
        %get3A_185 = vector.shape_cast %get3A_184 : vector<1x1x16xf32> to vector<16xf32>
        %add3A_186 = arith.addf %get3A_179, %get3A_185 : vector<16xf32>
        %swap3A_187 = arith.constant 1 : i32
        %swap3A_188 = arith.index_cast %swap3A_187 : i32 to index
        %swap3A_189 = arith.index_cast %scan3A_135 : i32 to index
        %swap3A_190 = arith.constant 32 : index
        %swap3A_191 = tpu.vector_load %arg9[%swap3A_188, %swap3A_189, %swap3A_190] {strides = array<i32>} : memref<2x128x128xf32, #tpu.memory_space<vmem>>, vector<1x1x16xf32>,
        %swap3A_192 = vector.shape_cast %swap3A_191 : vector<1x1x16xf32> to vector<16xf32>
        %swap3A_193 = vector.shape_cast %add3A_186 : vector<16xf32> to vector<1x1x16xf32>
        tpu.vector_store %arg9[%swap3A_188, %swap3A_189, %swap3A_190], %swap3A_193 {strides = array<i32>} : memref<2x128x128xf32, #tpu.memory_space<vmem>>, vector<1x1x16xf32>,
        %get3A_194 = arith.constant 1 : i32
        %get3A_195 = arith.index_cast %get3A_194 : i32 to index
        %get3A_196 = arith.index_cast %scan3A_135 : i32 to index
        %get3A_197 = arith.constant 48 : index
        %get3A_198 = tpu.vector_load %arg9[%get3A_195, %get3A_196, %get3A_197] {strides = array<i32>} : memref<2x128x128xf32, #tpu.memory_space<vmem>>, vector<1x1x16xf32>,
        %get3A_199 = vector.shape_cast %get3A_198 : vector<1x1x16xf32> to vector<16xf32>
        %get3A_200 = arith.constant 1 : i32
        %get3A_201 = arith.index_cast %get3A_200 : i32 to index
        %get3A_202 = arith.index_cast %scan3A_135 : i32 to index
        %get3A_203 = arith.constant 48 : index
        %get3A_204 = tpu.vector_load %arg10[%get3A_201, %get3A_202, %get3A_203] {strides = array<i32>} : memref<2x128x128xf32, #tpu.memory_space<vmem>>, vector<1x1x16xf32>,
        %get3A_205 = vector.shape_cast %get3A_204 : vector<1x1x16xf32> to vector<16xf32>
        %add3A_206 = arith.addf %get3A_199, %get3A_205 : vector<16xf32>
        %swap3A_207 = arith.constant 1 : i32
        %swap3A_208 = arith.index_cast %swap3A_207 : i32 to index
        %swap3A_209 = arith.index_cast %scan3A_135 : i32 to index
        %swap3A_210 = arith.constant 48 : index
        %swap3A_211 = tpu.vector_load %arg9[%swap3A_208, %swap3A_209, %swap3A_210] {strides = array<i32>} : memref<2x128x128xf32, #tpu.memory_space<vmem>>, vector<1x1x16xf32>,
        %swap3A_212 = vector.shape_cast %swap3A_211 : vector<1x1x16xf32> to vector<16xf32>
        %swap3A_213 = vector.shape_cast %add3A_206 : vector<16xf32> to vector<1x1x16xf32>
        tpu.vector_store %arg9[%swap3A_208, %swap3A_209, %swap3A_210], %swap3A_213 {strides = array<i32>} : memref<2x128x128xf32, #tpu.memory_space<vmem>>, vector<1x1x16xf32>,
        %get3A_214 = arith.constant 1 : i32
        %get3A_215 = arith.index_cast %get3A_214 : i32 to index
        %get3A_216 = arith.index_cast %scan3A_135 : i32 to index
        %get3A_217 = arith.constant 64 : index
        %get3A_218 = tpu.vector_load %arg9[%get3A_215, %get3A_216, %get3A_217] {strides = array<i32>} : memref<2x128x128xf32, #tpu.memory_space<vmem>>, vector<1x1x16xf32>,
        %get3A_219 = vector.shape_cast %get3A_218 : vector<1x1x16xf32> to vector<16xf32>
        %get3A_220 = arith.constant 1 : i32
        %get3A_221 = arith.index_cast %get3A_220 : i32 to index
        %get3A_222 = arith.index_cast %scan3A_135 : i32 to index
        %get3A_223 = arith.constant 64 : index
        %get3A_224 = tpu.vector_load %arg10[%get3A_221, %get3A_222, %get3A_223] {strides = array<i32>} : memref<2x128x128xf32, #tpu.memory_space<vmem>>, vector<1x1x16xf32>,
        %get3A_225 = vector.shape_cast %get3A_224 : vector<1x1x16xf32> to vector<16xf32>
        %add3A_226 = arith.addf %get3A_219, %get3A_225 : vector<16xf32>
        %swap3A_227 = arith.constant 1 : i32
        %swap3A_228 = arith.index_cast %swap3A_227 : i32 to index
        %swap3A_229 = arith.index_cast %scan3A_135 : i32 to index
        %swap3A_230 = arith.constant 64 : index
        %swap3A_231 = tpu.vector_load %arg9[%swap3A_228, %swap3A_229, %swap3A_230] {strides = array<i32>} : memref<2x128x128xf32, #tpu.memory_space<vmem>>, vector<1x1x16xf32>,
        %swap3A_232 = vector.shape_cast %swap3A_231 : vector<1x1x16xf32> to vector<16xf32>
        %swap3A_233 = vector.shape_cast %add3A_226 : vector<16xf32> to vector<1x1x16xf32>
        tpu.vector_store %arg9[%swap3A_228, %swap3A_229, %swap3A_230], %swap3A_233 {strides = array<i32>} : memref<2x128x128xf32, #tpu.memory_space<vmem>>, vector<1x1x16xf32>,
        %get3A_234 = arith.constant 1 : i32
        %get3A_235 = arith.index_cast %get3A_234 : i32 to index
        %get3A_236 = arith.index_cast %scan3A_135 : i32 to index
        %get3A_237 = arith.constant 80 : index
        %get3A_238 = tpu.vector_load %arg9[%get3A_235, %get3A_236, %get3A_237] {strides = array<i32>} : memref<2x128x128xf32, #tpu.memory_space<vmem>>, vector<1x1x16xf32>,
        %get3A_239 = vector.shape_cast %get3A_238 : vector<1x1x16xf32> to vector<16xf32>
        %get3A_240 = arith.constant 1 : i32
        %get3A_241 = arith.index_cast %get3A_240 : i32 to index
        %get3A_242 = arith.index_cast %scan3A_135 : i32 to index
        %get3A_243 = arith.constant 80 : index
        %get3A_244 = tpu.vector_load %arg10[%get3A_241, %get3A_242, %get3A_243] {strides = array<i32>} : memref<2x128x128xf32, #tpu.memory_space<vmem>>, vector<1x1x16xf32>,
        %get3A_245 = vector.shape_cast %get3A_244 : vector<1x1x16xf32> to vector<16xf32>
        %add3A_246 = arith.addf %get3A_239, %get3A_245 : vector<16xf32>
        %swap3A_247 = arith.constant 1 : i32
        %swap3A_248 = arith.index_cast %swap3A_247 : i32 to index
        %swap3A_249 = arith.index_cast %scan3A_135 : i32 to index
        %swap3A_250 = arith.constant 80 : index
        %swap3A_251 = tpu.vector_load %arg9[%swap3A_248, %swap3A_249, %swap3A_250] {strides = array<i32>} : memref<2x128x128xf32, #tpu.memory_space<vmem>>, vector<1x1x16xf32>,
        %swap3A_252 = vector.shape_cast %swap3A_251 : vector<1x1x16xf32> to vector<16xf32>
        %swap3A_253 = vector.shape_cast %add3A_246 : vector<16xf32> to vector<1x1x16xf32>
        tpu.vector_store %arg9[%swap3A_248, %swap3A_249, %swap3A_250], %swap3A_253 {strides = array<i32>} : memref<2x128x128xf32, #tpu.memory_space<vmem>>, vector<1x1x16xf32>,
        %get3A_254 = arith.constant 1 : i32
        %get3A_255 = arith.index_cast %get3A_254 : i32 to index
        %get3A_256 = arith.index_cast %scan3A_135 : i32 to index
        %get3A_257 = arith.constant 96 : index
        %get3A_258 = tpu.vector_load %arg9[%get3A_255, %get3A_256, %get3A_257] {strides = array<i32>} : memref<2x128x128xf32, #tpu.memory_space<vmem>>, vector<1x1x16xf32>,
        %get3A_259 = vector.shape_cast %get3A_258 : vector<1x1x16xf32> to vector<16xf32>
        %get3A_260 = arith.constant 1 : i32
        %get3A_261 = arith.index_cast %get3A_260 : i32 to index
        %get3A_262 = arith.index_cast %scan3A_135 : i32 to index
        %get3A_263 = arith.constant 96 : index
        %get3A_264 = tpu.vector_load %arg10[%get3A_261, %get3A_262, %get3A_263] {strides = array<i32>} : memref<2x128x128xf32, #tpu.memory_space<vmem>>, vector<1x1x16xf32>,
        %get3A_265 = vector.shape_cast %get3A_264 : vector<1x1x16xf32> to vector<16xf32>
        %add3A_266 = arith.addf %get3A_259, %get3A_265 : vector<16xf32>
        %swap3A_267 = arith.constant 1 : i32
        %swap3A_268 = arith.index_cast %swap3A_267 : i32 to index
        %swap3A_269 = arith.index_cast %scan3A_135 : i32 to index
        %swap3A_270 = arith.constant 96 : index
        %swap3A_271 = tpu.vector_load %arg9[%swap3A_268, %swap3A_269, %swap3A_270] {strides = array<i32>} : memref<2x128x128xf32, #tpu.memory_space<vmem>>, vector<1x1x16xf32>,
        %swap3A_272 = vector.shape_cast %swap3A_271 : vector<1x1x16xf32> to vector<16xf32>
        %swap3A_273 = vector.shape_cast %add3A_266 : vector<16xf32> to vector<1x1x16xf32>
        tpu.vector_store %arg9[%swap3A_268, %swap3A_269, %swap3A_270], %swap3A_273 {strides = array<i32>} : memref<2x128x128xf32, #tpu.memory_space<vmem>>, vector<1x1x16xf32>,
        %get3A_274 = arith.constant 1 : i32
        %get3A_275 = arith.index_cast %get3A_274 : i32 to index
        %get3A_276 = arith.index_cast %scan3A_135 : i32 to index
        %get3A_277 = arith.constant 112 : index
        %get3A_278 = tpu.vector_load %arg9[%get3A_275, %get3A_276, %get3A_277] {strides = array<i32>} : memref<2x128x128xf32, #tpu.memory_space<vmem>>, vector<1x1x16xf32>,
        %get3A_279 = vector.shape_cast %get3A_278 : vector<1x1x16xf32> to vector<16xf32>
        %get3A_280 = arith.constant 1 : i32
        %get3A_281 = arith.index_cast %get3A_280 : i32 to index
        %get3A_282 = arith.index_cast %scan3A_135 : i32 to index
        %get3A_283 = arith.constant 112 : index
        %get3A_284 = tpu.vector_load %arg10[%get3A_281, %get3A_282, %get3A_283] {strides = array<i32>} : memref<2x128x128xf32, #tpu.memory_space<vmem>>, vector<1x1x16xf32>,
        %get3A_285 = vector.shape_cast %get3A_284 : vector<1x1x16xf32> to vector<16xf32>
        %add3A_286 = arith.addf %get3A_279, %get3A_285 : vector<16xf32>
        %swap3A_287 = arith.constant 1 : i32
        %swap3A_288 = arith.index_cast %swap3A_287 : i32 to index
        %swap3A_289 = arith.index_cast %scan3A_135 : i32 to index
        %swap3A_290 = arith.constant 112 : index
        %swap3A_291 = tpu.vector_load %arg9[%swap3A_288, %swap3A_289, %swap3A_290] {strides = array<i32>} : memref<2x128x128xf32, #tpu.memory_space<vmem>>, vector<1x1x16xf32>,
        %swap3A_292 = vector.shape_cast %swap3A_291 : vector<1x1x16xf32> to vector<16xf32>
        %swap3A_293 = vector.shape_cast %add3A_286 : vector<16xf32> to vector<1x1x16xf32>
        tpu.vector_store %arg9[%swap3A_288, %swap3A_289, %swap3A_290], %swap3A_293 {strides = array<i32>} : memref<2x128x128xf32, #tpu.memory_space<vmem>>, vector<1x1x16xf32>,
      }
      %scan3A_121 = arith.constant 128 : i32
      %mul3A_122 = arith.constant 4096 : i32
      %mul3A_123 = arith.muli %add3A_95, %mul3A_122 : i32
      %mul3A_124 = arith.constant 128 : i32
      %mul3A_125 = arith.muli %add3A, %mul3A_124 : i32
      %add3A_126 = arith.addi %mul3A_123, %mul3A_125 : i32
      %run_scoped3A_127 = arith.constant 1 : i32
      "tpu.region"() ({
        %run_scoped3A_135 = tpu.sem_alloc : memref<!tpu.dma_semaphore, #tpu.memory_space<semaphore_mem>>
        %dma_start3A_136 = arith.constant 0 : i32
        %dma_start3A_137 = arith.constant 0 : i32
        %dma_start3A_138 = tpu.memref_slice %arg9[%run_scoped3A_127, %dma_start3A_136, %dma_start3A_137] : memref<2x128x128xf32, #tpu.memory_space<vmem>> -> memref<1x128x128xf32, #tpu.memory_space<vmem>>
        %dma_start3A_139 = tpu.memref_squeeze %dma_start3A_138 : memref<1x128x128xf32, #tpu.memory_space<vmem>> -> memref<128x128xf32, #tpu.memory_space<vmem>>
        %dma_start3A_140 = arith.constant 0 : i32
        %dma_start3A_141 = tpu.memref_slice %arg6[%add3A_126, %dma_start3A_140] : memref<204800x128xf32, #tpu.memory_space<hbm>> -> memref<128x128xf32, #tpu.memory_space<hbm>>
        %dma_start3A_142 = arith.constant 0 : i32
        %dma_start3A_143 = tpu.memref_slice %arg6[%add3A_126, %dma_start3A_142] : memref<204800x128xf32, #tpu.memory_space<hbm>> -> memref<128x128xf32, #tpu.memory_space<hbm>>
        %dma_start3A_144 = arith.constant 0 : i32
        %dma_start3A_145 = arith.constant 0 : i32
        %dma_start3A_146 = tpu.memref_slice %arg9[%run_scoped3A_127, %dma_start3A_144, %dma_start3A_145] : memref<2x128x128xf32, #tpu.memory_space<vmem>> -> memref<1x128x128xf32, #tpu.memory_space<vmem>>
        %dma_start3A_147 = tpu.memref_squeeze %dma_start3A_146 : memref<1x128x128xf32, #tpu.memory_space<vmem>> -> memref<128x128xf32, #tpu.memory_space<vmem>>
        tpu.enqueue_dma source(%dma_start3A_147 : memref<128x128xf32, #tpu.memory_space<vmem>>) target(%dma_start3A_143 : memref<128x128xf32, #tpu.memory_space<hbm>>) target_semaphore(%run_scoped3A_135 : memref<!tpu.dma_semaphore, #tpu.memory_space<semaphore_mem>>)
        %dma_wait3A_148 = arith.constant 0 : i32
        %dma_wait3A_149 = arith.constant 0 : i32
        %dma_wait3A_150 = tpu.memref_slice %arg9[%run_scoped3A_127, %dma_wait3A_148, %dma_wait3A_149] : memref<2x128x128xf32, #tpu.memory_space<vmem>> -> memref<1x128x128xf32, #tpu.memory_space<vmem>>
        %dma_wait3A_151 = tpu.memref_squeeze %dma_wait3A_150 : memref<1x128x128xf32, #tpu.memory_space<vmem>> -> memref<128x128xf32, #tpu.memory_space<vmem>>
        %dma_wait3A_152 = arith.constant 0 : i32
        %dma_wait3A_153 = tpu.memref_slice %arg6[%add3A_126, %dma_wait3A_152] : memref<204800x128xf32, #tpu.memory_space<hbm>> -> memref<128x128xf32, #tpu.memory_space<hbm>>
        %dma_wait3A_154 = arith.constant 0 : i32
        %dma_wait3A_155 = tpu.memref_slice %arg6[%add3A_126, %dma_wait3A_154] : memref<204800x128xf32, #tpu.memory_space<hbm>> -> memref<128x128xf32, #tpu.memory_space<hbm>>
        %dma_wait3A_156 = arith.constant 0 : i32
        %dma_wait3A_157 = arith.constant 0 : i32
        %dma_wait3A_158 = tpu.memref_slice %arg9[%run_scoped3A_127, %dma_wait3A_156, %dma_wait3A_157] : memref<2x128x128xf32, #tpu.memory_space<vmem>> -> memref<1x128x128xf32, #tpu.memory_space<vmem>>
        %dma_wait3A_159 = tpu.memref_squeeze %dma_wait3A_158 : memref<1x128x128xf32, #tpu.memory_space<vmem>> -> memref<128x128xf32, #tpu.memory_space<vmem>>
        tpu.wait_dma2 semaphore(%run_scoped3A_135 : memref<!tpu.dma_semaphore, #tpu.memory_space<semaphore_mem>>) src(%dma_wait3A_159 : memref<128x128xf32, #tpu.memory_space<vmem>>) dst(%dma_wait3A_155 : memref<128x128xf32, #tpu.memory_space<hbm>>)
        tpu.yield
      }) : () -> ()
      %add3A_128 = arith.constant 2 : i32
      %add3A_129 = arith.addi %add3A_95, %add3A_128 : i32
      %lt3A_130 = arith.constant 50 : i32
      %lt3A_131 = arith.cmpi slt, %add3A_129, %lt3A_130 : i32
      %convert_element_type3A_132 = arith.extui %lt3A_131 : i1 to i32
      %cond3A_133 = arith.constant 0 : i32
      %cond3A_134 = arith.cmpi ne, %convert_element_type3A_132, %cond3A_133 : i32
      scf.if %cond3A_134 {
        %mul3A_135 = arith.constant 128 : i32
        %mul3A_136 = arith.muli %add3A_129, %mul3A_135 : i32
        %dma_start3A_137 = arith.constant 1 : i32
        %dma_start3A_138 = arith.constant 0 : i32
        %dma_start3A_139 = arith.constant 0 : i32
        %dma_start3A_140 = tpu.memref_slice %arg9[%dma_start3A_137, %dma_start3A_138, %dma_start3A_139] : memref<2x128x128xf32, #tpu.memory_space<vmem>> -> memref<1x128x128xf32, #tpu.memory_space<vmem>>
        %dma_start3A_141 = tpu.memref_squeeze %dma_start3A_140 : memref<1x128x128xf32, #tpu.memory_space<vmem>> -> memref<128x128xf32, #tpu.memory_space<vmem>>
        %dma_start3A_142 = tpu.memref_slice %arg7[%mul3A_136] : memref<6400xi32, #tpu.memory_space<vmem>> -> memref<128xi32, #tpu.memory_space<vmem>>
        %dma_start3A_143 = arith.constant 0 : i32
        %dma_start3A_144 = arith.constant 0 : i32
        %dma_start3A_145 = tpu.memref_slice %arg11[%dma_start3A_143, %dma_start3A_144] : memref<1000x128xf32, #tpu.memory_space<vmem_shared>> -> memref<1000x128xf32, #tpu.memory_space<vmem_shared>>
        tpu.enqueue_indirect_dma source(%dma_start3A_145 : memref<1000x128xf32, #tpu.memory_space<vmem_shared>>) target(%dma_start3A_141 : memref<128x128xf32, #tpu.memory_space<vmem>>) offsets(%dma_start3A_142 : memref<128xi32, #tpu.memory_space<vmem>>) semaphore(%arg14 : memref<!tpu.dma_semaphore, #tpu.memory_space<semaphore_mem>>)
        %dma_start3A_146 = arith.constant 1 : i32
        %dma_start3A_147 = arith.constant 0 : i32
        %dma_start3A_148 = arith.constant 0 : i32
        %dma_start3A_149 = tpu.memref_slice %arg10[%dma_start3A_146, %dma_start3A_147, %dma_start3A_148] : memref<2x128x128xf32, #tpu.memory_space<vmem>> -> memref<1x128x128xf32, #tpu.memory_space<vmem>>
        %dma_start3A_150 = tpu.memref_squeeze %dma_start3A_149 : memref<1x128x128xf32, #tpu.memory_space<vmem>> -> memref<128x128xf32, #tpu.memory_space<vmem>>
        %dma_start3A_151 = tpu.memref_slice %arg8[%mul3A_136] : memref<6400xi32, #tpu.memory_space<vmem>> -> memref<128xi32, #tpu.memory_space<vmem>>
        %dma_start3A_152 = arith.constant 0 : i32
        %dma_start3A_153 = arith.constant 0 : i32
        %dma_start3A_154 = tpu.memref_slice %arg12[%dma_start3A_152, %dma_start3A_153] : memref<1000x128xf32, #tpu.memory_space<vmem_shared>> -> memref<1000x128xf32, #tpu.memory_space<vmem_shared>>
        tpu.enqueue_indirect_dma source(%dma_start3A_154 : memref<1000x128xf32, #tpu.memory_space<vmem_shared>>) target(%dma_start3A_150 : memref<128x128xf32, #tpu.memory_space<vmem>>) offsets(%dma_start3A_151 : memref<128xi32, #tpu.memory_space<vmem>>) semaphore(%arg16 : memref<!tpu.dma_semaphore, #tpu.memory_space<semaphore_mem>>)
      } else {
      }
    }
    %scan3A_50 = arith.constant 25 : i32
    return
  }
}

#map = affine_map<(d0, d1) -> (0, 0)>
#map1 = affine_map<(d0, d1) -> (0)>
module attributes {stable_mosaic.version = 14 : i64} {
  func.func @_g_gather_body(%arg0: i32, %arg1: i32, %arg2: memref<1000x128xf32, #tpu.memory_space<hbm>>, %arg3: memref<1000x128xf32, #tpu.memory_space<hbm>>, %arg4: memref<204800xi32, #tpu.memory_space<hbm>>, %arg5: memref<204800xi32, #tpu.memory_space<hbm>>, %arg6: memref<204800x128xf32, #tpu.memory_space<hbm>>, %arg7: memref<6400xi32, #tpu.memory_space<vmem>>, %arg8: memref<6400xi32, #tpu.memory_space<vmem>>, %arg9: memref<2x128x128xf32, #tpu.memory_space<vmem>>, %arg10: memref<2x128x128xf32, #tpu.memory_space<vmem>>, %arg11: memref<1000x128xf32, #tpu.memory_space<vmem_shared>>, %arg12: memref<1000x128xf32, #tpu.memory_space<vmem_shared>>, %arg13: memref<!tpu.dma_semaphore, #tpu.memory_space<semaphore_mem>>, %arg14: memref<!tpu.dma_semaphore, #tpu.memory_space<semaphore_mem>>, %arg15: memref<!tpu.dma_semaphore, #tpu.memory_space<semaphore_mem>>, %arg16: memref<!tpu.dma_semaphore, #tpu.memory_space<semaphore_mem>>) attributes {dimension_semantics = [#tpu.dimension_semantics<core_parallel>, #tpu.dimension_semantics<subcore_parallel>], iteration_bounds = array<i64: 2, 16>, scalar_prefetch = 0 : i64, scratch_operands = 10 : i64, tpu.core_type = #tpu.core_type<sc_vector_subcore>, window_params = [{transform_indices = #map}, {transform_indices = #map}, {transform_indices = #map1}, {transform_indices = #map1}, {transform_indices = #map}]} {
    %mul3A = arith.constant 2 : i32
    %mul3A_0 = arith.muli %arg1, %mul3A : i32
    %add3A = arith.addi %mul3A_0, %arg0 : i32
    %eq3A = arith.constant 0 : i32
    %eq3A_1 = arith.cmpi eq, %arg1, %eq3A : i32
    %convert_element_type3A = arith.extui %eq3A_1 : i1 to i32
    %cond3A = arith.constant 0 : i32
    %cond3A_2 = arith.cmpi ne, %convert_element_type3A, %cond3A : i32
    scf.if %cond3A_2 {
      "tpu.region"() ({
        %run_scoped3A = tpu.sem_alloc : memref<!tpu.dma_semaphore, #tpu.memory_space<semaphore_mem>>
        tpu.enqueue_dma source(%arg2 : memref<1000x128xf32, #tpu.memory_space<hbm>>) target(%arg11 : memref<1000x128xf32, #tpu.memory_space<vmem_shared>>) target_semaphore(%run_scoped3A : memref<!tpu.dma_semaphore, #tpu.memory_space<semaphore_mem>>)
        tpu.wait_dma2 semaphore(%run_scoped3A : memref<!tpu.dma_semaphore, #tpu.memory_space<semaphore_mem>>) src(%arg2 : memref<1000x128xf32, #tpu.memory_space<hbm>>) dst(%arg11 : memref<1000x128xf32, #tpu.memory_space<vmem_shared>>)
        tpu.yield
      }) : () -> ()
      "tpu.region"() ({
        %run_scoped3A = tpu.sem_alloc : memref<!tpu.dma_semaphore, #tpu.memory_space<semaphore_mem>>
        tpu.enqueue_dma source(%arg3 : memref<1000x128xf32, #tpu.memory_space<hbm>>) target(%arg12 : memref<1000x128xf32, #tpu.memory_space<vmem_shared>>) target_semaphore(%run_scoped3A : memref<!tpu.dma_semaphore, #tpu.memory_space<semaphore_mem>>)
        tpu.wait_dma2 semaphore(%run_scoped3A : memref<!tpu.dma_semaphore, #tpu.memory_space<semaphore_mem>>) src(%arg3 : memref<1000x128xf32, #tpu.memory_space<hbm>>) dst(%arg12 : memref<1000x128xf32, #tpu.memory_space<vmem_shared>>)
        tpu.yield
      }) : () -> ()
    } else {
    }
    %barrier3A = arith.constant 0 : index
    tpu.barrier barrier_id(%barrier3A)
    %mul3A_3 = arith.constant 6400 : i32
    %mul3A_4 = arith.muli %add3A, %mul3A_3 : i32
    "tpu.region"() ({
      %run_scoped3A = tpu.sem_alloc : memref<!tpu.dma_semaphore, #tpu.memory_space<semaphore_mem>>
      %dma_start3A_51 = tpu.memref_slice %arg4[%mul3A_4] : memref<204800xi32, #tpu.memory_space<hbm>> -> memref<6400xi32, #tpu.memory_space<hbm>>
      %dma_start3A_52 = tpu.memref_slice %arg4[%mul3A_4] : memref<204800xi32, #tpu.memory_space<hbm>> -> memref<6400xi32, #tpu.memory_space<hbm>>
      tpu.enqueue_dma source(%dma_start3A_52 : memref<6400xi32, #tpu.memory_space<hbm>>) target(%arg7 : memref<6400xi32, #tpu.memory_space<vmem>>) target_semaphore(%run_scoped3A : memref<!tpu.dma_semaphore, #tpu.memory_space<semaphore_mem>>)
      %dma_wait3A = tpu.memref_slice %arg4[%mul3A_4] : memref<204800xi32, #tpu.memory_space<hbm>> -> memref<6400xi32, #tpu.memory_space<hbm>>
      %dma_wait3A_53 = tpu.memref_slice %arg4[%mul3A_4] : memref<204800xi32, #tpu.memory_space<hbm>> -> memref<6400xi32, #tpu.memory_space<hbm>>
      tpu.wait_dma2 semaphore(%run_scoped3A : memref<!tpu.dma_semaphore, #tpu.memory_space<semaphore_mem>>) src(%dma_wait3A_53 : memref<6400xi32, #tpu.memory_space<hbm>>) dst(%arg7 : memref<6400xi32, #tpu.memory_space<vmem>>)
      tpu.yield
    }) : () -> ()
    %mul3A_5 = arith.constant 6400 : i32
    %mul3A_6 = arith.muli %add3A, %mul3A_5 : i32
    "tpu.region"() ({
      %run_scoped3A = tpu.sem_alloc : memref<!tpu.dma_semaphore, #tpu.memory_space<semaphore_mem>>
      %dma_start3A_51 = tpu.memref_slice %arg5[%mul3A_6] : memref<204800xi32, #tpu.memory_space<hbm>> -> memref<6400xi32, #tpu.memory_space<hbm>>
      %dma_start3A_52 = tpu.memref_slice %arg5[%mul3A_6] : memref<204800xi32, #tpu.memory_space<hbm>> -> memref<6400xi32, #tpu.memory_space<hbm>>
      tpu.enqueue_dma source(%dma_start3A_52 : memref<6400xi32, #tpu.memory_space<hbm>>) target(%arg8 : memref<6400xi32, #tpu.memory_space<vmem>>) target_semaphore(%run_scoped3A : memref<!tpu.dma_semaphore, #tpu.memory_space<semaphore_mem>>)
      %dma_wait3A = tpu.memref_slice %arg5[%mul3A_6] : memref<204800xi32, #tpu.memory_space<hbm>> -> memref<6400xi32, #tpu.memory_space<hbm>>
      %dma_wait3A_53 = tpu.memref_slice %arg5[%mul3A_6] : memref<204800xi32, #tpu.memory_space<hbm>> -> memref<6400xi32, #tpu.memory_space<hbm>>
      tpu.wait_dma2 semaphore(%run_scoped3A : memref<!tpu.dma_semaphore, #tpu.memory_space<semaphore_mem>>) src(%dma_wait3A_53 : memref<6400xi32, #tpu.memory_space<hbm>>) dst(%arg8 : memref<6400xi32, #tpu.memory_space<vmem>>)
      tpu.yield
    }) : () -> ()
    %dma_start3A = arith.constant 0 : i32
    %dma_start3A_7 = arith.constant 0 : i32
    %dma_start3A_8 = arith.constant 0 : i32
    %dma_start3A_9 = tpu.memref_slice %arg9[%dma_start3A, %dma_start3A_7, %dma_start3A_8] : memref<2x128x128xf32, #tpu.memory_space<vmem>> -> memref<1x128x128xf32, #tpu.memory_space<vmem>>
    %dma_start3A_10 = tpu.memref_squeeze %dma_start3A_9 : memref<1x128x128xf32, #tpu.memory_space<vmem>> -> memref<128x128xf32, #tpu.memory_space<vmem>>
    %dma_start3A_11 = arith.constant 0 : i32
    %dma_start3A_12 = tpu.memref_slice %arg7[%dma_start3A_11] : memref<6400xi32, #tpu.memory_space<vmem>> -> memref<128xi32, #tpu.memory_space<vmem>>
    %dma_start3A_13 = arith.constant 0 : i32
    %dma_start3A_14 = arith.constant 0 : i32
    %dma_start3A_15 = tpu.memref_slice %arg11[%dma_start3A_13, %dma_start3A_14] : memref<1000x128xf32, #tpu.memory_space<vmem_shared>> -> memref<1000x128xf32, #tpu.memory_space<vmem_shared>>
    tpu.enqueue_indirect_dma source(%dma_start3A_15 : memref<1000x128xf32, #tpu.memory_space<vmem_shared>>) target(%dma_start3A_10 : memref<128x128xf32, #tpu.memory_space<vmem>>) offsets(%dma_start3A_12 : memref<128xi32, #tpu.memory_space<vmem>>) semaphore(%arg13 : memref<!tpu.dma_semaphore, #tpu.memory_space<semaphore_mem>>)
    %dma_start3A_16 = arith.constant 0 : i32
    %dma_start3A_17 = arith.constant 0 : i32
    %dma_start3A_18 = arith.constant 0 : i32
    %dma_start3A_19 = tpu.memref_slice %arg10[%dma_start3A_16, %dma_start3A_17, %dma_start3A_18] : memref<2x128x128xf32, #tpu.memory_space<vmem>> -> memref<1x128x128xf32, #tpu.memory_space<vmem>>
    %dma_start3A_20 = tpu.memref_squeeze %dma_start3A_19 : memref<1x128x128xf32, #tpu.memory_space<vmem>> -> memref<128x128xf32, #tpu.memory_space<vmem>>
    %dma_start3A_21 = arith.constant 0 : i32
    %dma_start3A_22 = tpu.memref_slice %arg8[%dma_start3A_21] : memref<6400xi32, #tpu.memory_space<vmem>> -> memref<128xi32, #tpu.memory_space<vmem>>
    %dma_start3A_23 = arith.constant 0 : i32
    %dma_start3A_24 = arith.constant 0 : i32
    %dma_start3A_25 = tpu.memref_slice %arg12[%dma_start3A_23, %dma_start3A_24] : memref<1000x128xf32, #tpu.memory_space<vmem_shared>> -> memref<1000x128xf32, #tpu.memory_space<vmem_shared>>
    tpu.enqueue_indirect_dma source(%dma_start3A_25 : memref<1000x128xf32, #tpu.memory_space<vmem_shared>>) target(%dma_start3A_20 : memref<128x128xf32, #tpu.memory_space<vmem>>) offsets(%dma_start3A_22 : memref<128xi32, #tpu.memory_space<vmem>>) semaphore(%arg15 : memref<!tpu.dma_semaphore, #tpu.memory_space<semaphore_mem>>)
    %dma_start3A_26 = arith.constant 1 : i32
    %dma_start3A_27 = arith.constant 0 : i32
    %dma_start3A_28 = arith.constant 0 : i32
    %dma_start3A_29 = tpu.memref_slice %arg9[%dma_start3A_26, %dma_start3A_27, %dma_start3A_28] : memref<2x128x128xf32, #tpu.memory_space<vmem>> -> memref<1x128x128xf32, #tpu.memory_space<vmem>>
    %dma_start3A_30 = tpu.memref_squeeze %dma_start3A_29 : memref<1x128x128xf32, #tpu.memory_space<vmem>> -> memref<128x128xf32, #tpu.memory_space<vmem>>
    %dma_start3A_31 = arith.constant 128 : i32
    %dma_start3A_32 = tpu.memref_slice %arg7[%dma_start3A_31] : memref<6400xi32, #tpu.memory_space<vmem>> -> memref<128xi32, #tpu.memory_space<vmem>>
    %dma_start3A_33 = arith.constant 0 : i32
    %dma_start3A_34 = arith.constant 0 : i32
    %dma_start3A_35 = tpu.memref_slice %arg11[%dma_start3A_33, %dma_start3A_34] : memref<1000x128xf32, #tpu.memory_space<vmem_shared>> -> memref<1000x128xf32, #tpu.memory_space<vmem_shared>>
    tpu.enqueue_indirect_dma source(%dma_start3A_35 : memref<1000x128xf32, #tpu.memory_space<vmem_shared>>) target(%dma_start3A_30 : memref<128x128xf32, #tpu.memory_space<vmem>>) offsets(%dma_start3A_32 : memref<128xi32, #tpu.memory_space<vmem>>) semaphore(%arg14 : memref<!tpu.dma_semaphore, #tpu.memory_space<semaphore_mem>>)
    %dma_start3A_36 = arith.constant 1 : i32
    %dma_start3A_37 = arith.constant 0 : i32
    %dma_start3A_38 = arith.constant 0 : i32
    %dma_start3A_39 = tpu.memref_slice %arg10[%dma_start3A_36, %dma_start3A_37, %dma_start3A_38] : memref<2x128x128xf32, #tpu.memory_space<vmem>> -> memref<1x128x128xf32, #tpu.memory_space<vmem>>
    %dma_start3A_40 = tpu.memref_squeeze %dma_start3A_39 : memref<1x128x128xf32, #tpu.memory_space<vmem>> -> memref<128x128xf32, #tpu.memory_space<vmem>>
    %dma_start3A_41 = arith.constant 128 : i32
    %dma_start3A_42 = tpu.memref_slice %arg8[%dma_start3A_41] : memref<6400xi32, #tpu.memory_space<vmem>> -> memref<128xi32, #tpu.memory_space<vmem>>
    %dma_start3A_43 = arith.constant 0 : i32
    %dma_start3A_44 = arith.constant 0 : i32
    %dma_start3A_45 = tpu.memref_slice %arg12[%dma_start3A_43, %dma_start3A_44] : memref<1000x128xf32, #tpu.memory_space<vmem_shared>> -> memref<1000x128xf32, #tpu.memory_space<vmem_shared>>
    tpu.enqueue_indirect_dma source(%dma_start3A_45 : memref<1000x128xf32, #tpu.memory_space<vmem_shared>>) target(%dma_start3A_40 : memref<128x128xf32, #tpu.memory_space<vmem>>) offsets(%dma_start3A_42 : memref<128xi32, #tpu.memory_space<vmem>>) semaphore(%arg16 : memref<!tpu.dma_semaphore, #tpu.memory_space<semaphore_mem>>)
    %scan3A = arith.constant 0 : i32
    %scan3A_46 = arith.constant 0 : i32
    %scan3A_47 = arith.constant 25 : i32
    %scan3A_48 = arith.addi %scan3A_46, %scan3A_47 : i32
    %scan3A_49 = arith.constant 1 : i32
    scf.for %scan3A_51 = %scan3A_46 to %scan3A_48 step %scan3A_49  : i32 {
      %mul3A_52 = arith.constant 2 : i32
      %mul3A_53 = arith.muli %scan3A_51, %mul3A_52 : i32
      %add3A_54 = arith.constant 0 : i32
      %add3A_55 = arith.addi %mul3A_53, %add3A_54 : i32
      %mul3A_56 = arith.constant 128 : i32
      %mul3A_57 = arith.muli %add3A_55, %mul3A_56 : i32
      %dma_wait3A = arith.constant 0 : i32
      %dma_wait3A_58 = arith.constant 0 : i32
      %dma_wait3A_59 = arith.constant 0 : i32
      %dma_wait3A_60 = tpu.memref_slice %arg9[%dma_wait3A, %dma_wait3A_58, %dma_wait3A_59] : memref<2x128x128xf32, #tpu.memory_space<vmem>> -> memref<1x128x128xf32, #tpu.memory_space<vmem>>
      %dma_wait3A_61 = tpu.memref_squeeze %dma_wait3A_60 : memref<1x128x128xf32, #tpu.memory_space<vmem>> -> memref<128x128xf32, #tpu.memory_space<vmem>>
      %dma_wait3A_62 = tpu.memref_slice %arg7[%mul3A_57] : memref<6400xi32, #tpu.memory_space<vmem>> -> memref<128xi32, #tpu.memory_space<vmem>>
      %dma_wait3A_63 = arith.constant 0 : i32
      %dma_wait3A_64 = arith.constant 0 : i32
      %dma_wait3A_65 = tpu.memref_slice %arg11[%dma_wait3A_63, %dma_wait3A_64] : memref<1000x128xf32, #tpu.memory_space<vmem_shared>> -> memref<1000x128xf32, #tpu.memory_space<vmem_shared>>
      tpu.wait_indirect_dma semaphore(%arg13 : memref<!tpu.dma_semaphore, #tpu.memory_space<semaphore_mem>>) src(%dma_wait3A_65 : memref<1000x128xf32, #tpu.memory_space<vmem_shared>>) dst(%dma_wait3A_61 : memref<128x128xf32, #tpu.memory_space<vmem>>)
      %dma_wait3A_66 = arith.constant 0 : i32
      %dma_wait3A_67 = arith.constant 0 : i32
      %dma_wait3A_68 = arith.constant 0 : i32
      %dma_wait3A_69 = tpu.memref_slice %arg10[%dma_wait3A_66, %dma_wait3A_67, %dma_wait3A_68] : memref<2x128x128xf32, #tpu.memory_space<vmem>> -> memref<1x128x128xf32, #tpu.memory_space<vmem>>
      %dma_wait3A_70 = tpu.memref_squeeze %dma_wait3A_69 : memref<1x128x128xf32, #tpu.memory_space<vmem>> -> memref<128x128xf32, #tpu.memory_space<vmem>>
      %dma_wait3A_71 = tpu.memref_slice %arg8[%mul3A_57] : memref<6400xi32, #tpu.memory_space<vmem>> -> memref<128xi32, #tpu.memory_space<vmem>>
      %dma_wait3A_72 = arith.constant 0 : i32
      %dma_wait3A_73 = arith.constant 0 : i32
      %dma_wait3A_74 = tpu.memref_slice %arg12[%dma_wait3A_72, %dma_wait3A_73] : memref<1000x128xf32, #tpu.memory_space<vmem_shared>> -> memref<1000x128xf32, #tpu.memory_space<vmem_shared>>
      tpu.wait_indirect_dma semaphore(%arg15 : memref<!tpu.dma_semaphore, #tpu.memory_space<semaphore_mem>>) src(%dma_wait3A_74 : memref<1000x128xf32, #tpu.memory_space<vmem_shared>>) dst(%dma_wait3A_70 : memref<128x128xf32, #tpu.memory_space<vmem>>)
      %scan3A_75 = arith.constant 0 : i32
      %scan3A_76 = arith.constant 0 : i32
      %scan3A_77 = arith.constant 128 : i32
      %scan3A_78 = arith.addi %scan3A_76, %scan3A_77 : i32
      %scan3A_79 = arith.constant 1 : i32
      scf.for %scan3A_135 = %scan3A_76 to %scan3A_78 step %scan3A_79  : i32 {
        %get3A = arith.constant 0 : i32
        %get3A_136 = arith.index_cast %get3A : i32 to index
        %get3A_137 = arith.index_cast %scan3A_135 : i32 to index
        %get3A_138 = arith.constant 0 : index
        %get3A_139 = tpu.vector_load %arg9[%get3A_136, %get3A_137, %get3A_138] {strides = array<i32>} : memref<2x128x128xf32, #tpu.memory_space<vmem>>, vector<1x1x16xf32>,
        %get3A_140 = vector.shape_cast %get3A_139 : vector<1x1x16xf32> to vector<16xf32>
        %get3A_141 = arith.constant 0 : i32
        %get3A_142 = arith.index_cast %get3A_141 : i32 to index
        %get3A_143 = arith.index_cast %scan3A_135 : i32 to index
        %get3A_144 = arith.constant 0 : index
        %get3A_145 = tpu.vector_load %arg10[%get3A_142, %get3A_143, %get3A_144] {strides = array<i32>} : memref<2x128x128xf32, #tpu.memory_space<vmem>>, vector<1x1x16xf32>,
        %get3A_146 = vector.shape_cast %get3A_145 : vector<1x1x16xf32> to vector<16xf32>
        %add3A_147 = arith.addf %get3A_140, %get3A_146 : vector<16xf32>
        %swap3A = arith.constant 0 : i32
        %swap3A_148 = arith.index_cast %swap3A : i32 to index
        %swap3A_149 = arith.index_cast %scan3A_135 : i32 to index
        %swap3A_150 = arith.constant 0 : index
        %swap3A_151 = tpu.vector_load %arg9[%swap3A_148, %swap3A_149, %swap3A_150] {strides = array<i32>} : memref<2x128x128xf32, #tpu.memory_space<vmem>>, vector<1x1x16xf32>,
        %swap3A_152 = vector.shape_cast %swap3A_151 : vector<1x1x16xf32> to vector<16xf32>
        %swap3A_153 = vector.shape_cast %add3A_147 : vector<16xf32> to vector<1x1x16xf32>
        tpu.vector_store %arg9[%swap3A_148, %swap3A_149, %swap3A_150], %swap3A_153 {strides = array<i32>} : memref<2x128x128xf32, #tpu.memory_space<vmem>>, vector<1x1x16xf32>,
        %get3A_154 = arith.constant 0 : i32
        %get3A_155 = arith.index_cast %get3A_154 : i32 to index
        %get3A_156 = arith.index_cast %scan3A_135 : i32 to index
        %get3A_157 = arith.constant 16 : index
        %get3A_158 = tpu.vector_load %arg9[%get3A_155, %get3A_156, %get3A_157] {strides = array<i32>} : memref<2x128x128xf32, #tpu.memory_space<vmem>>, vector<1x1x16xf32>,
        %get3A_159 = vector.shape_cast %get3A_158 : vector<1x1x16xf32> to vector<16xf32>
        %get3A_160 = arith.constant 0 : i32
        %get3A_161 = arith.index_cast %get3A_160 : i32 to index
        %get3A_162 = arith.index_cast %scan3A_135 : i32 to index
        %get3A_163 = arith.constant 16 : index
        %get3A_164 = tpu.vector_load %arg10[%get3A_161, %get3A_162, %get3A_163] {strides = array<i32>} : memref<2x128x128xf32, #tpu.memory_space<vmem>>, vector<1x1x16xf32>,
        %get3A_165 = vector.shape_cast %get3A_164 : vector<1x1x16xf32> to vector<16xf32>
        %add3A_166 = arith.addf %get3A_159, %get3A_165 : vector<16xf32>
        %swap3A_167 = arith.constant 0 : i32
        %swap3A_168 = arith.index_cast %swap3A_167 : i32 to index
        %swap3A_169 = arith.index_cast %scan3A_135 : i32 to index
        %swap3A_170 = arith.constant 16 : index
        %swap3A_171 = tpu.vector_load %arg9[%swap3A_168, %swap3A_169, %swap3A_170] {strides = array<i32>} : memref<2x128x128xf32, #tpu.memory_space<vmem>>, vector<1x1x16xf32>,
        %swap3A_172 = vector.shape_cast %swap3A_171 : vector<1x1x16xf32> to vector<16xf32>
        %swap3A_173 = vector.shape_cast %add3A_166 : vector<16xf32> to vector<1x1x16xf32>
        tpu.vector_store %arg9[%swap3A_168, %swap3A_169, %swap3A_170], %swap3A_173 {strides = array<i32>} : memref<2x128x128xf32, #tpu.memory_space<vmem>>, vector<1x1x16xf32>,
        %get3A_174 = arith.constant 0 : i32
        %get3A_175 = arith.index_cast %get3A_174 : i32 to index
        %get3A_176 = arith.index_cast %scan3A_135 : i32 to index
        %get3A_177 = arith.constant 32 : index
        %get3A_178 = tpu.vector_load %arg9[%get3A_175, %get3A_176, %get3A_177] {strides = array<i32>} : memref<2x128x128xf32, #tpu.memory_space<vmem>>, vector<1x1x16xf32>,
        %get3A_179 = vector.shape_cast %get3A_178 : vector<1x1x16xf32> to vector<16xf32>
        %get3A_180 = arith.constant 0 : i32
        %get3A_181 = arith.index_cast %get3A_180 : i32 to index
        %get3A_182 = arith.index_cast %scan3A_135 : i32 to index
        %get3A_183 = arith.constant 32 : index
        %get3A_184 = tpu.vector_load %arg10[%get3A_181, %get3A_182, %get3A_183] {strides = array<i32>} : memref<2x128x128xf32, #tpu.memory_space<vmem>>, vector<1x1x16xf32>,
        %get3A_185 = vector.shape_cast %get3A_184 : vector<1x1x16xf32> to vector<16xf32>
        %add3A_186 = arith.addf %get3A_179, %get3A_185 : vector<16xf32>
        %swap3A_187 = arith.constant 0 : i32
        %swap3A_188 = arith.index_cast %swap3A_187 : i32 to index
        %swap3A_189 = arith.index_cast %scan3A_135 : i32 to index
        %swap3A_190 = arith.constant 32 : index
        %swap3A_191 = tpu.vector_load %arg9[%swap3A_188, %swap3A_189, %swap3A_190] {strides = array<i32>} : memref<2x128x128xf32, #tpu.memory_space<vmem>>, vector<1x1x16xf32>,
        %swap3A_192 = vector.shape_cast %swap3A_191 : vector<1x1x16xf32> to vector<16xf32>
        %swap3A_193 = vector.shape_cast %add3A_186 : vector<16xf32> to vector<1x1x16xf32>
        tpu.vector_store %arg9[%swap3A_188, %swap3A_189, %swap3A_190], %swap3A_193 {strides = array<i32>} : memref<2x128x128xf32, #tpu.memory_space<vmem>>, vector<1x1x16xf32>,
        %get3A_194 = arith.constant 0 : i32
        %get3A_195 = arith.index_cast %get3A_194 : i32 to index
        %get3A_196 = arith.index_cast %scan3A_135 : i32 to index
        %get3A_197 = arith.constant 48 : index
        %get3A_198 = tpu.vector_load %arg9[%get3A_195, %get3A_196, %get3A_197] {strides = array<i32>} : memref<2x128x128xf32, #tpu.memory_space<vmem>>, vector<1x1x16xf32>,
        %get3A_199 = vector.shape_cast %get3A_198 : vector<1x1x16xf32> to vector<16xf32>
        %get3A_200 = arith.constant 0 : i32
        %get3A_201 = arith.index_cast %get3A_200 : i32 to index
        %get3A_202 = arith.index_cast %scan3A_135 : i32 to index
        %get3A_203 = arith.constant 48 : index
        %get3A_204 = tpu.vector_load %arg10[%get3A_201, %get3A_202, %get3A_203] {strides = array<i32>} : memref<2x128x128xf32, #tpu.memory_space<vmem>>, vector<1x1x16xf32>,
        %get3A_205 = vector.shape_cast %get3A_204 : vector<1x1x16xf32> to vector<16xf32>
        %add3A_206 = arith.addf %get3A_199, %get3A_205 : vector<16xf32>
        %swap3A_207 = arith.constant 0 : i32
        %swap3A_208 = arith.index_cast %swap3A_207 : i32 to index
        %swap3A_209 = arith.index_cast %scan3A_135 : i32 to index
        %swap3A_210 = arith.constant 48 : index
        %swap3A_211 = tpu.vector_load %arg9[%swap3A_208, %swap3A_209, %swap3A_210] {strides = array<i32>} : memref<2x128x128xf32, #tpu.memory_space<vmem>>, vector<1x1x16xf32>,
        %swap3A_212 = vector.shape_cast %swap3A_211 : vector<1x1x16xf32> to vector<16xf32>
        %swap3A_213 = vector.shape_cast %add3A_206 : vector<16xf32> to vector<1x1x16xf32>
        tpu.vector_store %arg9[%swap3A_208, %swap3A_209, %swap3A_210], %swap3A_213 {strides = array<i32>} : memref<2x128x128xf32, #tpu.memory_space<vmem>>, vector<1x1x16xf32>,
        %get3A_214 = arith.constant 0 : i32
        %get3A_215 = arith.index_cast %get3A_214 : i32 to index
        %get3A_216 = arith.index_cast %scan3A_135 : i32 to index
        %get3A_217 = arith.constant 64 : index
        %get3A_218 = tpu.vector_load %arg9[%get3A_215, %get3A_216, %get3A_217] {strides = array<i32>} : memref<2x128x128xf32, #tpu.memory_space<vmem>>, vector<1x1x16xf32>,
        %get3A_219 = vector.shape_cast %get3A_218 : vector<1x1x16xf32> to vector<16xf32>
        %get3A_220 = arith.constant 0 : i32
        %get3A_221 = arith.index_cast %get3A_220 : i32 to index
        %get3A_222 = arith.index_cast %scan3A_135 : i32 to index
        %get3A_223 = arith.constant 64 : index
        %get3A_224 = tpu.vector_load %arg10[%get3A_221, %get3A_222, %get3A_223] {strides = array<i32>} : memref<2x128x128xf32, #tpu.memory_space<vmem>>, vector<1x1x16xf32>,
        %get3A_225 = vector.shape_cast %get3A_224 : vector<1x1x16xf32> to vector<16xf32>
        %add3A_226 = arith.addf %get3A_219, %get3A_225 : vector<16xf32>
        %swap3A_227 = arith.constant 0 : i32
        %swap3A_228 = arith.index_cast %swap3A_227 : i32 to index
        %swap3A_229 = arith.index_cast %scan3A_135 : i32 to index
        %swap3A_230 = arith.constant 64 : index
        %swap3A_231 = tpu.vector_load %arg9[%swap3A_228, %swap3A_229, %swap3A_230] {strides = array<i32>} : memref<2x128x128xf32, #tpu.memory_space<vmem>>, vector<1x1x16xf32>,
        %swap3A_232 = vector.shape_cast %swap3A_231 : vector<1x1x16xf32> to vector<16xf32>
        %swap3A_233 = vector.shape_cast %add3A_226 : vector<16xf32> to vector<1x1x16xf32>
        tpu.vector_store %arg9[%swap3A_228, %swap3A_229, %swap3A_230], %swap3A_233 {strides = array<i32>} : memref<2x128x128xf32, #tpu.memory_space<vmem>>, vector<1x1x16xf32>,
        %get3A_234 = arith.constant 0 : i32
        %get3A_235 = arith.index_cast %get3A_234 : i32 to index
        %get3A_236 = arith.index_cast %scan3A_135 : i32 to index
        %get3A_237 = arith.constant 80 : index
        %get3A_238 = tpu.vector_load %arg9[%get3A_235, %get3A_236, %get3A_237] {strides = array<i32>} : memref<2x128x128xf32, #tpu.memory_space<vmem>>, vector<1x1x16xf32>,
        %get3A_239 = vector.shape_cast %get3A_238 : vector<1x1x16xf32> to vector<16xf32>
        %get3A_240 = arith.constant 0 : i32
        %get3A_241 = arith.index_cast %get3A_240 : i32 to index
        %get3A_242 = arith.index_cast %scan3A_135 : i32 to index
        %get3A_243 = arith.constant 80 : index
        %get3A_244 = tpu.vector_load %arg10[%get3A_241, %get3A_242, %get3A_243] {strides = array<i32>} : memref<2x128x128xf32, #tpu.memory_space<vmem>>, vector<1x1x16xf32>,
        %get3A_245 = vector.shape_cast %get3A_244 : vector<1x1x16xf32> to vector<16xf32>
        %add3A_246 = arith.addf %get3A_239, %get3A_245 : vector<16xf32>
        %swap3A_247 = arith.constant 0 : i32
        %swap3A_248 = arith.index_cast %swap3A_247 : i32 to index
        %swap3A_249 = arith.index_cast %scan3A_135 : i32 to index
        %swap3A_250 = arith.constant 80 : index
        %swap3A_251 = tpu.vector_load %arg9[%swap3A_248, %swap3A_249, %swap3A_250] {strides = array<i32>} : memref<2x128x128xf32, #tpu.memory_space<vmem>>, vector<1x1x16xf32>,
        %swap3A_252 = vector.shape_cast %swap3A_251 : vector<1x1x16xf32> to vector<16xf32>
        %swap3A_253 = vector.shape_cast %add3A_246 : vector<16xf32> to vector<1x1x16xf32>
        tpu.vector_store %arg9[%swap3A_248, %swap3A_249, %swap3A_250], %swap3A_253 {strides = array<i32>} : memref<2x128x128xf32, #tpu.memory_space<vmem>>, vector<1x1x16xf32>,
        %get3A_254 = arith.constant 0 : i32
        %get3A_255 = arith.index_cast %get3A_254 : i32 to index
        %get3A_256 = arith.index_cast %scan3A_135 : i32 to index
        %get3A_257 = arith.constant 96 : index
        %get3A_258 = tpu.vector_load %arg9[%get3A_255, %get3A_256, %get3A_257] {strides = array<i32>} : memref<2x128x128xf32, #tpu.memory_space<vmem>>, vector<1x1x16xf32>,
        %get3A_259 = vector.shape_cast %get3A_258 : vector<1x1x16xf32> to vector<16xf32>
        %get3A_260 = arith.constant 0 : i32
        %get3A_261 = arith.index_cast %get3A_260 : i32 to index
        %get3A_262 = arith.index_cast %scan3A_135 : i32 to index
        %get3A_263 = arith.constant 96 : index
        %get3A_264 = tpu.vector_load %arg10[%get3A_261, %get3A_262, %get3A_263] {strides = array<i32>} : memref<2x128x128xf32, #tpu.memory_space<vmem>>, vector<1x1x16xf32>,
        %get3A_265 = vector.shape_cast %get3A_264 : vector<1x1x16xf32> to vector<16xf32>
        %add3A_266 = arith.addf %get3A_259, %get3A_265 : vector<16xf32>
        %swap3A_267 = arith.constant 0 : i32
        %swap3A_268 = arith.index_cast %swap3A_267 : i32 to index
        %swap3A_269 = arith.index_cast %scan3A_135 : i32 to index
        %swap3A_270 = arith.constant 96 : index
        %swap3A_271 = tpu.vector_load %arg9[%swap3A_268, %swap3A_269, %swap3A_270] {strides = array<i32>} : memref<2x128x128xf32, #tpu.memory_space<vmem>>, vector<1x1x16xf32>,
        %swap3A_272 = vector.shape_cast %swap3A_271 : vector<1x1x16xf32> to vector<16xf32>
        %swap3A_273 = vector.shape_cast %add3A_266 : vector<16xf32> to vector<1x1x16xf32>
        tpu.vector_store %arg9[%swap3A_268, %swap3A_269, %swap3A_270], %swap3A_273 {strides = array<i32>} : memref<2x128x128xf32, #tpu.memory_space<vmem>>, vector<1x1x16xf32>,
        %get3A_274 = arith.constant 0 : i32
        %get3A_275 = arith.index_cast %get3A_274 : i32 to index
        %get3A_276 = arith.index_cast %scan3A_135 : i32 to index
        %get3A_277 = arith.constant 112 : index
        %get3A_278 = tpu.vector_load %arg9[%get3A_275, %get3A_276, %get3A_277] {strides = array<i32>} : memref<2x128x128xf32, #tpu.memory_space<vmem>>, vector<1x1x16xf32>,
        %get3A_279 = vector.shape_cast %get3A_278 : vector<1x1x16xf32> to vector<16xf32>
        %get3A_280 = arith.constant 0 : i32
        %get3A_281 = arith.index_cast %get3A_280 : i32 to index
        %get3A_282 = arith.index_cast %scan3A_135 : i32 to index
        %get3A_283 = arith.constant 112 : index
        %get3A_284 = tpu.vector_load %arg10[%get3A_281, %get3A_282, %get3A_283] {strides = array<i32>} : memref<2x128x128xf32, #tpu.memory_space<vmem>>, vector<1x1x16xf32>,
        %get3A_285 = vector.shape_cast %get3A_284 : vector<1x1x16xf32> to vector<16xf32>
        %add3A_286 = arith.addf %get3A_279, %get3A_285 : vector<16xf32>
        %swap3A_287 = arith.constant 0 : i32
        %swap3A_288 = arith.index_cast %swap3A_287 : i32 to index
        %swap3A_289 = arith.index_cast %scan3A_135 : i32 to index
        %swap3A_290 = arith.constant 112 : index
        %swap3A_291 = tpu.vector_load %arg9[%swap3A_288, %swap3A_289, %swap3A_290] {strides = array<i32>} : memref<2x128x128xf32, #tpu.memory_space<vmem>>, vector<1x1x16xf32>,
        %swap3A_292 = vector.shape_cast %swap3A_291 : vector<1x1x16xf32> to vector<16xf32>
        %swap3A_293 = vector.shape_cast %add3A_286 : vector<16xf32> to vector<1x1x16xf32>
        tpu.vector_store %arg9[%swap3A_288, %swap3A_289, %swap3A_290], %swap3A_293 {strides = array<i32>} : memref<2x128x128xf32, #tpu.memory_space<vmem>>, vector<1x1x16xf32>,
      }
      %scan3A_80 = arith.constant 128 : i32
      %mul3A_81 = arith.constant 4096 : i32
      %mul3A_82 = arith.muli %add3A_55, %mul3A_81 : i32
      %mul3A_83 = arith.constant 128 : i32
      %mul3A_84 = arith.muli %add3A, %mul3A_83 : i32
      %add3A_85 = arith.addi %mul3A_82, %mul3A_84 : i32
      %run_scoped3A = arith.constant 0 : i32
      "tpu.region"() ({
        %run_scoped3A_135 = tpu.sem_alloc : memref<!tpu.dma_semaphore, #tpu.memory_space<semaphore_mem>>
        %dma_start3A_136 = arith.constant 0 : i32
        %dma_start3A_137 = arith.constant 0 : i32
        %dma_start3A_138 = tpu.memref_slice %arg9[%run_scoped3A, %dma_start3A_136, %dma_start3A_137] : memref<2x128x128xf32, #tpu.memory_space<vmem>> -> memref<1x128x128xf32, #tpu.memory_space<vmem>>
        %dma_start3A_139 = tpu.memref_squeeze %dma_start3A_138 : memref<1x128x128xf32, #tpu.memory_space<vmem>> -> memref<128x128xf32, #tpu.memory_space<vmem>>
        %dma_start3A_140 = arith.constant 0 : i32
        %dma_start3A_141 = tpu.memref_slice %arg6[%add3A_85, %dma_start3A_140] : memref<204800x128xf32, #tpu.memory_space<hbm>> -> memref<128x128xf32, #tpu.memory_space<hbm>>
        %dma_start3A_142 = arith.constant 0 : i32
        %dma_start3A_143 = tpu.memref_slice %arg6[%add3A_85, %dma_start3A_142] : memref<204800x128xf32, #tpu.memory_space<hbm>> -> memref<128x128xf32, #tpu.memory_space<hbm>>
        %dma_start3A_144 = arith.constant 0 : i32
        %dma_start3A_145 = arith.constant 0 : i32
        %dma_start3A_146 = tpu.memref_slice %arg9[%run_scoped3A, %dma_start3A_144, %dma_start3A_145] : memref<2x128x128xf32, #tpu.memory_space<vmem>> -> memref<1x128x128xf32, #tpu.memory_space<vmem>>
        %dma_start3A_147 = tpu.memref_squeeze %dma_start3A_146 : memref<1x128x128xf32, #tpu.memory_space<vmem>> -> memref<128x128xf32, #tpu.memory_space<vmem>>
        tpu.enqueue_dma source(%dma_start3A_147 : memref<128x128xf32, #tpu.memory_space<vmem>>) target(%dma_start3A_143 : memref<128x128xf32, #tpu.memory_space<hbm>>) target_semaphore(%run_scoped3A_135 : memref<!tpu.dma_semaphore, #tpu.memory_space<semaphore_mem>>)
        %dma_wait3A_148 = arith.constant 0 : i32
        %dma_wait3A_149 = arith.constant 0 : i32
        %dma_wait3A_150 = tpu.memref_slice %arg9[%run_scoped3A, %dma_wait3A_148, %dma_wait3A_149] : memref<2x128x128xf32, #tpu.memory_space<vmem>> -> memref<1x128x128xf32, #tpu.memory_space<vmem>>
        %dma_wait3A_151 = tpu.memref_squeeze %dma_wait3A_150 : memref<1x128x128xf32, #tpu.memory_space<vmem>> -> memref<128x128xf32, #tpu.memory_space<vmem>>
        %dma_wait3A_152 = arith.constant 0 : i32
        %dma_wait3A_153 = tpu.memref_slice %arg6[%add3A_85, %dma_wait3A_152] : memref<204800x128xf32, #tpu.memory_space<hbm>> -> memref<128x128xf32, #tpu.memory_space<hbm>>
        %dma_wait3A_154 = arith.constant 0 : i32
        %dma_wait3A_155 = tpu.memref_slice %arg6[%add3A_85, %dma_wait3A_154] : memref<204800x128xf32, #tpu.memory_space<hbm>> -> memref<128x128xf32, #tpu.memory_space<hbm>>
        %dma_wait3A_156 = arith.constant 0 : i32
        %dma_wait3A_157 = arith.constant 0 : i32
        %dma_wait3A_158 = tpu.memref_slice %arg9[%run_scoped3A, %dma_wait3A_156, %dma_wait3A_157] : memref<2x128x128xf32, #tpu.memory_space<vmem>> -> memref<1x128x128xf32, #tpu.memory_space<vmem>>
        %dma_wait3A_159 = tpu.memref_squeeze %dma_wait3A_158 : memref<1x128x128xf32, #tpu.memory_space<vmem>> -> memref<128x128xf32, #tpu.memory_space<vmem>>
        tpu.wait_dma2 semaphore(%run_scoped3A_135 : memref<!tpu.dma_semaphore, #tpu.memory_space<semaphore_mem>>) src(%dma_wait3A_159 : memref<128x128xf32, #tpu.memory_space<vmem>>) dst(%dma_wait3A_155 : memref<128x128xf32, #tpu.memory_space<hbm>>)
        tpu.yield
      }) : () -> ()
      %add3A_86 = arith.constant 2 : i32
      %add3A_87 = arith.addi %add3A_55, %add3A_86 : i32
      %lt3A = arith.constant 50 : i32
      %lt3A_88 = arith.cmpi slt, %add3A_87, %lt3A : i32
      %convert_element_type3A_89 = arith.extui %lt3A_88 : i1 to i32
      %cond3A_90 = arith.constant 0 : i32
      %cond3A_91 = arith.cmpi ne, %convert_element_type3A_89, %cond3A_90 : i32
      scf.if %cond3A_91 {
        %mul3A_135 = arith.constant 128 : i32
        %mul3A_136 = arith.muli %add3A_87, %mul3A_135 : i32
        %dma_start3A_137 = arith.constant 0 : i32
        %dma_start3A_138 = arith.constant 0 : i32
        %dma_start3A_139 = arith.constant 0 : i32
        %dma_start3A_140 = tpu.memref_slice %arg9[%dma_start3A_137, %dma_start3A_138, %dma_start3A_139] : memref<2x128x128xf32, #tpu.memory_space<vmem>> -> memref<1x128x128xf32, #tpu.memory_space<vmem>>
        %dma_start3A_141 = tpu.memref_squeeze %dma_start3A_140 : memref<1x128x128xf32, #tpu.memory_space<vmem>> -> memref<128x128xf32, #tpu.memory_space<vmem>>
        %dma_start3A_142 = tpu.memref_slice %arg7[%mul3A_136] : memref<6400xi32, #tpu.memory_space<vmem>> -> memref<128xi32, #tpu.memory_space<vmem>>
        %dma_start3A_143 = arith.constant 0 : i32
        %dma_start3A_144 = arith.constant 0 : i32
        %dma_start3A_145 = tpu.memref_slice %arg11[%dma_start3A_143, %dma_start3A_144] : memref<1000x128xf32, #tpu.memory_space<vmem_shared>> -> memref<1000x128xf32, #tpu.memory_space<vmem_shared>>
        tpu.enqueue_indirect_dma source(%dma_start3A_145 : memref<1000x128xf32, #tpu.memory_space<vmem_shared>>) target(%dma_start3A_141 : memref<128x128xf32, #tpu.memory_space<vmem>>) offsets(%dma_start3A_142 : memref<128xi32, #tpu.memory_space<vmem>>) semaphore(%arg13 : memref<!tpu.dma_semaphore, #tpu.memory_space<semaphore_mem>>)
        %dma_start3A_146 = arith.constant 0 : i32
        %dma_start3A_147 = arith.constant 0 : i32
        %dma_start3A_148 = arith.constant 0 : i32
        %dma_start3A_149 = tpu.memref_slice %arg10[%dma_start3A_146, %dma_start3A_147, %dma_start3A_148] : memref<2x128x128xf32, #tpu.memory_space<vmem>> -> memref<1x128x128xf32, #tpu.memory_space<vmem>>
        %dma_start3A_150 = tpu.memref_squeeze %dma_start3A_149 : memref<1x128x128xf32, #tpu.memory_space<vmem>> -> memref<128x128xf32, #tpu.memory_space<vmem>>
        %dma_start3A_151 = tpu.memref_slice %arg8[%mul3A_136] : memref<6400xi32, #tpu.memory_space<vmem>> -> memref<128xi32, #tpu.memory_space<vmem>>
        %dma_start3A_152 = arith.constant 0 : i32
        %dma_start3A_153 = arith.constant 0 : i32
        %dma_start3A_154 = tpu.memref_slice %arg12[%dma_start3A_152, %dma_start3A_153] : memref<1000x128xf32, #tpu.memory_space<vmem_shared>> -> memref<1000x128xf32, #tpu.memory_space<vmem_shared>>
        tpu.enqueue_indirect_dma source(%dma_start3A_154 : memref<1000x128xf32, #tpu.memory_space<vmem_shared>>) target(%dma_start3A_150 : memref<128x128xf32, #tpu.memory_space<vmem>>) offsets(%dma_start3A_151 : memref<128xi32, #tpu.memory_space<vmem>>) semaphore(%arg15 : memref<!tpu.dma_semaphore, #tpu.memory_space<semaphore_mem>>)
      } else {
      }
      %mul3A_92 = arith.constant 2 : i32
      %mul3A_93 = arith.muli %scan3A_51, %mul3A_92 : i32
      %add3A_94 = arith.constant 1 : i32
      %add3A_95 = arith.addi %mul3A_93, %add3A_94 : i32
      %mul3A_96 = arith.constant 128 : i32
      %mul3A_97 = arith.muli %add3A_95, %mul3A_96 : i32
      %dma_wait3A_98 = arith.constant 1 : i32
      %dma_wait3A_99 = arith.constant 0 : i32
      %dma_wait3A_100 = arith.constant 0 : i32
      %dma_wait3A_101 = tpu.memref_slice %arg9[%dma_wait3A_98, %dma_wait3A_99, %dma_wait3A_100] : memref<2x128x128xf32, #tpu.memory_space<vmem>> -> memref<1x128x128xf32, #tpu.memory_space<vmem>>
      %dma_wait3A_102 = tpu.memref_squeeze %dma_wait3A_101 : memref<1x128x128xf32, #tpu.memory_space<vmem>> -> memref<128x128xf32, #tpu.memory_space<vmem>>
      %dma_wait3A_103 = tpu.memref_slice %arg7[%mul3A_97] : memref<6400xi32, #tpu.memory_space<vmem>> -> memref<128xi32, #tpu.memory_space<vmem>>
      %dma_wait3A_104 = arith.constant 0 : i32
      %dma_wait3A_105 = arith.constant 0 : i32
      %dma_wait3A_106 = tpu.memref_slice %arg11[%dma_wait3A_104, %dma_wait3A_105] : memref<1000x128xf32, #tpu.memory_space<vmem_shared>> -> memref<1000x128xf32, #tpu.memory_space<vmem_shared>>
      tpu.wait_indirect_dma semaphore(%arg14 : memref<!tpu.dma_semaphore, #tpu.memory_space<semaphore_mem>>) src(%dma_wait3A_106 : memref<1000x128xf32, #tpu.memory_space<vmem_shared>>) dst(%dma_wait3A_102 : memref<128x128xf32, #tpu.memory_space<vmem>>)
      %dma_wait3A_107 = arith.constant 1 : i32
      %dma_wait3A_108 = arith.constant 0 : i32
      %dma_wait3A_109 = arith.constant 0 : i32
      %dma_wait3A_110 = tpu.memref_slice %arg10[%dma_wait3A_107, %dma_wait3A_108, %dma_wait3A_109] : memref<2x128x128xf32, #tpu.memory_space<vmem>> -> memref<1x128x128xf32, #tpu.memory_space<vmem>>
      %dma_wait3A_111 = tpu.memref_squeeze %dma_wait3A_110 : memref<1x128x128xf32, #tpu.memory_space<vmem>> -> memref<128x128xf32, #tpu.memory_space<vmem>>
      %dma_wait3A_112 = tpu.memref_slice %arg8[%mul3A_97] : memref<6400xi32, #tpu.memory_space<vmem>> -> memref<128xi32, #tpu.memory_space<vmem>>
      %dma_wait3A_113 = arith.constant 0 : i32
      %dma_wait3A_114 = arith.constant 0 : i32
      %dma_wait3A_115 = tpu.memref_slice %arg12[%dma_wait3A_113, %dma_wait3A_114] : memref<1000x128xf32, #tpu.memory_space<vmem_shared>> -> memref<1000x128xf32, #tpu.memory_space<vmem_shared>>
      tpu.wait_indirect_dma semaphore(%arg16 : memref<!tpu.dma_semaphore, #tpu.memory_space<semaphore_mem>>) src(%dma_wait3A_115 : memref<1000x128xf32, #tpu.memory_space<vmem_shared>>) dst(%dma_wait3A_111 : memref<128x128xf32, #tpu.memory_space<vmem>>)
      %scan3A_116 = arith.constant 0 : i32
      %scan3A_117 = arith.constant 0 : i32
      %scan3A_118 = arith.constant 128 : i32
      %scan3A_119 = arith.addi %scan3A_117, %scan3A_118 : i32
      %scan3A_120 = arith.constant 1 : i32
      scf.for %scan3A_135 = %scan3A_117 to %scan3A_119 step %scan3A_120  : i32 {
        %get3A = arith.constant 1 : i32
        %get3A_136 = arith.index_cast %get3A : i32 to index
        %get3A_137 = arith.index_cast %scan3A_135 : i32 to index
        %get3A_138 = arith.constant 0 : index
        %get3A_139 = tpu.vector_load %arg9[%get3A_136, %get3A_137, %get3A_138] {strides = array<i32>} : memref<2x128x128xf32, #tpu.memory_space<vmem>>, vector<1x1x16xf32>,
        %get3A_140 = vector.shape_cast %get3A_139 : vector<1x1x16xf32> to vector<16xf32>
        %get3A_141 = arith.constant 1 : i32
        %get3A_142 = arith.index_cast %get3A_141 : i32 to index
        %get3A_143 = arith.index_cast %scan3A_135 : i32 to index
        %get3A_144 = arith.constant 0 : index
        %get3A_145 = tpu.vector_load %arg10[%get3A_142, %get3A_143, %get3A_144] {strides = array<i32>} : memref<2x128x128xf32, #tpu.memory_space<vmem>>, vector<1x1x16xf32>,
        %get3A_146 = vector.shape_cast %get3A_145 : vector<1x1x16xf32> to vector<16xf32>
        %add3A_147 = arith.addf %get3A_140, %get3A_146 : vector<16xf32>
        %swap3A = arith.constant 1 : i32
        %swap3A_148 = arith.index_cast %swap3A : i32 to index
        %swap3A_149 = arith.index_cast %scan3A_135 : i32 to index
        %swap3A_150 = arith.constant 0 : index
        %swap3A_151 = tpu.vector_load %arg9[%swap3A_148, %swap3A_149, %swap3A_150] {strides = array<i32>} : memref<2x128x128xf32, #tpu.memory_space<vmem>>, vector<1x1x16xf32>,
        %swap3A_152 = vector.shape_cast %swap3A_151 : vector<1x1x16xf32> to vector<16xf32>
        %swap3A_153 = vector.shape_cast %add3A_147 : vector<16xf32> to vector<1x1x16xf32>
        tpu.vector_store %arg9[%swap3A_148, %swap3A_149, %swap3A_150], %swap3A_153 {strides = array<i32>} : memref<2x128x128xf32, #tpu.memory_space<vmem>>, vector<1x1x16xf32>,
        %get3A_154 = arith.constant 1 : i32
        %get3A_155 = arith.index_cast %get3A_154 : i32 to index
        %get3A_156 = arith.index_cast %scan3A_135 : i32 to index
        %get3A_157 = arith.constant 16 : index
        %get3A_158 = tpu.vector_load %arg9[%get3A_155, %get3A_156, %get3A_157] {strides = array<i32>} : memref<2x128x128xf32, #tpu.memory_space<vmem>>, vector<1x1x16xf32>,
        %get3A_159 = vector.shape_cast %get3A_158 : vector<1x1x16xf32> to vector<16xf32>
        %get3A_160 = arith.constant 1 : i32
        %get3A_161 = arith.index_cast %get3A_160 : i32 to index
        %get3A_162 = arith.index_cast %scan3A_135 : i32 to index
        %get3A_163 = arith.constant 16 : index
        %get3A_164 = tpu.vector_load %arg10[%get3A_161, %get3A_162, %get3A_163] {strides = array<i32>} : memref<2x128x128xf32, #tpu.memory_space<vmem>>, vector<1x1x16xf32>,
        %get3A_165 = vector.shape_cast %get3A_164 : vector<1x1x16xf32> to vector<16xf32>
        %add3A_166 = arith.addf %get3A_159, %get3A_165 : vector<16xf32>
        %swap3A_167 = arith.constant 1 : i32
        %swap3A_168 = arith.index_cast %swap3A_167 : i32 to index
        %swap3A_169 = arith.index_cast %scan3A_135 : i32 to index
        %swap3A_170 = arith.constant 16 : index
        %swap3A_171 = tpu.vector_load %arg9[%swap3A_168, %swap3A_169, %swap3A_170] {strides = array<i32>} : memref<2x128x128xf32, #tpu.memory_space<vmem>>, vector<1x1x16xf32>,
        %swap3A_172 = vector.shape_cast %swap3A_171 : vector<1x1x16xf32> to vector<16xf32>
        %swap3A_173 = vector.shape_cast %add3A_166 : vector<16xf32> to vector<1x1x16xf32>
        tpu.vector_store %arg9[%swap3A_168, %swap3A_169, %swap3A_170], %swap3A_173 {strides = array<i32>} : memref<2x128x128xf32, #tpu.memory_space<vmem>>, vector<1x1x16xf32>,
        %get3A_174 = arith.constant 1 : i32
        %get3A_175 = arith.index_cast %get3A_174 : i32 to index
        %get3A_176 = arith.index_cast %scan3A_135 : i32 to index
        %get3A_177 = arith.constant 32 : index
        %get3A_178 = tpu.vector_load %arg9[%get3A_175, %get3A_176, %get3A_177] {strides = array<i32>} : memref<2x128x128xf32, #tpu.memory_space<vmem>>, vector<1x1x16xf32>,
        %get3A_179 = vector.shape_cast %get3A_178 : vector<1x1x16xf32> to vector<16xf32>
        %get3A_180 = arith.constant 1 : i32
        %get3A_181 = arith.index_cast %get3A_180 : i32 to index
        %get3A_182 = arith.index_cast %scan3A_135 : i32 to index
        %get3A_183 = arith.constant 32 : index
        %get3A_184 = tpu.vector_load %arg10[%get3A_181, %get3A_182, %get3A_183] {strides = array<i32>} : memref<2x128x128xf32, #tpu.memory_space<vmem>>, vector<1x1x16xf32>,
        %get3A_185 = vector.shape_cast %get3A_184 : vector<1x1x16xf32> to vector<16xf32>
        %add3A_186 = arith.addf %get3A_179, %get3A_185 : vector<16xf32>
        %swap3A_187 = arith.constant 1 : i32
        %swap3A_188 = arith.index_cast %swap3A_187 : i32 to index
        %swap3A_189 = arith.index_cast %scan3A_135 : i32 to index
        %swap3A_190 = arith.constant 32 : index
        %swap3A_191 = tpu.vector_load %arg9[%swap3A_188, %swap3A_189, %swap3A_190] {strides = array<i32>} : memref<2x128x128xf32, #tpu.memory_space<vmem>>, vector<1x1x16xf32>,
        %swap3A_192 = vector.shape_cast %swap3A_191 : vector<1x1x16xf32> to vector<16xf32>
        %swap3A_193 = vector.shape_cast %add3A_186 : vector<16xf32> to vector<1x1x16xf32>
        tpu.vector_store %arg9[%swap3A_188, %swap3A_189, %swap3A_190], %swap3A_193 {strides = array<i32>} : memref<2x128x128xf32, #tpu.memory_space<vmem>>, vector<1x1x16xf32>,
        %get3A_194 = arith.constant 1 : i32
        %get3A_195 = arith.index_cast %get3A_194 : i32 to index
        %get3A_196 = arith.index_cast %scan3A_135 : i32 to index
        %get3A_197 = arith.constant 48 : index
        %get3A_198 = tpu.vector_load %arg9[%get3A_195, %get3A_196, %get3A_197] {strides = array<i32>} : memref<2x128x128xf32, #tpu.memory_space<vmem>>, vector<1x1x16xf32>,
        %get3A_199 = vector.shape_cast %get3A_198 : vector<1x1x16xf32> to vector<16xf32>
        %get3A_200 = arith.constant 1 : i32
        %get3A_201 = arith.index_cast %get3A_200 : i32 to index
        %get3A_202 = arith.index_cast %scan3A_135 : i32 to index
        %get3A_203 = arith.constant 48 : index
        %get3A_204 = tpu.vector_load %arg10[%get3A_201, %get3A_202, %get3A_203] {strides = array<i32>} : memref<2x128x128xf32, #tpu.memory_space<vmem>>, vector<1x1x16xf32>,
        %get3A_205 = vector.shape_cast %get3A_204 : vector<1x1x16xf32> to vector<16xf32>
        %add3A_206 = arith.addf %get3A_199, %get3A_205 : vector<16xf32>
        %swap3A_207 = arith.constant 1 : i32
        %swap3A_208 = arith.index_cast %swap3A_207 : i32 to index
        %swap3A_209 = arith.index_cast %scan3A_135 : i32 to index
        %swap3A_210 = arith.constant 48 : index
        %swap3A_211 = tpu.vector_load %arg9[%swap3A_208, %swap3A_209, %swap3A_210] {strides = array<i32>} : memref<2x128x128xf32, #tpu.memory_space<vmem>>, vector<1x1x16xf32>,
        %swap3A_212 = vector.shape_cast %swap3A_211 : vector<1x1x16xf32> to vector<16xf32>
        %swap3A_213 = vector.shape_cast %add3A_206 : vector<16xf32> to vector<1x1x16xf32>
        tpu.vector_store %arg9[%swap3A_208, %swap3A_209, %swap3A_210], %swap3A_213 {strides = array<i32>} : memref<2x128x128xf32, #tpu.memory_space<vmem>>, vector<1x1x16xf32>,
        %get3A_214 = arith.constant 1 : i32
        %get3A_215 = arith.index_cast %get3A_214 : i32 to index
        %get3A_216 = arith.index_cast %scan3A_135 : i32 to index
        %get3A_217 = arith.constant 64 : index
        %get3A_218 = tpu.vector_load %arg9[%get3A_215, %get3A_216, %get3A_217] {strides = array<i32>} : memref<2x128x128xf32, #tpu.memory_space<vmem>>, vector<1x1x16xf32>,
        %get3A_219 = vector.shape_cast %get3A_218 : vector<1x1x16xf32> to vector<16xf32>
        %get3A_220 = arith.constant 1 : i32
        %get3A_221 = arith.index_cast %get3A_220 : i32 to index
        %get3A_222 = arith.index_cast %scan3A_135 : i32 to index
        %get3A_223 = arith.constant 64 : index
        %get3A_224 = tpu.vector_load %arg10[%get3A_221, %get3A_222, %get3A_223] {strides = array<i32>} : memref<2x128x128xf32, #tpu.memory_space<vmem>>, vector<1x1x16xf32>,
        %get3A_225 = vector.shape_cast %get3A_224 : vector<1x1x16xf32> to vector<16xf32>
        %add3A_226 = arith.addf %get3A_219, %get3A_225 : vector<16xf32>
        %swap3A_227 = arith.constant 1 : i32
        %swap3A_228 = arith.index_cast %swap3A_227 : i32 to index
        %swap3A_229 = arith.index_cast %scan3A_135 : i32 to index
        %swap3A_230 = arith.constant 64 : index
        %swap3A_231 = tpu.vector_load %arg9[%swap3A_228, %swap3A_229, %swap3A_230] {strides = array<i32>} : memref<2x128x128xf32, #tpu.memory_space<vmem>>, vector<1x1x16xf32>,
        %swap3A_232 = vector.shape_cast %swap3A_231 : vector<1x1x16xf32> to vector<16xf32>
        %swap3A_233 = vector.shape_cast %add3A_226 : vector<16xf32> to vector<1x1x16xf32>
        tpu.vector_store %arg9[%swap3A_228, %swap3A_229, %swap3A_230], %swap3A_233 {strides = array<i32>} : memref<2x128x128xf32, #tpu.memory_space<vmem>>, vector<1x1x16xf32>,
        %get3A_234 = arith.constant 1 : i32
        %get3A_235 = arith.index_cast %get3A_234 : i32 to index
        %get3A_236 = arith.index_cast %scan3A_135 : i32 to index
        %get3A_237 = arith.constant 80 : index
        %get3A_238 = tpu.vector_load %arg9[%get3A_235, %get3A_236, %get3A_237] {strides = array<i32>} : memref<2x128x128xf32, #tpu.memory_space<vmem>>, vector<1x1x16xf32>,
        %get3A_239 = vector.shape_cast %get3A_238 : vector<1x1x16xf32> to vector<16xf32>
        %get3A_240 = arith.constant 1 : i32
        %get3A_241 = arith.index_cast %get3A_240 : i32 to index
        %get3A_242 = arith.index_cast %scan3A_135 : i32 to index
        %get3A_243 = arith.constant 80 : index
        %get3A_244 = tpu.vector_load %arg10[%get3A_241, %get3A_242, %get3A_243] {strides = array<i32>} : memref<2x128x128xf32, #tpu.memory_space<vmem>>, vector<1x1x16xf32>,
        %get3A_245 = vector.shape_cast %get3A_244 : vector<1x1x16xf32> to vector<16xf32>
        %add3A_246 = arith.addf %get3A_239, %get3A_245 : vector<16xf32>
        %swap3A_247 = arith.constant 1 : i32
        %swap3A_248 = arith.index_cast %swap3A_247 : i32 to index
        %swap3A_249 = arith.index_cast %scan3A_135 : i32 to index
        %swap3A_250 = arith.constant 80 : index
        %swap3A_251 = tpu.vector_load %arg9[%swap3A_248, %swap3A_249, %swap3A_250] {strides = array<i32>} : memref<2x128x128xf32, #tpu.memory_space<vmem>>, vector<1x1x16xf32>,
        %swap3A_252 = vector.shape_cast %swap3A_251 : vector<1x1x16xf32> to vector<16xf32>
        %swap3A_253 = vector.shape_cast %add3A_246 : vector<16xf32> to vector<1x1x16xf32>
        tpu.vector_store %arg9[%swap3A_248, %swap3A_249, %swap3A_250], %swap3A_253 {strides = array<i32>} : memref<2x128x128xf32, #tpu.memory_space<vmem>>, vector<1x1x16xf32>,
        %get3A_254 = arith.constant 1 : i32
        %get3A_255 = arith.index_cast %get3A_254 : i32 to index
        %get3A_256 = arith.index_cast %scan3A_135 : i32 to index
        %get3A_257 = arith.constant 96 : index
        %get3A_258 = tpu.vector_load %arg9[%get3A_255, %get3A_256, %get3A_257] {strides = array<i32>} : memref<2x128x128xf32, #tpu.memory_space<vmem>>, vector<1x1x16xf32>,
        %get3A_259 = vector.shape_cast %get3A_258 : vector<1x1x16xf32> to vector<16xf32>
        %get3A_260 = arith.constant 1 : i32
        %get3A_261 = arith.index_cast %get3A_260 : i32 to index
        %get3A_262 = arith.index_cast %scan3A_135 : i32 to index
        %get3A_263 = arith.constant 96 : index
        %get3A_264 = tpu.vector_load %arg10[%get3A_261, %get3A_262, %get3A_263] {strides = array<i32>} : memref<2x128x128xf32, #tpu.memory_space<vmem>>, vector<1x1x16xf32>,
        %get3A_265 = vector.shape_cast %get3A_264 : vector<1x1x16xf32> to vector<16xf32>
        %add3A_266 = arith.addf %get3A_259, %get3A_265 : vector<16xf32>
        %swap3A_267 = arith.constant 1 : i32
        %swap3A_268 = arith.index_cast %swap3A_267 : i32 to index
        %swap3A_269 = arith.index_cast %scan3A_135 : i32 to index
        %swap3A_270 = arith.constant 96 : index
        %swap3A_271 = tpu.vector_load %arg9[%swap3A_268, %swap3A_269, %swap3A_270] {strides = array<i32>} : memref<2x128x128xf32, #tpu.memory_space<vmem>>, vector<1x1x16xf32>,
        %swap3A_272 = vector.shape_cast %swap3A_271 : vector<1x1x16xf32> to vector<16xf32>
        %swap3A_273 = vector.shape_cast %add3A_266 : vector<16xf32> to vector<1x1x16xf32>
        tpu.vector_store %arg9[%swap3A_268, %swap3A_269, %swap3A_270], %swap3A_273 {strides = array<i32>} : memref<2x128x128xf32, #tpu.memory_space<vmem>>, vector<1x1x16xf32>,
        %get3A_274 = arith.constant 1 : i32
        %get3A_275 = arith.index_cast %get3A_274 : i32 to index
        %get3A_276 = arith.index_cast %scan3A_135 : i32 to index
        %get3A_277 = arith.constant 112 : index
        %get3A_278 = tpu.vector_load %arg9[%get3A_275, %get3A_276, %get3A_277] {strides = array<i32>} : memref<2x128x128xf32, #tpu.memory_space<vmem>>, vector<1x1x16xf32>,
        %get3A_279 = vector.shape_cast %get3A_278 : vector<1x1x16xf32> to vector<16xf32>
        %get3A_280 = arith.constant 1 : i32
        %get3A_281 = arith.index_cast %get3A_280 : i32 to index
        %get3A_282 = arith.index_cast %scan3A_135 : i32 to index
        %get3A_283 = arith.constant 112 : index
        %get3A_284 = tpu.vector_load %arg10[%get3A_281, %get3A_282, %get3A_283] {strides = array<i32>} : memref<2x128x128xf32, #tpu.memory_space<vmem>>, vector<1x1x16xf32>,
        %get3A_285 = vector.shape_cast %get3A_284 : vector<1x1x16xf32> to vector<16xf32>
        %add3A_286 = arith.addf %get3A_279, %get3A_285 : vector<16xf32>
        %swap3A_287 = arith.constant 1 : i32
        %swap3A_288 = arith.index_cast %swap3A_287 : i32 to index
        %swap3A_289 = arith.index_cast %scan3A_135 : i32 to index
        %swap3A_290 = arith.constant 112 : index
        %swap3A_291 = tpu.vector_load %arg9[%swap3A_288, %swap3A_289, %swap3A_290] {strides = array<i32>} : memref<2x128x128xf32, #tpu.memory_space<vmem>>, vector<1x1x16xf32>,
        %swap3A_292 = vector.shape_cast %swap3A_291 : vector<1x1x16xf32> to vector<16xf32>
        %swap3A_293 = vector.shape_cast %add3A_286 : vector<16xf32> to vector<1x1x16xf32>
        tpu.vector_store %arg9[%swap3A_288, %swap3A_289, %swap3A_290], %swap3A_293 {strides = array<i32>} : memref<2x128x128xf32, #tpu.memory_space<vmem>>, vector<1x1x16xf32>,
      }
      %scan3A_121 = arith.constant 128 : i32
      %mul3A_122 = arith.constant 4096 : i32
      %mul3A_123 = arith.muli %add3A_95, %mul3A_122 : i32
      %mul3A_124 = arith.constant 128 : i32
      %mul3A_125 = arith.muli %add3A, %mul3A_124 : i32
      %add3A_126 = arith.addi %mul3A_123, %mul3A_125 : i32
      %run_scoped3A_127 = arith.constant 1 : i32
      "tpu.region"() ({
        %run_scoped3A_135 = tpu.sem_alloc : memref<!tpu.dma_semaphore, #tpu.memory_space<semaphore_mem>>
        %dma_start3A_136 = arith.constant 0 : i32
        %dma_start3A_137 = arith.constant 0 : i32
        %dma_start3A_138 = tpu.memref_slice %arg9[%run_scoped3A_127, %dma_start3A_136, %dma_start3A_137] : memref<2x128x128xf32, #tpu.memory_space<vmem>> -> memref<1x128x128xf32, #tpu.memory_space<vmem>>
        %dma_start3A_139 = tpu.memref_squeeze %dma_start3A_138 : memref<1x128x128xf32, #tpu.memory_space<vmem>> -> memref<128x128xf32, #tpu.memory_space<vmem>>
        %dma_start3A_140 = arith.constant 0 : i32
        %dma_start3A_141 = tpu.memref_slice %arg6[%add3A_126, %dma_start3A_140] : memref<204800x128xf32, #tpu.memory_space<hbm>> -> memref<128x128xf32, #tpu.memory_space<hbm>>
        %dma_start3A_142 = arith.constant 0 : i32
        %dma_start3A_143 = tpu.memref_slice %arg6[%add3A_126, %dma_start3A_142] : memref<204800x128xf32, #tpu.memory_space<hbm>> -> memref<128x128xf32, #tpu.memory_space<hbm>>
        %dma_start3A_144 = arith.constant 0 : i32
        %dma_start3A_145 = arith.constant 0 : i32
        %dma_start3A_146 = tpu.memref_slice %arg9[%run_scoped3A_127, %dma_start3A_144, %dma_start3A_145] : memref<2x128x128xf32, #tpu.memory_space<vmem>> -> memref<1x128x128xf32, #tpu.memory_space<vmem>>
        %dma_start3A_147 = tpu.memref_squeeze %dma_start3A_146 : memref<1x128x128xf32, #tpu.memory_space<vmem>> -> memref<128x128xf32, #tpu.memory_space<vmem>>
        tpu.enqueue_dma source(%dma_start3A_147 : memref<128x128xf32, #tpu.memory_space<vmem>>) target(%dma_start3A_143 : memref<128x128xf32, #tpu.memory_space<hbm>>) target_semaphore(%run_scoped3A_135 : memref<!tpu.dma_semaphore, #tpu.memory_space<semaphore_mem>>)
        %dma_wait3A_148 = arith.constant 0 : i32
        %dma_wait3A_149 = arith.constant 0 : i32
        %dma_wait3A_150 = tpu.memref_slice %arg9[%run_scoped3A_127, %dma_wait3A_148, %dma_wait3A_149] : memref<2x128x128xf32, #tpu.memory_space<vmem>> -> memref<1x128x128xf32, #tpu.memory_space<vmem>>
        %dma_wait3A_151 = tpu.memref_squeeze %dma_wait3A_150 : memref<1x128x128xf32, #tpu.memory_space<vmem>> -> memref<128x128xf32, #tpu.memory_space<vmem>>
        %dma_wait3A_152 = arith.constant 0 : i32
        %dma_wait3A_153 = tpu.memref_slice %arg6[%add3A_126, %dma_wait3A_152] : memref<204800x128xf32, #tpu.memory_space<hbm>> -> memref<128x128xf32, #tpu.memory_space<hbm>>
        %dma_wait3A_154 = arith.constant 0 : i32
        %dma_wait3A_155 = tpu.memref_slice %arg6[%add3A_126, %dma_wait3A_154] : memref<204800x128xf32, #tpu.memory_space<hbm>> -> memref<128x128xf32, #tpu.memory_space<hbm>>
        %dma_wait3A_156 = arith.constant 0 : i32
        %dma_wait3A_157 = arith.constant 0 : i32
        %dma_wait3A_158 = tpu.memref_slice %arg9[%run_scoped3A_127, %dma_wait3A_156, %dma_wait3A_157] : memref<2x128x128xf32, #tpu.memory_space<vmem>> -> memref<1x128x128xf32, #tpu.memory_space<vmem>>
        %dma_wait3A_159 = tpu.memref_squeeze %dma_wait3A_158 : memref<1x128x128xf32, #tpu.memory_space<vmem>> -> memref<128x128xf32, #tpu.memory_space<vmem>>
        tpu.wait_dma2 semaphore(%run_scoped3A_135 : memref<!tpu.dma_semaphore, #tpu.memory_space<semaphore_mem>>) src(%dma_wait3A_159 : memref<128x128xf32, #tpu.memory_space<vmem>>) dst(%dma_wait3A_155 : memref<128x128xf32, #tpu.memory_space<hbm>>)
        tpu.yield
      }) : () -> ()
      %add3A_128 = arith.constant 2 : i32
      %add3A_129 = arith.addi %add3A_95, %add3A_128 : i32
      %lt3A_130 = arith.constant 50 : i32
      %lt3A_131 = arith.cmpi slt, %add3A_129, %lt3A_130 : i32
      %convert_element_type3A_132 = arith.extui %lt3A_131 : i1 to i32
      %cond3A_133 = arith.constant 0 : i32
      %cond3A_134 = arith.cmpi ne, %convert_element_type3A_132, %cond3A_133 : i32
      scf.if %cond3A_134 {
        %mul3A_135 = arith.constant 128 : i32
        %mul3A_136 = arith.muli %add3A_129, %mul3A_135 : i32
        %dma_start3A_137 = arith.constant 1 : i32
        %dma_start3A_138 = arith.constant 0 : i32
        %dma_start3A_139 = arith.constant 0 : i32
        %dma_start3A_140 = tpu.memref_slice %arg9[%dma_start3A_137, %dma_start3A_138, %dma_start3A_139] : memref<2x128x128xf32, #tpu.memory_space<vmem>> -> memref<1x128x128xf32, #tpu.memory_space<vmem>>
        %dma_start3A_141 = tpu.memref_squeeze %dma_start3A_140 : memref<1x128x128xf32, #tpu.memory_space<vmem>> -> memref<128x128xf32, #tpu.memory_space<vmem>>
        %dma_start3A_142 = tpu.memref_slice %arg7[%mul3A_136] : memref<6400xi32, #tpu.memory_space<vmem>> -> memref<128xi32, #tpu.memory_space<vmem>>
        %dma_start3A_143 = arith.constant 0 : i32
        %dma_start3A_144 = arith.constant 0 : i32
        %dma_start3A_145 = tpu.memref_slice %arg11[%dma_start3A_143, %dma_start3A_144] : memref<1000x128xf32, #tpu.memory_space<vmem_shared>> -> memref<1000x128xf32, #tpu.memory_space<vmem_shared>>
        tpu.enqueue_indirect_dma source(%dma_start3A_145 : memref<1000x128xf32, #tpu.memory_space<vmem_shared>>) target(%dma_start3A_141 : memref<128x128xf32, #tpu.memory_space<vmem>>) offsets(%dma_start3A_142 : memref<128xi32, #tpu.memory_space<vmem>>) semaphore(%arg14 : memref<!tpu.dma_semaphore, #tpu.memory_space<semaphore_mem>>)
        %dma_start3A_146 = arith.constant 1 : i32
        %dma_start3A_147 = arith.constant 0 : i32
        %dma_start3A_148 = arith.constant 0 : i32
        %dma_start3A_149 = tpu.memref_slice %arg10[%dma_start3A_146, %dma_start3A_147, %dma_start3A_148] : memref<2x128x128xf32, #tpu.memory_space<vmem>> -> memref<1x128x128xf32, #tpu.memory_space<vmem>>
        %dma_start3A_150 = tpu.memref_squeeze %dma_start3A_149 : memref<1x128x128xf32, #tpu.memory_space<vmem>> -> memref<128x128xf32, #tpu.memory_space<vmem>>
        %dma_start3A_151 = tpu.memref_slice %arg8[%mul3A_136] : memref<6400xi32, #tpu.memory_space<vmem>> -> memref<128xi32, #tpu.memory_space<vmem>>
        %dma_start3A_152 = arith.constant 0 : i32
        %dma_start3A_153 = arith.constant 0 : i32
        %dma_start3A_154 = tpu.memref_slice %arg12[%dma_start3A_152, %dma_start3A_153] : memref<1000x128xf32, #tpu.memory_space<vmem_shared>> -> memref<1000x128xf32, #tpu.memory_space<vmem_shared>>
        tpu.enqueue_indirect_dma source(%dma_start3A_154 : memref<1000x128xf32, #tpu.memory_space<vmem_shared>>) target(%dma_start3A_150 : memref<128x128xf32, #tpu.memory_space<vmem>>) offsets(%dma_start3A_151 : memref<128xi32, #tpu.memory_space<vmem>>) semaphore(%arg16 : memref<!tpu.dma_semaphore, #tpu.memory_space<semaphore_mem>>)
      } else {
      }
    }
    %scan3A_50 = arith.constant 25 : i32
    return
  }
}

#map = affine_map<(d0, d1) -> (0, 0)>
#map1 = affine_map<(d0, d1) -> (0)>
module attributes {stable_mosaic.version = 14 : i64} {
  func.func @_g_gather_body(%arg0: i32, %arg1: i32, %arg2: memref<1000x128xf32, #tpu.memory_space<hbm>>, %arg3: memref<1000x128xf32, #tpu.memory_space<hbm>>, %arg4: memref<204800xi32, #tpu.memory_space<hbm>>, %arg5: memref<204800xi32, #tpu.memory_space<hbm>>, %arg6: memref<204800x128xf32, #tpu.memory_space<hbm>>, %arg7: memref<6400xi32, #tpu.memory_space<vmem>>, %arg8: memref<6400xi32, #tpu.memory_space<vmem>>, %arg9: memref<2x128x128xf32, #tpu.memory_space<vmem>>, %arg10: memref<2x128x128xf32, #tpu.memory_space<vmem>>, %arg11: memref<1000x128xf32, #tpu.memory_space<vmem_shared>>, %arg12: memref<1000x128xf32, #tpu.memory_space<vmem_shared>>, %arg13: memref<!tpu.dma_semaphore, #tpu.memory_space<semaphore_mem>>, %arg14: memref<!tpu.dma_semaphore, #tpu.memory_space<semaphore_mem>>, %arg15: memref<!tpu.dma_semaphore, #tpu.memory_space<semaphore_mem>>, %arg16: memref<!tpu.dma_semaphore, #tpu.memory_space<semaphore_mem>>) attributes {dimension_semantics = [#tpu.dimension_semantics<core_parallel>, #tpu.dimension_semantics<subcore_parallel>], iteration_bounds = array<i64: 2, 16>, scalar_prefetch = 0 : i64, scratch_operands = 10 : i64, tpu.core_type = #tpu.core_type<sc_vector_subcore>, window_params = [{transform_indices = #map}, {transform_indices = #map}, {transform_indices = #map1}, {transform_indices = #map1}, {transform_indices = #map}]} {
    %mul3A = arith.constant 2 : i32
    %mul3A_0 = arith.muli %arg1, %mul3A : i32
    %add3A = arith.addi %mul3A_0, %arg0 : i32
    %eq3A = arith.constant 0 : i32
    %eq3A_1 = arith.cmpi eq, %arg1, %eq3A : i32
    %convert_element_type3A = arith.extui %eq3A_1 : i1 to i32
    %cond3A = arith.constant 0 : i32
    %cond3A_2 = arith.cmpi ne, %convert_element_type3A, %cond3A : i32
    scf.if %cond3A_2 {
      "tpu.region"() ({
        %run_scoped3A = tpu.sem_alloc : memref<!tpu.dma_semaphore, #tpu.memory_space<semaphore_mem>>
        tpu.enqueue_dma source(%arg2 : memref<1000x128xf32, #tpu.memory_space<hbm>>) target(%arg11 : memref<1000x128xf32, #tpu.memory_space<vmem_shared>>) target_semaphore(%run_scoped3A : memref<!tpu.dma_semaphore, #tpu.memory_space<semaphore_mem>>)
        tpu.wait_dma2 semaphore(%run_scoped3A : memref<!tpu.dma_semaphore, #tpu.memory_space<semaphore_mem>>) src(%arg2 : memref<1000x128xf32, #tpu.memory_space<hbm>>) dst(%arg11 : memref<1000x128xf32, #tpu.memory_space<vmem_shared>>)
        tpu.yield
      }) : () -> ()
      "tpu.region"() ({
        %run_scoped3A = tpu.sem_alloc : memref<!tpu.dma_semaphore, #tpu.memory_space<semaphore_mem>>
        tpu.enqueue_dma source(%arg3 : memref<1000x128xf32, #tpu.memory_space<hbm>>) target(%arg12 : memref<1000x128xf32, #tpu.memory_space<vmem_shared>>) target_semaphore(%run_scoped3A : memref<!tpu.dma_semaphore, #tpu.memory_space<semaphore_mem>>)
        tpu.wait_dma2 semaphore(%run_scoped3A : memref<!tpu.dma_semaphore, #tpu.memory_space<semaphore_mem>>) src(%arg3 : memref<1000x128xf32, #tpu.memory_space<hbm>>) dst(%arg12 : memref<1000x128xf32, #tpu.memory_space<vmem_shared>>)
        tpu.yield
      }) : () -> ()
    } else {
    }
    %barrier3A = arith.constant 0 : index
    tpu.barrier barrier_id(%barrier3A)
    %mul3A_3 = arith.constant 6400 : i32
    %mul3A_4 = arith.muli %add3A, %mul3A_3 : i32
    "tpu.region"() ({
      %run_scoped3A = tpu.sem_alloc : memref<!tpu.dma_semaphore, #tpu.memory_space<semaphore_mem>>
      %dma_start3A_51 = tpu.memref_slice %arg4[%mul3A_4] : memref<204800xi32, #tpu.memory_space<hbm>> -> memref<6400xi32, #tpu.memory_space<hbm>>
      %dma_start3A_52 = tpu.memref_slice %arg4[%mul3A_4] : memref<204800xi32, #tpu.memory_space<hbm>> -> memref<6400xi32, #tpu.memory_space<hbm>>
      tpu.enqueue_dma source(%dma_start3A_52 : memref<6400xi32, #tpu.memory_space<hbm>>) target(%arg7 : memref<6400xi32, #tpu.memory_space<vmem>>) target_semaphore(%run_scoped3A : memref<!tpu.dma_semaphore, #tpu.memory_space<semaphore_mem>>)
      %dma_wait3A = tpu.memref_slice %arg4[%mul3A_4] : memref<204800xi32, #tpu.memory_space<hbm>> -> memref<6400xi32, #tpu.memory_space<hbm>>
      %dma_wait3A_53 = tpu.memref_slice %arg4[%mul3A_4] : memref<204800xi32, #tpu.memory_space<hbm>> -> memref<6400xi32, #tpu.memory_space<hbm>>
      tpu.wait_dma2 semaphore(%run_scoped3A : memref<!tpu.dma_semaphore, #tpu.memory_space<semaphore_mem>>) src(%dma_wait3A_53 : memref<6400xi32, #tpu.memory_space<hbm>>) dst(%arg7 : memref<6400xi32, #tpu.memory_space<vmem>>)
      tpu.yield
    }) : () -> ()
    %mul3A_5 = arith.constant 6400 : i32
    %mul3A_6 = arith.muli %add3A, %mul3A_5 : i32
    "tpu.region"() ({
      %run_scoped3A = tpu.sem_alloc : memref<!tpu.dma_semaphore, #tpu.memory_space<semaphore_mem>>
      %dma_start3A_51 = tpu.memref_slice %arg5[%mul3A_6] : memref<204800xi32, #tpu.memory_space<hbm>> -> memref<6400xi32, #tpu.memory_space<hbm>>
      %dma_start3A_52 = tpu.memref_slice %arg5[%mul3A_6] : memref<204800xi32, #tpu.memory_space<hbm>> -> memref<6400xi32, #tpu.memory_space<hbm>>
      tpu.enqueue_dma source(%dma_start3A_52 : memref<6400xi32, #tpu.memory_space<hbm>>) target(%arg8 : memref<6400xi32, #tpu.memory_space<vmem>>) target_semaphore(%run_scoped3A : memref<!tpu.dma_semaphore, #tpu.memory_space<semaphore_mem>>)
      %dma_wait3A = tpu.memref_slice %arg5[%mul3A_6] : memref<204800xi32, #tpu.memory_space<hbm>> -> memref<6400xi32, #tpu.memory_space<hbm>>
      %dma_wait3A_53 = tpu.memref_slice %arg5[%mul3A_6] : memref<204800xi32, #tpu.memory_space<hbm>> -> memref<6400xi32, #tpu.memory_space<hbm>>
      tpu.wait_dma2 semaphore(%run_scoped3A : memref<!tpu.dma_semaphore, #tpu.memory_space<semaphore_mem>>) src(%dma_wait3A_53 : memref<6400xi32, #tpu.memory_space<hbm>>) dst(%arg8 : memref<6400xi32, #tpu.memory_space<vmem>>)
      tpu.yield
    }) : () -> ()
    %dma_start3A = arith.constant 0 : i32
    %dma_start3A_7 = arith.constant 0 : i32
    %dma_start3A_8 = arith.constant 0 : i32
    %dma_start3A_9 = tpu.memref_slice %arg9[%dma_start3A, %dma_start3A_7, %dma_start3A_8] : memref<2x128x128xf32, #tpu.memory_space<vmem>> -> memref<1x128x128xf32, #tpu.memory_space<vmem>>
    %dma_start3A_10 = tpu.memref_squeeze %dma_start3A_9 : memref<1x128x128xf32, #tpu.memory_space<vmem>> -> memref<128x128xf32, #tpu.memory_space<vmem>>
    %dma_start3A_11 = arith.constant 0 : i32
    %dma_start3A_12 = tpu.memref_slice %arg7[%dma_start3A_11] : memref<6400xi32, #tpu.memory_space<vmem>> -> memref<128xi32, #tpu.memory_space<vmem>>
    %dma_start3A_13 = arith.constant 0 : i32
    %dma_start3A_14 = arith.constant 0 : i32
    %dma_start3A_15 = tpu.memref_slice %arg11[%dma_start3A_13, %dma_start3A_14] : memref<1000x128xf32, #tpu.memory_space<vmem_shared>> -> memref<1000x128xf32, #tpu.memory_space<vmem_shared>>
    tpu.enqueue_indirect_dma source(%dma_start3A_15 : memref<1000x128xf32, #tpu.memory_space<vmem_shared>>) target(%dma_start3A_10 : memref<128x128xf32, #tpu.memory_space<vmem>>) offsets(%dma_start3A_12 : memref<128xi32, #tpu.memory_space<vmem>>) semaphore(%arg13 : memref<!tpu.dma_semaphore, #tpu.memory_space<semaphore_mem>>)
    %dma_start3A_16 = arith.constant 0 : i32
    %dma_start3A_17 = arith.constant 0 : i32
    %dma_start3A_18 = arith.constant 0 : i32
    %dma_start3A_19 = tpu.memref_slice %arg10[%dma_start3A_16, %dma_start3A_17, %dma_start3A_18] : memref<2x128x128xf32, #tpu.memory_space<vmem>> -> memref<1x128x128xf32, #tpu.memory_space<vmem>>
    %dma_start3A_20 = tpu.memref_squeeze %dma_start3A_19 : memref<1x128x128xf32, #tpu.memory_space<vmem>> -> memref<128x128xf32, #tpu.memory_space<vmem>>
    %dma_start3A_21 = arith.constant 0 : i32
    %dma_start3A_22 = tpu.memref_slice %arg8[%dma_start3A_21] : memref<6400xi32, #tpu.memory_space<vmem>> -> memref<128xi32, #tpu.memory_space<vmem>>
    %dma_start3A_23 = arith.constant 0 : i32
    %dma_start3A_24 = arith.constant 0 : i32
    %dma_start3A_25 = tpu.memref_slice %arg12[%dma_start3A_23, %dma_start3A_24] : memref<1000x128xf32, #tpu.memory_space<vmem_shared>> -> memref<1000x128xf32, #tpu.memory_space<vmem_shared>>
    tpu.enqueue_indirect_dma source(%dma_start3A_25 : memref<1000x128xf32, #tpu.memory_space<vmem_shared>>) target(%dma_start3A_20 : memref<128x128xf32, #tpu.memory_space<vmem>>) offsets(%dma_start3A_22 : memref<128xi32, #tpu.memory_space<vmem>>) semaphore(%arg15 : memref<!tpu.dma_semaphore, #tpu.memory_space<semaphore_mem>>)
    %dma_start3A_26 = arith.constant 1 : i32
    %dma_start3A_27 = arith.constant 0 : i32
    %dma_start3A_28 = arith.constant 0 : i32
    %dma_start3A_29 = tpu.memref_slice %arg9[%dma_start3A_26, %dma_start3A_27, %dma_start3A_28] : memref<2x128x128xf32, #tpu.memory_space<vmem>> -> memref<1x128x128xf32, #tpu.memory_space<vmem>>
    %dma_start3A_30 = tpu.memref_squeeze %dma_start3A_29 : memref<1x128x128xf32, #tpu.memory_space<vmem>> -> memref<128x128xf32, #tpu.memory_space<vmem>>
    %dma_start3A_31 = arith.constant 128 : i32
    %dma_start3A_32 = tpu.memref_slice %arg7[%dma_start3A_31] : memref<6400xi32, #tpu.memory_space<vmem>> -> memref<128xi32, #tpu.memory_space<vmem>>
    %dma_start3A_33 = arith.constant 0 : i32
    %dma_start3A_34 = arith.constant 0 : i32
    %dma_start3A_35 = tpu.memref_slice %arg11[%dma_start3A_33, %dma_start3A_34] : memref<1000x128xf32, #tpu.memory_space<vmem_shared>> -> memref<1000x128xf32, #tpu.memory_space<vmem_shared>>
    tpu.enqueue_indirect_dma source(%dma_start3A_35 : memref<1000x128xf32, #tpu.memory_space<vmem_shared>>) target(%dma_start3A_30 : memref<128x128xf32, #tpu.memory_space<vmem>>) offsets(%dma_start3A_32 : memref<128xi32, #tpu.memory_space<vmem>>) semaphore(%arg14 : memref<!tpu.dma_semaphore, #tpu.memory_space<semaphore_mem>>)
    %dma_start3A_36 = arith.constant 1 : i32
    %dma_start3A_37 = arith.constant 0 : i32
    %dma_start3A_38 = arith.constant 0 : i32
    %dma_start3A_39 = tpu.memref_slice %arg10[%dma_start3A_36, %dma_start3A_37, %dma_start3A_38] : memref<2x128x128xf32, #tpu.memory_space<vmem>> -> memref<1x128x128xf32, #tpu.memory_space<vmem>>
    %dma_start3A_40 = tpu.memref_squeeze %dma_start3A_39 : memref<1x128x128xf32, #tpu.memory_space<vmem>> -> memref<128x128xf32, #tpu.memory_space<vmem>>
    %dma_start3A_41 = arith.constant 128 : i32
    %dma_start3A_42 = tpu.memref_slice %arg8[%dma_start3A_41] : memref<6400xi32, #tpu.memory_space<vmem>> -> memref<128xi32, #tpu.memory_space<vmem>>
    %dma_start3A_43 = arith.constant 0 : i32
    %dma_start3A_44 = arith.constant 0 : i32
    %dma_start3A_45 = tpu.memref_slice %arg12[%dma_start3A_43, %dma_start3A_44] : memref<1000x128xf32, #tpu.memory_space<vmem_shared>> -> memref<1000x128xf32, #tpu.memory_space<vmem_shared>>
    tpu.enqueue_indirect_dma source(%dma_start3A_45 : memref<1000x128xf32, #tpu.memory_space<vmem_shared>>) target(%dma_start3A_40 : memref<128x128xf32, #tpu.memory_space<vmem>>) offsets(%dma_start3A_42 : memref<128xi32, #tpu.memory_space<vmem>>) semaphore(%arg16 : memref<!tpu.dma_semaphore, #tpu.memory_space<semaphore_mem>>)
    %scan3A = arith.constant 0 : i32
    %scan3A_46 = arith.constant 0 : i32
    %scan3A_47 = arith.constant 25 : i32
    %scan3A_48 = arith.addi %scan3A_46, %scan3A_47 : i32
    %scan3A_49 = arith.constant 1 : i32
    scf.for %scan3A_51 = %scan3A_46 to %scan3A_48 step %scan3A_49  : i32 {
      %mul3A_52 = arith.constant 2 : i32
      %mul3A_53 = arith.muli %scan3A_51, %mul3A_52 : i32
      %add3A_54 = arith.constant 0 : i32
      %add3A_55 = arith.addi %mul3A_53, %add3A_54 : i32
      %mul3A_56 = arith.constant 128 : i32
      %mul3A_57 = arith.muli %add3A_55, %mul3A_56 : i32
      %dma_wait3A = arith.constant 0 : i32
      %dma_wait3A_58 = arith.constant 0 : i32
      %dma_wait3A_59 = arith.constant 0 : i32
      %dma_wait3A_60 = tpu.memref_slice %arg9[%dma_wait3A, %dma_wait3A_58, %dma_wait3A_59] : memref<2x128x128xf32, #tpu.memory_space<vmem>> -> memref<1x128x128xf32, #tpu.memory_space<vmem>>
      %dma_wait3A_61 = tpu.memref_squeeze %dma_wait3A_60 : memref<1x128x128xf32, #tpu.memory_space<vmem>> -> memref<128x128xf32, #tpu.memory_space<vmem>>
      %dma_wait3A_62 = tpu.memref_slice %arg7[%mul3A_57] : memref<6400xi32, #tpu.memory_space<vmem>> -> memref<128xi32, #tpu.memory_space<vmem>>
      %dma_wait3A_63 = arith.constant 0 : i32
      %dma_wait3A_64 = arith.constant 0 : i32
      %dma_wait3A_65 = tpu.memref_slice %arg11[%dma_wait3A_63, %dma_wait3A_64] : memref<1000x128xf32, #tpu.memory_space<vmem_shared>> -> memref<1000x128xf32, #tpu.memory_space<vmem_shared>>
      tpu.wait_indirect_dma semaphore(%arg13 : memref<!tpu.dma_semaphore, #tpu.memory_space<semaphore_mem>>) src(%dma_wait3A_65 : memref<1000x128xf32, #tpu.memory_space<vmem_shared>>) dst(%dma_wait3A_61 : memref<128x128xf32, #tpu.memory_space<vmem>>)
      %dma_wait3A_66 = arith.constant 0 : i32
      %dma_wait3A_67 = arith.constant 0 : i32
      %dma_wait3A_68 = arith.constant 0 : i32
      %dma_wait3A_69 = tpu.memref_slice %arg10[%dma_wait3A_66, %dma_wait3A_67, %dma_wait3A_68] : memref<2x128x128xf32, #tpu.memory_space<vmem>> -> memref<1x128x128xf32, #tpu.memory_space<vmem>>
      %dma_wait3A_70 = tpu.memref_squeeze %dma_wait3A_69 : memref<1x128x128xf32, #tpu.memory_space<vmem>> -> memref<128x128xf32, #tpu.memory_space<vmem>>
      %dma_wait3A_71 = tpu.memref_slice %arg8[%mul3A_57] : memref<6400xi32, #tpu.memory_space<vmem>> -> memref<128xi32, #tpu.memory_space<vmem>>
      %dma_wait3A_72 = arith.constant 0 : i32
      %dma_wait3A_73 = arith.constant 0 : i32
      %dma_wait3A_74 = tpu.memref_slice %arg12[%dma_wait3A_72, %dma_wait3A_73] : memref<1000x128xf32, #tpu.memory_space<vmem_shared>> -> memref<1000x128xf32, #tpu.memory_space<vmem_shared>>
      tpu.wait_indirect_dma semaphore(%arg15 : memref<!tpu.dma_semaphore, #tpu.memory_space<semaphore_mem>>) src(%dma_wait3A_74 : memref<1000x128xf32, #tpu.memory_space<vmem_shared>>) dst(%dma_wait3A_70 : memref<128x128xf32, #tpu.memory_space<vmem>>)
      %scan3A_75 = arith.constant 0 : i32
      %scan3A_76 = arith.constant 0 : i32
      %scan3A_77 = arith.constant 128 : i32
      %scan3A_78 = arith.addi %scan3A_76, %scan3A_77 : i32
      %scan3A_79 = arith.constant 1 : i32
      scf.for %scan3A_135 = %scan3A_76 to %scan3A_78 step %scan3A_79  : i32 {
        %get3A = arith.constant 0 : i32
        %get3A_136 = arith.index_cast %get3A : i32 to index
        %get3A_137 = arith.index_cast %scan3A_135 : i32 to index
        %get3A_138 = arith.constant 0 : index
        %get3A_139 = tpu.vector_load %arg9[%get3A_136, %get3A_137, %get3A_138] {strides = array<i32>} : memref<2x128x128xf32, #tpu.memory_space<vmem>>, vector<1x1x16xf32>,
        %get3A_140 = vector.shape_cast %get3A_139 : vector<1x1x16xf32> to vector<16xf32>
        %get3A_141 = arith.constant 0 : i32
        %get3A_142 = arith.index_cast %get3A_141 : i32 to index
        %get3A_143 = arith.index_cast %scan3A_135 : i32 to index
        %get3A_144 = arith.constant 0 : index
        %get3A_145 = tpu.vector_load %arg10[%get3A_142, %get3A_143, %get3A_144] {strides = array<i32>} : memref<2x128x128xf32, #tpu.memory_space<vmem>>, vector<1x1x16xf32>,
        %get3A_146 = vector.shape_cast %get3A_145 : vector<1x1x16xf32> to vector<16xf32>
        %add3A_147 = arith.addf %get3A_140, %get3A_146 : vector<16xf32>
        %swap3A = arith.constant 0 : i32
        %swap3A_148 = arith.index_cast %swap3A : i32 to index
        %swap3A_149 = arith.index_cast %scan3A_135 : i32 to index
        %swap3A_150 = arith.constant 0 : index
        %swap3A_151 = tpu.vector_load %arg9[%swap3A_148, %swap3A_149, %swap3A_150] {strides = array<i32>} : memref<2x128x128xf32, #tpu.memory_space<vmem>>, vector<1x1x16xf32>,
        %swap3A_152 = vector.shape_cast %swap3A_151 : vector<1x1x16xf32> to vector<16xf32>
        %swap3A_153 = vector.shape_cast %add3A_147 : vector<16xf32> to vector<1x1x16xf32>
        tpu.vector_store %arg9[%swap3A_148, %swap3A_149, %swap3A_150], %swap3A_153 {strides = array<i32>} : memref<2x128x128xf32, #tpu.memory_space<vmem>>, vector<1x1x16xf32>,
        %get3A_154 = arith.constant 0 : i32
        %get3A_155 = arith.index_cast %get3A_154 : i32 to index
        %get3A_156 = arith.index_cast %scan3A_135 : i32 to index
        %get3A_157 = arith.constant 16 : index
        %get3A_158 = tpu.vector_load %arg9[%get3A_155, %get3A_156, %get3A_157] {strides = array<i32>} : memref<2x128x128xf32, #tpu.memory_space<vmem>>, vector<1x1x16xf32>,
        %get3A_159 = vector.shape_cast %get3A_158 : vector<1x1x16xf32> to vector<16xf32>
        %get3A_160 = arith.constant 0 : i32
        %get3A_161 = arith.index_cast %get3A_160 : i32 to index
        %get3A_162 = arith.index_cast %scan3A_135 : i32 to index
        %get3A_163 = arith.constant 16 : index
        %get3A_164 = tpu.vector_load %arg10[%get3A_161, %get3A_162, %get3A_163] {strides = array<i32>} : memref<2x128x128xf32, #tpu.memory_space<vmem>>, vector<1x1x16xf32>,
        %get3A_165 = vector.shape_cast %get3A_164 : vector<1x1x16xf32> to vector<16xf32>
        %add3A_166 = arith.addf %get3A_159, %get3A_165 : vector<16xf32>
        %swap3A_167 = arith.constant 0 : i32
        %swap3A_168 = arith.index_cast %swap3A_167 : i32 to index
        %swap3A_169 = arith.index_cast %scan3A_135 : i32 to index
        %swap3A_170 = arith.constant 16 : index
        %swap3A_171 = tpu.vector_load %arg9[%swap3A_168, %swap3A_169, %swap3A_170] {strides = array<i32>} : memref<2x128x128xf32, #tpu.memory_space<vmem>>, vector<1x1x16xf32>,
        %swap3A_172 = vector.shape_cast %swap3A_171 : vector<1x1x16xf32> to vector<16xf32>
        %swap3A_173 = vector.shape_cast %add3A_166 : vector<16xf32> to vector<1x1x16xf32>
        tpu.vector_store %arg9[%swap3A_168, %swap3A_169, %swap3A_170], %swap3A_173 {strides = array<i32>} : memref<2x128x128xf32, #tpu.memory_space<vmem>>, vector<1x1x16xf32>,
        %get3A_174 = arith.constant 0 : i32
        %get3A_175 = arith.index_cast %get3A_174 : i32 to index
        %get3A_176 = arith.index_cast %scan3A_135 : i32 to index
        %get3A_177 = arith.constant 32 : index
        %get3A_178 = tpu.vector_load %arg9[%get3A_175, %get3A_176, %get3A_177] {strides = array<i32>} : memref<2x128x128xf32, #tpu.memory_space<vmem>>, vector<1x1x16xf32>,
        %get3A_179 = vector.shape_cast %get3A_178 : vector<1x1x16xf32> to vector<16xf32>
        %get3A_180 = arith.constant 0 : i32
        %get3A_181 = arith.index_cast %get3A_180 : i32 to index
        %get3A_182 = arith.index_cast %scan3A_135 : i32 to index
        %get3A_183 = arith.constant 32 : index
        %get3A_184 = tpu.vector_load %arg10[%get3A_181, %get3A_182, %get3A_183] {strides = array<i32>} : memref<2x128x128xf32, #tpu.memory_space<vmem>>, vector<1x1x16xf32>,
        %get3A_185 = vector.shape_cast %get3A_184 : vector<1x1x16xf32> to vector<16xf32>
        %add3A_186 = arith.addf %get3A_179, %get3A_185 : vector<16xf32>
        %swap3A_187 = arith.constant 0 : i32
        %swap3A_188 = arith.index_cast %swap3A_187 : i32 to index
        %swap3A_189 = arith.index_cast %scan3A_135 : i32 to index
        %swap3A_190 = arith.constant 32 : index
        %swap3A_191 = tpu.vector_load %arg9[%swap3A_188, %swap3A_189, %swap3A_190] {strides = array<i32>} : memref<2x128x128xf32, #tpu.memory_space<vmem>>, vector<1x1x16xf32>,
        %swap3A_192 = vector.shape_cast %swap3A_191 : vector<1x1x16xf32> to vector<16xf32>
        %swap3A_193 = vector.shape_cast %add3A_186 : vector<16xf32> to vector<1x1x16xf32>
        tpu.vector_store %arg9[%swap3A_188, %swap3A_189, %swap3A_190], %swap3A_193 {strides = array<i32>} : memref<2x128x128xf32, #tpu.memory_space<vmem>>, vector<1x1x16xf32>,
        %get3A_194 = arith.constant 0 : i32
        %get3A_195 = arith.index_cast %get3A_194 : i32 to index
        %get3A_196 = arith.index_cast %scan3A_135 : i32 to index
        %get3A_197 = arith.constant 48 : index
        %get3A_198 = tpu.vector_load %arg9[%get3A_195, %get3A_196, %get3A_197] {strides = array<i32>} : memref<2x128x128xf32, #tpu.memory_space<vmem>>, vector<1x1x16xf32>,
        %get3A_199 = vector.shape_cast %get3A_198 : vector<1x1x16xf32> to vector<16xf32>
        %get3A_200 = arith.constant 0 : i32
        %get3A_201 = arith.index_cast %get3A_200 : i32 to index
        %get3A_202 = arith.index_cast %scan3A_135 : i32 to index
        %get3A_203 = arith.constant 48 : index
        %get3A_204 = tpu.vector_load %arg10[%get3A_201, %get3A_202, %get3A_203] {strides = array<i32>} : memref<2x128x128xf32, #tpu.memory_space<vmem>>, vector<1x1x16xf32>,
        %get3A_205 = vector.shape_cast %get3A_204 : vector<1x1x16xf32> to vector<16xf32>
        %add3A_206 = arith.addf %get3A_199, %get3A_205 : vector<16xf32>
        %swap3A_207 = arith.constant 0 : i32
        %swap3A_208 = arith.index_cast %swap3A_207 : i32 to index
        %swap3A_209 = arith.index_cast %scan3A_135 : i32 to index
        %swap3A_210 = arith.constant 48 : index
        %swap3A_211 = tpu.vector_load %arg9[%swap3A_208, %swap3A_209, %swap3A_210] {strides = array<i32>} : memref<2x128x128xf32, #tpu.memory_space<vmem>>, vector<1x1x16xf32>,
        %swap3A_212 = vector.shape_cast %swap3A_211 : vector<1x1x16xf32> to vector<16xf32>
        %swap3A_213 = vector.shape_cast %add3A_206 : vector<16xf32> to vector<1x1x16xf32>
        tpu.vector_store %arg9[%swap3A_208, %swap3A_209, %swap3A_210], %swap3A_213 {strides = array<i32>} : memref<2x128x128xf32, #tpu.memory_space<vmem>>, vector<1x1x16xf32>,
        %get3A_214 = arith.constant 0 : i32
        %get3A_215 = arith.index_cast %get3A_214 : i32 to index
        %get3A_216 = arith.index_cast %scan3A_135 : i32 to index
        %get3A_217 = arith.constant 64 : index
        %get3A_218 = tpu.vector_load %arg9[%get3A_215, %get3A_216, %get3A_217] {strides = array<i32>} : memref<2x128x128xf32, #tpu.memory_space<vmem>>, vector<1x1x16xf32>,
        %get3A_219 = vector.shape_cast %get3A_218 : vector<1x1x16xf32> to vector<16xf32>
        %get3A_220 = arith.constant 0 : i32
        %get3A_221 = arith.index_cast %get3A_220 : i32 to index
        %get3A_222 = arith.index_cast %scan3A_135 : i32 to index
        %get3A_223 = arith.constant 64 : index
        %get3A_224 = tpu.vector_load %arg10[%get3A_221, %get3A_222, %get3A_223] {strides = array<i32>} : memref<2x128x128xf32, #tpu.memory_space<vmem>>, vector<1x1x16xf32>,
        %get3A_225 = vector.shape_cast %get3A_224 : vector<1x1x16xf32> to vector<16xf32>
        %add3A_226 = arith.addf %get3A_219, %get3A_225 : vector<16xf32>
        %swap3A_227 = arith.constant 0 : i32
        %swap3A_228 = arith.index_cast %swap3A_227 : i32 to index
        %swap3A_229 = arith.index_cast %scan3A_135 : i32 to index
        %swap3A_230 = arith.constant 64 : index
        %swap3A_231 = tpu.vector_load %arg9[%swap3A_228, %swap3A_229, %swap3A_230] {strides = array<i32>} : memref<2x128x128xf32, #tpu.memory_space<vmem>>, vector<1x1x16xf32>,
        %swap3A_232 = vector.shape_cast %swap3A_231 : vector<1x1x16xf32> to vector<16xf32>
        %swap3A_233 = vector.shape_cast %add3A_226 : vector<16xf32> to vector<1x1x16xf32>
        tpu.vector_store %arg9[%swap3A_228, %swap3A_229, %swap3A_230], %swap3A_233 {strides = array<i32>} : memref<2x128x128xf32, #tpu.memory_space<vmem>>, vector<1x1x16xf32>,
        %get3A_234 = arith.constant 0 : i32
        %get3A_235 = arith.index_cast %get3A_234 : i32 to index
        %get3A_236 = arith.index_cast %scan3A_135 : i32 to index
        %get3A_237 = arith.constant 80 : index
        %get3A_238 = tpu.vector_load %arg9[%get3A_235, %get3A_236, %get3A_237] {strides = array<i32>} : memref<2x128x128xf32, #tpu.memory_space<vmem>>, vector<1x1x16xf32>,
        %get3A_239 = vector.shape_cast %get3A_238 : vector<1x1x16xf32> to vector<16xf32>
        %get3A_240 = arith.constant 0 : i32
        %get3A_241 = arith.index_cast %get3A_240 : i32 to index
        %get3A_242 = arith.index_cast %scan3A_135 : i32 to index
        %get3A_243 = arith.constant 80 : index
        %get3A_244 = tpu.vector_load %arg10[%get3A_241, %get3A_242, %get3A_243] {strides = array<i32>} : memref<2x128x128xf32, #tpu.memory_space<vmem>>, vector<1x1x16xf32>,
        %get3A_245 = vector.shape_cast %get3A_244 : vector<1x1x16xf32> to vector<16xf32>
        %add3A_246 = arith.addf %get3A_239, %get3A_245 : vector<16xf32>
        %swap3A_247 = arith.constant 0 : i32
        %swap3A_248 = arith.index_cast %swap3A_247 : i32 to index
        %swap3A_249 = arith.index_cast %scan3A_135 : i32 to index
        %swap3A_250 = arith.constant 80 : index
        %swap3A_251 = tpu.vector_load %arg9[%swap3A_248, %swap3A_249, %swap3A_250] {strides = array<i32>} : memref<2x128x128xf32, #tpu.memory_space<vmem>>, vector<1x1x16xf32>,
        %swap3A_252 = vector.shape_cast %swap3A_251 : vector<1x1x16xf32> to vector<16xf32>
        %swap3A_253 = vector.shape_cast %add3A_246 : vector<16xf32> to vector<1x1x16xf32>
        tpu.vector_store %arg9[%swap3A_248, %swap3A_249, %swap3A_250], %swap3A_253 {strides = array<i32>} : memref<2x128x128xf32, #tpu.memory_space<vmem>>, vector<1x1x16xf32>,
        %get3A_254 = arith.constant 0 : i32
        %get3A_255 = arith.index_cast %get3A_254 : i32 to index
        %get3A_256 = arith.index_cast %scan3A_135 : i32 to index
        %get3A_257 = arith.constant 96 : index
        %get3A_258 = tpu.vector_load %arg9[%get3A_255, %get3A_256, %get3A_257] {strides = array<i32>} : memref<2x128x128xf32, #tpu.memory_space<vmem>>, vector<1x1x16xf32>,
        %get3A_259 = vector.shape_cast %get3A_258 : vector<1x1x16xf32> to vector<16xf32>
        %get3A_260 = arith.constant 0 : i32
        %get3A_261 = arith.index_cast %get3A_260 : i32 to index
        %get3A_262 = arith.index_cast %scan3A_135 : i32 to index
        %get3A_263 = arith.constant 96 : index
        %get3A_264 = tpu.vector_load %arg10[%get3A_261, %get3A_262, %get3A_263] {strides = array<i32>} : memref<2x128x128xf32, #tpu.memory_space<vmem>>, vector<1x1x16xf32>,
        %get3A_265 = vector.shape_cast %get3A_264 : vector<1x1x16xf32> to vector<16xf32>
        %add3A_266 = arith.addf %get3A_259, %get3A_265 : vector<16xf32>
        %swap3A_267 = arith.constant 0 : i32
        %swap3A_268 = arith.index_cast %swap3A_267 : i32 to index
        %swap3A_269 = arith.index_cast %scan3A_135 : i32 to index
        %swap3A_270 = arith.constant 96 : index
        %swap3A_271 = tpu.vector_load %arg9[%swap3A_268, %swap3A_269, %swap3A_270] {strides = array<i32>} : memref<2x128x128xf32, #tpu.memory_space<vmem>>, vector<1x1x16xf32>,
        %swap3A_272 = vector.shape_cast %swap3A_271 : vector<1x1x16xf32> to vector<16xf32>
        %swap3A_273 = vector.shape_cast %add3A_266 : vector<16xf32> to vector<1x1x16xf32>
        tpu.vector_store %arg9[%swap3A_268, %swap3A_269, %swap3A_270], %swap3A_273 {strides = array<i32>} : memref<2x128x128xf32, #tpu.memory_space<vmem>>, vector<1x1x16xf32>,
        %get3A_274 = arith.constant 0 : i32
        %get3A_275 = arith.index_cast %get3A_274 : i32 to index
        %get3A_276 = arith.index_cast %scan3A_135 : i32 to index
        %get3A_277 = arith.constant 112 : index
        %get3A_278 = tpu.vector_load %arg9[%get3A_275, %get3A_276, %get3A_277] {strides = array<i32>} : memref<2x128x128xf32, #tpu.memory_space<vmem>>, vector<1x1x16xf32>,
        %get3A_279 = vector.shape_cast %get3A_278 : vector<1x1x16xf32> to vector<16xf32>
        %get3A_280 = arith.constant 0 : i32
        %get3A_281 = arith.index_cast %get3A_280 : i32 to index
        %get3A_282 = arith.index_cast %scan3A_135 : i32 to index
        %get3A_283 = arith.constant 112 : index
        %get3A_284 = tpu.vector_load %arg10[%get3A_281, %get3A_282, %get3A_283] {strides = array<i32>} : memref<2x128x128xf32, #tpu.memory_space<vmem>>, vector<1x1x16xf32>,
        %get3A_285 = vector.shape_cast %get3A_284 : vector<1x1x16xf32> to vector<16xf32>
        %add3A_286 = arith.addf %get3A_279, %get3A_285 : vector<16xf32>
        %swap3A_287 = arith.constant 0 : i32
        %swap3A_288 = arith.index_cast %swap3A_287 : i32 to index
        %swap3A_289 = arith.index_cast %scan3A_135 : i32 to index
        %swap3A_290 = arith.constant 112 : index
        %swap3A_291 = tpu.vector_load %arg9[%swap3A_288, %swap3A_289, %swap3A_290] {strides = array<i32>} : memref<2x128x128xf32, #tpu.memory_space<vmem>>, vector<1x1x16xf32>,
        %swap3A_292 = vector.shape_cast %swap3A_291 : vector<1x1x16xf32> to vector<16xf32>
        %swap3A_293 = vector.shape_cast %add3A_286 : vector<16xf32> to vector<1x1x16xf32>
        tpu.vector_store %arg9[%swap3A_288, %swap3A_289, %swap3A_290], %swap3A_293 {strides = array<i32>} : memref<2x128x128xf32, #tpu.memory_space<vmem>>, vector<1x1x16xf32>,
      }
      %scan3A_80 = arith.constant 128 : i32
      %mul3A_81 = arith.constant 4096 : i32
      %mul3A_82 = arith.muli %add3A_55, %mul3A_81 : i32
      %mul3A_83 = arith.constant 128 : i32
      %mul3A_84 = arith.muli %add3A, %mul3A_83 : i32
      %add3A_85 = arith.addi %mul3A_82, %mul3A_84 : i32
      %run_scoped3A = arith.constant 0 : i32
      "tpu.region"() ({
        %run_scoped3A_135 = tpu.sem_alloc : memref<!tpu.dma_semaphore, #tpu.memory_space<semaphore_mem>>
        %dma_start3A_136 = arith.constant 0 : i32
        %dma_start3A_137 = arith.constant 0 : i32
        %dma_start3A_138 = tpu.memref_slice %arg9[%run_scoped3A, %dma_start3A_136, %dma_start3A_137] : memref<2x128x128xf32, #tpu.memory_space<vmem>> -> memref<1x128x128xf32, #tpu.memory_space<vmem>>
        %dma_start3A_139 = tpu.memref_squeeze %dma_start3A_138 : memref<1x128x128xf32, #tpu.memory_space<vmem>> -> memref<128x128xf32, #tpu.memory_space<vmem>>
        %dma_start3A_140 = arith.constant 0 : i32
        %dma_start3A_141 = tpu.memref_slice %arg6[%add3A_85, %dma_start3A_140] : memref<204800x128xf32, #tpu.memory_space<hbm>> -> memref<128x128xf32, #tpu.memory_space<hbm>>
        %dma_start3A_142 = arith.constant 0 : i32
        %dma_start3A_143 = tpu.memref_slice %arg6[%add3A_85, %dma_start3A_142] : memref<204800x128xf32, #tpu.memory_space<hbm>> -> memref<128x128xf32, #tpu.memory_space<hbm>>
        %dma_start3A_144 = arith.constant 0 : i32
        %dma_start3A_145 = arith.constant 0 : i32
        %dma_start3A_146 = tpu.memref_slice %arg9[%run_scoped3A, %dma_start3A_144, %dma_start3A_145] : memref<2x128x128xf32, #tpu.memory_space<vmem>> -> memref<1x128x128xf32, #tpu.memory_space<vmem>>
        %dma_start3A_147 = tpu.memref_squeeze %dma_start3A_146 : memref<1x128x128xf32, #tpu.memory_space<vmem>> -> memref<128x128xf32, #tpu.memory_space<vmem>>
        tpu.enqueue_dma source(%dma_start3A_147 : memref<128x128xf32, #tpu.memory_space<vmem>>) target(%dma_start3A_143 : memref<128x128xf32, #tpu.memory_space<hbm>>) target_semaphore(%run_scoped3A_135 : memref<!tpu.dma_semaphore, #tpu.memory_space<semaphore_mem>>)
        %dma_wait3A_148 = arith.constant 0 : i32
        %dma_wait3A_149 = arith.constant 0 : i32
        %dma_wait3A_150 = tpu.memref_slice %arg9[%run_scoped3A, %dma_wait3A_148, %dma_wait3A_149] : memref<2x128x128xf32, #tpu.memory_space<vmem>> -> memref<1x128x128xf32, #tpu.memory_space<vmem>>
        %dma_wait3A_151 = tpu.memref_squeeze %dma_wait3A_150 : memref<1x128x128xf32, #tpu.memory_space<vmem>> -> memref<128x128xf32, #tpu.memory_space<vmem>>
        %dma_wait3A_152 = arith.constant 0 : i32
        %dma_wait3A_153 = tpu.memref_slice %arg6[%add3A_85, %dma_wait3A_152] : memref<204800x128xf32, #tpu.memory_space<hbm>> -> memref<128x128xf32, #tpu.memory_space<hbm>>
        %dma_wait3A_154 = arith.constant 0 : i32
        %dma_wait3A_155 = tpu.memref_slice %arg6[%add3A_85, %dma_wait3A_154] : memref<204800x128xf32, #tpu.memory_space<hbm>> -> memref<128x128xf32, #tpu.memory_space<hbm>>
        %dma_wait3A_156 = arith.constant 0 : i32
        %dma_wait3A_157 = arith.constant 0 : i32
        %dma_wait3A_158 = tpu.memref_slice %arg9[%run_scoped3A, %dma_wait3A_156, %dma_wait3A_157] : memref<2x128x128xf32, #tpu.memory_space<vmem>> -> memref<1x128x128xf32, #tpu.memory_space<vmem>>
        %dma_wait3A_159 = tpu.memref_squeeze %dma_wait3A_158 : memref<1x128x128xf32, #tpu.memory_space<vmem>> -> memref<128x128xf32, #tpu.memory_space<vmem>>
        tpu.wait_dma2 semaphore(%run_scoped3A_135 : memref<!tpu.dma_semaphore, #tpu.memory_space<semaphore_mem>>) src(%dma_wait3A_159 : memref<128x128xf32, #tpu.memory_space<vmem>>) dst(%dma_wait3A_155 : memref<128x128xf32, #tpu.memory_space<hbm>>)
        tpu.yield
      }) : () -> ()
      %add3A_86 = arith.constant 2 : i32
      %add3A_87 = arith.addi %add3A_55, %add3A_86 : i32
      %lt3A = arith.constant 50 : i32
      %lt3A_88 = arith.cmpi slt, %add3A_87, %lt3A : i32
      %convert_element_type3A_89 = arith.extui %lt3A_88 : i1 to i32
      %cond3A_90 = arith.constant 0 : i32
      %cond3A_91 = arith.cmpi ne, %convert_element_type3A_89, %cond3A_90 : i32
      scf.if %cond3A_91 {
        %mul3A_135 = arith.constant 128 : i32
        %mul3A_136 = arith.muli %add3A_87, %mul3A_135 : i32
        %dma_start3A_137 = arith.constant 0 : i32
        %dma_start3A_138 = arith.constant 0 : i32
        %dma_start3A_139 = arith.constant 0 : i32
        %dma_start3A_140 = tpu.memref_slice %arg9[%dma_start3A_137, %dma_start3A_138, %dma_start3A_139] : memref<2x128x128xf32, #tpu.memory_space<vmem>> -> memref<1x128x128xf32, #tpu.memory_space<vmem>>
        %dma_start3A_141 = tpu.memref_squeeze %dma_start3A_140 : memref<1x128x128xf32, #tpu.memory_space<vmem>> -> memref<128x128xf32, #tpu.memory_space<vmem>>
        %dma_start3A_142 = tpu.memref_slice %arg7[%mul3A_136] : memref<6400xi32, #tpu.memory_space<vmem>> -> memref<128xi32, #tpu.memory_space<vmem>>
        %dma_start3A_143 = arith.constant 0 : i32
        %dma_start3A_144 = arith.constant 0 : i32
        %dma_start3A_145 = tpu.memref_slice %arg11[%dma_start3A_143, %dma_start3A_144] : memref<1000x128xf32, #tpu.memory_space<vmem_shared>> -> memref<1000x128xf32, #tpu.memory_space<vmem_shared>>
        tpu.enqueue_indirect_dma source(%dma_start3A_145 : memref<1000x128xf32, #tpu.memory_space<vmem_shared>>) target(%dma_start3A_141 : memref<128x128xf32, #tpu.memory_space<vmem>>) offsets(%dma_start3A_142 : memref<128xi32, #tpu.memory_space<vmem>>) semaphore(%arg13 : memref<!tpu.dma_semaphore, #tpu.memory_space<semaphore_mem>>)
        %dma_start3A_146 = arith.constant 0 : i32
        %dma_start3A_147 = arith.constant 0 : i32
        %dma_start3A_148 = arith.constant 0 : i32
        %dma_start3A_149 = tpu.memref_slice %arg10[%dma_start3A_146, %dma_start3A_147, %dma_start3A_148] : memref<2x128x128xf32, #tpu.memory_space<vmem>> -> memref<1x128x128xf32, #tpu.memory_space<vmem>>
        %dma_start3A_150 = tpu.memref_squeeze %dma_start3A_149 : memref<1x128x128xf32, #tpu.memory_space<vmem>> -> memref<128x128xf32, #tpu.memory_space<vmem>>
        %dma_start3A_151 = tpu.memref_slice %arg8[%mul3A_136] : memref<6400xi32, #tpu.memory_space<vmem>> -> memref<128xi32, #tpu.memory_space<vmem>>
        %dma_start3A_152 = arith.constant 0 : i32
        %dma_start3A_153 = arith.constant 0 : i32
        %dma_start3A_154 = tpu.memref_slice %arg12[%dma_start3A_152, %dma_start3A_153] : memref<1000x128xf32, #tpu.memory_space<vmem_shared>> -> memref<1000x128xf32, #tpu.memory_space<vmem_shared>>
        tpu.enqueue_indirect_dma source(%dma_start3A_154 : memref<1000x128xf32, #tpu.memory_space<vmem_shared>>) target(%dma_start3A_150 : memref<128x128xf32, #tpu.memory_space<vmem>>) offsets(%dma_start3A_151 : memref<128xi32, #tpu.memory_space<vmem>>) semaphore(%arg15 : memref<!tpu.dma_semaphore, #tpu.memory_space<semaphore_mem>>)
      } else {
      }
      %mul3A_92 = arith.constant 2 : i32
      %mul3A_93 = arith.muli %scan3A_51, %mul3A_92 : i32
      %add3A_94 = arith.constant 1 : i32
      %add3A_95 = arith.addi %mul3A_93, %add3A_94 : i32
      %mul3A_96 = arith.constant 128 : i32
      %mul3A_97 = arith.muli %add3A_95, %mul3A_96 : i32
      %dma_wait3A_98 = arith.constant 1 : i32
      %dma_wait3A_99 = arith.constant 0 : i32
      %dma_wait3A_100 = arith.constant 0 : i32
      %dma_wait3A_101 = tpu.memref_slice %arg9[%dma_wait3A_98, %dma_wait3A_99, %dma_wait3A_100] : memref<2x128x128xf32, #tpu.memory_space<vmem>> -> memref<1x128x128xf32, #tpu.memory_space<vmem>>
      %dma_wait3A_102 = tpu.memref_squeeze %dma_wait3A_101 : memref<1x128x128xf32, #tpu.memory_space<vmem>> -> memref<128x128xf32, #tpu.memory_space<vmem>>
      %dma_wait3A_103 = tpu.memref_slice %arg7[%mul3A_97] : memref<6400xi32, #tpu.memory_space<vmem>> -> memref<128xi32, #tpu.memory_space<vmem>>
      %dma_wait3A_104 = arith.constant 0 : i32
      %dma_wait3A_105 = arith.constant 0 : i32
      %dma_wait3A_106 = tpu.memref_slice %arg11[%dma_wait3A_104, %dma_wait3A_105] : memref<1000x128xf32, #tpu.memory_space<vmem_shared>> -> memref<1000x128xf32, #tpu.memory_space<vmem_shared>>
      tpu.wait_indirect_dma semaphore(%arg14 : memref<!tpu.dma_semaphore, #tpu.memory_space<semaphore_mem>>) src(%dma_wait3A_106 : memref<1000x128xf32, #tpu.memory_space<vmem_shared>>) dst(%dma_wait3A_102 : memref<128x128xf32, #tpu.memory_space<vmem>>)
      %dma_wait3A_107 = arith.constant 1 : i32
      %dma_wait3A_108 = arith.constant 0 : i32
      %dma_wait3A_109 = arith.constant 0 : i32
      %dma_wait3A_110 = tpu.memref_slice %arg10[%dma_wait3A_107, %dma_wait3A_108, %dma_wait3A_109] : memref<2x128x128xf32, #tpu.memory_space<vmem>> -> memref<1x128x128xf32, #tpu.memory_space<vmem>>
      %dma_wait3A_111 = tpu.memref_squeeze %dma_wait3A_110 : memref<1x128x128xf32, #tpu.memory_space<vmem>> -> memref<128x128xf32, #tpu.memory_space<vmem>>
      %dma_wait3A_112 = tpu.memref_slice %arg8[%mul3A_97] : memref<6400xi32, #tpu.memory_space<vmem>> -> memref<128xi32, #tpu.memory_space<vmem>>
      %dma_wait3A_113 = arith.constant 0 : i32
      %dma_wait3A_114 = arith.constant 0 : i32
      %dma_wait3A_115 = tpu.memref_slice %arg12[%dma_wait3A_113, %dma_wait3A_114] : memref<1000x128xf32, #tpu.memory_space<vmem_shared>> -> memref<1000x128xf32, #tpu.memory_space<vmem_shared>>
      tpu.wait_indirect_dma semaphore(%arg16 : memref<!tpu.dma_semaphore, #tpu.memory_space<semaphore_mem>>) src(%dma_wait3A_115 : memref<1000x128xf32, #tpu.memory_space<vmem_shared>>) dst(%dma_wait3A_111 : memref<128x128xf32, #tpu.memory_space<vmem>>)
      %scan3A_116 = arith.constant 0 : i32
      %scan3A_117 = arith.constant 0 : i32
      %scan3A_118 = arith.constant 128 : i32
      %scan3A_119 = arith.addi %scan3A_117, %scan3A_118 : i32
      %scan3A_120 = arith.constant 1 : i32
      scf.for %scan3A_135 = %scan3A_117 to %scan3A_119 step %scan3A_120  : i32 {
        %get3A = arith.constant 1 : i32
        %get3A_136 = arith.index_cast %get3A : i32 to index
        %get3A_137 = arith.index_cast %scan3A_135 : i32 to index
        %get3A_138 = arith.constant 0 : index
        %get3A_139 = tpu.vector_load %arg9[%get3A_136, %get3A_137, %get3A_138] {strides = array<i32>} : memref<2x128x128xf32, #tpu.memory_space<vmem>>, vector<1x1x16xf32>,
        %get3A_140 = vector.shape_cast %get3A_139 : vector<1x1x16xf32> to vector<16xf32>
        %get3A_141 = arith.constant 1 : i32
        %get3A_142 = arith.index_cast %get3A_141 : i32 to index
        %get3A_143 = arith.index_cast %scan3A_135 : i32 to index
        %get3A_144 = arith.constant 0 : index
        %get3A_145 = tpu.vector_load %arg10[%get3A_142, %get3A_143, %get3A_144] {strides = array<i32>} : memref<2x128x128xf32, #tpu.memory_space<vmem>>, vector<1x1x16xf32>,
        %get3A_146 = vector.shape_cast %get3A_145 : vector<1x1x16xf32> to vector<16xf32>
        %add3A_147 = arith.addf %get3A_140, %get3A_146 : vector<16xf32>
        %swap3A = arith.constant 1 : i32
        %swap3A_148 = arith.index_cast %swap3A : i32 to index
        %swap3A_149 = arith.index_cast %scan3A_135 : i32 to index
        %swap3A_150 = arith.constant 0 : index
        %swap3A_151 = tpu.vector_load %arg9[%swap3A_148, %swap3A_149, %swap3A_150] {strides = array<i32>} : memref<2x128x128xf32, #tpu.memory_space<vmem>>, vector<1x1x16xf32>,
        %swap3A_152 = vector.shape_cast %swap3A_151 : vector<1x1x16xf32> to vector<16xf32>
        %swap3A_153 = vector.shape_cast %add3A_147 : vector<16xf32> to vector<1x1x16xf32>
        tpu.vector_store %arg9[%swap3A_148, %swap3A_149, %swap3A_150], %swap3A_153 {strides = array<i32>} : memref<2x128x128xf32, #tpu.memory_space<vmem>>, vector<1x1x16xf32>,
        %get3A_154 = arith.constant 1 : i32
        %get3A_155 = arith.index_cast %get3A_154 : i32 to index
        %get3A_156 = arith.index_cast %scan3A_135 : i32 to index
        %get3A_157 = arith.constant 16 : index
        %get3A_158 = tpu.vector_load %arg9[%get3A_155, %get3A_156, %get3A_157] {strides = array<i32>} : memref<2x128x128xf32, #tpu.memory_space<vmem>>, vector<1x1x16xf32>,
        %get3A_159 = vector.shape_cast %get3A_158 : vector<1x1x16xf32> to vector<16xf32>
        %get3A_160 = arith.constant 1 : i32
        %get3A_161 = arith.index_cast %get3A_160 : i32 to index
        %get3A_162 = arith.index_cast %scan3A_135 : i32 to index
        %get3A_163 = arith.constant 16 : index
        %get3A_164 = tpu.vector_load %arg10[%get3A_161, %get3A_162, %get3A_163] {strides = array<i32>} : memref<2x128x128xf32, #tpu.memory_space<vmem>>, vector<1x1x16xf32>,
        %get3A_165 = vector.shape_cast %get3A_164 : vector<1x1x16xf32> to vector<16xf32>
        %add3A_166 = arith.addf %get3A_159, %get3A_165 : vector<16xf32>
        %swap3A_167 = arith.constant 1 : i32
        %swap3A_168 = arith.index_cast %swap3A_167 : i32 to index
        %swap3A_169 = arith.index_cast %scan3A_135 : i32 to index
        %swap3A_170 = arith.constant 16 : index
        %swap3A_171 = tpu.vector_load %arg9[%swap3A_168, %swap3A_169, %swap3A_170] {strides = array<i32>} : memref<2x128x128xf32, #tpu.memory_space<vmem>>, vector<1x1x16xf32>,
        %swap3A_172 = vector.shape_cast %swap3A_171 : vector<1x1x16xf32> to vector<16xf32>
        %swap3A_173 = vector.shape_cast %add3A_166 : vector<16xf32> to vector<1x1x16xf32>
        tpu.vector_store %arg9[%swap3A_168, %swap3A_169, %swap3A_170], %swap3A_173 {strides = array<i32>} : memref<2x128x128xf32, #tpu.memory_space<vmem>>, vector<1x1x16xf32>,
        %get3A_174 = arith.constant 1 : i32
        %get3A_175 = arith.index_cast %get3A_174 : i32 to index
        %get3A_176 = arith.index_cast %scan3A_135 : i32 to index
        %get3A_177 = arith.constant 32 : index
        %get3A_178 = tpu.vector_load %arg9[%get3A_175, %get3A_176, %get3A_177] {strides = array<i32>} : memref<2x128x128xf32, #tpu.memory_space<vmem>>, vector<1x1x16xf32>,
        %get3A_179 = vector.shape_cast %get3A_178 : vector<1x1x16xf32> to vector<16xf32>
        %get3A_180 = arith.constant 1 : i32
        %get3A_181 = arith.index_cast %get3A_180 : i32 to index
        %get3A_182 = arith.index_cast %scan3A_135 : i32 to index
        %get3A_183 = arith.constant 32 : index
        %get3A_184 = tpu.vector_load %arg10[%get3A_181, %get3A_182, %get3A_183] {strides = array<i32>} : memref<2x128x128xf32, #tpu.memory_space<vmem>>, vector<1x1x16xf32>,
        %get3A_185 = vector.shape_cast %get3A_184 : vector<1x1x16xf32> to vector<16xf32>
        %add3A_186 = arith.addf %get3A_179, %get3A_185 : vector<16xf32>
        %swap3A_187 = arith.constant 1 : i32
        %swap3A_188 = arith.index_cast %swap3A_187 : i32 to index
        %swap3A_189 = arith.index_cast %scan3A_135 : i32 to index
        %swap3A_190 = arith.constant 32 : index
        %swap3A_191 = tpu.vector_load %arg9[%swap3A_188, %swap3A_189, %swap3A_190] {strides = array<i32>} : memref<2x128x128xf32, #tpu.memory_space<vmem>>, vector<1x1x16xf32>,
        %swap3A_192 = vector.shape_cast %swap3A_191 : vector<1x1x16xf32> to vector<16xf32>
        %swap3A_193 = vector.shape_cast %add3A_186 : vector<16xf32> to vector<1x1x16xf32>
        tpu.vector_store %arg9[%swap3A_188, %swap3A_189, %swap3A_190], %swap3A_193 {strides = array<i32>} : memref<2x128x128xf32, #tpu.memory_space<vmem>>, vector<1x1x16xf32>,
        %get3A_194 = arith.constant 1 : i32
        %get3A_195 = arith.index_cast %get3A_194 : i32 to index
        %get3A_196 = arith.index_cast %scan3A_135 : i32 to index
        %get3A_197 = arith.constant 48 : index
        %get3A_198 = tpu.vector_load %arg9[%get3A_195, %get3A_196, %get3A_197] {strides = array<i32>} : memref<2x128x128xf32, #tpu.memory_space<vmem>>, vector<1x1x16xf32>,
        %get3A_199 = vector.shape_cast %get3A_198 : vector<1x1x16xf32> to vector<16xf32>
        %get3A_200 = arith.constant 1 : i32
        %get3A_201 = arith.index_cast %get3A_200 : i32 to index
        %get3A_202 = arith.index_cast %scan3A_135 : i32 to index
        %get3A_203 = arith.constant 48 : index
        %get3A_204 = tpu.vector_load %arg10[%get3A_201, %get3A_202, %get3A_203] {strides = array<i32>} : memref<2x128x128xf32, #tpu.memory_space<vmem>>, vector<1x1x16xf32>,
        %get3A_205 = vector.shape_cast %get3A_204 : vector<1x1x16xf32> to vector<16xf32>
        %add3A_206 = arith.addf %get3A_199, %get3A_205 : vector<16xf32>
        %swap3A_207 = arith.constant 1 : i32
        %swap3A_208 = arith.index_cast %swap3A_207 : i32 to index
        %swap3A_209 = arith.index_cast %scan3A_135 : i32 to index
        %swap3A_210 = arith.constant 48 : index
        %swap3A_211 = tpu.vector_load %arg9[%swap3A_208, %swap3A_209, %swap3A_210] {strides = array<i32>} : memref<2x128x128xf32, #tpu.memory_space<vmem>>, vector<1x1x16xf32>,
        %swap3A_212 = vector.shape_cast %swap3A_211 : vector<1x1x16xf32> to vector<16xf32>
        %swap3A_213 = vector.shape_cast %add3A_206 : vector<16xf32> to vector<1x1x16xf32>
        tpu.vector_store %arg9[%swap3A_208, %swap3A_209, %swap3A_210], %swap3A_213 {strides = array<i32>} : memref<2x128x128xf32, #tpu.memory_space<vmem>>, vector<1x1x16xf32>,
        %get3A_214 = arith.constant 1 : i32
        %get3A_215 = arith.index_cast %get3A_214 : i32 to index
        %get3A_216 = arith.index_cast %scan3A_135 : i32 to index
        %get3A_217 = arith.constant 64 : index
        %get3A_218 = tpu.vector_load %arg9[%get3A_215, %get3A_216, %get3A_217] {strides = array<i32>} : memref<2x128x128xf32, #tpu.memory_space<vmem>>, vector<1x1x16xf32>,
        %get3A_219 = vector.shape_cast %get3A_218 : vector<1x1x16xf32> to vector<16xf32>
        %get3A_220 = arith.constant 1 : i32
        %get3A_221 = arith.index_cast %get3A_220 : i32 to index
        %get3A_222 = arith.index_cast %scan3A_135 : i32 to index
        %get3A_223 = arith.constant 64 : index
        %get3A_224 = tpu.vector_load %arg10[%get3A_221, %get3A_222, %get3A_223] {strides = array<i32>} : memref<2x128x128xf32, #tpu.memory_space<vmem>>, vector<1x1x16xf32>,
        %get3A_225 = vector.shape_cast %get3A_224 : vector<1x1x16xf32> to vector<16xf32>
        %add3A_226 = arith.addf %get3A_219, %get3A_225 : vector<16xf32>
        %swap3A_227 = arith.constant 1 : i32
        %swap3A_228 = arith.index_cast %swap3A_227 : i32 to index
        %swap3A_229 = arith.index_cast %scan3A_135 : i32 to index
        %swap3A_230 = arith.constant 64 : index
        %swap3A_231 = tpu.vector_load %arg9[%swap3A_228, %swap3A_229, %swap3A_230] {strides = array<i32>} : memref<2x128x128xf32, #tpu.memory_space<vmem>>, vector<1x1x16xf32>,
        %swap3A_232 = vector.shape_cast %swap3A_231 : vector<1x1x16xf32> to vector<16xf32>
        %swap3A_233 = vector.shape_cast %add3A_226 : vector<16xf32> to vector<1x1x16xf32>
        tpu.vector_store %arg9[%swap3A_228, %swap3A_229, %swap3A_230], %swap3A_233 {strides = array<i32>} : memref<2x128x128xf32, #tpu.memory_space<vmem>>, vector<1x1x16xf32>,
        %get3A_234 = arith.constant 1 : i32
        %get3A_235 = arith.index_cast %get3A_234 : i32 to index
        %get3A_236 = arith.index_cast %scan3A_135 : i32 to index
        %get3A_237 = arith.constant 80 : index
        %get3A_238 = tpu.vector_load %arg9[%get3A_235, %get3A_236, %get3A_237] {strides = array<i32>} : memref<2x128x128xf32, #tpu.memory_space<vmem>>, vector<1x1x16xf32>,
        %get3A_239 = vector.shape_cast %get3A_238 : vector<1x1x16xf32> to vector<16xf32>
        %get3A_240 = arith.constant 1 : i32
        %get3A_241 = arith.index_cast %get3A_240 : i32 to index
        %get3A_242 = arith.index_cast %scan3A_135 : i32 to index
        %get3A_243 = arith.constant 80 : index
        %get3A_244 = tpu.vector_load %arg10[%get3A_241, %get3A_242, %get3A_243] {strides = array<i32>} : memref<2x128x128xf32, #tpu.memory_space<vmem>>, vector<1x1x16xf32>,
        %get3A_245 = vector.shape_cast %get3A_244 : vector<1x1x16xf32> to vector<16xf32>
        %add3A_246 = arith.addf %get3A_239, %get3A_245 : vector<16xf32>
        %swap3A_247 = arith.constant 1 : i32
        %swap3A_248 = arith.index_cast %swap3A_247 : i32 to index
        %swap3A_249 = arith.index_cast %scan3A_135 : i32 to index
        %swap3A_250 = arith.constant 80 : index
        %swap3A_251 = tpu.vector_load %arg9[%swap3A_248, %swap3A_249, %swap3A_250] {strides = array<i32>} : memref<2x128x128xf32, #tpu.memory_space<vmem>>, vector<1x1x16xf32>,
        %swap3A_252 = vector.shape_cast %swap3A_251 : vector<1x1x16xf32> to vector<16xf32>
        %swap3A_253 = vector.shape_cast %add3A_246 : vector<16xf32> to vector<1x1x16xf32>
        tpu.vector_store %arg9[%swap3A_248, %swap3A_249, %swap3A_250], %swap3A_253 {strides = array<i32>} : memref<2x128x128xf32, #tpu.memory_space<vmem>>, vector<1x1x16xf32>,
        %get3A_254 = arith.constant 1 : i32
        %get3A_255 = arith.index_cast %get3A_254 : i32 to index
        %get3A_256 = arith.index_cast %scan3A_135 : i32 to index
        %get3A_257 = arith.constant 96 : index
        %get3A_258 = tpu.vector_load %arg9[%get3A_255, %get3A_256, %get3A_257] {strides = array<i32>} : memref<2x128x128xf32, #tpu.memory_space<vmem>>, vector<1x1x16xf32>,
        %get3A_259 = vector.shape_cast %get3A_258 : vector<1x1x16xf32> to vector<16xf32>
        %get3A_260 = arith.constant 1 : i32
        %get3A_261 = arith.index_cast %get3A_260 : i32 to index
        %get3A_262 = arith.index_cast %scan3A_135 : i32 to index
        %get3A_263 = arith.constant 96 : index
        %get3A_264 = tpu.vector_load %arg10[%get3A_261, %get3A_262, %get3A_263] {strides = array<i32>} : memref<2x128x128xf32, #tpu.memory_space<vmem>>, vector<1x1x16xf32>,
        %get3A_265 = vector.shape_cast %get3A_264 : vector<1x1x16xf32> to vector<16xf32>
        %add3A_266 = arith.addf %get3A_259, %get3A_265 : vector<16xf32>
        %swap3A_267 = arith.constant 1 : i32
        %swap3A_268 = arith.index_cast %swap3A_267 : i32 to index
        %swap3A_269 = arith.index_cast %scan3A_135 : i32 to index
        %swap3A_270 = arith.constant 96 : index
        %swap3A_271 = tpu.vector_load %arg9[%swap3A_268, %swap3A_269, %swap3A_270] {strides = array<i32>} : memref<2x128x128xf32, #tpu.memory_space<vmem>>, vector<1x1x16xf32>,
        %swap3A_272 = vector.shape_cast %swap3A_271 : vector<1x1x16xf32> to vector<16xf32>
        %swap3A_273 = vector.shape_cast %add3A_266 : vector<16xf32> to vector<1x1x16xf32>
        tpu.vector_store %arg9[%swap3A_268, %swap3A_269, %swap3A_270], %swap3A_273 {strides = array<i32>} : memref<2x128x128xf32, #tpu.memory_space<vmem>>, vector<1x1x16xf32>,
        %get3A_274 = arith.constant 1 : i32
        %get3A_275 = arith.index_cast %get3A_274 : i32 to index
        %get3A_276 = arith.index_cast %scan3A_135 : i32 to index
        %get3A_277 = arith.constant 112 : index
        %get3A_278 = tpu.vector_load %arg9[%get3A_275, %get3A_276, %get3A_277] {strides = array<i32>} : memref<2x128x128xf32, #tpu.memory_space<vmem>>, vector<1x1x16xf32>,
        %get3A_279 = vector.shape_cast %get3A_278 : vector<1x1x16xf32> to vector<16xf32>
        %get3A_280 = arith.constant 1 : i32
        %get3A_281 = arith.index_cast %get3A_280 : i32 to index
        %get3A_282 = arith.index_cast %scan3A_135 : i32 to index
        %get3A_283 = arith.constant 112 : index
        %get3A_284 = tpu.vector_load %arg10[%get3A_281, %get3A_282, %get3A_283] {strides = array<i32>} : memref<2x128x128xf32, #tpu.memory_space<vmem>>, vector<1x1x16xf32>,
        %get3A_285 = vector.shape_cast %get3A_284 : vector<1x1x16xf32> to vector<16xf32>
        %add3A_286 = arith.addf %get3A_279, %get3A_285 : vector<16xf32>
        %swap3A_287 = arith.constant 1 : i32
        %swap3A_288 = arith.index_cast %swap3A_287 : i32 to index
        %swap3A_289 = arith.index_cast %scan3A_135 : i32 to index
        %swap3A_290 = arith.constant 112 : index
        %swap3A_291 = tpu.vector_load %arg9[%swap3A_288, %swap3A_289, %swap3A_290] {strides = array<i32>} : memref<2x128x128xf32, #tpu.memory_space<vmem>>, vector<1x1x16xf32>,
        %swap3A_292 = vector.shape_cast %swap3A_291 : vector<1x1x16xf32> to vector<16xf32>
        %swap3A_293 = vector.shape_cast %add3A_286 : vector<16xf32> to vector<1x1x16xf32>
        tpu.vector_store %arg9[%swap3A_288, %swap3A_289, %swap3A_290], %swap3A_293 {strides = array<i32>} : memref<2x128x128xf32, #tpu.memory_space<vmem>>, vector<1x1x16xf32>,
      }
      %scan3A_121 = arith.constant 128 : i32
      %mul3A_122 = arith.constant 4096 : i32
      %mul3A_123 = arith.muli %add3A_95, %mul3A_122 : i32
      %mul3A_124 = arith.constant 128 : i32
      %mul3A_125 = arith.muli %add3A, %mul3A_124 : i32
      %add3A_126 = arith.addi %mul3A_123, %mul3A_125 : i32
      %run_scoped3A_127 = arith.constant 1 : i32
      "tpu.region"() ({
        %run_scoped3A_135 = tpu.sem_alloc : memref<!tpu.dma_semaphore, #tpu.memory_space<semaphore_mem>>
        %dma_start3A_136 = arith.constant 0 : i32
        %dma_start3A_137 = arith.constant 0 : i32
        %dma_start3A_138 = tpu.memref_slice %arg9[%run_scoped3A_127, %dma_start3A_136, %dma_start3A_137] : memref<2x128x128xf32, #tpu.memory_space<vmem>> -> memref<1x128x128xf32, #tpu.memory_space<vmem>>
        %dma_start3A_139 = tpu.memref_squeeze %dma_start3A_138 : memref<1x128x128xf32, #tpu.memory_space<vmem>> -> memref<128x128xf32, #tpu.memory_space<vmem>>
        %dma_start3A_140 = arith.constant 0 : i32
        %dma_start3A_141 = tpu.memref_slice %arg6[%add3A_126, %dma_start3A_140] : memref<204800x128xf32, #tpu.memory_space<hbm>> -> memref<128x128xf32, #tpu.memory_space<hbm>>
        %dma_start3A_142 = arith.constant 0 : i32
        %dma_start3A_143 = tpu.memref_slice %arg6[%add3A_126, %dma_start3A_142] : memref<204800x128xf32, #tpu.memory_space<hbm>> -> memref<128x128xf32, #tpu.memory_space<hbm>>
        %dma_start3A_144 = arith.constant 0 : i32
        %dma_start3A_145 = arith.constant 0 : i32
        %dma_start3A_146 = tpu.memref_slice %arg9[%run_scoped3A_127, %dma_start3A_144, %dma_start3A_145] : memref<2x128x128xf32, #tpu.memory_space<vmem>> -> memref<1x128x128xf32, #tpu.memory_space<vmem>>
        %dma_start3A_147 = tpu.memref_squeeze %dma_start3A_146 : memref<1x128x128xf32, #tpu.memory_space<vmem>> -> memref<128x128xf32, #tpu.memory_space<vmem>>
        tpu.enqueue_dma source(%dma_start3A_147 : memref<128x128xf32, #tpu.memory_space<vmem>>) target(%dma_start3A_143 : memref<128x128xf32, #tpu.memory_space<hbm>>) target_semaphore(%run_scoped3A_135 : memref<!tpu.dma_semaphore, #tpu.memory_space<semaphore_mem>>)
        %dma_wait3A_148 = arith.constant 0 : i32
        %dma_wait3A_149 = arith.constant 0 : i32
        %dma_wait3A_150 = tpu.memref_slice %arg9[%run_scoped3A_127, %dma_wait3A_148, %dma_wait3A_149] : memref<2x128x128xf32, #tpu.memory_space<vmem>> -> memref<1x128x128xf32, #tpu.memory_space<vmem>>
        %dma_wait3A_151 = tpu.memref_squeeze %dma_wait3A_150 : memref<1x128x128xf32, #tpu.memory_space<vmem>> -> memref<128x128xf32, #tpu.memory_space<vmem>>
        %dma_wait3A_152 = arith.constant 0 : i32
        %dma_wait3A_153 = tpu.memref_slice %arg6[%add3A_126, %dma_wait3A_152] : memref<204800x128xf32, #tpu.memory_space<hbm>> -> memref<128x128xf32, #tpu.memory_space<hbm>>
        %dma_wait3A_154 = arith.constant 0 : i32
        %dma_wait3A_155 = tpu.memref_slice %arg6[%add3A_126, %dma_wait3A_154] : memref<204800x128xf32, #tpu.memory_space<hbm>> -> memref<128x128xf32, #tpu.memory_space<hbm>>
        %dma_wait3A_156 = arith.constant 0 : i32
        %dma_wait3A_157 = arith.constant 0 : i32
        %dma_wait3A_158 = tpu.memref_slice %arg9[%run_scoped3A_127, %dma_wait3A_156, %dma_wait3A_157] : memref<2x128x128xf32, #tpu.memory_space<vmem>> -> memref<1x128x128xf32, #tpu.memory_space<vmem>>
        %dma_wait3A_159 = tpu.memref_squeeze %dma_wait3A_158 : memref<1x128x128xf32, #tpu.memory_space<vmem>> -> memref<128x128xf32, #tpu.memory_space<vmem>>
        tpu.wait_dma2 semaphore(%run_scoped3A_135 : memref<!tpu.dma_semaphore, #tpu.memory_space<semaphore_mem>>) src(%dma_wait3A_159 : memref<128x128xf32, #tpu.memory_space<vmem>>) dst(%dma_wait3A_155 : memref<128x128xf32, #tpu.memory_space<hbm>>)
        tpu.yield
      }) : () -> ()
      %add3A_128 = arith.constant 2 : i32
      %add3A_129 = arith.addi %add3A_95, %add3A_128 : i32
      %lt3A_130 = arith.constant 50 : i32
      %lt3A_131 = arith.cmpi slt, %add3A_129, %lt3A_130 : i32
      %convert_element_type3A_132 = arith.extui %lt3A_131 : i1 to i32
      %cond3A_133 = arith.constant 0 : i32
      %cond3A_134 = arith.cmpi ne, %convert_element_type3A_132, %cond3A_133 : i32
      scf.if %cond3A_134 {
        %mul3A_135 = arith.constant 128 : i32
        %mul3A_136 = arith.muli %add3A_129, %mul3A_135 : i32
        %dma_start3A_137 = arith.constant 1 : i32
        %dma_start3A_138 = arith.constant 0 : i32
        %dma_start3A_139 = arith.constant 0 : i32
        %dma_start3A_140 = tpu.memref_slice %arg9[%dma_start3A_137, %dma_start3A_138, %dma_start3A_139] : memref<2x128x128xf32, #tpu.memory_space<vmem>> -> memref<1x128x128xf32, #tpu.memory_space<vmem>>
        %dma_start3A_141 = tpu.memref_squeeze %dma_start3A_140 : memref<1x128x128xf32, #tpu.memory_space<vmem>> -> memref<128x128xf32, #tpu.memory_space<vmem>>
        %dma_start3A_142 = tpu.memref_slice %arg7[%mul3A_136] : memref<6400xi32, #tpu.memory_space<vmem>> -> memref<128xi32, #tpu.memory_space<vmem>>
        %dma_start3A_143 = arith.constant 0 : i32
        %dma_start3A_144 = arith.constant 0 : i32
        %dma_start3A_145 = tpu.memref_slice %arg11[%dma_start3A_143, %dma_start3A_144] : memref<1000x128xf32, #tpu.memory_space<vmem_shared>> -> memref<1000x128xf32, #tpu.memory_space<vmem_shared>>
        tpu.enqueue_indirect_dma source(%dma_start3A_145 : memref<1000x128xf32, #tpu.memory_space<vmem_shared>>) target(%dma_start3A_141 : memref<128x128xf32, #tpu.memory_space<vmem>>) offsets(%dma_start3A_142 : memref<128xi32, #tpu.memory_space<vmem>>) semaphore(%arg14 : memref<!tpu.dma_semaphore, #tpu.memory_space<semaphore_mem>>)
        %dma_start3A_146 = arith.constant 1 : i32
        %dma_start3A_147 = arith.constant 0 : i32
        %dma_start3A_148 = arith.constant 0 : i32
        %dma_start3A_149 = tpu.memref_slice %arg10[%dma_start3A_146, %dma_start3A_147, %dma_start3A_148] : memref<2x128x128xf32, #tpu.memory_space<vmem>> -> memref<1x128x128xf32, #tpu.memory_space<vmem>>
        %dma_start3A_150 = tpu.memref_squeeze %dma_start3A_149 : memref<1x128x128xf32, #tpu.memory_space<vmem>> -> memref<128x128xf32, #tpu.memory_space<vmem>>
        %dma_start3A_151 = tpu.memref_slice %arg8[%mul3A_136] : memref<6400xi32, #tpu.memory_space<vmem>> -> memref<128xi32, #tpu.memory_space<vmem>>
        %dma_start3A_152 = arith.constant 0 : i32
        %dma_start3A_153 = arith.constant 0 : i32
        %dma_start3A_154 = tpu.memref_slice %arg12[%dma_start3A_152, %dma_start3A_153] : memref<1000x128xf32, #tpu.memory_space<vmem_shared>> -> memref<1000x128xf32, #tpu.memory_space<vmem_shared>>
        tpu.enqueue_indirect_dma source(%dma_start3A_154 : memref<1000x128xf32, #tpu.memory_space<vmem_shared>>) target(%dma_start3A_150 : memref<128x128xf32, #tpu.memory_space<vmem>>) offsets(%dma_start3A_151 : memref<128xi32, #tpu.memory_space<vmem>>) semaphore(%arg16 : memref<!tpu.dma_semaphore, #tpu.memory_space<semaphore_mem>>)
      } else {
      }
    }
    %scan3A_50 = arith.constant 25 : i32
    return
  }
}

#map = affine_map<(d0, d1) -> (0, 0)>
#map1 = affine_map<(d0, d1) -> (0)>
module attributes {stable_mosaic.version = 14 : i64} {
  func.func @_h_gather_body(%arg0: i32, %arg1: i32, %arg2: memref<1000000x64xf32, #tpu.memory_space<hbm>>, %arg3: memref<16384xi32, #tpu.memory_space<hbm>>, %arg4: memref<16384x64xf32, #tpu.memory_space<hbm>>, %arg5: memref<128xi32, #tpu.memory_space<vmem>>, %arg6: memref<128x64xf32, #tpu.memory_space<vmem>>, %arg7: memref<!tpu.dma_semaphore, #tpu.memory_space<semaphore_mem>>) attributes {dimension_semantics = [#tpu.dimension_semantics<core_parallel>, #tpu.dimension_semantics<subcore_parallel>], iteration_bounds = array<i64: 2, 16>, scalar_prefetch = 0 : i64, scratch_operands = 3 : i64, tpu.core_type = #tpu.core_type<sc_vector_subcore>, window_params = [{transform_indices = #map}, {transform_indices = #map1}, {transform_indices = #map}]} {
    %mul3A = arith.constant 2 : i32
    %mul3A_0 = arith.muli %arg1, %mul3A : i32
    %add3A = arith.addi %mul3A_0, %arg0 : i32
    %mul3A_1 = arith.constant 512 : i32
    %mul3A_2 = arith.muli %add3A, %mul3A_1 : i32
    %add3A_3 = arith.constant 0 : i32
    %add3A_4 = arith.addi %mul3A_2, %add3A_3 : i32
    "tpu.region"() ({
      %run_scoped3A = tpu.sem_alloc : memref<!tpu.dma_semaphore, #tpu.memory_space<semaphore_mem>>
      %dma_start3A_33 = tpu.memref_slice %arg3[%add3A_4] : memref<16384xi32, #tpu.memory_space<hbm>> -> memref<128xi32, #tpu.memory_space<hbm>>
      %dma_start3A_34 = tpu.memref_slice %arg3[%add3A_4] : memref<16384xi32, #tpu.memory_space<hbm>> -> memref<128xi32, #tpu.memory_space<hbm>>
      tpu.enqueue_dma source(%dma_start3A_34 : memref<128xi32, #tpu.memory_space<hbm>>) target(%arg5 : memref<128xi32, #tpu.memory_space<vmem>>) target_semaphore(%run_scoped3A : memref<!tpu.dma_semaphore, #tpu.memory_space<semaphore_mem>>)
      %dma_wait3A_35 = tpu.memref_slice %arg3[%add3A_4] : memref<16384xi32, #tpu.memory_space<hbm>> -> memref<128xi32, #tpu.memory_space<hbm>>
      %dma_wait3A_36 = tpu.memref_slice %arg3[%add3A_4] : memref<16384xi32, #tpu.memory_space<hbm>> -> memref<128xi32, #tpu.memory_space<hbm>>
      tpu.wait_dma2 semaphore(%run_scoped3A : memref<!tpu.dma_semaphore, #tpu.memory_space<semaphore_mem>>) src(%dma_wait3A_36 : memref<128xi32, #tpu.memory_space<hbm>>) dst(%arg5 : memref<128xi32, #tpu.memory_space<vmem>>)
      tpu.yield
    }) : () -> ()
    %dma_start3A = arith.constant 0 : i32
    %dma_start3A_5 = arith.constant 0 : i32
    %dma_start3A_6 = tpu.memref_slice %arg2[%dma_start3A, %dma_start3A_5] : memref<1000000x64xf32, #tpu.memory_space<hbm>> -> memref<1000000x64xf32, #tpu.memory_space<hbm>>
    tpu.enqueue_indirect_dma source(%dma_start3A_6 : memref<1000000x64xf32, #tpu.memory_space<hbm>>) target(%arg6 : memref<128x64xf32, #tpu.memory_space<vmem>>) offsets(%arg5 : memref<128xi32, #tpu.memory_space<vmem>>) semaphore(%arg7 : memref<!tpu.dma_semaphore, #tpu.memory_space<semaphore_mem>>)
    %dma_wait3A = arith.constant 0 : i32
    %dma_wait3A_7 = arith.constant 0 : i32
    %dma_wait3A_8 = tpu.memref_slice %arg2[%dma_wait3A, %dma_wait3A_7] : memref<1000000x64xf32, #tpu.memory_space<hbm>> -> memref<1000000x64xf32, #tpu.memory_space<hbm>>
    tpu.wait_indirect_dma semaphore(%arg7 : memref<!tpu.dma_semaphore, #tpu.memory_space<semaphore_mem>>) src(%dma_wait3A_8 : memref<1000000x64xf32, #tpu.memory_space<hbm>>) dst(%arg6 : memref<128x64xf32, #tpu.memory_space<vmem>>)
    "tpu.region"() ({
      %run_scoped3A = tpu.sem_alloc : memref<!tpu.dma_semaphore, #tpu.memory_space<semaphore_mem>>
      %dma_start3A_33 = arith.constant 0 : i32
      %dma_start3A_34 = tpu.memref_slice %arg4[%add3A_4, %dma_start3A_33] : memref<16384x64xf32, #tpu.memory_space<hbm>> -> memref<128x64xf32, #tpu.memory_space<hbm>>
      %dma_start3A_35 = arith.constant 0 : i32
      %dma_start3A_36 = tpu.memref_slice %arg4[%add3A_4, %dma_start3A_35] : memref<16384x64xf32, #tpu.memory_space<hbm>> -> memref<128x64xf32, #tpu.memory_space<hbm>>
      tpu.enqueue_dma source(%arg6 : memref<128x64xf32, #tpu.memory_space<vmem>>) target(%dma_start3A_36 : memref<128x64xf32, #tpu.memory_space<hbm>>) target_semaphore(%run_scoped3A : memref<!tpu.dma_semaphore, #tpu.memory_space<semaphore_mem>>)
      %dma_wait3A_37 = arith.constant 0 : i32
      %dma_wait3A_38 = tpu.memref_slice %arg4[%add3A_4, %dma_wait3A_37] : memref<16384x64xf32, #tpu.memory_space<hbm>> -> memref<128x64xf32, #tpu.memory_space<hbm>>
      %dma_wait3A_39 = arith.constant 0 : i32
      %dma_wait3A_40 = tpu.memref_slice %arg4[%add3A_4, %dma_wait3A_39] : memref<16384x64xf32, #tpu.memory_space<hbm>> -> memref<128x64xf32, #tpu.memory_space<hbm>>
      tpu.wait_dma2 semaphore(%run_scoped3A : memref<!tpu.dma_semaphore, #tpu.memory_space<semaphore_mem>>) src(%arg6 : memref<128x64xf32, #tpu.memory_space<vmem>>) dst(%dma_wait3A_40 : memref<128x64xf32, #tpu.memory_space<hbm>>)
      tpu.yield
    }) : () -> ()
    %add3A_9 = arith.constant 128 : i32
    %add3A_10 = arith.addi %mul3A_2, %add3A_9 : i32
    "tpu.region"() ({
      %run_scoped3A = tpu.sem_alloc : memref<!tpu.dma_semaphore, #tpu.memory_space<semaphore_mem>>
      %dma_start3A_33 = tpu.memref_slice %arg3[%add3A_10] : memref<16384xi32, #tpu.memory_space<hbm>> -> memref<128xi32, #tpu.memory_space<hbm>>
      %dma_start3A_34 = tpu.memref_slice %arg3[%add3A_10] : memref<16384xi32, #tpu.memory_space<hbm>> -> memref<128xi32, #tpu.memory_space<hbm>>
      tpu.enqueue_dma source(%dma_start3A_34 : memref<128xi32, #tpu.memory_space<hbm>>) target(%arg5 : memref<128xi32, #tpu.memory_space<vmem>>) target_semaphore(%run_scoped3A : memref<!tpu.dma_semaphore, #tpu.memory_space<semaphore_mem>>)
      %dma_wait3A_35 = tpu.memref_slice %arg3[%add3A_10] : memref<16384xi32, #tpu.memory_space<hbm>> -> memref<128xi32, #tpu.memory_space<hbm>>
      %dma_wait3A_36 = tpu.memref_slice %arg3[%add3A_10] : memref<16384xi32, #tpu.memory_space<hbm>> -> memref<128xi32, #tpu.memory_space<hbm>>
      tpu.wait_dma2 semaphore(%run_scoped3A : memref<!tpu.dma_semaphore, #tpu.memory_space<semaphore_mem>>) src(%dma_wait3A_36 : memref<128xi32, #tpu.memory_space<hbm>>) dst(%arg5 : memref<128xi32, #tpu.memory_space<vmem>>)
      tpu.yield
    }) : () -> ()
    %dma_start3A_11 = arith.constant 0 : i32
    %dma_start3A_12 = arith.constant 0 : i32
    %dma_start3A_13 = tpu.memref_slice %arg2[%dma_start3A_11, %dma_start3A_12] : memref<1000000x64xf32, #tpu.memory_space<hbm>> -> memref<1000000x64xf32, #tpu.memory_space<hbm>>
    tpu.enqueue_indirect_dma source(%dma_start3A_13 : memref<1000000x64xf32, #tpu.memory_space<hbm>>) target(%arg6 : memref<128x64xf32, #tpu.memory_space<vmem>>) offsets(%arg5 : memref<128xi32, #tpu.memory_space<vmem>>) semaphore(%arg7 : memref<!tpu.dma_semaphore, #tpu.memory_space<semaphore_mem>>)
    %dma_wait3A_14 = arith.constant 0 : i32
    %dma_wait3A_15 = arith.constant 0 : i32
    %dma_wait3A_16 = tpu.memref_slice %arg2[%dma_wait3A_14, %dma_wait3A_15] : memref<1000000x64xf32, #tpu.memory_space<hbm>> -> memref<1000000x64xf32, #tpu.memory_space<hbm>>
    tpu.wait_indirect_dma semaphore(%arg7 : memref<!tpu.dma_semaphore, #tpu.memory_space<semaphore_mem>>) src(%dma_wait3A_16 : memref<1000000x64xf32, #tpu.memory_space<hbm>>) dst(%arg6 : memref<128x64xf32, #tpu.memory_space<vmem>>)
    "tpu.region"() ({
      %run_scoped3A = tpu.sem_alloc : memref<!tpu.dma_semaphore, #tpu.memory_space<semaphore_mem>>
      %dma_start3A_33 = arith.constant 0 : i32
      %dma_start3A_34 = tpu.memref_slice %arg4[%add3A_10, %dma_start3A_33] : memref<16384x64xf32, #tpu.memory_space<hbm>> -> memref<128x64xf32, #tpu.memory_space<hbm>>
      %dma_start3A_35 = arith.constant 0 : i32
      %dma_start3A_36 = tpu.memref_slice %arg4[%add3A_10, %dma_start3A_35] : memref<16384x64xf32, #tpu.memory_space<hbm>> -> memref<128x64xf32, #tpu.memory_space<hbm>>
      tpu.enqueue_dma source(%arg6 : memref<128x64xf32, #tpu.memory_space<vmem>>) target(%dma_start3A_36 : memref<128x64xf32, #tpu.memory_space<hbm>>) target_semaphore(%run_scoped3A : memref<!tpu.dma_semaphore, #tpu.memory_space<semaphore_mem>>)
      %dma_wait3A_37 = arith.constant 0 : i32
      %dma_wait3A_38 = tpu.memref_slice %arg4[%add3A_10, %dma_wait3A_37] : memref<16384x64xf32, #tpu.memory_space<hbm>> -> memref<128x64xf32, #tpu.memory_space<hbm>>
      %dma_wait3A_39 = arith.constant 0 : i32
      %dma_wait3A_40 = tpu.memref_slice %arg4[%add3A_10, %dma_wait3A_39] : memref<16384x64xf32, #tpu.memory_space<hbm>> -> memref<128x64xf32, #tpu.memory_space<hbm>>
      tpu.wait_dma2 semaphore(%run_scoped3A : memref<!tpu.dma_semaphore, #tpu.memory_space<semaphore_mem>>) src(%arg6 : memref<128x64xf32, #tpu.memory_space<vmem>>) dst(%dma_wait3A_40 : memref<128x64xf32, #tpu.memory_space<hbm>>)
      tpu.yield
    }) : () -> ()
    %add3A_17 = arith.constant 256 : i32
    %add3A_18 = arith.addi %mul3A_2, %add3A_17 : i32
    "tpu.region"() ({
      %run_scoped3A = tpu.sem_alloc : memref<!tpu.dma_semaphore, #tpu.memory_space<semaphore_mem>>
      %dma_start3A_33 = tpu.memref_slice %arg3[%add3A_18] : memref<16384xi32, #tpu.memory_space<hbm>> -> memref<128xi32, #tpu.memory_space<hbm>>
      %dma_start3A_34 = tpu.memref_slice %arg3[%add3A_18] : memref<16384xi32, #tpu.memory_space<hbm>> -> memref<128xi32, #tpu.memory_space<hbm>>
      tpu.enqueue_dma source(%dma_start3A_34 : memref<128xi32, #tpu.memory_space<hbm>>) target(%arg5 : memref<128xi32, #tpu.memory_space<vmem>>) target_semaphore(%run_scoped3A : memref<!tpu.dma_semaphore, #tpu.memory_space<semaphore_mem>>)
      %dma_wait3A_35 = tpu.memref_slice %arg3[%add3A_18] : memref<16384xi32, #tpu.memory_space<hbm>> -> memref<128xi32, #tpu.memory_space<hbm>>
      %dma_wait3A_36 = tpu.memref_slice %arg3[%add3A_18] : memref<16384xi32, #tpu.memory_space<hbm>> -> memref<128xi32, #tpu.memory_space<hbm>>
      tpu.wait_dma2 semaphore(%run_scoped3A : memref<!tpu.dma_semaphore, #tpu.memory_space<semaphore_mem>>) src(%dma_wait3A_36 : memref<128xi32, #tpu.memory_space<hbm>>) dst(%arg5 : memref<128xi32, #tpu.memory_space<vmem>>)
      tpu.yield
    }) : () -> ()
    %dma_start3A_19 = arith.constant 0 : i32
    %dma_start3A_20 = arith.constant 0 : i32
    %dma_start3A_21 = tpu.memref_slice %arg2[%dma_start3A_19, %dma_start3A_20] : memref<1000000x64xf32, #tpu.memory_space<hbm>> -> memref<1000000x64xf32, #tpu.memory_space<hbm>>
    tpu.enqueue_indirect_dma source(%dma_start3A_21 : memref<1000000x64xf32, #tpu.memory_space<hbm>>) target(%arg6 : memref<128x64xf32, #tpu.memory_space<vmem>>) offsets(%arg5 : memref<128xi32, #tpu.memory_space<vmem>>) semaphore(%arg7 : memref<!tpu.dma_semaphore, #tpu.memory_space<semaphore_mem>>)
    %dma_wait3A_22 = arith.constant 0 : i32
    %dma_wait3A_23 = arith.constant 0 : i32
    %dma_wait3A_24 = tpu.memref_slice %arg2[%dma_wait3A_22, %dma_wait3A_23] : memref<1000000x64xf32, #tpu.memory_space<hbm>> -> memref<1000000x64xf32, #tpu.memory_space<hbm>>
    tpu.wait_indirect_dma semaphore(%arg7 : memref<!tpu.dma_semaphore, #tpu.memory_space<semaphore_mem>>) src(%dma_wait3A_24 : memref<1000000x64xf32, #tpu.memory_space<hbm>>) dst(%arg6 : memref<128x64xf32, #tpu.memory_space<vmem>>)
    "tpu.region"() ({
      %run_scoped3A = tpu.sem_alloc : memref<!tpu.dma_semaphore, #tpu.memory_space<semaphore_mem>>
      %dma_start3A_33 = arith.constant 0 : i32
      %dma_start3A_34 = tpu.memref_slice %arg4[%add3A_18, %dma_start3A_33] : memref<16384x64xf32, #tpu.memory_space<hbm>> -> memref<128x64xf32, #tpu.memory_space<hbm>>
      %dma_start3A_35 = arith.constant 0 : i32
      %dma_start3A_36 = tpu.memref_slice %arg4[%add3A_18, %dma_start3A_35] : memref<16384x64xf32, #tpu.memory_space<hbm>> -> memref<128x64xf32, #tpu.memory_space<hbm>>
      tpu.enqueue_dma source(%arg6 : memref<128x64xf32, #tpu.memory_space<vmem>>) target(%dma_start3A_36 : memref<128x64xf32, #tpu.memory_space<hbm>>) target_semaphore(%run_scoped3A : memref<!tpu.dma_semaphore, #tpu.memory_space<semaphore_mem>>)
      %dma_wait3A_37 = arith.constant 0 : i32
      %dma_wait3A_38 = tpu.memref_slice %arg4[%add3A_18, %dma_wait3A_37] : memref<16384x64xf32, #tpu.memory_space<hbm>> -> memref<128x64xf32, #tpu.memory_space<hbm>>
      %dma_wait3A_39 = arith.constant 0 : i32
      %dma_wait3A_40 = tpu.memref_slice %arg4[%add3A_18, %dma_wait3A_39] : memref<16384x64xf32, #tpu.memory_space<hbm>> -> memref<128x64xf32, #tpu.memory_space<hbm>>
      tpu.wait_dma2 semaphore(%run_scoped3A : memref<!tpu.dma_semaphore, #tpu.memory_space<semaphore_mem>>) src(%arg6 : memref<128x64xf32, #tpu.memory_space<vmem>>) dst(%dma_wait3A_40 : memref<128x64xf32, #tpu.memory_space<hbm>>)
      tpu.yield
    }) : () -> ()
    %add3A_25 = arith.constant 384 : i32
    %add3A_26 = arith.addi %mul3A_2, %add3A_25 : i32
    "tpu.region"() ({
      %run_scoped3A = tpu.sem_alloc : memref<!tpu.dma_semaphore, #tpu.memory_space<semaphore_mem>>
      %dma_start3A_33 = tpu.memref_slice %arg3[%add3A_26] : memref<16384xi32, #tpu.memory_space<hbm>> -> memref<128xi32, #tpu.memory_space<hbm>>
      %dma_start3A_34 = tpu.memref_slice %arg3[%add3A_26] : memref<16384xi32, #tpu.memory_space<hbm>> -> memref<128xi32, #tpu.memory_space<hbm>>
      tpu.enqueue_dma source(%dma_start3A_34 : memref<128xi32, #tpu.memory_space<hbm>>) target(%arg5 : memref<128xi32, #tpu.memory_space<vmem>>) target_semaphore(%run_scoped3A : memref<!tpu.dma_semaphore, #tpu.memory_space<semaphore_mem>>)
      %dma_wait3A_35 = tpu.memref_slice %arg3[%add3A_26] : memref<16384xi32, #tpu.memory_space<hbm>> -> memref<128xi32, #tpu.memory_space<hbm>>
      %dma_wait3A_36 = tpu.memref_slice %arg3[%add3A_26] : memref<16384xi32, #tpu.memory_space<hbm>> -> memref<128xi32, #tpu.memory_space<hbm>>
      tpu.wait_dma2 semaphore(%run_scoped3A : memref<!tpu.dma_semaphore, #tpu.memory_space<semaphore_mem>>) src(%dma_wait3A_36 : memref<128xi32, #tpu.memory_space<hbm>>) dst(%arg5 : memref<128xi32, #tpu.memory_space<vmem>>)
      tpu.yield
    }) : () -> ()
    %dma_start3A_27 = arith.constant 0 : i32
    %dma_start3A_28 = arith.constant 0 : i32
    %dma_start3A_29 = tpu.memref_slice %arg2[%dma_start3A_27, %dma_start3A_28] : memref<1000000x64xf32, #tpu.memory_space<hbm>> -> memref<1000000x64xf32, #tpu.memory_space<hbm>>
    tpu.enqueue_indirect_dma source(%dma_start3A_29 : memref<1000000x64xf32, #tpu.memory_space<hbm>>) target(%arg6 : memref<128x64xf32, #tpu.memory_space<vmem>>) offsets(%arg5 : memref<128xi32, #tpu.memory_space<vmem>>) semaphore(%arg7 : memref<!tpu.dma_semaphore, #tpu.memory_space<semaphore_mem>>)
    %dma_wait3A_30 = arith.constant 0 : i32
    %dma_wait3A_31 = arith.constant 0 : i32
    %dma_wait3A_32 = tpu.memref_slice %arg2[%dma_wait3A_30, %dma_wait3A_31] : memref<1000000x64xf32, #tpu.memory_space<hbm>> -> memref<1000000x64xf32, #tpu.memory_space<hbm>>
    tpu.wait_indirect_dma semaphore(%arg7 : memref<!tpu.dma_semaphore, #tpu.memory_space<semaphore_mem>>) src(%dma_wait3A_32 : memref<1000000x64xf32, #tpu.memory_space<hbm>>) dst(%arg6 : memref<128x64xf32, #tpu.memory_space<vmem>>)
    "tpu.region"() ({
      %run_scoped3A = tpu.sem_alloc : memref<!tpu.dma_semaphore, #tpu.memory_space<semaphore_mem>>
      %dma_start3A_33 = arith.constant 0 : i32
      %dma_start3A_34 = tpu.memref_slice %arg4[%add3A_26, %dma_start3A_33] : memref<16384x64xf32, #tpu.memory_space<hbm>> -> memref<128x64xf32, #tpu.memory_space<hbm>>
      %dma_start3A_35 = arith.constant 0 : i32
      %dma_start3A_36 = tpu.memref_slice %arg4[%add3A_26, %dma_start3A_35] : memref<16384x64xf32, #tpu.memory_space<hbm>> -> memref<128x64xf32, #tpu.memory_space<hbm>>
      tpu.enqueue_dma source(%arg6 : memref<128x64xf32, #tpu.memory_space<vmem>>) target(%dma_start3A_36 : memref<128x64xf32, #tpu.memory_space<hbm>>) target_semaphore(%run_scoped3A : memref<!tpu.dma_semaphore, #tpu.memory_space<semaphore_mem>>)
      %dma_wait3A_37 = arith.constant 0 : i32
      %dma_wait3A_38 = tpu.memref_slice %arg4[%add3A_26, %dma_wait3A_37] : memref<16384x64xf32, #tpu.memory_space<hbm>> -> memref<128x64xf32, #tpu.memory_space<hbm>>
      %dma_wait3A_39 = arith.constant 0 : i32
      %dma_wait3A_40 = tpu.memref_slice %arg4[%add3A_26, %dma_wait3A_39] : memref<16384x64xf32, #tpu.memory_space<hbm>> -> memref<128x64xf32, #tpu.memory_space<hbm>>
      tpu.wait_dma2 semaphore(%run_scoped3A : memref<!tpu.dma_semaphore, #tpu.memory_space<semaphore_mem>>) src(%arg6 : memref<128x64xf32, #tpu.memory_space<vmem>>) dst(%dma_wait3A_40 : memref<128x64xf32, #tpu.memory_space<hbm>>)
      tpu.yield
    }) : () -> ()
    return
  }
}

#map = affine_map<(d0, d1) -> (0, 0)>
#map1 = affine_map<(d0, d1) -> (0)>
module attributes {stable_mosaic.version = 14 : i64} {
  func.func @_g_gather_body(%arg0: i32, %arg1: i32, %arg2: memref<1000x128xf32, #tpu.memory_space<hbm>>, %arg3: memref<1000x128xf32, #tpu.memory_space<hbm>>, %arg4: memref<204800xi32, #tpu.memory_space<hbm>>, %arg5: memref<204800xi32, #tpu.memory_space<hbm>>, %arg6: memref<204800x128xf32, #tpu.memory_space<hbm>>, %arg7: memref<6400xi32, #tpu.memory_space<vmem>>, %arg8: memref<6400xi32, #tpu.memory_space<vmem>>, %arg9: memref<2x128x128xf32, #tpu.memory_space<vmem>>, %arg10: memref<2x128x128xf32, #tpu.memory_space<vmem>>, %arg11: memref<1000x128xf32, #tpu.memory_space<vmem_shared>>, %arg12: memref<1000x128xf32, #tpu.memory_space<vmem_shared>>, %arg13: memref<!tpu.dma_semaphore, #tpu.memory_space<semaphore_mem>>, %arg14: memref<!tpu.dma_semaphore, #tpu.memory_space<semaphore_mem>>, %arg15: memref<!tpu.dma_semaphore, #tpu.memory_space<semaphore_mem>>, %arg16: memref<!tpu.dma_semaphore, #tpu.memory_space<semaphore_mem>>) attributes {dimension_semantics = [#tpu.dimension_semantics<core_parallel>, #tpu.dimension_semantics<subcore_parallel>], iteration_bounds = array<i64: 2, 16>, scalar_prefetch = 0 : i64, scratch_operands = 10 : i64, tpu.core_type = #tpu.core_type<sc_vector_subcore>, window_params = [{transform_indices = #map}, {transform_indices = #map}, {transform_indices = #map1}, {transform_indices = #map1}, {transform_indices = #map}]} {
    %mul3A = arith.constant 2 : i32
    %mul3A_0 = arith.muli %arg1, %mul3A : i32
    %add3A = arith.addi %mul3A_0, %arg0 : i32
    %eq3A = arith.constant 0 : i32
    %eq3A_1 = arith.cmpi eq, %arg1, %eq3A : i32
    %convert_element_type3A = arith.extui %eq3A_1 : i1 to i32
    %cond3A = arith.constant 0 : i32
    %cond3A_2 = arith.cmpi ne, %convert_element_type3A, %cond3A : i32
    scf.if %cond3A_2 {
      "tpu.region"() ({
        %run_scoped3A = tpu.sem_alloc : memref<!tpu.dma_semaphore, #tpu.memory_space<semaphore_mem>>
        tpu.enqueue_dma source(%arg2 : memref<1000x128xf32, #tpu.memory_space<hbm>>) target(%arg11 : memref<1000x128xf32, #tpu.memory_space<vmem_shared>>) target_semaphore(%run_scoped3A : memref<!tpu.dma_semaphore, #tpu.memory_space<semaphore_mem>>)
        tpu.wait_dma2 semaphore(%run_scoped3A : memref<!tpu.dma_semaphore, #tpu.memory_space<semaphore_mem>>) src(%arg2 : memref<1000x128xf32, #tpu.memory_space<hbm>>) dst(%arg11 : memref<1000x128xf32, #tpu.memory_space<vmem_shared>>)
        tpu.yield
      }) : () -> ()
      "tpu.region"() ({
        %run_scoped3A = tpu.sem_alloc : memref<!tpu.dma_semaphore, #tpu.memory_space<semaphore_mem>>
        tpu.enqueue_dma source(%arg3 : memref<1000x128xf32, #tpu.memory_space<hbm>>) target(%arg12 : memref<1000x128xf32, #tpu.memory_space<vmem_shared>>) target_semaphore(%run_scoped3A : memref<!tpu.dma_semaphore, #tpu.memory_space<semaphore_mem>>)
        tpu.wait_dma2 semaphore(%run_scoped3A : memref<!tpu.dma_semaphore, #tpu.memory_space<semaphore_mem>>) src(%arg3 : memref<1000x128xf32, #tpu.memory_space<hbm>>) dst(%arg12 : memref<1000x128xf32, #tpu.memory_space<vmem_shared>>)
        tpu.yield
      }) : () -> ()
    } else {
    }
    %barrier3A = arith.constant 0 : index
    tpu.barrier barrier_id(%barrier3A)
    %mul3A_3 = arith.constant 6400 : i32
    %mul3A_4 = arith.muli %add3A, %mul3A_3 : i32
    "tpu.region"() ({
      %run_scoped3A = tpu.sem_alloc : memref<!tpu.dma_semaphore, #tpu.memory_space<semaphore_mem>>
      %dma_start3A_51 = tpu.memref_slice %arg4[%mul3A_4] : memref<204800xi32, #tpu.memory_space<hbm>> -> memref<6400xi32, #tpu.memory_space<hbm>>
      %dma_start3A_52 = tpu.memref_slice %arg4[%mul3A_4] : memref<204800xi32, #tpu.memory_space<hbm>> -> memref<6400xi32, #tpu.memory_space<hbm>>
      tpu.enqueue_dma source(%dma_start3A_52 : memref<6400xi32, #tpu.memory_space<hbm>>) target(%arg7 : memref<6400xi32, #tpu.memory_space<vmem>>) target_semaphore(%run_scoped3A : memref<!tpu.dma_semaphore, #tpu.memory_space<semaphore_mem>>)
      %dma_wait3A = tpu.memref_slice %arg4[%mul3A_4] : memref<204800xi32, #tpu.memory_space<hbm>> -> memref<6400xi32, #tpu.memory_space<hbm>>
      %dma_wait3A_53 = tpu.memref_slice %arg4[%mul3A_4] : memref<204800xi32, #tpu.memory_space<hbm>> -> memref<6400xi32, #tpu.memory_space<hbm>>
      tpu.wait_dma2 semaphore(%run_scoped3A : memref<!tpu.dma_semaphore, #tpu.memory_space<semaphore_mem>>) src(%dma_wait3A_53 : memref<6400xi32, #tpu.memory_space<hbm>>) dst(%arg7 : memref<6400xi32, #tpu.memory_space<vmem>>)
      tpu.yield
    }) : () -> ()
    %mul3A_5 = arith.constant 6400 : i32
    %mul3A_6 = arith.muli %add3A, %mul3A_5 : i32
    "tpu.region"() ({
      %run_scoped3A = tpu.sem_alloc : memref<!tpu.dma_semaphore, #tpu.memory_space<semaphore_mem>>
      %dma_start3A_51 = tpu.memref_slice %arg5[%mul3A_6] : memref<204800xi32, #tpu.memory_space<hbm>> -> memref<6400xi32, #tpu.memory_space<hbm>>
      %dma_start3A_52 = tpu.memref_slice %arg5[%mul3A_6] : memref<204800xi32, #tpu.memory_space<hbm>> -> memref<6400xi32, #tpu.memory_space<hbm>>
      tpu.enqueue_dma source(%dma_start3A_52 : memref<6400xi32, #tpu.memory_space<hbm>>) target(%arg8 : memref<6400xi32, #tpu.memory_space<vmem>>) target_semaphore(%run_scoped3A : memref<!tpu.dma_semaphore, #tpu.memory_space<semaphore_mem>>)
      %dma_wait3A = tpu.memref_slice %arg5[%mul3A_6] : memref<204800xi32, #tpu.memory_space<hbm>> -> memref<6400xi32, #tpu.memory_space<hbm>>
      %dma_wait3A_53 = tpu.memref_slice %arg5[%mul3A_6] : memref<204800xi32, #tpu.memory_space<hbm>> -> memref<6400xi32, #tpu.memory_space<hbm>>
      tpu.wait_dma2 semaphore(%run_scoped3A : memref<!tpu.dma_semaphore, #tpu.memory_space<semaphore_mem>>) src(%dma_wait3A_53 : memref<6400xi32, #tpu.memory_space<hbm>>) dst(%arg8 : memref<6400xi32, #tpu.memory_space<vmem>>)
      tpu.yield
    }) : () -> ()
    %dma_start3A = arith.constant 0 : i32
    %dma_start3A_7 = arith.constant 0 : i32
    %dma_start3A_8 = arith.constant 0 : i32
    %dma_start3A_9 = tpu.memref_slice %arg9[%dma_start3A, %dma_start3A_7, %dma_start3A_8] : memref<2x128x128xf32, #tpu.memory_space<vmem>> -> memref<1x128x128xf32, #tpu.memory_space<vmem>>
    %dma_start3A_10 = tpu.memref_squeeze %dma_start3A_9 : memref<1x128x128xf32, #tpu.memory_space<vmem>> -> memref<128x128xf32, #tpu.memory_space<vmem>>
    %dma_start3A_11 = arith.constant 0 : i32
    %dma_start3A_12 = tpu.memref_slice %arg7[%dma_start3A_11] : memref<6400xi32, #tpu.memory_space<vmem>> -> memref<128xi32, #tpu.memory_space<vmem>>
    %dma_start3A_13 = arith.constant 0 : i32
    %dma_start3A_14 = arith.constant 0 : i32
    %dma_start3A_15 = tpu.memref_slice %arg11[%dma_start3A_13, %dma_start3A_14] : memref<1000x128xf32, #tpu.memory_space<vmem_shared>> -> memref<1000x128xf32, #tpu.memory_space<vmem_shared>>
    tpu.enqueue_indirect_dma source(%dma_start3A_15 : memref<1000x128xf32, #tpu.memory_space<vmem_shared>>) target(%dma_start3A_10 : memref<128x128xf32, #tpu.memory_space<vmem>>) offsets(%dma_start3A_12 : memref<128xi32, #tpu.memory_space<vmem>>) semaphore(%arg13 : memref<!tpu.dma_semaphore, #tpu.memory_space<semaphore_mem>>)
    %dma_start3A_16 = arith.constant 0 : i32
    %dma_start3A_17 = arith.constant 0 : i32
    %dma_start3A_18 = arith.constant 0 : i32
    %dma_start3A_19 = tpu.memref_slice %arg10[%dma_start3A_16, %dma_start3A_17, %dma_start3A_18] : memref<2x128x128xf32, #tpu.memory_space<vmem>> -> memref<1x128x128xf32, #tpu.memory_space<vmem>>
    %dma_start3A_20 = tpu.memref_squeeze %dma_start3A_19 : memref<1x128x128xf32, #tpu.memory_space<vmem>> -> memref<128x128xf32, #tpu.memory_space<vmem>>
    %dma_start3A_21 = arith.constant 0 : i32
    %dma_start3A_22 = tpu.memref_slice %arg8[%dma_start3A_21] : memref<6400xi32, #tpu.memory_space<vmem>> -> memref<128xi32, #tpu.memory_space<vmem>>
    %dma_start3A_23 = arith.constant 0 : i32
    %dma_start3A_24 = arith.constant 0 : i32
    %dma_start3A_25 = tpu.memref_slice %arg12[%dma_start3A_23, %dma_start3A_24] : memref<1000x128xf32, #tpu.memory_space<vmem_shared>> -> memref<1000x128xf32, #tpu.memory_space<vmem_shared>>
    tpu.enqueue_indirect_dma source(%dma_start3A_25 : memref<1000x128xf32, #tpu.memory_space<vmem_shared>>) target(%dma_start3A_20 : memref<128x128xf32, #tpu.memory_space<vmem>>) offsets(%dma_start3A_22 : memref<128xi32, #tpu.memory_space<vmem>>) semaphore(%arg15 : memref<!tpu.dma_semaphore, #tpu.memory_space<semaphore_mem>>)
    %dma_start3A_26 = arith.constant 1 : i32
    %dma_start3A_27 = arith.constant 0 : i32
    %dma_start3A_28 = arith.constant 0 : i32
    %dma_start3A_29 = tpu.memref_slice %arg9[%dma_start3A_26, %dma_start3A_27, %dma_start3A_28] : memref<2x128x128xf32, #tpu.memory_space<vmem>> -> memref<1x128x128xf32, #tpu.memory_space<vmem>>
    %dma_start3A_30 = tpu.memref_squeeze %dma_start3A_29 : memref<1x128x128xf32, #tpu.memory_space<vmem>> -> memref<128x128xf32, #tpu.memory_space<vmem>>
    %dma_start3A_31 = arith.constant 128 : i32
    %dma_start3A_32 = tpu.memref_slice %arg7[%dma_start3A_31] : memref<6400xi32, #tpu.memory_space<vmem>> -> memref<128xi32, #tpu.memory_space<vmem>>
    %dma_start3A_33 = arith.constant 0 : i32
    %dma_start3A_34 = arith.constant 0 : i32
    %dma_start3A_35 = tpu.memref_slice %arg11[%dma_start3A_33, %dma_start3A_34] : memref<1000x128xf32, #tpu.memory_space<vmem_shared>> -> memref<1000x128xf32, #tpu.memory_space<vmem_shared>>
    tpu.enqueue_indirect_dma source(%dma_start3A_35 : memref<1000x128xf32, #tpu.memory_space<vmem_shared>>) target(%dma_start3A_30 : memref<128x128xf32, #tpu.memory_space<vmem>>) offsets(%dma_start3A_32 : memref<128xi32, #tpu.memory_space<vmem>>) semaphore(%arg14 : memref<!tpu.dma_semaphore, #tpu.memory_space<semaphore_mem>>)
    %dma_start3A_36 = arith.constant 1 : i32
    %dma_start3A_37 = arith.constant 0 : i32
    %dma_start3A_38 = arith.constant 0 : i32
    %dma_start3A_39 = tpu.memref_slice %arg10[%dma_start3A_36, %dma_start3A_37, %dma_start3A_38] : memref<2x128x128xf32, #tpu.memory_space<vmem>> -> memref<1x128x128xf32, #tpu.memory_space<vmem>>
    %dma_start3A_40 = tpu.memref_squeeze %dma_start3A_39 : memref<1x128x128xf32, #tpu.memory_space<vmem>> -> memref<128x128xf32, #tpu.memory_space<vmem>>
    %dma_start3A_41 = arith.constant 128 : i32
    %dma_start3A_42 = tpu.memref_slice %arg8[%dma_start3A_41] : memref<6400xi32, #tpu.memory_space<vmem>> -> memref<128xi32, #tpu.memory_space<vmem>>
    %dma_start3A_43 = arith.constant 0 : i32
    %dma_start3A_44 = arith.constant 0 : i32
    %dma_start3A_45 = tpu.memref_slice %arg12[%dma_start3A_43, %dma_start3A_44] : memref<1000x128xf32, #tpu.memory_space<vmem_shared>> -> memref<1000x128xf32, #tpu.memory_space<vmem_shared>>
    tpu.enqueue_indirect_dma source(%dma_start3A_45 : memref<1000x128xf32, #tpu.memory_space<vmem_shared>>) target(%dma_start3A_40 : memref<128x128xf32, #tpu.memory_space<vmem>>) offsets(%dma_start3A_42 : memref<128xi32, #tpu.memory_space<vmem>>) semaphore(%arg16 : memref<!tpu.dma_semaphore, #tpu.memory_space<semaphore_mem>>)
    %scan3A = arith.constant 0 : i32
    %scan3A_46 = arith.constant 0 : i32
    %scan3A_47 = arith.constant 25 : i32
    %scan3A_48 = arith.addi %scan3A_46, %scan3A_47 : i32
    %scan3A_49 = arith.constant 1 : i32
    scf.for %scan3A_51 = %scan3A_46 to %scan3A_48 step %scan3A_49  : i32 {
      %mul3A_52 = arith.constant 2 : i32
      %mul3A_53 = arith.muli %scan3A_51, %mul3A_52 : i32
      %add3A_54 = arith.constant 0 : i32
      %add3A_55 = arith.addi %mul3A_53, %add3A_54 : i32
      %mul3A_56 = arith.constant 128 : i32
      %mul3A_57 = arith.muli %add3A_55, %mul3A_56 : i32
      %dma_wait3A = arith.constant 0 : i32
      %dma_wait3A_58 = arith.constant 0 : i32
      %dma_wait3A_59 = arith.constant 0 : i32
      %dma_wait3A_60 = tpu.memref_slice %arg9[%dma_wait3A, %dma_wait3A_58, %dma_wait3A_59] : memref<2x128x128xf32, #tpu.memory_space<vmem>> -> memref<1x128x128xf32, #tpu.memory_space<vmem>>
      %dma_wait3A_61 = tpu.memref_squeeze %dma_wait3A_60 : memref<1x128x128xf32, #tpu.memory_space<vmem>> -> memref<128x128xf32, #tpu.memory_space<vmem>>
      %dma_wait3A_62 = tpu.memref_slice %arg7[%mul3A_57] : memref<6400xi32, #tpu.memory_space<vmem>> -> memref<128xi32, #tpu.memory_space<vmem>>
      %dma_wait3A_63 = arith.constant 0 : i32
      %dma_wait3A_64 = arith.constant 0 : i32
      %dma_wait3A_65 = tpu.memref_slice %arg11[%dma_wait3A_63, %dma_wait3A_64] : memref<1000x128xf32, #tpu.memory_space<vmem_shared>> -> memref<1000x128xf32, #tpu.memory_space<vmem_shared>>
      tpu.wait_indirect_dma semaphore(%arg13 : memref<!tpu.dma_semaphore, #tpu.memory_space<semaphore_mem>>) src(%dma_wait3A_65 : memref<1000x128xf32, #tpu.memory_space<vmem_shared>>) dst(%dma_wait3A_61 : memref<128x128xf32, #tpu.memory_space<vmem>>)
      %dma_wait3A_66 = arith.constant 0 : i32
      %dma_wait3A_67 = arith.constant 0 : i32
      %dma_wait3A_68 = arith.constant 0 : i32
      %dma_wait3A_69 = tpu.memref_slice %arg10[%dma_wait3A_66, %dma_wait3A_67, %dma_wait3A_68] : memref<2x128x128xf32, #tpu.memory_space<vmem>> -> memref<1x128x128xf32, #tpu.memory_space<vmem>>
      %dma_wait3A_70 = tpu.memref_squeeze %dma_wait3A_69 : memref<1x128x128xf32, #tpu.memory_space<vmem>> -> memref<128x128xf32, #tpu.memory_space<vmem>>
      %dma_wait3A_71 = tpu.memref_slice %arg8[%mul3A_57] : memref<6400xi32, #tpu.memory_space<vmem>> -> memref<128xi32, #tpu.memory_space<vmem>>
      %dma_wait3A_72 = arith.constant 0 : i32
      %dma_wait3A_73 = arith.constant 0 : i32
      %dma_wait3A_74 = tpu.memref_slice %arg12[%dma_wait3A_72, %dma_wait3A_73] : memref<1000x128xf32, #tpu.memory_space<vmem_shared>> -> memref<1000x128xf32, #tpu.memory_space<vmem_shared>>
      tpu.wait_indirect_dma semaphore(%arg15 : memref<!tpu.dma_semaphore, #tpu.memory_space<semaphore_mem>>) src(%dma_wait3A_74 : memref<1000x128xf32, #tpu.memory_space<vmem_shared>>) dst(%dma_wait3A_70 : memref<128x128xf32, #tpu.memory_space<vmem>>)
      %scan3A_75 = arith.constant 0 : i32
      %scan3A_76 = arith.constant 0 : i32
      %scan3A_77 = arith.constant 128 : i32
      %scan3A_78 = arith.addi %scan3A_76, %scan3A_77 : i32
      %scan3A_79 = arith.constant 1 : i32
      scf.for %scan3A_135 = %scan3A_76 to %scan3A_78 step %scan3A_79  : i32 {
        %get3A = arith.constant 0 : i32
        %get3A_136 = arith.index_cast %get3A : i32 to index
        %get3A_137 = arith.index_cast %scan3A_135 : i32 to index
        %get3A_138 = arith.constant 0 : index
        %get3A_139 = tpu.vector_load %arg9[%get3A_136, %get3A_137, %get3A_138] {strides = array<i32>} : memref<2x128x128xf32, #tpu.memory_space<vmem>>, vector<1x1x16xf32>,
        %get3A_140 = vector.shape_cast %get3A_139 : vector<1x1x16xf32> to vector<16xf32>
        %get3A_141 = arith.constant 0 : i32
        %get3A_142 = arith.index_cast %get3A_141 : i32 to index
        %get3A_143 = arith.index_cast %scan3A_135 : i32 to index
        %get3A_144 = arith.constant 0 : index
        %get3A_145 = tpu.vector_load %arg10[%get3A_142, %get3A_143, %get3A_144] {strides = array<i32>} : memref<2x128x128xf32, #tpu.memory_space<vmem>>, vector<1x1x16xf32>,
        %get3A_146 = vector.shape_cast %get3A_145 : vector<1x1x16xf32> to vector<16xf32>
        %add3A_147 = arith.addf %get3A_140, %get3A_146 : vector<16xf32>
        %swap3A = arith.constant 0 : i32
        %swap3A_148 = arith.index_cast %swap3A : i32 to index
        %swap3A_149 = arith.index_cast %scan3A_135 : i32 to index
        %swap3A_150 = arith.constant 0 : index
        %swap3A_151 = tpu.vector_load %arg9[%swap3A_148, %swap3A_149, %swap3A_150] {strides = array<i32>} : memref<2x128x128xf32, #tpu.memory_space<vmem>>, vector<1x1x16xf32>,
        %swap3A_152 = vector.shape_cast %swap3A_151 : vector<1x1x16xf32> to vector<16xf32>
        %swap3A_153 = vector.shape_cast %add3A_147 : vector<16xf32> to vector<1x1x16xf32>
        tpu.vector_store %arg9[%swap3A_148, %swap3A_149, %swap3A_150], %swap3A_153 {strides = array<i32>} : memref<2x128x128xf32, #tpu.memory_space<vmem>>, vector<1x1x16xf32>,
        %get3A_154 = arith.constant 0 : i32
        %get3A_155 = arith.index_cast %get3A_154 : i32 to index
        %get3A_156 = arith.index_cast %scan3A_135 : i32 to index
        %get3A_157 = arith.constant 16 : index
        %get3A_158 = tpu.vector_load %arg9[%get3A_155, %get3A_156, %get3A_157] {strides = array<i32>} : memref<2x128x128xf32, #tpu.memory_space<vmem>>, vector<1x1x16xf32>,
        %get3A_159 = vector.shape_cast %get3A_158 : vector<1x1x16xf32> to vector<16xf32>
        %get3A_160 = arith.constant 0 : i32
        %get3A_161 = arith.index_cast %get3A_160 : i32 to index
        %get3A_162 = arith.index_cast %scan3A_135 : i32 to index
        %get3A_163 = arith.constant 16 : index
        %get3A_164 = tpu.vector_load %arg10[%get3A_161, %get3A_162, %get3A_163] {strides = array<i32>} : memref<2x128x128xf32, #tpu.memory_space<vmem>>, vector<1x1x16xf32>,
        %get3A_165 = vector.shape_cast %get3A_164 : vector<1x1x16xf32> to vector<16xf32>
        %add3A_166 = arith.addf %get3A_159, %get3A_165 : vector<16xf32>
        %swap3A_167 = arith.constant 0 : i32
        %swap3A_168 = arith.index_cast %swap3A_167 : i32 to index
        %swap3A_169 = arith.index_cast %scan3A_135 : i32 to index
        %swap3A_170 = arith.constant 16 : index
        %swap3A_171 = tpu.vector_load %arg9[%swap3A_168, %swap3A_169, %swap3A_170] {strides = array<i32>} : memref<2x128x128xf32, #tpu.memory_space<vmem>>, vector<1x1x16xf32>,
        %swap3A_172 = vector.shape_cast %swap3A_171 : vector<1x1x16xf32> to vector<16xf32>
        %swap3A_173 = vector.shape_cast %add3A_166 : vector<16xf32> to vector<1x1x16xf32>
        tpu.vector_store %arg9[%swap3A_168, %swap3A_169, %swap3A_170], %swap3A_173 {strides = array<i32>} : memref<2x128x128xf32, #tpu.memory_space<vmem>>, vector<1x1x16xf32>,
        %get3A_174 = arith.constant 0 : i32
        %get3A_175 = arith.index_cast %get3A_174 : i32 to index
        %get3A_176 = arith.index_cast %scan3A_135 : i32 to index
        %get3A_177 = arith.constant 32 : index
        %get3A_178 = tpu.vector_load %arg9[%get3A_175, %get3A_176, %get3A_177] {strides = array<i32>} : memref<2x128x128xf32, #tpu.memory_space<vmem>>, vector<1x1x16xf32>,
        %get3A_179 = vector.shape_cast %get3A_178 : vector<1x1x16xf32> to vector<16xf32>
        %get3A_180 = arith.constant 0 : i32
        %get3A_181 = arith.index_cast %get3A_180 : i32 to index
        %get3A_182 = arith.index_cast %scan3A_135 : i32 to index
        %get3A_183 = arith.constant 32 : index
        %get3A_184 = tpu.vector_load %arg10[%get3A_181, %get3A_182, %get3A_183] {strides = array<i32>} : memref<2x128x128xf32, #tpu.memory_space<vmem>>, vector<1x1x16xf32>,
        %get3A_185 = vector.shape_cast %get3A_184 : vector<1x1x16xf32> to vector<16xf32>
        %add3A_186 = arith.addf %get3A_179, %get3A_185 : vector<16xf32>
        %swap3A_187 = arith.constant 0 : i32
        %swap3A_188 = arith.index_cast %swap3A_187 : i32 to index
        %swap3A_189 = arith.index_cast %scan3A_135 : i32 to index
        %swap3A_190 = arith.constant 32 : index
        %swap3A_191 = tpu.vector_load %arg9[%swap3A_188, %swap3A_189, %swap3A_190] {strides = array<i32>} : memref<2x128x128xf32, #tpu.memory_space<vmem>>, vector<1x1x16xf32>,
        %swap3A_192 = vector.shape_cast %swap3A_191 : vector<1x1x16xf32> to vector<16xf32>
        %swap3A_193 = vector.shape_cast %add3A_186 : vector<16xf32> to vector<1x1x16xf32>
        tpu.vector_store %arg9[%swap3A_188, %swap3A_189, %swap3A_190], %swap3A_193 {strides = array<i32>} : memref<2x128x128xf32, #tpu.memory_space<vmem>>, vector<1x1x16xf32>,
        %get3A_194 = arith.constant 0 : i32
        %get3A_195 = arith.index_cast %get3A_194 : i32 to index
        %get3A_196 = arith.index_cast %scan3A_135 : i32 to index
        %get3A_197 = arith.constant 48 : index
        %get3A_198 = tpu.vector_load %arg9[%get3A_195, %get3A_196, %get3A_197] {strides = array<i32>} : memref<2x128x128xf32, #tpu.memory_space<vmem>>, vector<1x1x16xf32>,
        %get3A_199 = vector.shape_cast %get3A_198 : vector<1x1x16xf32> to vector<16xf32>
        %get3A_200 = arith.constant 0 : i32
        %get3A_201 = arith.index_cast %get3A_200 : i32 to index
        %get3A_202 = arith.index_cast %scan3A_135 : i32 to index
        %get3A_203 = arith.constant 48 : index
        %get3A_204 = tpu.vector_load %arg10[%get3A_201, %get3A_202, %get3A_203] {strides = array<i32>} : memref<2x128x128xf32, #tpu.memory_space<vmem>>, vector<1x1x16xf32>,
        %get3A_205 = vector.shape_cast %get3A_204 : vector<1x1x16xf32> to vector<16xf32>
        %add3A_206 = arith.addf %get3A_199, %get3A_205 : vector<16xf32>
        %swap3A_207 = arith.constant 0 : i32
        %swap3A_208 = arith.index_cast %swap3A_207 : i32 to index
        %swap3A_209 = arith.index_cast %scan3A_135 : i32 to index
        %swap3A_210 = arith.constant 48 : index
        %swap3A_211 = tpu.vector_load %arg9[%swap3A_208, %swap3A_209, %swap3A_210] {strides = array<i32>} : memref<2x128x128xf32, #tpu.memory_space<vmem>>, vector<1x1x16xf32>,
        %swap3A_212 = vector.shape_cast %swap3A_211 : vector<1x1x16xf32> to vector<16xf32>
        %swap3A_213 = vector.shape_cast %add3A_206 : vector<16xf32> to vector<1x1x16xf32>
        tpu.vector_store %arg9[%swap3A_208, %swap3A_209, %swap3A_210], %swap3A_213 {strides = array<i32>} : memref<2x128x128xf32, #tpu.memory_space<vmem>>, vector<1x1x16xf32>,
        %get3A_214 = arith.constant 0 : i32
        %get3A_215 = arith.index_cast %get3A_214 : i32 to index
        %get3A_216 = arith.index_cast %scan3A_135 : i32 to index
        %get3A_217 = arith.constant 64 : index
        %get3A_218 = tpu.vector_load %arg9[%get3A_215, %get3A_216, %get3A_217] {strides = array<i32>} : memref<2x128x128xf32, #tpu.memory_space<vmem>>, vector<1x1x16xf32>,
        %get3A_219 = vector.shape_cast %get3A_218 : vector<1x1x16xf32> to vector<16xf32>
        %get3A_220 = arith.constant 0 : i32
        %get3A_221 = arith.index_cast %get3A_220 : i32 to index
        %get3A_222 = arith.index_cast %scan3A_135 : i32 to index
        %get3A_223 = arith.constant 64 : index
        %get3A_224 = tpu.vector_load %arg10[%get3A_221, %get3A_222, %get3A_223] {strides = array<i32>} : memref<2x128x128xf32, #tpu.memory_space<vmem>>, vector<1x1x16xf32>,
        %get3A_225 = vector.shape_cast %get3A_224 : vector<1x1x16xf32> to vector<16xf32>
        %add3A_226 = arith.addf %get3A_219, %get3A_225 : vector<16xf32>
        %swap3A_227 = arith.constant 0 : i32
        %swap3A_228 = arith.index_cast %swap3A_227 : i32 to index
        %swap3A_229 = arith.index_cast %scan3A_135 : i32 to index
        %swap3A_230 = arith.constant 64 : index
        %swap3A_231 = tpu.vector_load %arg9[%swap3A_228, %swap3A_229, %swap3A_230] {strides = array<i32>} : memref<2x128x128xf32, #tpu.memory_space<vmem>>, vector<1x1x16xf32>,
        %swap3A_232 = vector.shape_cast %swap3A_231 : vector<1x1x16xf32> to vector<16xf32>
        %swap3A_233 = vector.shape_cast %add3A_226 : vector<16xf32> to vector<1x1x16xf32>
        tpu.vector_store %arg9[%swap3A_228, %swap3A_229, %swap3A_230], %swap3A_233 {strides = array<i32>} : memref<2x128x128xf32, #tpu.memory_space<vmem>>, vector<1x1x16xf32>,
        %get3A_234 = arith.constant 0 : i32
        %get3A_235 = arith.index_cast %get3A_234 : i32 to index
        %get3A_236 = arith.index_cast %scan3A_135 : i32 to index
        %get3A_237 = arith.constant 80 : index
        %get3A_238 = tpu.vector_load %arg9[%get3A_235, %get3A_236, %get3A_237] {strides = array<i32>} : memref<2x128x128xf32, #tpu.memory_space<vmem>>, vector<1x1x16xf32>,
        %get3A_239 = vector.shape_cast %get3A_238 : vector<1x1x16xf32> to vector<16xf32>
        %get3A_240 = arith.constant 0 : i32
        %get3A_241 = arith.index_cast %get3A_240 : i32 to index
        %get3A_242 = arith.index_cast %scan3A_135 : i32 to index
        %get3A_243 = arith.constant 80 : index
        %get3A_244 = tpu.vector_load %arg10[%get3A_241, %get3A_242, %get3A_243] {strides = array<i32>} : memref<2x128x128xf32, #tpu.memory_space<vmem>>, vector<1x1x16xf32>,
        %get3A_245 = vector.shape_cast %get3A_244 : vector<1x1x16xf32> to vector<16xf32>
        %add3A_246 = arith.addf %get3A_239, %get3A_245 : vector<16xf32>
        %swap3A_247 = arith.constant 0 : i32
        %swap3A_248 = arith.index_cast %swap3A_247 : i32 to index
        %swap3A_249 = arith.index_cast %scan3A_135 : i32 to index
        %swap3A_250 = arith.constant 80 : index
        %swap3A_251 = tpu.vector_load %arg9[%swap3A_248, %swap3A_249, %swap3A_250] {strides = array<i32>} : memref<2x128x128xf32, #tpu.memory_space<vmem>>, vector<1x1x16xf32>,
        %swap3A_252 = vector.shape_cast %swap3A_251 : vector<1x1x16xf32> to vector<16xf32>
        %swap3A_253 = vector.shape_cast %add3A_246 : vector<16xf32> to vector<1x1x16xf32>
        tpu.vector_store %arg9[%swap3A_248, %swap3A_249, %swap3A_250], %swap3A_253 {strides = array<i32>} : memref<2x128x128xf32, #tpu.memory_space<vmem>>, vector<1x1x16xf32>,
        %get3A_254 = arith.constant 0 : i32
        %get3A_255 = arith.index_cast %get3A_254 : i32 to index
        %get3A_256 = arith.index_cast %scan3A_135 : i32 to index
        %get3A_257 = arith.constant 96 : index
        %get3A_258 = tpu.vector_load %arg9[%get3A_255, %get3A_256, %get3A_257] {strides = array<i32>} : memref<2x128x128xf32, #tpu.memory_space<vmem>>, vector<1x1x16xf32>,
        %get3A_259 = vector.shape_cast %get3A_258 : vector<1x1x16xf32> to vector<16xf32>
        %get3A_260 = arith.constant 0 : i32
        %get3A_261 = arith.index_cast %get3A_260 : i32 to index
        %get3A_262 = arith.index_cast %scan3A_135 : i32 to index
        %get3A_263 = arith.constant 96 : index
        %get3A_264 = tpu.vector_load %arg10[%get3A_261, %get3A_262, %get3A_263] {strides = array<i32>} : memref<2x128x128xf32, #tpu.memory_space<vmem>>, vector<1x1x16xf32>,
        %get3A_265 = vector.shape_cast %get3A_264 : vector<1x1x16xf32> to vector<16xf32>
        %add3A_266 = arith.addf %get3A_259, %get3A_265 : vector<16xf32>
        %swap3A_267 = arith.constant 0 : i32
        %swap3A_268 = arith.index_cast %swap3A_267 : i32 to index
        %swap3A_269 = arith.index_cast %scan3A_135 : i32 to index
        %swap3A_270 = arith.constant 96 : index
        %swap3A_271 = tpu.vector_load %arg9[%swap3A_268, %swap3A_269, %swap3A_270] {strides = array<i32>} : memref<2x128x128xf32, #tpu.memory_space<vmem>>, vector<1x1x16xf32>,
        %swap3A_272 = vector.shape_cast %swap3A_271 : vector<1x1x16xf32> to vector<16xf32>
        %swap3A_273 = vector.shape_cast %add3A_266 : vector<16xf32> to vector<1x1x16xf32>
        tpu.vector_store %arg9[%swap3A_268, %swap3A_269, %swap3A_270], %swap3A_273 {strides = array<i32>} : memref<2x128x128xf32, #tpu.memory_space<vmem>>, vector<1x1x16xf32>,
        %get3A_274 = arith.constant 0 : i32
        %get3A_275 = arith.index_cast %get3A_274 : i32 to index
        %get3A_276 = arith.index_cast %scan3A_135 : i32 to index
        %get3A_277 = arith.constant 112 : index
        %get3A_278 = tpu.vector_load %arg9[%get3A_275, %get3A_276, %get3A_277] {strides = array<i32>} : memref<2x128x128xf32, #tpu.memory_space<vmem>>, vector<1x1x16xf32>,
        %get3A_279 = vector.shape_cast %get3A_278 : vector<1x1x16xf32> to vector<16xf32>
        %get3A_280 = arith.constant 0 : i32
        %get3A_281 = arith.index_cast %get3A_280 : i32 to index
        %get3A_282 = arith.index_cast %scan3A_135 : i32 to index
        %get3A_283 = arith.constant 112 : index
        %get3A_284 = tpu.vector_load %arg10[%get3A_281, %get3A_282, %get3A_283] {strides = array<i32>} : memref<2x128x128xf32, #tpu.memory_space<vmem>>, vector<1x1x16xf32>,
        %get3A_285 = vector.shape_cast %get3A_284 : vector<1x1x16xf32> to vector<16xf32>
        %add3A_286 = arith.addf %get3A_279, %get3A_285 : vector<16xf32>
        %swap3A_287 = arith.constant 0 : i32
        %swap3A_288 = arith.index_cast %swap3A_287 : i32 to index
        %swap3A_289 = arith.index_cast %scan3A_135 : i32 to index
        %swap3A_290 = arith.constant 112 : index
        %swap3A_291 = tpu.vector_load %arg9[%swap3A_288, %swap3A_289, %swap3A_290] {strides = array<i32>} : memref<2x128x128xf32, #tpu.memory_space<vmem>>, vector<1x1x16xf32>,
        %swap3A_292 = vector.shape_cast %swap3A_291 : vector<1x1x16xf32> to vector<16xf32>
        %swap3A_293 = vector.shape_cast %add3A_286 : vector<16xf32> to vector<1x1x16xf32>
        tpu.vector_store %arg9[%swap3A_288, %swap3A_289, %swap3A_290], %swap3A_293 {strides = array<i32>} : memref<2x128x128xf32, #tpu.memory_space<vmem>>, vector<1x1x16xf32>,
      }
      %scan3A_80 = arith.constant 128 : i32
      %mul3A_81 = arith.constant 4096 : i32
      %mul3A_82 = arith.muli %add3A_55, %mul3A_81 : i32
      %mul3A_83 = arith.constant 128 : i32
      %mul3A_84 = arith.muli %add3A, %mul3A_83 : i32
      %add3A_85 = arith.addi %mul3A_82, %mul3A_84 : i32
      %run_scoped3A = arith.constant 0 : i32
      "tpu.region"() ({
        %run_scoped3A_135 = tpu.sem_alloc : memref<!tpu.dma_semaphore, #tpu.memory_space<semaphore_mem>>
        %dma_start3A_136 = arith.constant 0 : i32
        %dma_start3A_137 = arith.constant 0 : i32
        %dma_start3A_138 = tpu.memref_slice %arg9[%run_scoped3A, %dma_start3A_136, %dma_start3A_137] : memref<2x128x128xf32, #tpu.memory_space<vmem>> -> memref<1x128x128xf32, #tpu.memory_space<vmem>>
        %dma_start3A_139 = tpu.memref_squeeze %dma_start3A_138 : memref<1x128x128xf32, #tpu.memory_space<vmem>> -> memref<128x128xf32, #tpu.memory_space<vmem>>
        %dma_start3A_140 = arith.constant 0 : i32
        %dma_start3A_141 = tpu.memref_slice %arg6[%add3A_85, %dma_start3A_140] : memref<204800x128xf32, #tpu.memory_space<hbm>> -> memref<128x128xf32, #tpu.memory_space<hbm>>
        %dma_start3A_142 = arith.constant 0 : i32
        %dma_start3A_143 = tpu.memref_slice %arg6[%add3A_85, %dma_start3A_142] : memref<204800x128xf32, #tpu.memory_space<hbm>> -> memref<128x128xf32, #tpu.memory_space<hbm>>
        %dma_start3A_144 = arith.constant 0 : i32
        %dma_start3A_145 = arith.constant 0 : i32
        %dma_start3A_146 = tpu.memref_slice %arg9[%run_scoped3A, %dma_start3A_144, %dma_start3A_145] : memref<2x128x128xf32, #tpu.memory_space<vmem>> -> memref<1x128x128xf32, #tpu.memory_space<vmem>>
        %dma_start3A_147 = tpu.memref_squeeze %dma_start3A_146 : memref<1x128x128xf32, #tpu.memory_space<vmem>> -> memref<128x128xf32, #tpu.memory_space<vmem>>
        tpu.enqueue_dma source(%dma_start3A_147 : memref<128x128xf32, #tpu.memory_space<vmem>>) target(%dma_start3A_143 : memref<128x128xf32, #tpu.memory_space<hbm>>) target_semaphore(%run_scoped3A_135 : memref<!tpu.dma_semaphore, #tpu.memory_space<semaphore_mem>>)
        %dma_wait3A_148 = arith.constant 0 : i32
        %dma_wait3A_149 = arith.constant 0 : i32
        %dma_wait3A_150 = tpu.memref_slice %arg9[%run_scoped3A, %dma_wait3A_148, %dma_wait3A_149] : memref<2x128x128xf32, #tpu.memory_space<vmem>> -> memref<1x128x128xf32, #tpu.memory_space<vmem>>
        %dma_wait3A_151 = tpu.memref_squeeze %dma_wait3A_150 : memref<1x128x128xf32, #tpu.memory_space<vmem>> -> memref<128x128xf32, #tpu.memory_space<vmem>>
        %dma_wait3A_152 = arith.constant 0 : i32
        %dma_wait3A_153 = tpu.memref_slice %arg6[%add3A_85, %dma_wait3A_152] : memref<204800x128xf32, #tpu.memory_space<hbm>> -> memref<128x128xf32, #tpu.memory_space<hbm>>
        %dma_wait3A_154 = arith.constant 0 : i32
        %dma_wait3A_155 = tpu.memref_slice %arg6[%add3A_85, %dma_wait3A_154] : memref<204800x128xf32, #tpu.memory_space<hbm>> -> memref<128x128xf32, #tpu.memory_space<hbm>>
        %dma_wait3A_156 = arith.constant 0 : i32
        %dma_wait3A_157 = arith.constant 0 : i32
        %dma_wait3A_158 = tpu.memref_slice %arg9[%run_scoped3A, %dma_wait3A_156, %dma_wait3A_157] : memref<2x128x128xf32, #tpu.memory_space<vmem>> -> memref<1x128x128xf32, #tpu.memory_space<vmem>>
        %dma_wait3A_159 = tpu.memref_squeeze %dma_wait3A_158 : memref<1x128x128xf32, #tpu.memory_space<vmem>> -> memref<128x128xf32, #tpu.memory_space<vmem>>
        tpu.wait_dma2 semaphore(%run_scoped3A_135 : memref<!tpu.dma_semaphore, #tpu.memory_space<semaphore_mem>>) src(%dma_wait3A_159 : memref<128x128xf32, #tpu.memory_space<vmem>>) dst(%dma_wait3A_155 : memref<128x128xf32, #tpu.memory_space<hbm>>)
        tpu.yield
      }) : () -> ()
      %add3A_86 = arith.constant 2 : i32
      %add3A_87 = arith.addi %add3A_55, %add3A_86 : i32
      %lt3A = arith.constant 50 : i32
      %lt3A_88 = arith.cmpi slt, %add3A_87, %lt3A : i32
      %convert_element_type3A_89 = arith.extui %lt3A_88 : i1 to i32
      %cond3A_90 = arith.constant 0 : i32
      %cond3A_91 = arith.cmpi ne, %convert_element_type3A_89, %cond3A_90 : i32
      scf.if %cond3A_91 {
        %mul3A_135 = arith.constant 128 : i32
        %mul3A_136 = arith.muli %add3A_87, %mul3A_135 : i32
        %dma_start3A_137 = arith.constant 0 : i32
        %dma_start3A_138 = arith.constant 0 : i32
        %dma_start3A_139 = arith.constant 0 : i32
        %dma_start3A_140 = tpu.memref_slice %arg9[%dma_start3A_137, %dma_start3A_138, %dma_start3A_139] : memref<2x128x128xf32, #tpu.memory_space<vmem>> -> memref<1x128x128xf32, #tpu.memory_space<vmem>>
        %dma_start3A_141 = tpu.memref_squeeze %dma_start3A_140 : memref<1x128x128xf32, #tpu.memory_space<vmem>> -> memref<128x128xf32, #tpu.memory_space<vmem>>
        %dma_start3A_142 = tpu.memref_slice %arg7[%mul3A_136] : memref<6400xi32, #tpu.memory_space<vmem>> -> memref<128xi32, #tpu.memory_space<vmem>>
        %dma_start3A_143 = arith.constant 0 : i32
        %dma_start3A_144 = arith.constant 0 : i32
        %dma_start3A_145 = tpu.memref_slice %arg11[%dma_start3A_143, %dma_start3A_144] : memref<1000x128xf32, #tpu.memory_space<vmem_shared>> -> memref<1000x128xf32, #tpu.memory_space<vmem_shared>>
        tpu.enqueue_indirect_dma source(%dma_start3A_145 : memref<1000x128xf32, #tpu.memory_space<vmem_shared>>) target(%dma_start3A_141 : memref<128x128xf32, #tpu.memory_space<vmem>>) offsets(%dma_start3A_142 : memref<128xi32, #tpu.memory_space<vmem>>) semaphore(%arg13 : memref<!tpu.dma_semaphore, #tpu.memory_space<semaphore_mem>>)
        %dma_start3A_146 = arith.constant 0 : i32
        %dma_start3A_147 = arith.constant 0 : i32
        %dma_start3A_148 = arith.constant 0 : i32
        %dma_start3A_149 = tpu.memref_slice %arg10[%dma_start3A_146, %dma_start3A_147, %dma_start3A_148] : memref<2x128x128xf32, #tpu.memory_space<vmem>> -> memref<1x128x128xf32, #tpu.memory_space<vmem>>
        %dma_start3A_150 = tpu.memref_squeeze %dma_start3A_149 : memref<1x128x128xf32, #tpu.memory_space<vmem>> -> memref<128x128xf32, #tpu.memory_space<vmem>>
        %dma_start3A_151 = tpu.memref_slice %arg8[%mul3A_136] : memref<6400xi32, #tpu.memory_space<vmem>> -> memref<128xi32, #tpu.memory_space<vmem>>
        %dma_start3A_152 = arith.constant 0 : i32
        %dma_start3A_153 = arith.constant 0 : i32
        %dma_start3A_154 = tpu.memref_slice %arg12[%dma_start3A_152, %dma_start3A_153] : memref<1000x128xf32, #tpu.memory_space<vmem_shared>> -> memref<1000x128xf32, #tpu.memory_space<vmem_shared>>
        tpu.enqueue_indirect_dma source(%dma_start3A_154 : memref<1000x128xf32, #tpu.memory_space<vmem_shared>>) target(%dma_start3A_150 : memref<128x128xf32, #tpu.memory_space<vmem>>) offsets(%dma_start3A_151 : memref<128xi32, #tpu.memory_space<vmem>>) semaphore(%arg15 : memref<!tpu.dma_semaphore, #tpu.memory_space<semaphore_mem>>)
      } else {
      }
      %mul3A_92 = arith.constant 2 : i32
      %mul3A_93 = arith.muli %scan3A_51, %mul3A_92 : i32
      %add3A_94 = arith.constant 1 : i32
      %add3A_95 = arith.addi %mul3A_93, %add3A_94 : i32
      %mul3A_96 = arith.constant 128 : i32
      %mul3A_97 = arith.muli %add3A_95, %mul3A_96 : i32
      %dma_wait3A_98 = arith.constant 1 : i32
      %dma_wait3A_99 = arith.constant 0 : i32
      %dma_wait3A_100 = arith.constant 0 : i32
      %dma_wait3A_101 = tpu.memref_slice %arg9[%dma_wait3A_98, %dma_wait3A_99, %dma_wait3A_100] : memref<2x128x128xf32, #tpu.memory_space<vmem>> -> memref<1x128x128xf32, #tpu.memory_space<vmem>>
      %dma_wait3A_102 = tpu.memref_squeeze %dma_wait3A_101 : memref<1x128x128xf32, #tpu.memory_space<vmem>> -> memref<128x128xf32, #tpu.memory_space<vmem>>
      %dma_wait3A_103 = tpu.memref_slice %arg7[%mul3A_97] : memref<6400xi32, #tpu.memory_space<vmem>> -> memref<128xi32, #tpu.memory_space<vmem>>
      %dma_wait3A_104 = arith.constant 0 : i32
      %dma_wait3A_105 = arith.constant 0 : i32
      %dma_wait3A_106 = tpu.memref_slice %arg11[%dma_wait3A_104, %dma_wait3A_105] : memref<1000x128xf32, #tpu.memory_space<vmem_shared>> -> memref<1000x128xf32, #tpu.memory_space<vmem_shared>>
      tpu.wait_indirect_dma semaphore(%arg14 : memref<!tpu.dma_semaphore, #tpu.memory_space<semaphore_mem>>) src(%dma_wait3A_106 : memref<1000x128xf32, #tpu.memory_space<vmem_shared>>) dst(%dma_wait3A_102 : memref<128x128xf32, #tpu.memory_space<vmem>>)
      %dma_wait3A_107 = arith.constant 1 : i32
      %dma_wait3A_108 = arith.constant 0 : i32
      %dma_wait3A_109 = arith.constant 0 : i32
      %dma_wait3A_110 = tpu.memref_slice %arg10[%dma_wait3A_107, %dma_wait3A_108, %dma_wait3A_109] : memref<2x128x128xf32, #tpu.memory_space<vmem>> -> memref<1x128x128xf32, #tpu.memory_space<vmem>>
      %dma_wait3A_111 = tpu.memref_squeeze %dma_wait3A_110 : memref<1x128x128xf32, #tpu.memory_space<vmem>> -> memref<128x128xf32, #tpu.memory_space<vmem>>
      %dma_wait3A_112 = tpu.memref_slice %arg8[%mul3A_97] : memref<6400xi32, #tpu.memory_space<vmem>> -> memref<128xi32, #tpu.memory_space<vmem>>
      %dma_wait3A_113 = arith.constant 0 : i32
      %dma_wait3A_114 = arith.constant 0 : i32
      %dma_wait3A_115 = tpu.memref_slice %arg12[%dma_wait3A_113, %dma_wait3A_114] : memref<1000x128xf32, #tpu.memory_space<vmem_shared>> -> memref<1000x128xf32, #tpu.memory_space<vmem_shared>>
      tpu.wait_indirect_dma semaphore(%arg16 : memref<!tpu.dma_semaphore, #tpu.memory_space<semaphore_mem>>) src(%dma_wait3A_115 : memref<1000x128xf32, #tpu.memory_space<vmem_shared>>) dst(%dma_wait3A_111 : memref<128x128xf32, #tpu.memory_space<vmem>>)
      %scan3A_116 = arith.constant 0 : i32
      %scan3A_117 = arith.constant 0 : i32
      %scan3A_118 = arith.constant 128 : i32
      %scan3A_119 = arith.addi %scan3A_117, %scan3A_118 : i32
      %scan3A_120 = arith.constant 1 : i32
      scf.for %scan3A_135 = %scan3A_117 to %scan3A_119 step %scan3A_120  : i32 {
        %get3A = arith.constant 1 : i32
        %get3A_136 = arith.index_cast %get3A : i32 to index
        %get3A_137 = arith.index_cast %scan3A_135 : i32 to index
        %get3A_138 = arith.constant 0 : index
        %get3A_139 = tpu.vector_load %arg9[%get3A_136, %get3A_137, %get3A_138] {strides = array<i32>} : memref<2x128x128xf32, #tpu.memory_space<vmem>>, vector<1x1x16xf32>,
        %get3A_140 = vector.shape_cast %get3A_139 : vector<1x1x16xf32> to vector<16xf32>
        %get3A_141 = arith.constant 1 : i32
        %get3A_142 = arith.index_cast %get3A_141 : i32 to index
        %get3A_143 = arith.index_cast %scan3A_135 : i32 to index
        %get3A_144 = arith.constant 0 : index
        %get3A_145 = tpu.vector_load %arg10[%get3A_142, %get3A_143, %get3A_144] {strides = array<i32>} : memref<2x128x128xf32, #tpu.memory_space<vmem>>, vector<1x1x16xf32>,
        %get3A_146 = vector.shape_cast %get3A_145 : vector<1x1x16xf32> to vector<16xf32>
        %add3A_147 = arith.addf %get3A_140, %get3A_146 : vector<16xf32>
        %swap3A = arith.constant 1 : i32
        %swap3A_148 = arith.index_cast %swap3A : i32 to index
        %swap3A_149 = arith.index_cast %scan3A_135 : i32 to index
        %swap3A_150 = arith.constant 0 : index
        %swap3A_151 = tpu.vector_load %arg9[%swap3A_148, %swap3A_149, %swap3A_150] {strides = array<i32>} : memref<2x128x128xf32, #tpu.memory_space<vmem>>, vector<1x1x16xf32>,
        %swap3A_152 = vector.shape_cast %swap3A_151 : vector<1x1x16xf32> to vector<16xf32>
        %swap3A_153 = vector.shape_cast %add3A_147 : vector<16xf32> to vector<1x1x16xf32>
        tpu.vector_store %arg9[%swap3A_148, %swap3A_149, %swap3A_150], %swap3A_153 {strides = array<i32>} : memref<2x128x128xf32, #tpu.memory_space<vmem>>, vector<1x1x16xf32>,
        %get3A_154 = arith.constant 1 : i32
        %get3A_155 = arith.index_cast %get3A_154 : i32 to index
        %get3A_156 = arith.index_cast %scan3A_135 : i32 to index
        %get3A_157 = arith.constant 16 : index
        %get3A_158 = tpu.vector_load %arg9[%get3A_155, %get3A_156, %get3A_157] {strides = array<i32>} : memref<2x128x128xf32, #tpu.memory_space<vmem>>, vector<1x1x16xf32>,
        %get3A_159 = vector.shape_cast %get3A_158 : vector<1x1x16xf32> to vector<16xf32>
        %get3A_160 = arith.constant 1 : i32
        %get3A_161 = arith.index_cast %get3A_160 : i32 to index
        %get3A_162 = arith.index_cast %scan3A_135 : i32 to index
        %get3A_163 = arith.constant 16 : index
        %get3A_164 = tpu.vector_load %arg10[%get3A_161, %get3A_162, %get3A_163] {strides = array<i32>} : memref<2x128x128xf32, #tpu.memory_space<vmem>>, vector<1x1x16xf32>,
        %get3A_165 = vector.shape_cast %get3A_164 : vector<1x1x16xf32> to vector<16xf32>
        %add3A_166 = arith.addf %get3A_159, %get3A_165 : vector<16xf32>
        %swap3A_167 = arith.constant 1 : i32
        %swap3A_168 = arith.index_cast %swap3A_167 : i32 to index
        %swap3A_169 = arith.index_cast %scan3A_135 : i32 to index
        %swap3A_170 = arith.constant 16 : index
        %swap3A_171 = tpu.vector_load %arg9[%swap3A_168, %swap3A_169, %swap3A_170] {strides = array<i32>} : memref<2x128x128xf32, #tpu.memory_space<vmem>>, vector<1x1x16xf32>,
        %swap3A_172 = vector.shape_cast %swap3A_171 : vector<1x1x16xf32> to vector<16xf32>
        %swap3A_173 = vector.shape_cast %add3A_166 : vector<16xf32> to vector<1x1x16xf32>
        tpu.vector_store %arg9[%swap3A_168, %swap3A_169, %swap3A_170], %swap3A_173 {strides = array<i32>} : memref<2x128x128xf32, #tpu.memory_space<vmem>>, vector<1x1x16xf32>,
        %get3A_174 = arith.constant 1 : i32
        %get3A_175 = arith.index_cast %get3A_174 : i32 to index
        %get3A_176 = arith.index_cast %scan3A_135 : i32 to index
        %get3A_177 = arith.constant 32 : index
        %get3A_178 = tpu.vector_load %arg9[%get3A_175, %get3A_176, %get3A_177] {strides = array<i32>} : memref<2x128x128xf32, #tpu.memory_space<vmem>>, vector<1x1x16xf32>,
        %get3A_179 = vector.shape_cast %get3A_178 : vector<1x1x16xf32> to vector<16xf32>
        %get3A_180 = arith.constant 1 : i32
        %get3A_181 = arith.index_cast %get3A_180 : i32 to index
        %get3A_182 = arith.index_cast %scan3A_135 : i32 to index
        %get3A_183 = arith.constant 32 : index
        %get3A_184 = tpu.vector_load %arg10[%get3A_181, %get3A_182, %get3A_183] {strides = array<i32>} : memref<2x128x128xf32, #tpu.memory_space<vmem>>, vector<1x1x16xf32>,
        %get3A_185 = vector.shape_cast %get3A_184 : vector<1x1x16xf32> to vector<16xf32>
        %add3A_186 = arith.addf %get3A_179, %get3A_185 : vector<16xf32>
        %swap3A_187 = arith.constant 1 : i32
        %swap3A_188 = arith.index_cast %swap3A_187 : i32 to index
        %swap3A_189 = arith.index_cast %scan3A_135 : i32 to index
        %swap3A_190 = arith.constant 32 : index
        %swap3A_191 = tpu.vector_load %arg9[%swap3A_188, %swap3A_189, %swap3A_190] {strides = array<i32>} : memref<2x128x128xf32, #tpu.memory_space<vmem>>, vector<1x1x16xf32>,
        %swap3A_192 = vector.shape_cast %swap3A_191 : vector<1x1x16xf32> to vector<16xf32>
        %swap3A_193 = vector.shape_cast %add3A_186 : vector<16xf32> to vector<1x1x16xf32>
        tpu.vector_store %arg9[%swap3A_188, %swap3A_189, %swap3A_190], %swap3A_193 {strides = array<i32>} : memref<2x128x128xf32, #tpu.memory_space<vmem>>, vector<1x1x16xf32>,
        %get3A_194 = arith.constant 1 : i32
        %get3A_195 = arith.index_cast %get3A_194 : i32 to index
        %get3A_196 = arith.index_cast %scan3A_135 : i32 to index
        %get3A_197 = arith.constant 48 : index
        %get3A_198 = tpu.vector_load %arg9[%get3A_195, %get3A_196, %get3A_197] {strides = array<i32>} : memref<2x128x128xf32, #tpu.memory_space<vmem>>, vector<1x1x16xf32>,
        %get3A_199 = vector.shape_cast %get3A_198 : vector<1x1x16xf32> to vector<16xf32>
        %get3A_200 = arith.constant 1 : i32
        %get3A_201 = arith.index_cast %get3A_200 : i32 to index
        %get3A_202 = arith.index_cast %scan3A_135 : i32 to index
        %get3A_203 = arith.constant 48 : index
        %get3A_204 = tpu.vector_load %arg10[%get3A_201, %get3A_202, %get3A_203] {strides = array<i32>} : memref<2x128x128xf32, #tpu.memory_space<vmem>>, vector<1x1x16xf32>,
        %get3A_205 = vector.shape_cast %get3A_204 : vector<1x1x16xf32> to vector<16xf32>
        %add3A_206 = arith.addf %get3A_199, %get3A_205 : vector<16xf32>
        %swap3A_207 = arith.constant 1 : i32
        %swap3A_208 = arith.index_cast %swap3A_207 : i32 to index
        %swap3A_209 = arith.index_cast %scan3A_135 : i32 to index
        %swap3A_210 = arith.constant 48 : index
        %swap3A_211 = tpu.vector_load %arg9[%swap3A_208, %swap3A_209, %swap3A_210] {strides = array<i32>} : memref<2x128x128xf32, #tpu.memory_space<vmem>>, vector<1x1x16xf32>,
        %swap3A_212 = vector.shape_cast %swap3A_211 : vector<1x1x16xf32> to vector<16xf32>
        %swap3A_213 = vector.shape_cast %add3A_206 : vector<16xf32> to vector<1x1x16xf32>
        tpu.vector_store %arg9[%swap3A_208, %swap3A_209, %swap3A_210], %swap3A_213 {strides = array<i32>} : memref<2x128x128xf32, #tpu.memory_space<vmem>>, vector<1x1x16xf32>,
        %get3A_214 = arith.constant 1 : i32
        %get3A_215 = arith.index_cast %get3A_214 : i32 to index
        %get3A_216 = arith.index_cast %scan3A_135 : i32 to index
        %get3A_217 = arith.constant 64 : index
        %get3A_218 = tpu.vector_load %arg9[%get3A_215, %get3A_216, %get3A_217] {strides = array<i32>} : memref<2x128x128xf32, #tpu.memory_space<vmem>>, vector<1x1x16xf32>,
        %get3A_219 = vector.shape_cast %get3A_218 : vector<1x1x16xf32> to vector<16xf32>
        %get3A_220 = arith.constant 1 : i32
        %get3A_221 = arith.index_cast %get3A_220 : i32 to index
        %get3A_222 = arith.index_cast %scan3A_135 : i32 to index
        %get3A_223 = arith.constant 64 : index
        %get3A_224 = tpu.vector_load %arg10[%get3A_221, %get3A_222, %get3A_223] {strides = array<i32>} : memref<2x128x128xf32, #tpu.memory_space<vmem>>, vector<1x1x16xf32>,
        %get3A_225 = vector.shape_cast %get3A_224 : vector<1x1x16xf32> to vector<16xf32>
        %add3A_226 = arith.addf %get3A_219, %get3A_225 : vector<16xf32>
        %swap3A_227 = arith.constant 1 : i32
        %swap3A_228 = arith.index_cast %swap3A_227 : i32 to index
        %swap3A_229 = arith.index_cast %scan3A_135 : i32 to index
        %swap3A_230 = arith.constant 64 : index
        %swap3A_231 = tpu.vector_load %arg9[%swap3A_228, %swap3A_229, %swap3A_230] {strides = array<i32>} : memref<2x128x128xf32, #tpu.memory_space<vmem>>, vector<1x1x16xf32>,
        %swap3A_232 = vector.shape_cast %swap3A_231 : vector<1x1x16xf32> to vector<16xf32>
        %swap3A_233 = vector.shape_cast %add3A_226 : vector<16xf32> to vector<1x1x16xf32>
        tpu.vector_store %arg9[%swap3A_228, %swap3A_229, %swap3A_230], %swap3A_233 {strides = array<i32>} : memref<2x128x128xf32, #tpu.memory_space<vmem>>, vector<1x1x16xf32>,
        %get3A_234 = arith.constant 1 : i32
        %get3A_235 = arith.index_cast %get3A_234 : i32 to index
        %get3A_236 = arith.index_cast %scan3A_135 : i32 to index
        %get3A_237 = arith.constant 80 : index
        %get3A_238 = tpu.vector_load %arg9[%get3A_235, %get3A_236, %get3A_237] {strides = array<i32>} : memref<2x128x128xf32, #tpu.memory_space<vmem>>, vector<1x1x16xf32>,
        %get3A_239 = vector.shape_cast %get3A_238 : vector<1x1x16xf32> to vector<16xf32>
        %get3A_240 = arith.constant 1 : i32
        %get3A_241 = arith.index_cast %get3A_240 : i32 to index
        %get3A_242 = arith.index_cast %scan3A_135 : i32 to index
        %get3A_243 = arith.constant 80 : index
        %get3A_244 = tpu.vector_load %arg10[%get3A_241, %get3A_242, %get3A_243] {strides = array<i32>} : memref<2x128x128xf32, #tpu.memory_space<vmem>>, vector<1x1x16xf32>,
        %get3A_245 = vector.shape_cast %get3A_244 : vector<1x1x16xf32> to vector<16xf32>
        %add3A_246 = arith.addf %get3A_239, %get3A_245 : vector<16xf32>
        %swap3A_247 = arith.constant 1 : i32
        %swap3A_248 = arith.index_cast %swap3A_247 : i32 to index
        %swap3A_249 = arith.index_cast %scan3A_135 : i32 to index
        %swap3A_250 = arith.constant 80 : index
        %swap3A_251 = tpu.vector_load %arg9[%swap3A_248, %swap3A_249, %swap3A_250] {strides = array<i32>} : memref<2x128x128xf32, #tpu.memory_space<vmem>>, vector<1x1x16xf32>,
        %swap3A_252 = vector.shape_cast %swap3A_251 : vector<1x1x16xf32> to vector<16xf32>
        %swap3A_253 = vector.shape_cast %add3A_246 : vector<16xf32> to vector<1x1x16xf32>
        tpu.vector_store %arg9[%swap3A_248, %swap3A_249, %swap3A_250], %swap3A_253 {strides = array<i32>} : memref<2x128x128xf32, #tpu.memory_space<vmem>>, vector<1x1x16xf32>,
        %get3A_254 = arith.constant 1 : i32
        %get3A_255 = arith.index_cast %get3A_254 : i32 to index
        %get3A_256 = arith.index_cast %scan3A_135 : i32 to index
        %get3A_257 = arith.constant 96 : index
        %get3A_258 = tpu.vector_load %arg9[%get3A_255, %get3A_256, %get3A_257] {strides = array<i32>} : memref<2x128x128xf32, #tpu.memory_space<vmem>>, vector<1x1x16xf32>,
        %get3A_259 = vector.shape_cast %get3A_258 : vector<1x1x16xf32> to vector<16xf32>
        %get3A_260 = arith.constant 1 : i32
        %get3A_261 = arith.index_cast %get3A_260 : i32 to index
        %get3A_262 = arith.index_cast %scan3A_135 : i32 to index
        %get3A_263 = arith.constant 96 : index
        %get3A_264 = tpu.vector_load %arg10[%get3A_261, %get3A_262, %get3A_263] {strides = array<i32>} : memref<2x128x128xf32, #tpu.memory_space<vmem>>, vector<1x1x16xf32>,
        %get3A_265 = vector.shape_cast %get3A_264 : vector<1x1x16xf32> to vector<16xf32>
        %add3A_266 = arith.addf %get3A_259, %get3A_265 : vector<16xf32>
        %swap3A_267 = arith.constant 1 : i32
        %swap3A_268 = arith.index_cast %swap3A_267 : i32 to index
        %swap3A_269 = arith.index_cast %scan3A_135 : i32 to index
        %swap3A_270 = arith.constant 96 : index
        %swap3A_271 = tpu.vector_load %arg9[%swap3A_268, %swap3A_269, %swap3A_270] {strides = array<i32>} : memref<2x128x128xf32, #tpu.memory_space<vmem>>, vector<1x1x16xf32>,
        %swap3A_272 = vector.shape_cast %swap3A_271 : vector<1x1x16xf32> to vector<16xf32>
        %swap3A_273 = vector.shape_cast %add3A_266 : vector<16xf32> to vector<1x1x16xf32>
        tpu.vector_store %arg9[%swap3A_268, %swap3A_269, %swap3A_270], %swap3A_273 {strides = array<i32>} : memref<2x128x128xf32, #tpu.memory_space<vmem>>, vector<1x1x16xf32>,
        %get3A_274 = arith.constant 1 : i32
        %get3A_275 = arith.index_cast %get3A_274 : i32 to index
        %get3A_276 = arith.index_cast %scan3A_135 : i32 to index
        %get3A_277 = arith.constant 112 : index
        %get3A_278 = tpu.vector_load %arg9[%get3A_275, %get3A_276, %get3A_277] {strides = array<i32>} : memref<2x128x128xf32, #tpu.memory_space<vmem>>, vector<1x1x16xf32>,
        %get3A_279 = vector.shape_cast %get3A_278 : vector<1x1x16xf32> to vector<16xf32>
        %get3A_280 = arith.constant 1 : i32
        %get3A_281 = arith.index_cast %get3A_280 : i32 to index
        %get3A_282 = arith.index_cast %scan3A_135 : i32 to index
        %get3A_283 = arith.constant 112 : index
        %get3A_284 = tpu.vector_load %arg10[%get3A_281, %get3A_282, %get3A_283] {strides = array<i32>} : memref<2x128x128xf32, #tpu.memory_space<vmem>>, vector<1x1x16xf32>,
        %get3A_285 = vector.shape_cast %get3A_284 : vector<1x1x16xf32> to vector<16xf32>
        %add3A_286 = arith.addf %get3A_279, %get3A_285 : vector<16xf32>
        %swap3A_287 = arith.constant 1 : i32
        %swap3A_288 = arith.index_cast %swap3A_287 : i32 to index
        %swap3A_289 = arith.index_cast %scan3A_135 : i32 to index
        %swap3A_290 = arith.constant 112 : index
        %swap3A_291 = tpu.vector_load %arg9[%swap3A_288, %swap3A_289, %swap3A_290] {strides = array<i32>} : memref<2x128x128xf32, #tpu.memory_space<vmem>>, vector<1x1x16xf32>,
        %swap3A_292 = vector.shape_cast %swap3A_291 : vector<1x1x16xf32> to vector<16xf32>
        %swap3A_293 = vector.shape_cast %add3A_286 : vector<16xf32> to vector<1x1x16xf32>
        tpu.vector_store %arg9[%swap3A_288, %swap3A_289, %swap3A_290], %swap3A_293 {strides = array<i32>} : memref<2x128x128xf32, #tpu.memory_space<vmem>>, vector<1x1x16xf32>,
      }
      %scan3A_121 = arith.constant 128 : i32
      %mul3A_122 = arith.constant 4096 : i32
      %mul3A_123 = arith.muli %add3A_95, %mul3A_122 : i32
      %mul3A_124 = arith.constant 128 : i32
      %mul3A_125 = arith.muli %add3A, %mul3A_124 : i32
      %add3A_126 = arith.addi %mul3A_123, %mul3A_125 : i32
      %run_scoped3A_127 = arith.constant 1 : i32
      "tpu.region"() ({
        %run_scoped3A_135 = tpu.sem_alloc : memref<!tpu.dma_semaphore, #tpu.memory_space<semaphore_mem>>
        %dma_start3A_136 = arith.constant 0 : i32
        %dma_start3A_137 = arith.constant 0 : i32
        %dma_start3A_138 = tpu.memref_slice %arg9[%run_scoped3A_127, %dma_start3A_136, %dma_start3A_137] : memref<2x128x128xf32, #tpu.memory_space<vmem>> -> memref<1x128x128xf32, #tpu.memory_space<vmem>>
        %dma_start3A_139 = tpu.memref_squeeze %dma_start3A_138 : memref<1x128x128xf32, #tpu.memory_space<vmem>> -> memref<128x128xf32, #tpu.memory_space<vmem>>
        %dma_start3A_140 = arith.constant 0 : i32
        %dma_start3A_141 = tpu.memref_slice %arg6[%add3A_126, %dma_start3A_140] : memref<204800x128xf32, #tpu.memory_space<hbm>> -> memref<128x128xf32, #tpu.memory_space<hbm>>
        %dma_start3A_142 = arith.constant 0 : i32
        %dma_start3A_143 = tpu.memref_slice %arg6[%add3A_126, %dma_start3A_142] : memref<204800x128xf32, #tpu.memory_space<hbm>> -> memref<128x128xf32, #tpu.memory_space<hbm>>
        %dma_start3A_144 = arith.constant 0 : i32
        %dma_start3A_145 = arith.constant 0 : i32
        %dma_start3A_146 = tpu.memref_slice %arg9[%run_scoped3A_127, %dma_start3A_144, %dma_start3A_145] : memref<2x128x128xf32, #tpu.memory_space<vmem>> -> memref<1x128x128xf32, #tpu.memory_space<vmem>>
        %dma_start3A_147 = tpu.memref_squeeze %dma_start3A_146 : memref<1x128x128xf32, #tpu.memory_space<vmem>> -> memref<128x128xf32, #tpu.memory_space<vmem>>
        tpu.enqueue_dma source(%dma_start3A_147 : memref<128x128xf32, #tpu.memory_space<vmem>>) target(%dma_start3A_143 : memref<128x128xf32, #tpu.memory_space<hbm>>) target_semaphore(%run_scoped3A_135 : memref<!tpu.dma_semaphore, #tpu.memory_space<semaphore_mem>>)
        %dma_wait3A_148 = arith.constant 0 : i32
        %dma_wait3A_149 = arith.constant 0 : i32
        %dma_wait3A_150 = tpu.memref_slice %arg9[%run_scoped3A_127, %dma_wait3A_148, %dma_wait3A_149] : memref<2x128x128xf32, #tpu.memory_space<vmem>> -> memref<1x128x128xf32, #tpu.memory_space<vmem>>
        %dma_wait3A_151 = tpu.memref_squeeze %dma_wait3A_150 : memref<1x128x128xf32, #tpu.memory_space<vmem>> -> memref<128x128xf32, #tpu.memory_space<vmem>>
        %dma_wait3A_152 = arith.constant 0 : i32
        %dma_wait3A_153 = tpu.memref_slice %arg6[%add3A_126, %dma_wait3A_152] : memref<204800x128xf32, #tpu.memory_space<hbm>> -> memref<128x128xf32, #tpu.memory_space<hbm>>
        %dma_wait3A_154 = arith.constant 0 : i32
        %dma_wait3A_155 = tpu.memref_slice %arg6[%add3A_126, %dma_wait3A_154] : memref<204800x128xf32, #tpu.memory_space<hbm>> -> memref<128x128xf32, #tpu.memory_space<hbm>>
        %dma_wait3A_156 = arith.constant 0 : i32
        %dma_wait3A_157 = arith.constant 0 : i32
        %dma_wait3A_158 = tpu.memref_slice %arg9[%run_scoped3A_127, %dma_wait3A_156, %dma_wait3A_157] : memref<2x128x128xf32, #tpu.memory_space<vmem>> -> memref<1x128x128xf32, #tpu.memory_space<vmem>>
        %dma_wait3A_159 = tpu.memref_squeeze %dma_wait3A_158 : memref<1x128x128xf32, #tpu.memory_space<vmem>> -> memref<128x128xf32, #tpu.memory_space<vmem>>
        tpu.wait_dma2 semaphore(%run_scoped3A_135 : memref<!tpu.dma_semaphore, #tpu.memory_space<semaphore_mem>>) src(%dma_wait3A_159 : memref<128x128xf32, #tpu.memory_space<vmem>>) dst(%dma_wait3A_155 : memref<128x128xf32, #tpu.memory_space<hbm>>)
        tpu.yield
      }) : () -> ()
      %add3A_128 = arith.constant 2 : i32
      %add3A_129 = arith.addi %add3A_95, %add3A_128 : i32
      %lt3A_130 = arith.constant 50 : i32
      %lt3A_131 = arith.cmpi slt, %add3A_129, %lt3A_130 : i32
      %convert_element_type3A_132 = arith.extui %lt3A_131 : i1 to i32
      %cond3A_133 = arith.constant 0 : i32
      %cond3A_134 = arith.cmpi ne, %convert_element_type3A_132, %cond3A_133 : i32
      scf.if %cond3A_134 {
        %mul3A_135 = arith.constant 128 : i32
        %mul3A_136 = arith.muli %add3A_129, %mul3A_135 : i32
        %dma_start3A_137 = arith.constant 1 : i32
        %dma_start3A_138 = arith.constant 0 : i32
        %dma_start3A_139 = arith.constant 0 : i32
        %dma_start3A_140 = tpu.memref_slice %arg9[%dma_start3A_137, %dma_start3A_138, %dma_start3A_139] : memref<2x128x128xf32, #tpu.memory_space<vmem>> -> memref<1x128x128xf32, #tpu.memory_space<vmem>>
        %dma_start3A_141 = tpu.memref_squeeze %dma_start3A_140 : memref<1x128x128xf32, #tpu.memory_space<vmem>> -> memref<128x128xf32, #tpu.memory_space<vmem>>
        %dma_start3A_142 = tpu.memref_slice %arg7[%mul3A_136] : memref<6400xi32, #tpu.memory_space<vmem>> -> memref<128xi32, #tpu.memory_space<vmem>>
        %dma_start3A_143 = arith.constant 0 : i32
        %dma_start3A_144 = arith.constant 0 : i32
        %dma_start3A_145 = tpu.memref_slice %arg11[%dma_start3A_143, %dma_start3A_144] : memref<1000x128xf32, #tpu.memory_space<vmem_shared>> -> memref<1000x128xf32, #tpu.memory_space<vmem_shared>>
        tpu.enqueue_indirect_dma source(%dma_start3A_145 : memref<1000x128xf32, #tpu.memory_space<vmem_shared>>) target(%dma_start3A_141 : memref<128x128xf32, #tpu.memory_space<vmem>>) offsets(%dma_start3A_142 : memref<128xi32, #tpu.memory_space<vmem>>) semaphore(%arg14 : memref<!tpu.dma_semaphore, #tpu.memory_space<semaphore_mem>>)
        %dma_start3A_146 = arith.constant 1 : i32
        %dma_start3A_147 = arith.constant 0 : i32
        %dma_start3A_148 = arith.constant 0 : i32
        %dma_start3A_149 = tpu.memref_slice %arg10[%dma_start3A_146, %dma_start3A_147, %dma_start3A_148] : memref<2x128x128xf32, #tpu.memory_space<vmem>> -> memref<1x128x128xf32, #tpu.memory_space<vmem>>
        %dma_start3A_150 = tpu.memref_squeeze %dma_start3A_149 : memref<1x128x128xf32, #tpu.memory_space<vmem>> -> memref<128x128xf32, #tpu.memory_space<vmem>>
        %dma_start3A_151 = tpu.memref_slice %arg8[%mul3A_136] : memref<6400xi32, #tpu.memory_space<vmem>> -> memref<128xi32, #tpu.memory_space<vmem>>
        %dma_start3A_152 = arith.constant 0 : i32
        %dma_start3A_153 = arith.constant 0 : i32
        %dma_start3A_154 = tpu.memref_slice %arg12[%dma_start3A_152, %dma_start3A_153] : memref<1000x128xf32, #tpu.memory_space<vmem_shared>> -> memref<1000x128xf32, #tpu.memory_space<vmem_shared>>
        tpu.enqueue_indirect_dma source(%dma_start3A_154 : memref<1000x128xf32, #tpu.memory_space<vmem_shared>>) target(%dma_start3A_150 : memref<128x128xf32, #tpu.memory_space<vmem>>) offsets(%dma_start3A_151 : memref<128xi32, #tpu.memory_space<vmem>>) semaphore(%arg16 : memref<!tpu.dma_semaphore, #tpu.memory_space<semaphore_mem>>)
      } else {
      }
    }
    %scan3A_50 = arith.constant 25 : i32
    return
  }
}

module attributes {stable_mosaic.version = 14 : i64} {
  func.func @_tables_body(%arg0: memref<1000x64xf32, #tpu.memory_space<vmem>>, %arg1: memref<1000x64xf32, #tpu.memory_space<vmem>>, %arg2: memref<64x128xf32, #tpu.memory_space<vmem>>, %arg3: memref<64x128xf32, #tpu.memory_space<vmem>>, %arg4: memref<1000x128xf32, #tpu.memory_space<vmem>>, %arg5: memref<1000x128xf32, #tpu.memory_space<vmem>>) attributes {dimension_semantics = [], scalar_prefetch = 0 : i64, scratch_operands = 0 : i64, tpu.core_type = #tpu.core_type<tc>} {
    %get3A = arith.constant 0 : index
    %get3A_0 = arith.constant 0 : index
    %get3A_1 = vector.load %arg0[%get3A, %get3A_0] : memref<1000x64xf32, #tpu.memory_space<vmem>>, vector<1000x64xf32>
    %get3A_2 = arith.constant 0 : index
    %get3A_3 = arith.constant 0 : index
    %get3A_4 = vector.load %arg2[%get3A_2, %get3A_3] : memref<64x128xf32, #tpu.memory_space<vmem>>, vector<64x128xf32>
    %dot_general3A = arith.constant dense<0.000000e+00> : vector<1000x128xf32>
    %dot_general3A_5 = tpu.matmul %get3A_1, %get3A_4, %dot_general3A {dimension_numbers = #tpu.dot_dimension_numbers<[1], [0], [0], [1], [0, 0, 1, 1], [], []>, transpose_lhs_hint = false} : vector<1000x64xf32>, vector<64x128xf32>, vector<1000x128xf32> -> vector<1000x128xf32>
    %swap3A = arith.constant 0 : index
    %swap3A_6 = arith.constant 0 : index
    %swap3A_7 = vector.load %arg4[%swap3A, %swap3A_6] : memref<1000x128xf32, #tpu.memory_space<vmem>>, vector<1000x128xf32>
    tpu.vector_store %arg4[%swap3A, %swap3A_6], %dot_general3A_5 {strides = array<i32>} : memref<1000x128xf32, #tpu.memory_space<vmem>>, vector<1000x128xf32>,
    %get3A_8 = arith.constant 0 : index
    %get3A_9 = arith.constant 0 : index
    %get3A_10 = vector.load %arg1[%get3A_8, %get3A_9] : memref<1000x64xf32, #tpu.memory_space<vmem>>, vector<1000x64xf32>
    %get3A_11 = arith.constant 0 : index
    %get3A_12 = arith.constant 0 : index
    %get3A_13 = vector.load %arg3[%get3A_11, %get3A_12] : memref<64x128xf32, #tpu.memory_space<vmem>>, vector<64x128xf32>
    %dot_general3A_14 = arith.constant dense<0.000000e+00> : vector<1000x128xf32>
    %dot_general3A_15 = tpu.matmul %get3A_10, %get3A_13, %dot_general3A_14 {dimension_numbers = #tpu.dot_dimension_numbers<[1], [0], [0], [1], [0, 0, 1, 1], [], []>, transpose_lhs_hint = false} : vector<1000x64xf32>, vector<64x128xf32>, vector<1000x128xf32> -> vector<1000x128xf32>
    %swap3A_16 = arith.constant 0 : index
    %swap3A_17 = arith.constant 0 : index
    %swap3A_18 = vector.load %arg5[%swap3A_16, %swap3A_17] : memref<1000x128xf32, #tpu.memory_space<vmem>>, vector<1000x128xf32>
    tpu.vector_store %arg5[%swap3A_16, %swap3A_17], %dot_general3A_15 {strides = array<i32>} : memref<1000x128xf32, #tpu.memory_space<vmem>>, vector<1000x128xf32>,
    return
  }
}

module attributes {stable_mosaic.version = 14 : i64} {
  func.func @_main_body(%arg0: i32, %arg1: memref<128x64xf32, #tpu.memory_space<vmem>>, %arg2: memref<50x128x128xf32, #tpu.memory_space<vmem>>, %arg3: memref<128x50xf32, #tpu.memory_space<vmem>>, %arg4: memref<64x128xf32, #tpu.memory_space<vmem>>, %arg5: memref<1x128xf32, #tpu.memory_space<vmem>>, %arg6: memref<128x4xf32, #tpu.memory_space<vmem>>, %arg7: memref<1x4xf32, #tpu.memory_space<vmem>>, %arg8: memref<512x64xf32, #tpu.memory_space<vmem>>, %arg9: memref<1x64xf32, #tpu.memory_space<vmem>>, %arg10: memref<128x4xf32, #tpu.memory_space<vmem>>, %arg11: memref<64x4xf32, #tpu.memory_space<vmem>>, %arg12: memref<1x4xf32, #tpu.memory_space<vmem>>, %arg13: memref<128x64xf32, #tpu.memory_space<vmem>>, %arg14: memref<128x64xf32, #tpu.memory_space<vmem>>) attributes {dimension_semantics = [#tpu.dimension_semantics<arbitrary>], iteration_bounds = array<i64: 32>, scalar_prefetch = 0 : i64, scratch_operands = 0 : i64, tpu.core_type = #tpu.core_type<tc>, window_params = [{transform_indices = @transform_0, window_bounds = array<i64: 128, 64>}, {transform_indices = @transform_1, window_bounds = array<i64: 50, 128, 128>}, {transform_indices = @transform_2, window_bounds = array<i64: 128, 50>}, {pipeline_mode = #tpu.pipeline_mode<synchronous>, transform_indices = @transform_3, window_bounds = array<i64: 64, 128>}, {pipeline_mode = #tpu.pipeline_mode<synchronous>, transform_indices = @transform_4, window_bounds = array<i64: 1, 128>}, {pipeline_mode = #tpu.pipeline_mode<synchronous>, transform_indices = @transform_5, window_bounds = array<i64: 128, 4>}, {pipeline_mode = #tpu.pipeline_mode<synchronous>, transform_indices = @transform_6, window_bounds = array<i64: 1, 4>}, {pipeline_mode = #tpu.pipeline_mode<synchronous>, transform_indices = @transform_7, window_bounds = array<i64: 512, 64>}, {pipeline_mode = #tpu.pipeline_mode<synchronous>, transform_indices = @transform_8, window_bounds = array<i64: 1, 64>}, {pipeline_mode = #tpu.pipeline_mode<synchronous>, transform_indices = @transform_9, window_bounds = array<i64: 128, 4>}, {pipeline_mode = #tpu.pipeline_mode<synchronous>, transform_indices = @transform_10, window_bounds = array<i64: 64, 4>}, {pipeline_mode = #tpu.pipeline_mode<synchronous>, transform_indices = @transform_11, window_bounds = array<i64: 1, 4>}, {pipeline_mode = #tpu.pipeline_mode<synchronous>, transform_indices = @transform_12, window_bounds = array<i64: 128, 64>}, {transform_indices = @transform_13, window_bounds = array<i64: 128, 64>}]} {
    %get3A = arith.constant 0 : index
    %get3A_0 = arith.constant 0 : index
    %get3A_1 = vector.load %arg1[%get3A, %get3A_0] : memref<128x64xf32, #tpu.memory_space<vmem>>, vector<128x64xf32>
    %get3A_2 = arith.constant 0 : index
    %get3A_3 = arith.constant 0 : index
    %get3A_4 = arith.constant 0 : index
    %get3A_5 = vector.load %arg2[%get3A_2, %get3A_3, %get3A_4] : memref<50x128x128xf32, #tpu.memory_space<vmem>>, vector<50x128x128xf32>
    %reshape3A = vector.shape_cast %get3A_5 : vector<50x128x128xf32> to vector<6400x128xf32>
    %get3A_6 = arith.constant 0 : index
    %get3A_7 = arith.constant 0 : index
    %get3A_8 = vector.load %arg3[%get3A_6, %get3A_7] : memref<128x50xf32, #tpu.memory_space<vmem>>, vector<128x50xf32>
    %transpose3A = tpu.transpose %get3A_8, [1, 0] : vector<128x50xf32> -> vector<50x128xf32>
    %sub3A = arith.constant 1.000000e+00 : f32
    %sub3A_9 = vector.broadcast %sub3A : f32 to vector<50x128xf32>
    %sub3A_10 = arith.subf %sub3A_9, %transpose3A : vector<50x128xf32>
    %broadcast_in_dim3A = vector.shape_cast %sub3A_10 : vector<50x128xf32> to vector<50x128x1xf32>
    %mul3A = arith.constant 1.000000e+31 : f32
    %mul3A_11 = vector.broadcast %mul3A : f32 to vector<50x128x1xf32>
    %mul3A_12 = arith.mulf %mul3A_11, %broadcast_in_dim3A : vector<50x128x1xf32>
    %get3A_13 = arith.constant 0 : index
    %get3A_14 = arith.constant 0 : index
    %get3A_15 = vector.load %arg4[%get3A_13, %get3A_14] : memref<64x128xf32, #tpu.memory_space<vmem>>, vector<64x128xf32>
    %dot_general3A = arith.constant dense<0.000000e+00> : vector<128x128xf32>
    %dot_general3A_16 = tpu.matmul %get3A_1, %get3A_15, %dot_general3A {dimension_numbers = #tpu.dot_dimension_numbers<[1], [0], [0], [1], [0, 0, 1, 1], [], []>, transpose_lhs_hint = false} : vector<128x64xf32>, vector<64x128xf32>, vector<128x128xf32> -> vector<128x128xf32>
    %get3A_17 = arith.constant 0 : index
    %get3A_18 = arith.constant 0 : index
    %get3A_19 = vector.load %arg5[%get3A_17, %get3A_18] : memref<1x128xf32, #tpu.memory_space<vmem>>, vector<1x128xf32>
    %add3A = vector.broadcast %get3A_19 : vector<1x128xf32> to vector<128x128xf32>
    %add3A_20 = arith.addf %dot_general3A_16, %add3A : vector<128x128xf32>
    %get3A_21 = arith.constant 0 : index
    %get3A_22 = arith.constant 0 : index
    %get3A_23 = vector.load %arg6[%get3A_21, %get3A_22] : memref<128x4xf32, #tpu.memory_space<vmem>>, vector<128x4xf32>
    %dot_general3A_24 = arith.constant dense<0.000000e+00> : vector<6400x4xf32>
    %dot_general3A_25 = tpu.matmul %reshape3A, %get3A_23, %dot_general3A_24 {dimension_numbers = #tpu.dot_dimension_numbers<[1], [0], [0], [1], [0, 0, 1, 1], [], []>, transpose_lhs_hint = false} : vector<6400x128xf32>, vector<128x4xf32>, vector<6400x4xf32> -> vector<6400x4xf32>
    %reshape3A_26 = vector.shape_cast %dot_general3A_25 : vector<6400x4xf32> to vector<50x128x4xf32>
    %get3A_27 = arith.constant 0 : index
    %get3A_28 = arith.constant 0 : index
    %get3A_29 = vector.load %arg6[%get3A_27, %get3A_28] : memref<128x4xf32, #tpu.memory_space<vmem>>, vector<128x4xf32>
    %dot_general3A_30 = arith.constant dense<0.000000e+00> : vector<128x4xf32>
    %dot_general3A_31 = tpu.matmul %add3A_20, %get3A_29, %dot_general3A_30 {dimension_numbers = #tpu.dot_dimension_numbers<[1], [0], [0], [1], [0, 0, 1, 1], [], []>, transpose_lhs_hint = false} : vector<128x128xf32>, vector<128x4xf32>, vector<128x4xf32> -> vector<128x4xf32>
    %broadcast_in_dim3A_32 = vector.shape_cast %dot_general3A_31 : vector<128x4xf32> to vector<1x128x4xf32>
    %add3A_33 = vector.broadcast %broadcast_in_dim3A_32 : vector<1x128x4xf32> to vector<50x128x4xf32>
    %add3A_34 = arith.addf %reshape3A_26, %add3A_33 : vector<50x128x4xf32>
    %get3A_35 = arith.constant 0 : index
    %get3A_36 = arith.constant 0 : index
    %get3A_37 = vector.load %arg7[%get3A_35, %get3A_36] : memref<1x4xf32, #tpu.memory_space<vmem>>, vector<1x4xf32>
    %broadcast_in_dim3A_38 = vector.shape_cast %get3A_37 : vector<1x4xf32> to vector<1x1x4xf32>
    %add3A_39 = vector.broadcast %broadcast_in_dim3A_38 : vector<1x1x4xf32> to vector<50x128x4xf32>
    %add3A_40 = arith.addf %add3A_34, %add3A_39 : vector<50x128x4xf32>
    %ge3A = arith.constant 0.000000e+00 : f32
    %ge3A_41 = vector.broadcast %ge3A : f32 to vector<50x128x4xf32>
    %ge3A_42 = arith.cmpf oge, %add3A_40, %ge3A_41 : vector<50x128x4xf32>
    %mul3A_43 = arith.constant 1.000000e-01 : f32
    %mul3A_44 = vector.broadcast %mul3A_43 : f32 to vector<50x128x4xf32>
    %mul3A_45 = arith.mulf %mul3A_44, %add3A_40 : vector<50x128x4xf32>
    %select_n3A = arith.select %ge3A_42, %add3A_40, %mul3A_45 : vector<50x128x4xi1>, vector<50x128x4xf32>
    %sub3A_46 = vector.broadcast %mul3A_12 : vector<50x128x1xf32> to vector<50x128x4xf32>
    %sub3A_47 = arith.subf %select_n3A, %sub3A_46 : vector<50x128x4xf32>
    %reduce_max3A = arith.constant dense<0xFF800000> : vector<128x4xf32>
    %reduce_max3A_48 = vector.multi_reduction <maximumf>, %sub3A_47, %reduce_max3A [0] : vector<50x128x4xf32> to vector<128x4xf32>
    %broadcast_in_dim3A_49 = vector.shape_cast %reduce_max3A_48 : vector<128x4xf32> to vector<1x128x4xf32>
    %sub3A_50 = vector.broadcast %broadcast_in_dim3A_49 : vector<1x128x4xf32> to vector<50x128x4xf32>
    %sub3A_51 = arith.subf %sub3A_47, %sub3A_50 : vector<50x128x4xf32>
    %exp3A = math.exp %sub3A_51 : vector<50x128x4xf32>
    %reduce_sum3A = arith.constant dense<0.000000e+00> : vector<128x4xf32>
    %reduce_sum3A_52 = vector.multi_reduction <add>, %exp3A, %reduce_sum3A [0] : vector<50x128x4xf32> to vector<128x4xf32>
    %broadcast_in_dim3A_53 = vector.shape_cast %reduce_sum3A_52 : vector<128x4xf32> to vector<1x128x4xf32>
    %div3A = vector.broadcast %broadcast_in_dim3A_53 : vector<1x128x4xf32> to vector<50x128x4xf32>
    %div3A_54 = arith.divf %exp3A, %div3A : vector<50x128x4xf32>
    %slice3A = vector.extract_strided_slice %div3A_54 {offsets = [0, 0, 0], sizes = [50, 128, 1], strides = [1, 1, 1]} : vector<50x128x4xf32> to vector<50x128x1xf32>
    %squeeze3A = vector.shape_cast %slice3A : vector<50x128x1xf32> to vector<50x128xf32>
    %broadcast_in_dim3A_55 = vector.shape_cast %squeeze3A : vector<50x128xf32> to vector<50x128x1xf32>
    %mul3A_56 = vector.broadcast %broadcast_in_dim3A_55 : vector<50x128x1xf32> to vector<50x128x128xf32>
    %mul3A_57 = arith.mulf %mul3A_56, %get3A_5 : vector<50x128x128xf32>
    %reduce_sum3A_58 = arith.constant dense<0.000000e+00> : vector<128x128xf32>
    %reduce_sum3A_59 = vector.multi_reduction <add>, %mul3A_57, %reduce_sum3A_58 [0] : vector<50x128x128xf32> to vector<128x128xf32>
    %add3A_60 = arith.addf %add3A_20, %reduce_sum3A_59 : vector<128x128xf32>
    %ge3A_61 = arith.constant 0.000000e+00 : f32
    %ge3A_62 = vector.broadcast %ge3A_61 : f32 to vector<128x128xf32>
    %ge3A_63 = arith.cmpf oge, %add3A_60, %ge3A_62 : vector<128x128xf32>
    %mul3A_64 = arith.constant 0.00999999977 : f32
    %mul3A_65 = vector.broadcast %mul3A_64 : f32 to vector<128x128xf32>
    %mul3A_66 = arith.mulf %mul3A_65, %add3A_60 : vector<128x128xf32>
    %select_n3A_67 = arith.select %ge3A_63, %add3A_60, %mul3A_66 : vector<128x128xi1>, vector<128x128xf32>
    %slice3A_68 = vector.extract_strided_slice %div3A_54 {offsets = [0, 0, 1], sizes = [50, 128, 1], strides = [1, 1, 1]} : vector<50x128x4xf32> to vector<50x128x1xf32>
    %squeeze3A_69 = vector.shape_cast %slice3A_68 : vector<50x128x1xf32> to vector<50x128xf32>
    %broadcast_in_dim3A_70 = vector.shape_cast %squeeze3A_69 : vector<50x128xf32> to vector<50x128x1xf32>
    %mul3A_71 = vector.broadcast %broadcast_in_dim3A_70 : vector<50x128x1xf32> to vector<50x128x128xf32>
    %mul3A_72 = arith.mulf %mul3A_71, %get3A_5 : vector<50x128x128xf32>
    %reduce_sum3A_73 = arith.constant dense<0.000000e+00> : vector<128x128xf32>
    %reduce_sum3A_74 = vector.multi_reduction <add>, %mul3A_72, %reduce_sum3A_73 [0] : vector<50x128x128xf32> to vector<128x128xf32>
    %add3A_75 = arith.addf %add3A_20, %reduce_sum3A_74 : vector<128x128xf32>
    %ge3A_76 = arith.constant 0.000000e+00 : f32
    %ge3A_77 = vector.broadcast %ge3A_76 : f32 to vector<128x128xf32>
    %ge3A_78 = arith.cmpf oge, %add3A_75, %ge3A_77 : vector<128x128xf32>
    %mul3A_79 = arith.constant 0.00999999977 : f32
    %mul3A_80 = vector.broadcast %mul3A_79 : f32 to vector<128x128xf32>
    %mul3A_81 = arith.mulf %mul3A_80, %add3A_75 : vector<128x128xf32>
    %select_n3A_82 = arith.select %ge3A_78, %add3A_75, %mul3A_81 : vector<128x128xi1>, vector<128x128xf32>
    %slice3A_83 = vector.extract_strided_slice %div3A_54 {offsets = [0, 0, 2], sizes = [50, 128, 1], strides = [1, 1, 1]} : vector<50x128x4xf32> to vector<50x128x1xf32>
    %squeeze3A_84 = vector.shape_cast %slice3A_83 : vector<50x128x1xf32> to vector<50x128xf32>
    %broadcast_in_dim3A_85 = vector.shape_cast %squeeze3A_84 : vector<50x128xf32> to vector<50x128x1xf32>
    %mul3A_86 = vector.broadcast %broadcast_in_dim3A_85 : vector<50x128x1xf32> to vector<50x128x128xf32>
    %mul3A_87 = arith.mulf %mul3A_86, %get3A_5 : vector<50x128x128xf32>
    %reduce_sum3A_88 = arith.constant dense<0.000000e+00> : vector<128x128xf32>
    %reduce_sum3A_89 = vector.multi_reduction <add>, %mul3A_87, %reduce_sum3A_88 [0] : vector<50x128x128xf32> to vector<128x128xf32>
    %add3A_90 = arith.addf %add3A_20, %reduce_sum3A_89 : vector<128x128xf32>
    %ge3A_91 = arith.constant 0.000000e+00 : f32
    %ge3A_92 = vector.broadcast %ge3A_91 : f32 to vector<128x128xf32>
    %ge3A_93 = arith.cmpf oge, %add3A_90, %ge3A_92 : vector<128x128xf32>
    %mul3A_94 = arith.constant 0.00999999977 : f32
    %mul3A_95 = vector.broadcast %mul3A_94 : f32 to vector<128x128xf32>
    %mul3A_96 = arith.mulf %mul3A_95, %add3A_90 : vector<128x128xf32>
    %select_n3A_97 = arith.select %ge3A_93, %add3A_90, %mul3A_96 : vector<128x128xi1>, vector<128x128xf32>
    %slice3A_98 = vector.extract_strided_slice %div3A_54 {offsets = [0, 0, 3], sizes = [50, 128, 1], strides = [1, 1, 1]} : vector<50x128x4xf32> to vector<50x128x1xf32>
    %squeeze3A_99 = vector.shape_cast %slice3A_98 : vector<50x128x1xf32> to vector<50x128xf32>
    %broadcast_in_dim3A_100 = vector.shape_cast %squeeze3A_99 : vector<50x128xf32> to vector<50x128x1xf32>
    %mul3A_101 = vector.broadcast %broadcast_in_dim3A_100 : vector<50x128x1xf32> to vector<50x128x128xf32>
    %mul3A_102 = arith.mulf %mul3A_101, %get3A_5 : vector<50x128x128xf32>
    %reduce_sum3A_103 = arith.constant dense<0.000000e+00> : vector<128x128xf32>
    %reduce_sum3A_104 = vector.multi_reduction <add>, %mul3A_102, %reduce_sum3A_103 [0] : vector<50x128x128xf32> to vector<128x128xf32>
    %add3A_105 = arith.addf %add3A_20, %reduce_sum3A_104 : vector<128x128xf32>
    %ge3A_106 = arith.constant 0.000000e+00 : f32
    %ge3A_107 = vector.broadcast %ge3A_106 : f32 to vector<128x128xf32>
    %ge3A_108 = arith.cmpf oge, %add3A_105, %ge3A_107 : vector<128x128xf32>
    %mul3A_109 = arith.constant 0.00999999977 : f32
    %mul3A_110 = vector.broadcast %mul3A_109 : f32 to vector<128x128xf32>
    %mul3A_111 = arith.mulf %mul3A_110, %add3A_105 : vector<128x128xf32>
    %select_n3A_112 = arith.select %ge3A_108, %add3A_105, %mul3A_111 : vector<128x128xi1>, vector<128x128xf32>
    %concatenate3A = tpu.concatenate %select_n3A_67, %select_n3A_82, %select_n3A_97, %select_n3A_112 in 1 : vector<128x128xf32>, vector<128x128xf32>, vector<128x128xf32>, vector<128x128xf32> -> vector<128x512xf32>
    %get3A_113 = arith.constant 0 : index
    %get3A_114 = arith.constant 0 : index
    %get3A_115 = vector.load %arg8[%get3A_113, %get3A_114] : memref<512x64xf32, #tpu.memory_space<vmem>>, vector<512x64xf32>
    %dot_general3A_116 = arith.constant dense<0.000000e+00> : vector<128x64xf32>
    %dot_general3A_117 = tpu.matmul %concatenate3A, %get3A_115, %dot_general3A_116 {dimension_numbers = #tpu.dot_dimension_numbers<[1], [0], [0], [1], [0, 0, 1, 1], [], []>, transpose_lhs_hint = false} : vector<128x512xf32>, vector<512x64xf32>, vector<128x64xf32> -> vector<128x64xf32>
    %get3A_118 = arith.constant 0 : index
    %get3A_119 = arith.constant 0 : index
    %get3A_120 = vector.load %arg9[%get3A_118, %get3A_119] : memref<1x64xf32, #tpu.memory_space<vmem>>, vector<1x64xf32>
    %add3A_121 = vector.broadcast %get3A_120 : vector<1x64xf32> to vector<128x64xf32>
    %add3A_122 = arith.addf %dot_general3A_117, %add3A_121 : vector<128x64xf32>
    %get3A_123 = arith.constant 0 : index
    %get3A_124 = arith.constant 0 : index
    %get3A_125 = vector.load %arg10[%get3A_123, %get3A_124] : memref<128x4xf32, #tpu.memory_space<vmem>>, vector<128x4xf32>
    %dot_general3A_126 = arith.constant dense<0.000000e+00> : vector<6400x4xf32>
    %dot_general3A_127 = tpu.matmul %reshape3A, %get3A_125, %dot_general3A_126 {dimension_numbers = #tpu.dot_dimension_numbers<[1], [0], [0], [1], [0, 0, 1, 1], [], []>, transpose_lhs_hint = false} : vector<6400x128xf32>, vector<128x4xf32>, vector<6400x4xf32> -> vector<6400x4xf32>
    %reshape3A_128 = vector.shape_cast %dot_general3A_127 : vector<6400x4xf32> to vector<50x128x4xf32>
    %get3A_129 = arith.constant 0 : index
    %get3A_130 = arith.constant 0 : index
    %get3A_131 = vector.load %arg11[%get3A_129, %get3A_130] : memref<64x4xf32, #tpu.memory_space<vmem>>, vector<64x4xf32>
    %dot_general3A_132 = arith.constant dense<0.000000e+00> : vector<128x4xf32>
    %dot_general3A_133 = tpu.matmul %add3A_122, %get3A_131, %dot_general3A_132 {dimension_numbers = #tpu.dot_dimension_numbers<[1], [0], [0], [1], [0, 0, 1, 1], [], []>, transpose_lhs_hint = false} : vector<128x64xf32>, vector<64x4xf32>, vector<128x4xf32> -> vector<128x4xf32>
    %broadcast_in_dim3A_134 = vector.shape_cast %dot_general3A_133 : vector<128x4xf32> to vector<1x128x4xf32>
    %add3A_135 = vector.broadcast %broadcast_in_dim3A_134 : vector<1x128x4xf32> to vector<50x128x4xf32>
    %add3A_136 = arith.addf %reshape3A_128, %add3A_135 : vector<50x128x4xf32>
    %get3A_137 = arith.constant 0 : index
    %get3A_138 = arith.constant 0 : index
    %get3A_139 = vector.load %arg12[%get3A_137, %get3A_138] : memref<1x4xf32, #tpu.memory_space<vmem>>, vector<1x4xf32>
    %broadcast_in_dim3A_140 = vector.shape_cast %get3A_139 : vector<1x4xf32> to vector<1x1x4xf32>
    %add3A_141 = vector.broadcast %broadcast_in_dim3A_140 : vector<1x1x4xf32> to vector<50x128x4xf32>
    %add3A_142 = arith.addf %add3A_136, %add3A_141 : vector<50x128x4xf32>
    %ge3A_143 = arith.constant 0.000000e+00 : f32
    %ge3A_144 = vector.broadcast %ge3A_143 : f32 to vector<50x128x4xf32>
    %ge3A_145 = arith.cmpf oge, %add3A_142, %ge3A_144 : vector<50x128x4xf32>
    %mul3A_146 = arith.constant 1.000000e-01 : f32
    %mul3A_147 = vector.broadcast %mul3A_146 : f32 to vector<50x128x4xf32>
    %mul3A_148 = arith.mulf %mul3A_147, %add3A_142 : vector<50x128x4xf32>
    %select_n3A_149 = arith.select %ge3A_145, %add3A_142, %mul3A_148 : vector<50x128x4xi1>, vector<50x128x4xf32>
    %sub3A_150 = vector.broadcast %mul3A_12 : vector<50x128x1xf32> to vector<50x128x4xf32>
    %sub3A_151 = arith.subf %select_n3A_149, %sub3A_150 : vector<50x128x4xf32>
    %reduce_max3A_152 = arith.constant dense<0xFF800000> : vector<128x4xf32>
    %reduce_max3A_153 = vector.multi_reduction <maximumf>, %sub3A_151, %reduce_max3A_152 [0] : vector<50x128x4xf32> to vector<128x4xf32>
    %broadcast_in_dim3A_154 = vector.shape_cast %reduce_max3A_153 : vector<128x4xf32> to vector<1x128x4xf32>
    %sub3A_155 = vector.broadcast %broadcast_in_dim3A_154 : vector<1x128x4xf32> to vector<50x128x4xf32>
    %sub3A_156 = arith.subf %sub3A_151, %sub3A_155 : vector<50x128x4xf32>
    %exp3A_157 = math.exp %sub3A_156 : vector<50x128x4xf32>
    %reduce_sum3A_158 = arith.constant dense<0.000000e+00> : vector<128x4xf32>
    %reduce_sum3A_159 = vector.multi_reduction <add>, %exp3A_157, %reduce_sum3A_158 [0] : vector<50x128x4xf32> to vector<128x4xf32>
    %broadcast_in_dim3A_160 = vector.shape_cast %reduce_sum3A_159 : vector<128x4xf32> to vector<1x128x4xf32>
    %div3A_161 = vector.broadcast %broadcast_in_dim3A_160 : vector<1x128x4xf32> to vector<50x128x4xf32>
    %div3A_162 = arith.divf %exp3A_157, %div3A_161 : vector<50x128x4xf32>
    %reduce_sum3A_163 = arith.constant dense<0.000000e+00> : vector<50x128xf32>
    %reduce_sum3A_164 = vector.multi_reduction <add>, %div3A_162, %reduce_sum3A_163 [2] : vector<50x128x4xf32> to vector<50x128xf32>
    %div3A_165 = arith.constant 4.000000e+00 : f32
    %div3A_166 = vector.broadcast %div3A_165 : f32 to vector<50x128xf32>
    %div3A_167 = arith.divf %reduce_sum3A_164, %div3A_166 : vector<50x128xf32>
    %broadcast_in_dim3A_168 = vector.shape_cast %div3A_167 : vector<50x128xf32> to vector<50x128x1xf32>
    %mul3A_169 = vector.broadcast %broadcast_in_dim3A_168 : vector<50x128x1xf32> to vector<50x128x128xf32>
    %mul3A_170 = arith.mulf %mul3A_169, %get3A_5 : vector<50x128x128xf32>
    %reduce_sum3A_171 = arith.constant dense<0.000000e+00> : vector<128x128xf32>
    %reduce_sum3A_172 = vector.multi_reduction <add>, %mul3A_170, %reduce_sum3A_171 [0] : vector<50x128x128xf32> to vector<128x128xf32>
    %add3A_173 = arith.addf %get3A_1, %add3A_122 : vector<128x64xf32>
    %get3A_174 = arith.constant 0 : index
    %get3A_175 = arith.constant 0 : index
    %get3A_176 = vector.load %arg13[%get3A_174, %get3A_175] : memref<128x64xf32, #tpu.memory_space<vmem>>, vector<128x64xf32>
    %dot_general3A_177 = arith.constant dense<0.000000e+00> : vector<128x64xf32>
    %dot_general3A_178 = tpu.matmul %reduce_sum3A_172, %get3A_176, %dot_general3A_177 {dimension_numbers = #tpu.dot_dimension_numbers<[1], [0], [0], [1], [0, 0, 1, 1], [], []>, transpose_lhs_hint = false} : vector<128x128xf32>, vector<128x64xf32>, vector<128x64xf32> -> vector<128x64xf32>
    %add3A_179 = arith.addf %add3A_173, %dot_general3A_178 : vector<128x64xf32>
    %swap3A = arith.constant 0 : index
    %swap3A_180 = arith.constant 0 : index
    %swap3A_181 = vector.load %arg14[%swap3A, %swap3A_180] : memref<128x64xf32, #tpu.memory_space<vmem>>, vector<128x64xf32>
    tpu.vector_store %arg14[%swap3A, %swap3A_180], %add3A_179 {strides = array<i32>} : memref<128x64xf32, #tpu.memory_space<vmem>>, vector<128x64xf32>,
    return
  }
  func.func @transform_0(%arg0: i32) -> (i32, i32) {
    %add3A = arith.constant 96 : i32
    %add3A_0 = arith.addi %add3A, %arg0 : i32
    %c0_i32 = arith.constant 0 : i32
    %c0_i32_1 = arith.constant 0 : i32
    return %add3A_0, %c0_i32 : i32, i32
  }
  func.func @transform_1(%arg0: i32) -> (i32, i32, i32) {
    %c0_i32 = arith.constant 0 : i32
    %c0_i32_0 = arith.constant 0 : i32
    %c0_i32_1 = arith.constant 0 : i32
    return %c0_i32, %arg0, %c0_i32_0 : i32, i32, i32
  }
  func.func @transform_2(%arg0: i32) -> (i32, i32) {
    %add3A = arith.constant 96 : i32
    %add3A_0 = arith.addi %add3A, %arg0 : i32
    %c0_i32 = arith.constant 0 : i32
    %c0_i32_1 = arith.constant 0 : i32
    return %add3A_0, %c0_i32 : i32, i32
  }
  func.func @transform_3(%arg0: i32) -> (i32, i32) {
    %c0_i32 = arith.constant 0 : i32
    %c0_i32_0 = arith.constant 0 : i32
    %c0_i32_1 = arith.constant 0 : i32
    return %c0_i32, %c0_i32_0 : i32, i32
  }
  func.func @transform_4(%arg0: i32) -> (i32, i32) {
    %c0_i32 = arith.constant 0 : i32
    %c0_i32_0 = arith.constant 0 : i32
    %c0_i32_1 = arith.constant 0 : i32
    return %c0_i32, %c0_i32_0 : i32, i32
  }
  func.func @transform_5(%arg0: i32) -> (i32, i32) {
    %c0_i32 = arith.constant 0 : i32
    %c0_i32_0 = arith.constant 0 : i32
    %c0_i32_1 = arith.constant 0 : i32
    return %c0_i32, %c0_i32_0 : i32, i32
  }
  func.func @transform_6(%arg0: i32) -> (i32, i32) {
    %c0_i32 = arith.constant 0 : i32
    %c0_i32_0 = arith.constant 0 : i32
    %c0_i32_1 = arith.constant 0 : i32
    return %c0_i32, %c0_i32_0 : i32, i32
  }
  func.func @transform_7(%arg0: i32) -> (i32, i32) {
    %c0_i32 = arith.constant 0 : i32
    %c0_i32_0 = arith.constant 0 : i32
    %c0_i32_1 = arith.constant 0 : i32
    return %c0_i32, %c0_i32_0 : i32, i32
  }
  func.func @transform_8(%arg0: i32) -> (i32, i32) {
    %c0_i32 = arith.constant 0 : i32
    %c0_i32_0 = arith.constant 0 : i32
    %c0_i32_1 = arith.constant 0 : i32
    return %c0_i32, %c0_i32_0 : i32, i32
  }
  func.func @transform_9(%arg0: i32) -> (i32, i32) {
    %c0_i32 = arith.constant 0 : i32
    %c0_i32_0 = arith.constant 0 : i32
    %c0_i32_1 = arith.constant 0 : i32
    return %c0_i32, %c0_i32_0 : i32, i32
  }
  func.func @transform_10(%arg0: i32) -> (i32, i32) {
    %c0_i32 = arith.constant 0 : i32
    %c0_i32_0 = arith.constant 0 : i32
    %c0_i32_1 = arith.constant 0 : i32
    return %c0_i32, %c0_i32_0 : i32, i32
  }
  func.func @transform_11(%arg0: i32) -> (i32, i32) {
    %c0_i32 = arith.constant 0 : i32
    %c0_i32_0 = arith.constant 0 : i32
    %c0_i32_1 = arith.constant 0 : i32
    return %c0_i32, %c0_i32_0 : i32, i32
  }
  func.func @transform_12(%arg0: i32) -> (i32, i32) {
    %c0_i32 = arith.constant 0 : i32
    %c0_i32_0 = arith.constant 0 : i32
    %c0_i32_1 = arith.constant 0 : i32
    return %c0_i32, %c0_i32_0 : i32, i32
  }
  func.func @transform_13(%arg0: i32) -> (i32, i32) {
    %c0_i32 = arith.constant 0 : i32
    %c0_i32_0 = arith.constant 0 : i32
    return %arg0, %c0_i32 : i32, i32
  }
}

module attributes {stable_mosaic.version = 14 : i64} {
  func.func @_main_body(%arg0: i32, %arg1: memref<128x64xf32, #tpu.memory_space<vmem>>, %arg2: memref<50x128x128xf32, #tpu.memory_space<vmem>>, %arg3: memref<128x50xf32, #tpu.memory_space<vmem>>, %arg4: memref<64x128xf32, #tpu.memory_space<vmem>>, %arg5: memref<1x128xf32, #tpu.memory_space<vmem>>, %arg6: memref<128x4xf32, #tpu.memory_space<vmem>>, %arg7: memref<1x4xf32, #tpu.memory_space<vmem>>, %arg8: memref<512x64xf32, #tpu.memory_space<vmem>>, %arg9: memref<1x64xf32, #tpu.memory_space<vmem>>, %arg10: memref<128x4xf32, #tpu.memory_space<vmem>>, %arg11: memref<64x4xf32, #tpu.memory_space<vmem>>, %arg12: memref<1x4xf32, #tpu.memory_space<vmem>>, %arg13: memref<128x64xf32, #tpu.memory_space<vmem>>, %arg14: memref<128x64xf32, #tpu.memory_space<vmem>>) attributes {dimension_semantics = [#tpu.dimension_semantics<arbitrary>], iteration_bounds = array<i64: 32>, scalar_prefetch = 0 : i64, scratch_operands = 0 : i64, tpu.core_type = #tpu.core_type<tc>, window_params = [{transform_indices = @transform_0, window_bounds = array<i64: 128, 64>}, {transform_indices = @transform_1, window_bounds = array<i64: 50, 128, 128>}, {transform_indices = @transform_2, window_bounds = array<i64: 128, 50>}, {pipeline_mode = #tpu.pipeline_mode<synchronous>, transform_indices = @transform_3, window_bounds = array<i64: 64, 128>}, {pipeline_mode = #tpu.pipeline_mode<synchronous>, transform_indices = @transform_4, window_bounds = array<i64: 1, 128>}, {pipeline_mode = #tpu.pipeline_mode<synchronous>, transform_indices = @transform_5, window_bounds = array<i64: 128, 4>}, {pipeline_mode = #tpu.pipeline_mode<synchronous>, transform_indices = @transform_6, window_bounds = array<i64: 1, 4>}, {pipeline_mode = #tpu.pipeline_mode<synchronous>, transform_indices = @transform_7, window_bounds = array<i64: 512, 64>}, {pipeline_mode = #tpu.pipeline_mode<synchronous>, transform_indices = @transform_8, window_bounds = array<i64: 1, 64>}, {pipeline_mode = #tpu.pipeline_mode<synchronous>, transform_indices = @transform_9, window_bounds = array<i64: 128, 4>}, {pipeline_mode = #tpu.pipeline_mode<synchronous>, transform_indices = @transform_10, window_bounds = array<i64: 64, 4>}, {pipeline_mode = #tpu.pipeline_mode<synchronous>, transform_indices = @transform_11, window_bounds = array<i64: 1, 4>}, {pipeline_mode = #tpu.pipeline_mode<synchronous>, transform_indices = @transform_12, window_bounds = array<i64: 128, 64>}, {transform_indices = @transform_13, window_bounds = array<i64: 128, 64>}]} {
    %get3A = arith.constant 0 : index
    %get3A_0 = arith.constant 0 : index
    %get3A_1 = vector.load %arg1[%get3A, %get3A_0] : memref<128x64xf32, #tpu.memory_space<vmem>>, vector<128x64xf32>
    %get3A_2 = arith.constant 0 : index
    %get3A_3 = arith.constant 0 : index
    %get3A_4 = arith.constant 0 : index
    %get3A_5 = vector.load %arg2[%get3A_2, %get3A_3, %get3A_4] : memref<50x128x128xf32, #tpu.memory_space<vmem>>, vector<50x128x128xf32>
    %reshape3A = vector.shape_cast %get3A_5 : vector<50x128x128xf32> to vector<6400x128xf32>
    %get3A_6 = arith.constant 0 : index
    %get3A_7 = arith.constant 0 : index
    %get3A_8 = vector.load %arg3[%get3A_6, %get3A_7] : memref<128x50xf32, #tpu.memory_space<vmem>>, vector<128x50xf32>
    %transpose3A = tpu.transpose %get3A_8, [1, 0] : vector<128x50xf32> -> vector<50x128xf32>
    %sub3A = arith.constant 1.000000e+00 : f32
    %sub3A_9 = vector.broadcast %sub3A : f32 to vector<50x128xf32>
    %sub3A_10 = arith.subf %sub3A_9, %transpose3A : vector<50x128xf32>
    %broadcast_in_dim3A = vector.shape_cast %sub3A_10 : vector<50x128xf32> to vector<50x128x1xf32>
    %mul3A = arith.constant 1.000000e+31 : f32
    %mul3A_11 = vector.broadcast %mul3A : f32 to vector<50x128x1xf32>
    %mul3A_12 = arith.mulf %mul3A_11, %broadcast_in_dim3A : vector<50x128x1xf32>
    %get3A_13 = arith.constant 0 : index
    %get3A_14 = arith.constant 0 : index
    %get3A_15 = vector.load %arg4[%get3A_13, %get3A_14] : memref<64x128xf32, #tpu.memory_space<vmem>>, vector<64x128xf32>
    %dot_general3A = arith.constant dense<0.000000e+00> : vector<128x128xf32>
    %dot_general3A_16 = tpu.matmul %get3A_1, %get3A_15, %dot_general3A {dimension_numbers = #tpu.dot_dimension_numbers<[1], [0], [0], [1], [0, 0, 1, 1], [], []>, transpose_lhs_hint = false} : vector<128x64xf32>, vector<64x128xf32>, vector<128x128xf32> -> vector<128x128xf32>
    %get3A_17 = arith.constant 0 : index
    %get3A_18 = arith.constant 0 : index
    %get3A_19 = vector.load %arg5[%get3A_17, %get3A_18] : memref<1x128xf32, #tpu.memory_space<vmem>>, vector<1x128xf32>
    %add3A = vector.broadcast %get3A_19 : vector<1x128xf32> to vector<128x128xf32>
    %add3A_20 = arith.addf %dot_general3A_16, %add3A : vector<128x128xf32>
    %get3A_21 = arith.constant 0 : index
    %get3A_22 = arith.constant 0 : index
    %get3A_23 = vector.load %arg6[%get3A_21, %get3A_22] : memref<128x4xf32, #tpu.memory_space<vmem>>, vector<128x4xf32>
    %dot_general3A_24 = arith.constant dense<0.000000e+00> : vector<6400x4xf32>
    %dot_general3A_25 = tpu.matmul %reshape3A, %get3A_23, %dot_general3A_24 {dimension_numbers = #tpu.dot_dimension_numbers<[1], [0], [0], [1], [0, 0, 1, 1], [], []>, transpose_lhs_hint = false} : vector<6400x128xf32>, vector<128x4xf32>, vector<6400x4xf32> -> vector<6400x4xf32>
    %reshape3A_26 = vector.shape_cast %dot_general3A_25 : vector<6400x4xf32> to vector<50x128x4xf32>
    %get3A_27 = arith.constant 0 : index
    %get3A_28 = arith.constant 0 : index
    %get3A_29 = vector.load %arg6[%get3A_27, %get3A_28] : memref<128x4xf32, #tpu.memory_space<vmem>>, vector<128x4xf32>
    %dot_general3A_30 = arith.constant dense<0.000000e+00> : vector<128x4xf32>
    %dot_general3A_31 = tpu.matmul %add3A_20, %get3A_29, %dot_general3A_30 {dimension_numbers = #tpu.dot_dimension_numbers<[1], [0], [0], [1], [0, 0, 1, 1], [], []>, transpose_lhs_hint = false} : vector<128x128xf32>, vector<128x4xf32>, vector<128x4xf32> -> vector<128x4xf32>
    %broadcast_in_dim3A_32 = vector.shape_cast %dot_general3A_31 : vector<128x4xf32> to vector<1x128x4xf32>
    %add3A_33 = vector.broadcast %broadcast_in_dim3A_32 : vector<1x128x4xf32> to vector<50x128x4xf32>
    %add3A_34 = arith.addf %reshape3A_26, %add3A_33 : vector<50x128x4xf32>
    %get3A_35 = arith.constant 0 : index
    %get3A_36 = arith.constant 0 : index
    %get3A_37 = vector.load %arg7[%get3A_35, %get3A_36] : memref<1x4xf32, #tpu.memory_space<vmem>>, vector<1x4xf32>
    %broadcast_in_dim3A_38 = vector.shape_cast %get3A_37 : vector<1x4xf32> to vector<1x1x4xf32>
    %add3A_39 = vector.broadcast %broadcast_in_dim3A_38 : vector<1x1x4xf32> to vector<50x128x4xf32>
    %add3A_40 = arith.addf %add3A_34, %add3A_39 : vector<50x128x4xf32>
    %ge3A = arith.constant 0.000000e+00 : f32
    %ge3A_41 = vector.broadcast %ge3A : f32 to vector<50x128x4xf32>
    %ge3A_42 = arith.cmpf oge, %add3A_40, %ge3A_41 : vector<50x128x4xf32>
    %mul3A_43 = arith.constant 1.000000e-01 : f32
    %mul3A_44 = vector.broadcast %mul3A_43 : f32 to vector<50x128x4xf32>
    %mul3A_45 = arith.mulf %mul3A_44, %add3A_40 : vector<50x128x4xf32>
    %select_n3A = arith.select %ge3A_42, %add3A_40, %mul3A_45 : vector<50x128x4xi1>, vector<50x128x4xf32>
    %sub3A_46 = vector.broadcast %mul3A_12 : vector<50x128x1xf32> to vector<50x128x4xf32>
    %sub3A_47 = arith.subf %select_n3A, %sub3A_46 : vector<50x128x4xf32>
    %reduce_max3A = arith.constant dense<0xFF800000> : vector<128x4xf32>
    %reduce_max3A_48 = vector.multi_reduction <maximumf>, %sub3A_47, %reduce_max3A [0] : vector<50x128x4xf32> to vector<128x4xf32>
    %broadcast_in_dim3A_49 = vector.shape_cast %reduce_max3A_48 : vector<128x4xf32> to vector<1x128x4xf32>
    %sub3A_50 = vector.broadcast %broadcast_in_dim3A_49 : vector<1x128x4xf32> to vector<50x128x4xf32>
    %sub3A_51 = arith.subf %sub3A_47, %sub3A_50 : vector<50x128x4xf32>
    %exp3A = math.exp %sub3A_51 : vector<50x128x4xf32>
    %reduce_sum3A = arith.constant dense<0.000000e+00> : vector<128x4xf32>
    %reduce_sum3A_52 = vector.multi_reduction <add>, %exp3A, %reduce_sum3A [0] : vector<50x128x4xf32> to vector<128x4xf32>
    %broadcast_in_dim3A_53 = vector.shape_cast %reduce_sum3A_52 : vector<128x4xf32> to vector<1x128x4xf32>
    %div3A = vector.broadcast %broadcast_in_dim3A_53 : vector<1x128x4xf32> to vector<50x128x4xf32>
    %div3A_54 = arith.divf %exp3A, %div3A : vector<50x128x4xf32>
    %slice3A = vector.extract_strided_slice %div3A_54 {offsets = [0, 0, 0], sizes = [50, 128, 1], strides = [1, 1, 1]} : vector<50x128x4xf32> to vector<50x128x1xf32>
    %squeeze3A = vector.shape_cast %slice3A : vector<50x128x1xf32> to vector<50x128xf32>
    %broadcast_in_dim3A_55 = vector.shape_cast %squeeze3A : vector<50x128xf32> to vector<50x128x1xf32>
    %mul3A_56 = vector.broadcast %broadcast_in_dim3A_55 : vector<50x128x1xf32> to vector<50x128x128xf32>
    %mul3A_57 = arith.mulf %mul3A_56, %get3A_5 : vector<50x128x128xf32>
    %reduce_sum3A_58 = arith.constant dense<0.000000e+00> : vector<128x128xf32>
    %reduce_sum3A_59 = vector.multi_reduction <add>, %mul3A_57, %reduce_sum3A_58 [0] : vector<50x128x128xf32> to vector<128x128xf32>
    %add3A_60 = arith.addf %add3A_20, %reduce_sum3A_59 : vector<128x128xf32>
    %ge3A_61 = arith.constant 0.000000e+00 : f32
    %ge3A_62 = vector.broadcast %ge3A_61 : f32 to vector<128x128xf32>
    %ge3A_63 = arith.cmpf oge, %add3A_60, %ge3A_62 : vector<128x128xf32>
    %mul3A_64 = arith.constant 0.00999999977 : f32
    %mul3A_65 = vector.broadcast %mul3A_64 : f32 to vector<128x128xf32>
    %mul3A_66 = arith.mulf %mul3A_65, %add3A_60 : vector<128x128xf32>
    %select_n3A_67 = arith.select %ge3A_63, %add3A_60, %mul3A_66 : vector<128x128xi1>, vector<128x128xf32>
    %slice3A_68 = vector.extract_strided_slice %div3A_54 {offsets = [0, 0, 1], sizes = [50, 128, 1], strides = [1, 1, 1]} : vector<50x128x4xf32> to vector<50x128x1xf32>
    %squeeze3A_69 = vector.shape_cast %slice3A_68 : vector<50x128x1xf32> to vector<50x128xf32>
    %broadcast_in_dim3A_70 = vector.shape_cast %squeeze3A_69 : vector<50x128xf32> to vector<50x128x1xf32>
    %mul3A_71 = vector.broadcast %broadcast_in_dim3A_70 : vector<50x128x1xf32> to vector<50x128x128xf32>
    %mul3A_72 = arith.mulf %mul3A_71, %get3A_5 : vector<50x128x128xf32>
    %reduce_sum3A_73 = arith.constant dense<0.000000e+00> : vector<128x128xf32>
    %reduce_sum3A_74 = vector.multi_reduction <add>, %mul3A_72, %reduce_sum3A_73 [0] : vector<50x128x128xf32> to vector<128x128xf32>
    %add3A_75 = arith.addf %add3A_20, %reduce_sum3A_74 : vector<128x128xf32>
    %ge3A_76 = arith.constant 0.000000e+00 : f32
    %ge3A_77 = vector.broadcast %ge3A_76 : f32 to vector<128x128xf32>
    %ge3A_78 = arith.cmpf oge, %add3A_75, %ge3A_77 : vector<128x128xf32>
    %mul3A_79 = arith.constant 0.00999999977 : f32
    %mul3A_80 = vector.broadcast %mul3A_79 : f32 to vector<128x128xf32>
    %mul3A_81 = arith.mulf %mul3A_80, %add3A_75 : vector<128x128xf32>
    %select_n3A_82 = arith.select %ge3A_78, %add3A_75, %mul3A_81 : vector<128x128xi1>, vector<128x128xf32>
    %slice3A_83 = vector.extract_strided_slice %div3A_54 {offsets = [0, 0, 2], sizes = [50, 128, 1], strides = [1, 1, 1]} : vector<50x128x4xf32> to vector<50x128x1xf32>
    %squeeze3A_84 = vector.shape_cast %slice3A_83 : vector<50x128x1xf32> to vector<50x128xf32>
    %broadcast_in_dim3A_85 = vector.shape_cast %squeeze3A_84 : vector<50x128xf32> to vector<50x128x1xf32>
    %mul3A_86 = vector.broadcast %broadcast_in_dim3A_85 : vector<50x128x1xf32> to vector<50x128x128xf32>
    %mul3A_87 = arith.mulf %mul3A_86, %get3A_5 : vector<50x128x128xf32>
    %reduce_sum3A_88 = arith.constant dense<0.000000e+00> : vector<128x128xf32>
    %reduce_sum3A_89 = vector.multi_reduction <add>, %mul3A_87, %reduce_sum3A_88 [0] : vector<50x128x128xf32> to vector<128x128xf32>
    %add3A_90 = arith.addf %add3A_20, %reduce_sum3A_89 : vector<128x128xf32>
    %ge3A_91 = arith.constant 0.000000e+00 : f32
    %ge3A_92 = vector.broadcast %ge3A_91 : f32 to vector<128x128xf32>
    %ge3A_93 = arith.cmpf oge, %add3A_90, %ge3A_92 : vector<128x128xf32>
    %mul3A_94 = arith.constant 0.00999999977 : f32
    %mul3A_95 = vector.broadcast %mul3A_94 : f32 to vector<128x128xf32>
    %mul3A_96 = arith.mulf %mul3A_95, %add3A_90 : vector<128x128xf32>
    %select_n3A_97 = arith.select %ge3A_93, %add3A_90, %mul3A_96 : vector<128x128xi1>, vector<128x128xf32>
    %slice3A_98 = vector.extract_strided_slice %div3A_54 {offsets = [0, 0, 3], sizes = [50, 128, 1], strides = [1, 1, 1]} : vector<50x128x4xf32> to vector<50x128x1xf32>
    %squeeze3A_99 = vector.shape_cast %slice3A_98 : vector<50x128x1xf32> to vector<50x128xf32>
    %broadcast_in_dim3A_100 = vector.shape_cast %squeeze3A_99 : vector<50x128xf32> to vector<50x128x1xf32>
    %mul3A_101 = vector.broadcast %broadcast_in_dim3A_100 : vector<50x128x1xf32> to vector<50x128x128xf32>
    %mul3A_102 = arith.mulf %mul3A_101, %get3A_5 : vector<50x128x128xf32>
    %reduce_sum3A_103 = arith.constant dense<0.000000e+00> : vector<128x128xf32>
    %reduce_sum3A_104 = vector.multi_reduction <add>, %mul3A_102, %reduce_sum3A_103 [0] : vector<50x128x128xf32> to vector<128x128xf32>
    %add3A_105 = arith.addf %add3A_20, %reduce_sum3A_104 : vector<128x128xf32>
    %ge3A_106 = arith.constant 0.000000e+00 : f32
    %ge3A_107 = vector.broadcast %ge3A_106 : f32 to vector<128x128xf32>
    %ge3A_108 = arith.cmpf oge, %add3A_105, %ge3A_107 : vector<128x128xf32>
    %mul3A_109 = arith.constant 0.00999999977 : f32
    %mul3A_110 = vector.broadcast %mul3A_109 : f32 to vector<128x128xf32>
    %mul3A_111 = arith.mulf %mul3A_110, %add3A_105 : vector<128x128xf32>
    %select_n3A_112 = arith.select %ge3A_108, %add3A_105, %mul3A_111 : vector<128x128xi1>, vector<128x128xf32>
    %concatenate3A = tpu.concatenate %select_n3A_67, %select_n3A_82, %select_n3A_97, %select_n3A_112 in 1 : vector<128x128xf32>, vector<128x128xf32>, vector<128x128xf32>, vector<128x128xf32> -> vector<128x512xf32>
    %get3A_113 = arith.constant 0 : index
    %get3A_114 = arith.constant 0 : index
    %get3A_115 = vector.load %arg8[%get3A_113, %get3A_114] : memref<512x64xf32, #tpu.memory_space<vmem>>, vector<512x64xf32>
    %dot_general3A_116 = arith.constant dense<0.000000e+00> : vector<128x64xf32>
    %dot_general3A_117 = tpu.matmul %concatenate3A, %get3A_115, %dot_general3A_116 {dimension_numbers = #tpu.dot_dimension_numbers<[1], [0], [0], [1], [0, 0, 1, 1], [], []>, transpose_lhs_hint = false} : vector<128x512xf32>, vector<512x64xf32>, vector<128x64xf32> -> vector<128x64xf32>
    %get3A_118 = arith.constant 0 : index
    %get3A_119 = arith.constant 0 : index
    %get3A_120 = vector.load %arg9[%get3A_118, %get3A_119] : memref<1x64xf32, #tpu.memory_space<vmem>>, vector<1x64xf32>
    %add3A_121 = vector.broadcast %get3A_120 : vector<1x64xf32> to vector<128x64xf32>
    %add3A_122 = arith.addf %dot_general3A_117, %add3A_121 : vector<128x64xf32>
    %get3A_123 = arith.constant 0 : index
    %get3A_124 = arith.constant 0 : index
    %get3A_125 = vector.load %arg10[%get3A_123, %get3A_124] : memref<128x4xf32, #tpu.memory_space<vmem>>, vector<128x4xf32>
    %dot_general3A_126 = arith.constant dense<0.000000e+00> : vector<6400x4xf32>
    %dot_general3A_127 = tpu.matmul %reshape3A, %get3A_125, %dot_general3A_126 {dimension_numbers = #tpu.dot_dimension_numbers<[1], [0], [0], [1], [0, 0, 1, 1], [], []>, transpose_lhs_hint = false} : vector<6400x128xf32>, vector<128x4xf32>, vector<6400x4xf32> -> vector<6400x4xf32>
    %reshape3A_128 = vector.shape_cast %dot_general3A_127 : vector<6400x4xf32> to vector<50x128x4xf32>
    %get3A_129 = arith.constant 0 : index
    %get3A_130 = arith.constant 0 : index
    %get3A_131 = vector.load %arg11[%get3A_129, %get3A_130] : memref<64x4xf32, #tpu.memory_space<vmem>>, vector<64x4xf32>
    %dot_general3A_132 = arith.constant dense<0.000000e+00> : vector<128x4xf32>
    %dot_general3A_133 = tpu.matmul %add3A_122, %get3A_131, %dot_general3A_132 {dimension_numbers = #tpu.dot_dimension_numbers<[1], [0], [0], [1], [0, 0, 1, 1], [], []>, transpose_lhs_hint = false} : vector<128x64xf32>, vector<64x4xf32>, vector<128x4xf32> -> vector<128x4xf32>
    %broadcast_in_dim3A_134 = vector.shape_cast %dot_general3A_133 : vector<128x4xf32> to vector<1x128x4xf32>
    %add3A_135 = vector.broadcast %broadcast_in_dim3A_134 : vector<1x128x4xf32> to vector<50x128x4xf32>
    %add3A_136 = arith.addf %reshape3A_128, %add3A_135 : vector<50x128x4xf32>
    %get3A_137 = arith.constant 0 : index
    %get3A_138 = arith.constant 0 : index
    %get3A_139 = vector.load %arg12[%get3A_137, %get3A_138] : memref<1x4xf32, #tpu.memory_space<vmem>>, vector<1x4xf32>
    %broadcast_in_dim3A_140 = vector.shape_cast %get3A_139 : vector<1x4xf32> to vector<1x1x4xf32>
    %add3A_141 = vector.broadcast %broadcast_in_dim3A_140 : vector<1x1x4xf32> to vector<50x128x4xf32>
    %add3A_142 = arith.addf %add3A_136, %add3A_141 : vector<50x128x4xf32>
    %ge3A_143 = arith.constant 0.000000e+00 : f32
    %ge3A_144 = vector.broadcast %ge3A_143 : f32 to vector<50x128x4xf32>
    %ge3A_145 = arith.cmpf oge, %add3A_142, %ge3A_144 : vector<50x128x4xf32>
    %mul3A_146 = arith.constant 1.000000e-01 : f32
    %mul3A_147 = vector.broadcast %mul3A_146 : f32 to vector<50x128x4xf32>
    %mul3A_148 = arith.mulf %mul3A_147, %add3A_142 : vector<50x128x4xf32>
    %select_n3A_149 = arith.select %ge3A_145, %add3A_142, %mul3A_148 : vector<50x128x4xi1>, vector<50x128x4xf32>
    %sub3A_150 = vector.broadcast %mul3A_12 : vector<50x128x1xf32> to vector<50x128x4xf32>
    %sub3A_151 = arith.subf %select_n3A_149, %sub3A_150 : vector<50x128x4xf32>
    %reduce_max3A_152 = arith.constant dense<0xFF800000> : vector<128x4xf32>
    %reduce_max3A_153 = vector.multi_reduction <maximumf>, %sub3A_151, %reduce_max3A_152 [0] : vector<50x128x4xf32> to vector<128x4xf32>
    %broadcast_in_dim3A_154 = vector.shape_cast %reduce_max3A_153 : vector<128x4xf32> to vector<1x128x4xf32>
    %sub3A_155 = vector.broadcast %broadcast_in_dim3A_154 : vector<1x128x4xf32> to vector<50x128x4xf32>
    %sub3A_156 = arith.subf %sub3A_151, %sub3A_155 : vector<50x128x4xf32>
    %exp3A_157 = math.exp %sub3A_156 : vector<50x128x4xf32>
    %reduce_sum3A_158 = arith.constant dense<0.000000e+00> : vector<128x4xf32>
    %reduce_sum3A_159 = vector.multi_reduction <add>, %exp3A_157, %reduce_sum3A_158 [0] : vector<50x128x4xf32> to vector<128x4xf32>
    %broadcast_in_dim3A_160 = vector.shape_cast %reduce_sum3A_159 : vector<128x4xf32> to vector<1x128x4xf32>
    %div3A_161 = vector.broadcast %broadcast_in_dim3A_160 : vector<1x128x4xf32> to vector<50x128x4xf32>
    %div3A_162 = arith.divf %exp3A_157, %div3A_161 : vector<50x128x4xf32>
    %reduce_sum3A_163 = arith.constant dense<0.000000e+00> : vector<50x128xf32>
    %reduce_sum3A_164 = vector.multi_reduction <add>, %div3A_162, %reduce_sum3A_163 [2] : vector<50x128x4xf32> to vector<50x128xf32>
    %div3A_165 = arith.constant 4.000000e+00 : f32
    %div3A_166 = vector.broadcast %div3A_165 : f32 to vector<50x128xf32>
    %div3A_167 = arith.divf %reduce_sum3A_164, %div3A_166 : vector<50x128xf32>
    %broadcast_in_dim3A_168 = vector.shape_cast %div3A_167 : vector<50x128xf32> to vector<50x128x1xf32>
    %mul3A_169 = vector.broadcast %broadcast_in_dim3A_168 : vector<50x128x1xf32> to vector<50x128x128xf32>
    %mul3A_170 = arith.mulf %mul3A_169, %get3A_5 : vector<50x128x128xf32>
    %reduce_sum3A_171 = arith.constant dense<0.000000e+00> : vector<128x128xf32>
    %reduce_sum3A_172 = vector.multi_reduction <add>, %mul3A_170, %reduce_sum3A_171 [0] : vector<50x128x128xf32> to vector<128x128xf32>
    %add3A_173 = arith.addf %get3A_1, %add3A_122 : vector<128x64xf32>
    %get3A_174 = arith.constant 0 : index
    %get3A_175 = arith.constant 0 : index
    %get3A_176 = vector.load %arg13[%get3A_174, %get3A_175] : memref<128x64xf32, #tpu.memory_space<vmem>>, vector<128x64xf32>
    %dot_general3A_177 = arith.constant dense<0.000000e+00> : vector<128x64xf32>
    %dot_general3A_178 = tpu.matmul %reduce_sum3A_172, %get3A_176, %dot_general3A_177 {dimension_numbers = #tpu.dot_dimension_numbers<[1], [0], [0], [1], [0, 0, 1, 1], [], []>, transpose_lhs_hint = false} : vector<128x128xf32>, vector<128x64xf32>, vector<128x64xf32> -> vector<128x64xf32>
    %add3A_179 = arith.addf %add3A_173, %dot_general3A_178 : vector<128x64xf32>
    %swap3A = arith.constant 0 : index
    %swap3A_180 = arith.constant 0 : index
    %swap3A_181 = vector.load %arg14[%swap3A, %swap3A_180] : memref<128x64xf32, #tpu.memory_space<vmem>>, vector<128x64xf32>
    tpu.vector_store %arg14[%swap3A, %swap3A_180], %add3A_179 {strides = array<i32>} : memref<128x64xf32, #tpu.memory_space<vmem>>, vector<128x64xf32>,
    return
  }
  func.func @transform_0(%arg0: i32) -> (i32, i32) {
    %add3A = arith.constant 64 : i32
    %add3A_0 = arith.addi %add3A, %arg0 : i32
    %c0_i32 = arith.constant 0 : i32
    %c0_i32_1 = arith.constant 0 : i32
    return %add3A_0, %c0_i32 : i32, i32
  }
  func.func @transform_1(%arg0: i32) -> (i32, i32, i32) {
    %c0_i32 = arith.constant 0 : i32
    %c0_i32_0 = arith.constant 0 : i32
    %c0_i32_1 = arith.constant 0 : i32
    return %c0_i32, %arg0, %c0_i32_0 : i32, i32, i32
  }
  func.func @transform_2(%arg0: i32) -> (i32, i32) {
    %add3A = arith.constant 64 : i32
    %add3A_0 = arith.addi %add3A, %arg0 : i32
    %c0_i32 = arith.constant 0 : i32
    %c0_i32_1 = arith.constant 0 : i32
    return %add3A_0, %c0_i32 : i32, i32
  }
  func.func @transform_3(%arg0: i32) -> (i32, i32) {
    %c0_i32 = arith.constant 0 : i32
    %c0_i32_0 = arith.constant 0 : i32
    %c0_i32_1 = arith.constant 0 : i32
    return %c0_i32, %c0_i32_0 : i32, i32
  }
  func.func @transform_4(%arg0: i32) -> (i32, i32) {
    %c0_i32 = arith.constant 0 : i32
    %c0_i32_0 = arith.constant 0 : i32
    %c0_i32_1 = arith.constant 0 : i32
    return %c0_i32, %c0_i32_0 : i32, i32
  }
  func.func @transform_5(%arg0: i32) -> (i32, i32) {
    %c0_i32 = arith.constant 0 : i32
    %c0_i32_0 = arith.constant 0 : i32
    %c0_i32_1 = arith.constant 0 : i32
    return %c0_i32, %c0_i32_0 : i32, i32
  }
  func.func @transform_6(%arg0: i32) -> (i32, i32) {
    %c0_i32 = arith.constant 0 : i32
    %c0_i32_0 = arith.constant 0 : i32
    %c0_i32_1 = arith.constant 0 : i32
    return %c0_i32, %c0_i32_0 : i32, i32
  }
  func.func @transform_7(%arg0: i32) -> (i32, i32) {
    %c0_i32 = arith.constant 0 : i32
    %c0_i32_0 = arith.constant 0 : i32
    %c0_i32_1 = arith.constant 0 : i32
    return %c0_i32, %c0_i32_0 : i32, i32
  }
  func.func @transform_8(%arg0: i32) -> (i32, i32) {
    %c0_i32 = arith.constant 0 : i32
    %c0_i32_0 = arith.constant 0 : i32
    %c0_i32_1 = arith.constant 0 : i32
    return %c0_i32, %c0_i32_0 : i32, i32
  }
  func.func @transform_9(%arg0: i32) -> (i32, i32) {
    %c0_i32 = arith.constant 0 : i32
    %c0_i32_0 = arith.constant 0 : i32
    %c0_i32_1 = arith.constant 0 : i32
    return %c0_i32, %c0_i32_0 : i32, i32
  }
  func.func @transform_10(%arg0: i32) -> (i32, i32) {
    %c0_i32 = arith.constant 0 : i32
    %c0_i32_0 = arith.constant 0 : i32
    %c0_i32_1 = arith.constant 0 : i32
    return %c0_i32, %c0_i32_0 : i32, i32
  }
  func.func @transform_11(%arg0: i32) -> (i32, i32) {
    %c0_i32 = arith.constant 0 : i32
    %c0_i32_0 = arith.constant 0 : i32
    %c0_i32_1 = arith.constant 0 : i32
    return %c0_i32, %c0_i32_0 : i32, i32
  }
  func.func @transform_12(%arg0: i32) -> (i32, i32) {
    %c0_i32 = arith.constant 0 : i32
    %c0_i32_0 = arith.constant 0 : i32
    %c0_i32_1 = arith.constant 0 : i32
    return %c0_i32, %c0_i32_0 : i32, i32
  }
  func.func @transform_13(%arg0: i32) -> (i32, i32) {
    %c0_i32 = arith.constant 0 : i32
    %c0_i32_0 = arith.constant 0 : i32
    return %arg0, %c0_i32 : i32, i32
  }
}

module attributes {stable_mosaic.version = 14 : i64} {
  func.func @_main_body(%arg0: i32, %arg1: memref<128x64xf32, #tpu.memory_space<vmem>>, %arg2: memref<50x128x128xf32, #tpu.memory_space<vmem>>, %arg3: memref<128x50xf32, #tpu.memory_space<vmem>>, %arg4: memref<64x128xf32, #tpu.memory_space<vmem>>, %arg5: memref<1x128xf32, #tpu.memory_space<vmem>>, %arg6: memref<128x4xf32, #tpu.memory_space<vmem>>, %arg7: memref<1x4xf32, #tpu.memory_space<vmem>>, %arg8: memref<512x64xf32, #tpu.memory_space<vmem>>, %arg9: memref<1x64xf32, #tpu.memory_space<vmem>>, %arg10: memref<128x4xf32, #tpu.memory_space<vmem>>, %arg11: memref<64x4xf32, #tpu.memory_space<vmem>>, %arg12: memref<1x4xf32, #tpu.memory_space<vmem>>, %arg13: memref<128x64xf32, #tpu.memory_space<vmem>>, %arg14: memref<128x64xf32, #tpu.memory_space<vmem>>) attributes {dimension_semantics = [#tpu.dimension_semantics<arbitrary>], iteration_bounds = array<i64: 32>, scalar_prefetch = 0 : i64, scratch_operands = 0 : i64, tpu.core_type = #tpu.core_type<tc>, window_params = [{transform_indices = @transform_0, window_bounds = array<i64: 128, 64>}, {transform_indices = @transform_1, window_bounds = array<i64: 50, 128, 128>}, {transform_indices = @transform_2, window_bounds = array<i64: 128, 50>}, {pipeline_mode = #tpu.pipeline_mode<synchronous>, transform_indices = @transform_3, window_bounds = array<i64: 64, 128>}, {pipeline_mode = #tpu.pipeline_mode<synchronous>, transform_indices = @transform_4, window_bounds = array<i64: 1, 128>}, {pipeline_mode = #tpu.pipeline_mode<synchronous>, transform_indices = @transform_5, window_bounds = array<i64: 128, 4>}, {pipeline_mode = #tpu.pipeline_mode<synchronous>, transform_indices = @transform_6, window_bounds = array<i64: 1, 4>}, {pipeline_mode = #tpu.pipeline_mode<synchronous>, transform_indices = @transform_7, window_bounds = array<i64: 512, 64>}, {pipeline_mode = #tpu.pipeline_mode<synchronous>, transform_indices = @transform_8, window_bounds = array<i64: 1, 64>}, {pipeline_mode = #tpu.pipeline_mode<synchronous>, transform_indices = @transform_9, window_bounds = array<i64: 128, 4>}, {pipeline_mode = #tpu.pipeline_mode<synchronous>, transform_indices = @transform_10, window_bounds = array<i64: 64, 4>}, {pipeline_mode = #tpu.pipeline_mode<synchronous>, transform_indices = @transform_11, window_bounds = array<i64: 1, 4>}, {pipeline_mode = #tpu.pipeline_mode<synchronous>, transform_indices = @transform_12, window_bounds = array<i64: 128, 64>}, {transform_indices = @transform_13, window_bounds = array<i64: 128, 64>}]} {
    %get3A = arith.constant 0 : index
    %get3A_0 = arith.constant 0 : index
    %get3A_1 = vector.load %arg1[%get3A, %get3A_0] : memref<128x64xf32, #tpu.memory_space<vmem>>, vector<128x64xf32>
    %get3A_2 = arith.constant 0 : index
    %get3A_3 = arith.constant 0 : index
    %get3A_4 = arith.constant 0 : index
    %get3A_5 = vector.load %arg2[%get3A_2, %get3A_3, %get3A_4] : memref<50x128x128xf32, #tpu.memory_space<vmem>>, vector<50x128x128xf32>
    %reshape3A = vector.shape_cast %get3A_5 : vector<50x128x128xf32> to vector<6400x128xf32>
    %get3A_6 = arith.constant 0 : index
    %get3A_7 = arith.constant 0 : index
    %get3A_8 = vector.load %arg3[%get3A_6, %get3A_7] : memref<128x50xf32, #tpu.memory_space<vmem>>, vector<128x50xf32>
    %transpose3A = tpu.transpose %get3A_8, [1, 0] : vector<128x50xf32> -> vector<50x128xf32>
    %sub3A = arith.constant 1.000000e+00 : f32
    %sub3A_9 = vector.broadcast %sub3A : f32 to vector<50x128xf32>
    %sub3A_10 = arith.subf %sub3A_9, %transpose3A : vector<50x128xf32>
    %broadcast_in_dim3A = vector.shape_cast %sub3A_10 : vector<50x128xf32> to vector<50x128x1xf32>
    %mul3A = arith.constant 1.000000e+31 : f32
    %mul3A_11 = vector.broadcast %mul3A : f32 to vector<50x128x1xf32>
    %mul3A_12 = arith.mulf %mul3A_11, %broadcast_in_dim3A : vector<50x128x1xf32>
    %get3A_13 = arith.constant 0 : index
    %get3A_14 = arith.constant 0 : index
    %get3A_15 = vector.load %arg4[%get3A_13, %get3A_14] : memref<64x128xf32, #tpu.memory_space<vmem>>, vector<64x128xf32>
    %dot_general3A = arith.constant dense<0.000000e+00> : vector<128x128xf32>
    %dot_general3A_16 = tpu.matmul %get3A_1, %get3A_15, %dot_general3A {dimension_numbers = #tpu.dot_dimension_numbers<[1], [0], [0], [1], [0, 0, 1, 1], [], []>, transpose_lhs_hint = false} : vector<128x64xf32>, vector<64x128xf32>, vector<128x128xf32> -> vector<128x128xf32>
    %get3A_17 = arith.constant 0 : index
    %get3A_18 = arith.constant 0 : index
    %get3A_19 = vector.load %arg5[%get3A_17, %get3A_18] : memref<1x128xf32, #tpu.memory_space<vmem>>, vector<1x128xf32>
    %add3A = vector.broadcast %get3A_19 : vector<1x128xf32> to vector<128x128xf32>
    %add3A_20 = arith.addf %dot_general3A_16, %add3A : vector<128x128xf32>
    %get3A_21 = arith.constant 0 : index
    %get3A_22 = arith.constant 0 : index
    %get3A_23 = vector.load %arg6[%get3A_21, %get3A_22] : memref<128x4xf32, #tpu.memory_space<vmem>>, vector<128x4xf32>
    %dot_general3A_24 = arith.constant dense<0.000000e+00> : vector<6400x4xf32>
    %dot_general3A_25 = tpu.matmul %reshape3A, %get3A_23, %dot_general3A_24 {dimension_numbers = #tpu.dot_dimension_numbers<[1], [0], [0], [1], [0, 0, 1, 1], [], []>, transpose_lhs_hint = false} : vector<6400x128xf32>, vector<128x4xf32>, vector<6400x4xf32> -> vector<6400x4xf32>
    %reshape3A_26 = vector.shape_cast %dot_general3A_25 : vector<6400x4xf32> to vector<50x128x4xf32>
    %get3A_27 = arith.constant 0 : index
    %get3A_28 = arith.constant 0 : index
    %get3A_29 = vector.load %arg6[%get3A_27, %get3A_28] : memref<128x4xf32, #tpu.memory_space<vmem>>, vector<128x4xf32>
    %dot_general3A_30 = arith.constant dense<0.000000e+00> : vector<128x4xf32>
    %dot_general3A_31 = tpu.matmul %add3A_20, %get3A_29, %dot_general3A_30 {dimension_numbers = #tpu.dot_dimension_numbers<[1], [0], [0], [1], [0, 0, 1, 1], [], []>, transpose_lhs_hint = false} : vector<128x128xf32>, vector<128x4xf32>, vector<128x4xf32> -> vector<128x4xf32>
    %broadcast_in_dim3A_32 = vector.shape_cast %dot_general3A_31 : vector<128x4xf32> to vector<1x128x4xf32>
    %add3A_33 = vector.broadcast %broadcast_in_dim3A_32 : vector<1x128x4xf32> to vector<50x128x4xf32>
    %add3A_34 = arith.addf %reshape3A_26, %add3A_33 : vector<50x128x4xf32>
    %get3A_35 = arith.constant 0 : index
    %get3A_36 = arith.constant 0 : index
    %get3A_37 = vector.load %arg7[%get3A_35, %get3A_36] : memref<1x4xf32, #tpu.memory_space<vmem>>, vector<1x4xf32>
    %broadcast_in_dim3A_38 = vector.shape_cast %get3A_37 : vector<1x4xf32> to vector<1x1x4xf32>
    %add3A_39 = vector.broadcast %broadcast_in_dim3A_38 : vector<1x1x4xf32> to vector<50x128x4xf32>
    %add3A_40 = arith.addf %add3A_34, %add3A_39 : vector<50x128x4xf32>
    %ge3A = arith.constant 0.000000e+00 : f32
    %ge3A_41 = vector.broadcast %ge3A : f32 to vector<50x128x4xf32>
    %ge3A_42 = arith.cmpf oge, %add3A_40, %ge3A_41 : vector<50x128x4xf32>
    %mul3A_43 = arith.constant 1.000000e-01 : f32
    %mul3A_44 = vector.broadcast %mul3A_43 : f32 to vector<50x128x4xf32>
    %mul3A_45 = arith.mulf %mul3A_44, %add3A_40 : vector<50x128x4xf32>
    %select_n3A = arith.select %ge3A_42, %add3A_40, %mul3A_45 : vector<50x128x4xi1>, vector<50x128x4xf32>
    %sub3A_46 = vector.broadcast %mul3A_12 : vector<50x128x1xf32> to vector<50x128x4xf32>
    %sub3A_47 = arith.subf %select_n3A, %sub3A_46 : vector<50x128x4xf32>
    %reduce_max3A = arith.constant dense<0xFF800000> : vector<128x4xf32>
    %reduce_max3A_48 = vector.multi_reduction <maximumf>, %sub3A_47, %reduce_max3A [0] : vector<50x128x4xf32> to vector<128x4xf32>
    %broadcast_in_dim3A_49 = vector.shape_cast %reduce_max3A_48 : vector<128x4xf32> to vector<1x128x4xf32>
    %sub3A_50 = vector.broadcast %broadcast_in_dim3A_49 : vector<1x128x4xf32> to vector<50x128x4xf32>
    %sub3A_51 = arith.subf %sub3A_47, %sub3A_50 : vector<50x128x4xf32>
    %exp3A = math.exp %sub3A_51 : vector<50x128x4xf32>
    %reduce_sum3A = arith.constant dense<0.000000e+00> : vector<128x4xf32>
    %reduce_sum3A_52 = vector.multi_reduction <add>, %exp3A, %reduce_sum3A [0] : vector<50x128x4xf32> to vector<128x4xf32>
    %broadcast_in_dim3A_53 = vector.shape_cast %reduce_sum3A_52 : vector<128x4xf32> to vector<1x128x4xf32>
    %div3A = vector.broadcast %broadcast_in_dim3A_53 : vector<1x128x4xf32> to vector<50x128x4xf32>
    %div3A_54 = arith.divf %exp3A, %div3A : vector<50x128x4xf32>
    %slice3A = vector.extract_strided_slice %div3A_54 {offsets = [0, 0, 0], sizes = [50, 128, 1], strides = [1, 1, 1]} : vector<50x128x4xf32> to vector<50x128x1xf32>
    %squeeze3A = vector.shape_cast %slice3A : vector<50x128x1xf32> to vector<50x128xf32>
    %broadcast_in_dim3A_55 = vector.shape_cast %squeeze3A : vector<50x128xf32> to vector<50x128x1xf32>
    %mul3A_56 = vector.broadcast %broadcast_in_dim3A_55 : vector<50x128x1xf32> to vector<50x128x128xf32>
    %mul3A_57 = arith.mulf %mul3A_56, %get3A_5 : vector<50x128x128xf32>
    %reduce_sum3A_58 = arith.constant dense<0.000000e+00> : vector<128x128xf32>
    %reduce_sum3A_59 = vector.multi_reduction <add>, %mul3A_57, %reduce_sum3A_58 [0] : vector<50x128x128xf32> to vector<128x128xf32>
    %add3A_60 = arith.addf %add3A_20, %reduce_sum3A_59 : vector<128x128xf32>
    %ge3A_61 = arith.constant 0.000000e+00 : f32
    %ge3A_62 = vector.broadcast %ge3A_61 : f32 to vector<128x128xf32>
    %ge3A_63 = arith.cmpf oge, %add3A_60, %ge3A_62 : vector<128x128xf32>
    %mul3A_64 = arith.constant 0.00999999977 : f32
    %mul3A_65 = vector.broadcast %mul3A_64 : f32 to vector<128x128xf32>
    %mul3A_66 = arith.mulf %mul3A_65, %add3A_60 : vector<128x128xf32>
    %select_n3A_67 = arith.select %ge3A_63, %add3A_60, %mul3A_66 : vector<128x128xi1>, vector<128x128xf32>
    %slice3A_68 = vector.extract_strided_slice %div3A_54 {offsets = [0, 0, 1], sizes = [50, 128, 1], strides = [1, 1, 1]} : vector<50x128x4xf32> to vector<50x128x1xf32>
    %squeeze3A_69 = vector.shape_cast %slice3A_68 : vector<50x128x1xf32> to vector<50x128xf32>
    %broadcast_in_dim3A_70 = vector.shape_cast %squeeze3A_69 : vector<50x128xf32> to vector<50x128x1xf32>
    %mul3A_71 = vector.broadcast %broadcast_in_dim3A_70 : vector<50x128x1xf32> to vector<50x128x128xf32>
    %mul3A_72 = arith.mulf %mul3A_71, %get3A_5 : vector<50x128x128xf32>
    %reduce_sum3A_73 = arith.constant dense<0.000000e+00> : vector<128x128xf32>
    %reduce_sum3A_74 = vector.multi_reduction <add>, %mul3A_72, %reduce_sum3A_73 [0] : vector<50x128x128xf32> to vector<128x128xf32>
    %add3A_75 = arith.addf %add3A_20, %reduce_sum3A_74 : vector<128x128xf32>
    %ge3A_76 = arith.constant 0.000000e+00 : f32
    %ge3A_77 = vector.broadcast %ge3A_76 : f32 to vector<128x128xf32>
    %ge3A_78 = arith.cmpf oge, %add3A_75, %ge3A_77 : vector<128x128xf32>
    %mul3A_79 = arith.constant 0.00999999977 : f32
    %mul3A_80 = vector.broadcast %mul3A_79 : f32 to vector<128x128xf32>
    %mul3A_81 = arith.mulf %mul3A_80, %add3A_75 : vector<128x128xf32>
    %select_n3A_82 = arith.select %ge3A_78, %add3A_75, %mul3A_81 : vector<128x128xi1>, vector<128x128xf32>
    %slice3A_83 = vector.extract_strided_slice %div3A_54 {offsets = [0, 0, 2], sizes = [50, 128, 1], strides = [1, 1, 1]} : vector<50x128x4xf32> to vector<50x128x1xf32>
    %squeeze3A_84 = vector.shape_cast %slice3A_83 : vector<50x128x1xf32> to vector<50x128xf32>
    %broadcast_in_dim3A_85 = vector.shape_cast %squeeze3A_84 : vector<50x128xf32> to vector<50x128x1xf32>
    %mul3A_86 = vector.broadcast %broadcast_in_dim3A_85 : vector<50x128x1xf32> to vector<50x128x128xf32>
    %mul3A_87 = arith.mulf %mul3A_86, %get3A_5 : vector<50x128x128xf32>
    %reduce_sum3A_88 = arith.constant dense<0.000000e+00> : vector<128x128xf32>
    %reduce_sum3A_89 = vector.multi_reduction <add>, %mul3A_87, %reduce_sum3A_88 [0] : vector<50x128x128xf32> to vector<128x128xf32>
    %add3A_90 = arith.addf %add3A_20, %reduce_sum3A_89 : vector<128x128xf32>
    %ge3A_91 = arith.constant 0.000000e+00 : f32
    %ge3A_92 = vector.broadcast %ge3A_91 : f32 to vector<128x128xf32>
    %ge3A_93 = arith.cmpf oge, %add3A_90, %ge3A_92 : vector<128x128xf32>
    %mul3A_94 = arith.constant 0.00999999977 : f32
    %mul3A_95 = vector.broadcast %mul3A_94 : f32 to vector<128x128xf32>
    %mul3A_96 = arith.mulf %mul3A_95, %add3A_90 : vector<128x128xf32>
    %select_n3A_97 = arith.select %ge3A_93, %add3A_90, %mul3A_96 : vector<128x128xi1>, vector<128x128xf32>
    %slice3A_98 = vector.extract_strided_slice %div3A_54 {offsets = [0, 0, 3], sizes = [50, 128, 1], strides = [1, 1, 1]} : vector<50x128x4xf32> to vector<50x128x1xf32>
    %squeeze3A_99 = vector.shape_cast %slice3A_98 : vector<50x128x1xf32> to vector<50x128xf32>
    %broadcast_in_dim3A_100 = vector.shape_cast %squeeze3A_99 : vector<50x128xf32> to vector<50x128x1xf32>
    %mul3A_101 = vector.broadcast %broadcast_in_dim3A_100 : vector<50x128x1xf32> to vector<50x128x128xf32>
    %mul3A_102 = arith.mulf %mul3A_101, %get3A_5 : vector<50x128x128xf32>
    %reduce_sum3A_103 = arith.constant dense<0.000000e+00> : vector<128x128xf32>
    %reduce_sum3A_104 = vector.multi_reduction <add>, %mul3A_102, %reduce_sum3A_103 [0] : vector<50x128x128xf32> to vector<128x128xf32>
    %add3A_105 = arith.addf %add3A_20, %reduce_sum3A_104 : vector<128x128xf32>
    %ge3A_106 = arith.constant 0.000000e+00 : f32
    %ge3A_107 = vector.broadcast %ge3A_106 : f32 to vector<128x128xf32>
    %ge3A_108 = arith.cmpf oge, %add3A_105, %ge3A_107 : vector<128x128xf32>
    %mul3A_109 = arith.constant 0.00999999977 : f32
    %mul3A_110 = vector.broadcast %mul3A_109 : f32 to vector<128x128xf32>
    %mul3A_111 = arith.mulf %mul3A_110, %add3A_105 : vector<128x128xf32>
    %select_n3A_112 = arith.select %ge3A_108, %add3A_105, %mul3A_111 : vector<128x128xi1>, vector<128x128xf32>
    %concatenate3A = tpu.concatenate %select_n3A_67, %select_n3A_82, %select_n3A_97, %select_n3A_112 in 1 : vector<128x128xf32>, vector<128x128xf32>, vector<128x128xf32>, vector<128x128xf32> -> vector<128x512xf32>
    %get3A_113 = arith.constant 0 : index
    %get3A_114 = arith.constant 0 : index
    %get3A_115 = vector.load %arg8[%get3A_113, %get3A_114] : memref<512x64xf32, #tpu.memory_space<vmem>>, vector<512x64xf32>
    %dot_general3A_116 = arith.constant dense<0.000000e+00> : vector<128x64xf32>
    %dot_general3A_117 = tpu.matmul %concatenate3A, %get3A_115, %dot_general3A_116 {dimension_numbers = #tpu.dot_dimension_numbers<[1], [0], [0], [1], [0, 0, 1, 1], [], []>, transpose_lhs_hint = false} : vector<128x512xf32>, vector<512x64xf32>, vector<128x64xf32> -> vector<128x64xf32>
    %get3A_118 = arith.constant 0 : index
    %get3A_119 = arith.constant 0 : index
    %get3A_120 = vector.load %arg9[%get3A_118, %get3A_119] : memref<1x64xf32, #tpu.memory_space<vmem>>, vector<1x64xf32>
    %add3A_121 = vector.broadcast %get3A_120 : vector<1x64xf32> to vector<128x64xf32>
    %add3A_122 = arith.addf %dot_general3A_117, %add3A_121 : vector<128x64xf32>
    %get3A_123 = arith.constant 0 : index
    %get3A_124 = arith.constant 0 : index
    %get3A_125 = vector.load %arg10[%get3A_123, %get3A_124] : memref<128x4xf32, #tpu.memory_space<vmem>>, vector<128x4xf32>
    %dot_general3A_126 = arith.constant dense<0.000000e+00> : vector<6400x4xf32>
    %dot_general3A_127 = tpu.matmul %reshape3A, %get3A_125, %dot_general3A_126 {dimension_numbers = #tpu.dot_dimension_numbers<[1], [0], [0], [1], [0, 0, 1, 1], [], []>, transpose_lhs_hint = false} : vector<6400x128xf32>, vector<128x4xf32>, vector<6400x4xf32> -> vector<6400x4xf32>
    %reshape3A_128 = vector.shape_cast %dot_general3A_127 : vector<6400x4xf32> to vector<50x128x4xf32>
    %get3A_129 = arith.constant 0 : index
    %get3A_130 = arith.constant 0 : index
    %get3A_131 = vector.load %arg11[%get3A_129, %get3A_130] : memref<64x4xf32, #tpu.memory_space<vmem>>, vector<64x4xf32>
    %dot_general3A_132 = arith.constant dense<0.000000e+00> : vector<128x4xf32>
    %dot_general3A_133 = tpu.matmul %add3A_122, %get3A_131, %dot_general3A_132 {dimension_numbers = #tpu.dot_dimension_numbers<[1], [0], [0], [1], [0, 0, 1, 1], [], []>, transpose_lhs_hint = false} : vector<128x64xf32>, vector<64x4xf32>, vector<128x4xf32> -> vector<128x4xf32>
    %broadcast_in_dim3A_134 = vector.shape_cast %dot_general3A_133 : vector<128x4xf32> to vector<1x128x4xf32>
    %add3A_135 = vector.broadcast %broadcast_in_dim3A_134 : vector<1x128x4xf32> to vector<50x128x4xf32>
    %add3A_136 = arith.addf %reshape3A_128, %add3A_135 : vector<50x128x4xf32>
    %get3A_137 = arith.constant 0 : index
    %get3A_138 = arith.constant 0 : index
    %get3A_139 = vector.load %arg12[%get3A_137, %get3A_138] : memref<1x4xf32, #tpu.memory_space<vmem>>, vector<1x4xf32>
    %broadcast_in_dim3A_140 = vector.shape_cast %get3A_139 : vector<1x4xf32> to vector<1x1x4xf32>
    %add3A_141 = vector.broadcast %broadcast_in_dim3A_140 : vector<1x1x4xf32> to vector<50x128x4xf32>
    %add3A_142 = arith.addf %add3A_136, %add3A_141 : vector<50x128x4xf32>
    %ge3A_143 = arith.constant 0.000000e+00 : f32
    %ge3A_144 = vector.broadcast %ge3A_143 : f32 to vector<50x128x4xf32>
    %ge3A_145 = arith.cmpf oge, %add3A_142, %ge3A_144 : vector<50x128x4xf32>
    %mul3A_146 = arith.constant 1.000000e-01 : f32
    %mul3A_147 = vector.broadcast %mul3A_146 : f32 to vector<50x128x4xf32>
    %mul3A_148 = arith.mulf %mul3A_147, %add3A_142 : vector<50x128x4xf32>
    %select_n3A_149 = arith.select %ge3A_145, %add3A_142, %mul3A_148 : vector<50x128x4xi1>, vector<50x128x4xf32>
    %sub3A_150 = vector.broadcast %mul3A_12 : vector<50x128x1xf32> to vector<50x128x4xf32>
    %sub3A_151 = arith.subf %select_n3A_149, %sub3A_150 : vector<50x128x4xf32>
    %reduce_max3A_152 = arith.constant dense<0xFF800000> : vector<128x4xf32>
    %reduce_max3A_153 = vector.multi_reduction <maximumf>, %sub3A_151, %reduce_max3A_152 [0] : vector<50x128x4xf32> to vector<128x4xf32>
    %broadcast_in_dim3A_154 = vector.shape_cast %reduce_max3A_153 : vector<128x4xf32> to vector<1x128x4xf32>
    %sub3A_155 = vector.broadcast %broadcast_in_dim3A_154 : vector<1x128x4xf32> to vector<50x128x4xf32>
    %sub3A_156 = arith.subf %sub3A_151, %sub3A_155 : vector<50x128x4xf32>
    %exp3A_157 = math.exp %sub3A_156 : vector<50x128x4xf32>
    %reduce_sum3A_158 = arith.constant dense<0.000000e+00> : vector<128x4xf32>
    %reduce_sum3A_159 = vector.multi_reduction <add>, %exp3A_157, %reduce_sum3A_158 [0] : vector<50x128x4xf32> to vector<128x4xf32>
    %broadcast_in_dim3A_160 = vector.shape_cast %reduce_sum3A_159 : vector<128x4xf32> to vector<1x128x4xf32>
    %div3A_161 = vector.broadcast %broadcast_in_dim3A_160 : vector<1x128x4xf32> to vector<50x128x4xf32>
    %div3A_162 = arith.divf %exp3A_157, %div3A_161 : vector<50x128x4xf32>
    %reduce_sum3A_163 = arith.constant dense<0.000000e+00> : vector<50x128xf32>
    %reduce_sum3A_164 = vector.multi_reduction <add>, %div3A_162, %reduce_sum3A_163 [2] : vector<50x128x4xf32> to vector<50x128xf32>
    %div3A_165 = arith.constant 4.000000e+00 : f32
    %div3A_166 = vector.broadcast %div3A_165 : f32 to vector<50x128xf32>
    %div3A_167 = arith.divf %reduce_sum3A_164, %div3A_166 : vector<50x128xf32>
    %broadcast_in_dim3A_168 = vector.shape_cast %div3A_167 : vector<50x128xf32> to vector<50x128x1xf32>
    %mul3A_169 = vector.broadcast %broadcast_in_dim3A_168 : vector<50x128x1xf32> to vector<50x128x128xf32>
    %mul3A_170 = arith.mulf %mul3A_169, %get3A_5 : vector<50x128x128xf32>
    %reduce_sum3A_171 = arith.constant dense<0.000000e+00> : vector<128x128xf32>
    %reduce_sum3A_172 = vector.multi_reduction <add>, %mul3A_170, %reduce_sum3A_171 [0] : vector<50x128x128xf32> to vector<128x128xf32>
    %add3A_173 = arith.addf %get3A_1, %add3A_122 : vector<128x64xf32>
    %get3A_174 = arith.constant 0 : index
    %get3A_175 = arith.constant 0 : index
    %get3A_176 = vector.load %arg13[%get3A_174, %get3A_175] : memref<128x64xf32, #tpu.memory_space<vmem>>, vector<128x64xf32>
    %dot_general3A_177 = arith.constant dense<0.000000e+00> : vector<128x64xf32>
    %dot_general3A_178 = tpu.matmul %reduce_sum3A_172, %get3A_176, %dot_general3A_177 {dimension_numbers = #tpu.dot_dimension_numbers<[1], [0], [0], [1], [0, 0, 1, 1], [], []>, transpose_lhs_hint = false} : vector<128x128xf32>, vector<128x64xf32>, vector<128x64xf32> -> vector<128x64xf32>
    %add3A_179 = arith.addf %add3A_173, %dot_general3A_178 : vector<128x64xf32>
    %swap3A = arith.constant 0 : index
    %swap3A_180 = arith.constant 0 : index
    %swap3A_181 = vector.load %arg14[%swap3A, %swap3A_180] : memref<128x64xf32, #tpu.memory_space<vmem>>, vector<128x64xf32>
    tpu.vector_store %arg14[%swap3A, %swap3A_180], %add3A_179 {strides = array<i32>} : memref<128x64xf32, #tpu.memory_space<vmem>>, vector<128x64xf32>,
    return
  }
  func.func @transform_0(%arg0: i32) -> (i32, i32) {
    %add3A = arith.constant 32 : i32
    %add3A_0 = arith.addi %add3A, %arg0 : i32
    %c0_i32 = arith.constant 0 : i32
    %c0_i32_1 = arith.constant 0 : i32
    return %add3A_0, %c0_i32 : i32, i32
  }
  func.func @transform_1(%arg0: i32) -> (i32, i32, i32) {
    %c0_i32 = arith.constant 0 : i32
    %c0_i32_0 = arith.constant 0 : i32
    %c0_i32_1 = arith.constant 0 : i32
    return %c0_i32, %arg0, %c0_i32_0 : i32, i32, i32
  }
  func.func @transform_2(%arg0: i32) -> (i32, i32) {
    %add3A = arith.constant 32 : i32
    %add3A_0 = arith.addi %add3A, %arg0 : i32
    %c0_i32 = arith.constant 0 : i32
    %c0_i32_1 = arith.constant 0 : i32
    return %add3A_0, %c0_i32 : i32, i32
  }
  func.func @transform_3(%arg0: i32) -> (i32, i32) {
    %c0_i32 = arith.constant 0 : i32
    %c0_i32_0 = arith.constant 0 : i32
    %c0_i32_1 = arith.constant 0 : i32
    return %c0_i32, %c0_i32_0 : i32, i32
  }
  func.func @transform_4(%arg0: i32) -> (i32, i32) {
    %c0_i32 = arith.constant 0 : i32
    %c0_i32_0 = arith.constant 0 : i32
    %c0_i32_1 = arith.constant 0 : i32
    return %c0_i32, %c0_i32_0 : i32, i32
  }
  func.func @transform_5(%arg0: i32) -> (i32, i32) {
    %c0_i32 = arith.constant 0 : i32
    %c0_i32_0 = arith.constant 0 : i32
    %c0_i32_1 = arith.constant 0 : i32
    return %c0_i32, %c0_i32_0 : i32, i32
  }
  func.func @transform_6(%arg0: i32) -> (i32, i32) {
    %c0_i32 = arith.constant 0 : i32
    %c0_i32_0 = arith.constant 0 : i32
    %c0_i32_1 = arith.constant 0 : i32
    return %c0_i32, %c0_i32_0 : i32, i32
  }
  func.func @transform_7(%arg0: i32) -> (i32, i32) {
    %c0_i32 = arith.constant 0 : i32
    %c0_i32_0 = arith.constant 0 : i32
    %c0_i32_1 = arith.constant 0 : i32
    return %c0_i32, %c0_i32_0 : i32, i32
  }
  func.func @transform_8(%arg0: i32) -> (i32, i32) {
    %c0_i32 = arith.constant 0 : i32
    %c0_i32_0 = arith.constant 0 : i32
    %c0_i32_1 = arith.constant 0 : i32
    return %c0_i32, %c0_i32_0 : i32, i32
  }
  func.func @transform_9(%arg0: i32) -> (i32, i32) {
    %c0_i32 = arith.constant 0 : i32
    %c0_i32_0 = arith.constant 0 : i32
    %c0_i32_1 = arith.constant 0 : i32
    return %c0_i32, %c0_i32_0 : i32, i32
  }
  func.func @transform_10(%arg0: i32) -> (i32, i32) {
    %c0_i32 = arith.constant 0 : i32
    %c0_i32_0 = arith.constant 0 : i32
    %c0_i32_1 = arith.constant 0 : i32
    return %c0_i32, %c0_i32_0 : i32, i32
  }
  func.func @transform_11(%arg0: i32) -> (i32, i32) {
    %c0_i32 = arith.constant 0 : i32
    %c0_i32_0 = arith.constant 0 : i32
    %c0_i32_1 = arith.constant 0 : i32
    return %c0_i32, %c0_i32_0 : i32, i32
  }
  func.func @transform_12(%arg0: i32) -> (i32, i32) {
    %c0_i32 = arith.constant 0 : i32
    %c0_i32_0 = arith.constant 0 : i32
    %c0_i32_1 = arith.constant 0 : i32
    return %c0_i32, %c0_i32_0 : i32, i32
  }
  func.func @transform_13(%arg0: i32) -> (i32, i32) {
    %c0_i32 = arith.constant 0 : i32
    %c0_i32_0 = arith.constant 0 : i32
    return %arg0, %c0_i32 : i32, i32
  }
}

module attributes {stable_mosaic.version = 14 : i64} {
  func.func @_main_body(%arg0: i32, %arg1: memref<128x64xf32, #tpu.memory_space<vmem>>, %arg2: memref<50x128x128xf32, #tpu.memory_space<vmem>>, %arg3: memref<128x50xf32, #tpu.memory_space<vmem>>, %arg4: memref<64x128xf32, #tpu.memory_space<vmem>>, %arg5: memref<1x128xf32, #tpu.memory_space<vmem>>, %arg6: memref<128x4xf32, #tpu.memory_space<vmem>>, %arg7: memref<1x4xf32, #tpu.memory_space<vmem>>, %arg8: memref<512x64xf32, #tpu.memory_space<vmem>>, %arg9: memref<1x64xf32, #tpu.memory_space<vmem>>, %arg10: memref<128x4xf32, #tpu.memory_space<vmem>>, %arg11: memref<64x4xf32, #tpu.memory_space<vmem>>, %arg12: memref<1x4xf32, #tpu.memory_space<vmem>>, %arg13: memref<128x64xf32, #tpu.memory_space<vmem>>, %arg14: memref<128x64xf32, #tpu.memory_space<vmem>>) attributes {dimension_semantics = [#tpu.dimension_semantics<arbitrary>], iteration_bounds = array<i64: 32>, scalar_prefetch = 0 : i64, scratch_operands = 0 : i64, tpu.core_type = #tpu.core_type<tc>, window_params = [{transform_indices = @transform_0, window_bounds = array<i64: 128, 64>}, {transform_indices = @transform_1, window_bounds = array<i64: 50, 128, 128>}, {transform_indices = @transform_2, window_bounds = array<i64: 128, 50>}, {pipeline_mode = #tpu.pipeline_mode<synchronous>, transform_indices = @transform_3, window_bounds = array<i64: 64, 128>}, {pipeline_mode = #tpu.pipeline_mode<synchronous>, transform_indices = @transform_4, window_bounds = array<i64: 1, 128>}, {pipeline_mode = #tpu.pipeline_mode<synchronous>, transform_indices = @transform_5, window_bounds = array<i64: 128, 4>}, {pipeline_mode = #tpu.pipeline_mode<synchronous>, transform_indices = @transform_6, window_bounds = array<i64: 1, 4>}, {pipeline_mode = #tpu.pipeline_mode<synchronous>, transform_indices = @transform_7, window_bounds = array<i64: 512, 64>}, {pipeline_mode = #tpu.pipeline_mode<synchronous>, transform_indices = @transform_8, window_bounds = array<i64: 1, 64>}, {pipeline_mode = #tpu.pipeline_mode<synchronous>, transform_indices = @transform_9, window_bounds = array<i64: 128, 4>}, {pipeline_mode = #tpu.pipeline_mode<synchronous>, transform_indices = @transform_10, window_bounds = array<i64: 64, 4>}, {pipeline_mode = #tpu.pipeline_mode<synchronous>, transform_indices = @transform_11, window_bounds = array<i64: 1, 4>}, {pipeline_mode = #tpu.pipeline_mode<synchronous>, transform_indices = @transform_12, window_bounds = array<i64: 128, 64>}, {transform_indices = @transform_13, window_bounds = array<i64: 128, 64>}]} {
    %get3A = arith.constant 0 : index
    %get3A_0 = arith.constant 0 : index
    %get3A_1 = vector.load %arg1[%get3A, %get3A_0] : memref<128x64xf32, #tpu.memory_space<vmem>>, vector<128x64xf32>
    %get3A_2 = arith.constant 0 : index
    %get3A_3 = arith.constant 0 : index
    %get3A_4 = arith.constant 0 : index
    %get3A_5 = vector.load %arg2[%get3A_2, %get3A_3, %get3A_4] : memref<50x128x128xf32, #tpu.memory_space<vmem>>, vector<50x128x128xf32>
    %reshape3A = vector.shape_cast %get3A_5 : vector<50x128x128xf32> to vector<6400x128xf32>
    %get3A_6 = arith.constant 0 : index
    %get3A_7 = arith.constant 0 : index
    %get3A_8 = vector.load %arg3[%get3A_6, %get3A_7] : memref<128x50xf32, #tpu.memory_space<vmem>>, vector<128x50xf32>
    %transpose3A = tpu.transpose %get3A_8, [1, 0] : vector<128x50xf32> -> vector<50x128xf32>
    %sub3A = arith.constant 1.000000e+00 : f32
    %sub3A_9 = vector.broadcast %sub3A : f32 to vector<50x128xf32>
    %sub3A_10 = arith.subf %sub3A_9, %transpose3A : vector<50x128xf32>
    %broadcast_in_dim3A = vector.shape_cast %sub3A_10 : vector<50x128xf32> to vector<50x128x1xf32>
    %mul3A = arith.constant 1.000000e+31 : f32
    %mul3A_11 = vector.broadcast %mul3A : f32 to vector<50x128x1xf32>
    %mul3A_12 = arith.mulf %mul3A_11, %broadcast_in_dim3A : vector<50x128x1xf32>
    %get3A_13 = arith.constant 0 : index
    %get3A_14 = arith.constant 0 : index
    %get3A_15 = vector.load %arg4[%get3A_13, %get3A_14] : memref<64x128xf32, #tpu.memory_space<vmem>>, vector<64x128xf32>
    %dot_general3A = arith.constant dense<0.000000e+00> : vector<128x128xf32>
    %dot_general3A_16 = tpu.matmul %get3A_1, %get3A_15, %dot_general3A {dimension_numbers = #tpu.dot_dimension_numbers<[1], [0], [0], [1], [0, 0, 1, 1], [], []>, transpose_lhs_hint = false} : vector<128x64xf32>, vector<64x128xf32>, vector<128x128xf32> -> vector<128x128xf32>
    %get3A_17 = arith.constant 0 : index
    %get3A_18 = arith.constant 0 : index
    %get3A_19 = vector.load %arg5[%get3A_17, %get3A_18] : memref<1x128xf32, #tpu.memory_space<vmem>>, vector<1x128xf32>
    %add3A = vector.broadcast %get3A_19 : vector<1x128xf32> to vector<128x128xf32>
    %add3A_20 = arith.addf %dot_general3A_16, %add3A : vector<128x128xf32>
    %get3A_21 = arith.constant 0 : index
    %get3A_22 = arith.constant 0 : index
    %get3A_23 = vector.load %arg6[%get3A_21, %get3A_22] : memref<128x4xf32, #tpu.memory_space<vmem>>, vector<128x4xf32>
    %dot_general3A_24 = arith.constant dense<0.000000e+00> : vector<6400x4xf32>
    %dot_general3A_25 = tpu.matmul %reshape3A, %get3A_23, %dot_general3A_24 {dimension_numbers = #tpu.dot_dimension_numbers<[1], [0], [0], [1], [0, 0, 1, 1], [], []>, transpose_lhs_hint = false} : vector<6400x128xf32>, vector<128x4xf32>, vector<6400x4xf32> -> vector<6400x4xf32>
    %reshape3A_26 = vector.shape_cast %dot_general3A_25 : vector<6400x4xf32> to vector<50x128x4xf32>
    %get3A_27 = arith.constant 0 : index
    %get3A_28 = arith.constant 0 : index
    %get3A_29 = vector.load %arg6[%get3A_27, %get3A_28] : memref<128x4xf32, #tpu.memory_space<vmem>>, vector<128x4xf32>
    %dot_general3A_30 = arith.constant dense<0.000000e+00> : vector<128x4xf32>
    %dot_general3A_31 = tpu.matmul %add3A_20, %get3A_29, %dot_general3A_30 {dimension_numbers = #tpu.dot_dimension_numbers<[1], [0], [0], [1], [0, 0, 1, 1], [], []>, transpose_lhs_hint = false} : vector<128x128xf32>, vector<128x4xf32>, vector<128x4xf32> -> vector<128x4xf32>
    %broadcast_in_dim3A_32 = vector.shape_cast %dot_general3A_31 : vector<128x4xf32> to vector<1x128x4xf32>
    %add3A_33 = vector.broadcast %broadcast_in_dim3A_32 : vector<1x128x4xf32> to vector<50x128x4xf32>
    %add3A_34 = arith.addf %reshape3A_26, %add3A_33 : vector<50x128x4xf32>
    %get3A_35 = arith.constant 0 : index
    %get3A_36 = arith.constant 0 : index
    %get3A_37 = vector.load %arg7[%get3A_35, %get3A_36] : memref<1x4xf32, #tpu.memory_space<vmem>>, vector<1x4xf32>
    %broadcast_in_dim3A_38 = vector.shape_cast %get3A_37 : vector<1x4xf32> to vector<1x1x4xf32>
    %add3A_39 = vector.broadcast %broadcast_in_dim3A_38 : vector<1x1x4xf32> to vector<50x128x4xf32>
    %add3A_40 = arith.addf %add3A_34, %add3A_39 : vector<50x128x4xf32>
    %ge3A = arith.constant 0.000000e+00 : f32
    %ge3A_41 = vector.broadcast %ge3A : f32 to vector<50x128x4xf32>
    %ge3A_42 = arith.cmpf oge, %add3A_40, %ge3A_41 : vector<50x128x4xf32>
    %mul3A_43 = arith.constant 1.000000e-01 : f32
    %mul3A_44 = vector.broadcast %mul3A_43 : f32 to vector<50x128x4xf32>
    %mul3A_45 = arith.mulf %mul3A_44, %add3A_40 : vector<50x128x4xf32>
    %select_n3A = arith.select %ge3A_42, %add3A_40, %mul3A_45 : vector<50x128x4xi1>, vector<50x128x4xf32>
    %sub3A_46 = vector.broadcast %mul3A_12 : vector<50x128x1xf32> to vector<50x128x4xf32>
    %sub3A_47 = arith.subf %select_n3A, %sub3A_46 : vector<50x128x4xf32>
    %reduce_max3A = arith.constant dense<0xFF800000> : vector<128x4xf32>
    %reduce_max3A_48 = vector.multi_reduction <maximumf>, %sub3A_47, %reduce_max3A [0] : vector<50x128x4xf32> to vector<128x4xf32>
    %broadcast_in_dim3A_49 = vector.shape_cast %reduce_max3A_48 : vector<128x4xf32> to vector<1x128x4xf32>
    %sub3A_50 = vector.broadcast %broadcast_in_dim3A_49 : vector<1x128x4xf32> to vector<50x128x4xf32>
    %sub3A_51 = arith.subf %sub3A_47, %sub3A_50 : vector<50x128x4xf32>
    %exp3A = math.exp %sub3A_51 : vector<50x128x4xf32>
    %reduce_sum3A = arith.constant dense<0.000000e+00> : vector<128x4xf32>
    %reduce_sum3A_52 = vector.multi_reduction <add>, %exp3A, %reduce_sum3A [0] : vector<50x128x4xf32> to vector<128x4xf32>
    %broadcast_in_dim3A_53 = vector.shape_cast %reduce_sum3A_52 : vector<128x4xf32> to vector<1x128x4xf32>
    %div3A = vector.broadcast %broadcast_in_dim3A_53 : vector<1x128x4xf32> to vector<50x128x4xf32>
    %div3A_54 = arith.divf %exp3A, %div3A : vector<50x128x4xf32>
    %slice3A = vector.extract_strided_slice %div3A_54 {offsets = [0, 0, 0], sizes = [50, 128, 1], strides = [1, 1, 1]} : vector<50x128x4xf32> to vector<50x128x1xf32>
    %squeeze3A = vector.shape_cast %slice3A : vector<50x128x1xf32> to vector<50x128xf32>
    %broadcast_in_dim3A_55 = vector.shape_cast %squeeze3A : vector<50x128xf32> to vector<50x128x1xf32>
    %mul3A_56 = vector.broadcast %broadcast_in_dim3A_55 : vector<50x128x1xf32> to vector<50x128x128xf32>
    %mul3A_57 = arith.mulf %mul3A_56, %get3A_5 : vector<50x128x128xf32>
    %reduce_sum3A_58 = arith.constant dense<0.000000e+00> : vector<128x128xf32>
    %reduce_sum3A_59 = vector.multi_reduction <add>, %mul3A_57, %reduce_sum3A_58 [0] : vector<50x128x128xf32> to vector<128x128xf32>
    %add3A_60 = arith.addf %add3A_20, %reduce_sum3A_59 : vector<128x128xf32>
    %ge3A_61 = arith.constant 0.000000e+00 : f32
    %ge3A_62 = vector.broadcast %ge3A_61 : f32 to vector<128x128xf32>
    %ge3A_63 = arith.cmpf oge, %add3A_60, %ge3A_62 : vector<128x128xf32>
    %mul3A_64 = arith.constant 0.00999999977 : f32
    %mul3A_65 = vector.broadcast %mul3A_64 : f32 to vector<128x128xf32>
    %mul3A_66 = arith.mulf %mul3A_65, %add3A_60 : vector<128x128xf32>
    %select_n3A_67 = arith.select %ge3A_63, %add3A_60, %mul3A_66 : vector<128x128xi1>, vector<128x128xf32>
    %slice3A_68 = vector.extract_strided_slice %div3A_54 {offsets = [0, 0, 1], sizes = [50, 128, 1], strides = [1, 1, 1]} : vector<50x128x4xf32> to vector<50x128x1xf32>
    %squeeze3A_69 = vector.shape_cast %slice3A_68 : vector<50x128x1xf32> to vector<50x128xf32>
    %broadcast_in_dim3A_70 = vector.shape_cast %squeeze3A_69 : vector<50x128xf32> to vector<50x128x1xf32>
    %mul3A_71 = vector.broadcast %broadcast_in_dim3A_70 : vector<50x128x1xf32> to vector<50x128x128xf32>
    %mul3A_72 = arith.mulf %mul3A_71, %get3A_5 : vector<50x128x128xf32>
    %reduce_sum3A_73 = arith.constant dense<0.000000e+00> : vector<128x128xf32>
    %reduce_sum3A_74 = vector.multi_reduction <add>, %mul3A_72, %reduce_sum3A_73 [0] : vector<50x128x128xf32> to vector<128x128xf32>
    %add3A_75 = arith.addf %add3A_20, %reduce_sum3A_74 : vector<128x128xf32>
    %ge3A_76 = arith.constant 0.000000e+00 : f32
    %ge3A_77 = vector.broadcast %ge3A_76 : f32 to vector<128x128xf32>
    %ge3A_78 = arith.cmpf oge, %add3A_75, %ge3A_77 : vector<128x128xf32>
    %mul3A_79 = arith.constant 0.00999999977 : f32
    %mul3A_80 = vector.broadcast %mul3A_79 : f32 to vector<128x128xf32>
    %mul3A_81 = arith.mulf %mul3A_80, %add3A_75 : vector<128x128xf32>
    %select_n3A_82 = arith.select %ge3A_78, %add3A_75, %mul3A_81 : vector<128x128xi1>, vector<128x128xf32>
    %slice3A_83 = vector.extract_strided_slice %div3A_54 {offsets = [0, 0, 2], sizes = [50, 128, 1], strides = [1, 1, 1]} : vector<50x128x4xf32> to vector<50x128x1xf32>
    %squeeze3A_84 = vector.shape_cast %slice3A_83 : vector<50x128x1xf32> to vector<50x128xf32>
    %broadcast_in_dim3A_85 = vector.shape_cast %squeeze3A_84 : vector<50x128xf32> to vector<50x128x1xf32>
    %mul3A_86 = vector.broadcast %broadcast_in_dim3A_85 : vector<50x128x1xf32> to vector<50x128x128xf32>
    %mul3A_87 = arith.mulf %mul3A_86, %get3A_5 : vector<50x128x128xf32>
    %reduce_sum3A_88 = arith.constant dense<0.000000e+00> : vector<128x128xf32>
    %reduce_sum3A_89 = vector.multi_reduction <add>, %mul3A_87, %reduce_sum3A_88 [0] : vector<50x128x128xf32> to vector<128x128xf32>
    %add3A_90 = arith.addf %add3A_20, %reduce_sum3A_89 : vector<128x128xf32>
    %ge3A_91 = arith.constant 0.000000e+00 : f32
    %ge3A_92 = vector.broadcast %ge3A_91 : f32 to vector<128x128xf32>
    %ge3A_93 = arith.cmpf oge, %add3A_90, %ge3A_92 : vector<128x128xf32>
    %mul3A_94 = arith.constant 0.00999999977 : f32
    %mul3A_95 = vector.broadcast %mul3A_94 : f32 to vector<128x128xf32>
    %mul3A_96 = arith.mulf %mul3A_95, %add3A_90 : vector<128x128xf32>
    %select_n3A_97 = arith.select %ge3A_93, %add3A_90, %mul3A_96 : vector<128x128xi1>, vector<128x128xf32>
    %slice3A_98 = vector.extract_strided_slice %div3A_54 {offsets = [0, 0, 3], sizes = [50, 128, 1], strides = [1, 1, 1]} : vector<50x128x4xf32> to vector<50x128x1xf32>
    %squeeze3A_99 = vector.shape_cast %slice3A_98 : vector<50x128x1xf32> to vector<50x128xf32>
    %broadcast_in_dim3A_100 = vector.shape_cast %squeeze3A_99 : vector<50x128xf32> to vector<50x128x1xf32>
    %mul3A_101 = vector.broadcast %broadcast_in_dim3A_100 : vector<50x128x1xf32> to vector<50x128x128xf32>
    %mul3A_102 = arith.mulf %mul3A_101, %get3A_5 : vector<50x128x128xf32>
    %reduce_sum3A_103 = arith.constant dense<0.000000e+00> : vector<128x128xf32>
    %reduce_sum3A_104 = vector.multi_reduction <add>, %mul3A_102, %reduce_sum3A_103 [0] : vector<50x128x128xf32> to vector<128x128xf32>
    %add3A_105 = arith.addf %add3A_20, %reduce_sum3A_104 : vector<128x128xf32>
    %ge3A_106 = arith.constant 0.000000e+00 : f32
    %ge3A_107 = vector.broadcast %ge3A_106 : f32 to vector<128x128xf32>
    %ge3A_108 = arith.cmpf oge, %add3A_105, %ge3A_107 : vector<128x128xf32>
    %mul3A_109 = arith.constant 0.00999999977 : f32
    %mul3A_110 = vector.broadcast %mul3A_109 : f32 to vector<128x128xf32>
    %mul3A_111 = arith.mulf %mul3A_110, %add3A_105 : vector<128x128xf32>
    %select_n3A_112 = arith.select %ge3A_108, %add3A_105, %mul3A_111 : vector<128x128xi1>, vector<128x128xf32>
    %concatenate3A = tpu.concatenate %select_n3A_67, %select_n3A_82, %select_n3A_97, %select_n3A_112 in 1 : vector<128x128xf32>, vector<128x128xf32>, vector<128x128xf32>, vector<128x128xf32> -> vector<128x512xf32>
    %get3A_113 = arith.constant 0 : index
    %get3A_114 = arith.constant 0 : index
    %get3A_115 = vector.load %arg8[%get3A_113, %get3A_114] : memref<512x64xf32, #tpu.memory_space<vmem>>, vector<512x64xf32>
    %dot_general3A_116 = arith.constant dense<0.000000e+00> : vector<128x64xf32>
    %dot_general3A_117 = tpu.matmul %concatenate3A, %get3A_115, %dot_general3A_116 {dimension_numbers = #tpu.dot_dimension_numbers<[1], [0], [0], [1], [0, 0, 1, 1], [], []>, transpose_lhs_hint = false} : vector<128x512xf32>, vector<512x64xf32>, vector<128x64xf32> -> vector<128x64xf32>
    %get3A_118 = arith.constant 0 : index
    %get3A_119 = arith.constant 0 : index
    %get3A_120 = vector.load %arg9[%get3A_118, %get3A_119] : memref<1x64xf32, #tpu.memory_space<vmem>>, vector<1x64xf32>
    %add3A_121 = vector.broadcast %get3A_120 : vector<1x64xf32> to vector<128x64xf32>
    %add3A_122 = arith.addf %dot_general3A_117, %add3A_121 : vector<128x64xf32>
    %get3A_123 = arith.constant 0 : index
    %get3A_124 = arith.constant 0 : index
    %get3A_125 = vector.load %arg10[%get3A_123, %get3A_124] : memref<128x4xf32, #tpu.memory_space<vmem>>, vector<128x4xf32>
    %dot_general3A_126 = arith.constant dense<0.000000e+00> : vector<6400x4xf32>
    %dot_general3A_127 = tpu.matmul %reshape3A, %get3A_125, %dot_general3A_126 {dimension_numbers = #tpu.dot_dimension_numbers<[1], [0], [0], [1], [0, 0, 1, 1], [], []>, transpose_lhs_hint = false} : vector<6400x128xf32>, vector<128x4xf32>, vector<6400x4xf32> -> vector<6400x4xf32>
    %reshape3A_128 = vector.shape_cast %dot_general3A_127 : vector<6400x4xf32> to vector<50x128x4xf32>
    %get3A_129 = arith.constant 0 : index
    %get3A_130 = arith.constant 0 : index
    %get3A_131 = vector.load %arg11[%get3A_129, %get3A_130] : memref<64x4xf32, #tpu.memory_space<vmem>>, vector<64x4xf32>
    %dot_general3A_132 = arith.constant dense<0.000000e+00> : vector<128x4xf32>
    %dot_general3A_133 = tpu.matmul %add3A_122, %get3A_131, %dot_general3A_132 {dimension_numbers = #tpu.dot_dimension_numbers<[1], [0], [0], [1], [0, 0, 1, 1], [], []>, transpose_lhs_hint = false} : vector<128x64xf32>, vector<64x4xf32>, vector<128x4xf32> -> vector<128x4xf32>
    %broadcast_in_dim3A_134 = vector.shape_cast %dot_general3A_133 : vector<128x4xf32> to vector<1x128x4xf32>
    %add3A_135 = vector.broadcast %broadcast_in_dim3A_134 : vector<1x128x4xf32> to vector<50x128x4xf32>
    %add3A_136 = arith.addf %reshape3A_128, %add3A_135 : vector<50x128x4xf32>
    %get3A_137 = arith.constant 0 : index
    %get3A_138 = arith.constant 0 : index
    %get3A_139 = vector.load %arg12[%get3A_137, %get3A_138] : memref<1x4xf32, #tpu.memory_space<vmem>>, vector<1x4xf32>
    %broadcast_in_dim3A_140 = vector.shape_cast %get3A_139 : vector<1x4xf32> to vector<1x1x4xf32>
    %add3A_141 = vector.broadcast %broadcast_in_dim3A_140 : vector<1x1x4xf32> to vector<50x128x4xf32>
    %add3A_142 = arith.addf %add3A_136, %add3A_141 : vector<50x128x4xf32>
    %ge3A_143 = arith.constant 0.000000e+00 : f32
    %ge3A_144 = vector.broadcast %ge3A_143 : f32 to vector<50x128x4xf32>
    %ge3A_145 = arith.cmpf oge, %add3A_142, %ge3A_144 : vector<50x128x4xf32>
    %mul3A_146 = arith.constant 1.000000e-01 : f32
    %mul3A_147 = vector.broadcast %mul3A_146 : f32 to vector<50x128x4xf32>
    %mul3A_148 = arith.mulf %mul3A_147, %add3A_142 : vector<50x128x4xf32>
    %select_n3A_149 = arith.select %ge3A_145, %add3A_142, %mul3A_148 : vector<50x128x4xi1>, vector<50x128x4xf32>
    %sub3A_150 = vector.broadcast %mul3A_12 : vector<50x128x1xf32> to vector<50x128x4xf32>
    %sub3A_151 = arith.subf %select_n3A_149, %sub3A_150 : vector<50x128x4xf32>
    %reduce_max3A_152 = arith.constant dense<0xFF800000> : vector<128x4xf32>
    %reduce_max3A_153 = vector.multi_reduction <maximumf>, %sub3A_151, %reduce_max3A_152 [0] : vector<50x128x4xf32> to vector<128x4xf32>
    %broadcast_in_dim3A_154 = vector.shape_cast %reduce_max3A_153 : vector<128x4xf32> to vector<1x128x4xf32>
    %sub3A_155 = vector.broadcast %broadcast_in_dim3A_154 : vector<1x128x4xf32> to vector<50x128x4xf32>
    %sub3A_156 = arith.subf %sub3A_151, %sub3A_155 : vector<50x128x4xf32>
    %exp3A_157 = math.exp %sub3A_156 : vector<50x128x4xf32>
    %reduce_sum3A_158 = arith.constant dense<0.000000e+00> : vector<128x4xf32>
    %reduce_sum3A_159 = vector.multi_reduction <add>, %exp3A_157, %reduce_sum3A_158 [0] : vector<50x128x4xf32> to vector<128x4xf32>
    %broadcast_in_dim3A_160 = vector.shape_cast %reduce_sum3A_159 : vector<128x4xf32> to vector<1x128x4xf32>
    %div3A_161 = vector.broadcast %broadcast_in_dim3A_160 : vector<1x128x4xf32> to vector<50x128x4xf32>
    %div3A_162 = arith.divf %exp3A_157, %div3A_161 : vector<50x128x4xf32>
    %reduce_sum3A_163 = arith.constant dense<0.000000e+00> : vector<50x128xf32>
    %reduce_sum3A_164 = vector.multi_reduction <add>, %div3A_162, %reduce_sum3A_163 [2] : vector<50x128x4xf32> to vector<50x128xf32>
    %div3A_165 = arith.constant 4.000000e+00 : f32
    %div3A_166 = vector.broadcast %div3A_165 : f32 to vector<50x128xf32>
    %div3A_167 = arith.divf %reduce_sum3A_164, %div3A_166 : vector<50x128xf32>
    %broadcast_in_dim3A_168 = vector.shape_cast %div3A_167 : vector<50x128xf32> to vector<50x128x1xf32>
    %mul3A_169 = vector.broadcast %broadcast_in_dim3A_168 : vector<50x128x1xf32> to vector<50x128x128xf32>
    %mul3A_170 = arith.mulf %mul3A_169, %get3A_5 : vector<50x128x128xf32>
    %reduce_sum3A_171 = arith.constant dense<0.000000e+00> : vector<128x128xf32>
    %reduce_sum3A_172 = vector.multi_reduction <add>, %mul3A_170, %reduce_sum3A_171 [0] : vector<50x128x128xf32> to vector<128x128xf32>
    %add3A_173 = arith.addf %get3A_1, %add3A_122 : vector<128x64xf32>
    %get3A_174 = arith.constant 0 : index
    %get3A_175 = arith.constant 0 : index
    %get3A_176 = vector.load %arg13[%get3A_174, %get3A_175] : memref<128x64xf32, #tpu.memory_space<vmem>>, vector<128x64xf32>
    %dot_general3A_177 = arith.constant dense<0.000000e+00> : vector<128x64xf32>
    %dot_general3A_178 = tpu.matmul %reduce_sum3A_172, %get3A_176, %dot_general3A_177 {dimension_numbers = #tpu.dot_dimension_numbers<[1], [0], [0], [1], [0, 0, 1, 1], [], []>, transpose_lhs_hint = false} : vector<128x128xf32>, vector<128x64xf32>, vector<128x64xf32> -> vector<128x64xf32>
    %add3A_179 = arith.addf %add3A_173, %dot_general3A_178 : vector<128x64xf32>
    %swap3A = arith.constant 0 : index
    %swap3A_180 = arith.constant 0 : index
    %swap3A_181 = vector.load %arg14[%swap3A, %swap3A_180] : memref<128x64xf32, #tpu.memory_space<vmem>>, vector<128x64xf32>
    tpu.vector_store %arg14[%swap3A, %swap3A_180], %add3A_179 {strides = array<i32>} : memref<128x64xf32, #tpu.memory_space<vmem>>, vector<128x64xf32>,
    return
  }
  func.func @transform_0(%arg0: i32) -> (i32, i32) {
    %add3A = arith.constant 0 : i32
    %add3A_0 = arith.addi %add3A, %arg0 : i32
    %c0_i32 = arith.constant 0 : i32
    %c0_i32_1 = arith.constant 0 : i32
    return %add3A_0, %c0_i32 : i32, i32
  }
  func.func @transform_1(%arg0: i32) -> (i32, i32, i32) {
    %c0_i32 = arith.constant 0 : i32
    %c0_i32_0 = arith.constant 0 : i32
    %c0_i32_1 = arith.constant 0 : i32
    return %c0_i32, %arg0, %c0_i32_0 : i32, i32, i32
  }
  func.func @transform_2(%arg0: i32) -> (i32, i32) {
    %add3A = arith.constant 0 : i32
    %add3A_0 = arith.addi %add3A, %arg0 : i32
    %c0_i32 = arith.constant 0 : i32
    %c0_i32_1 = arith.constant 0 : i32
    return %add3A_0, %c0_i32 : i32, i32
  }
  func.func @transform_3(%arg0: i32) -> (i32, i32) {
    %c0_i32 = arith.constant 0 : i32
    %c0_i32_0 = arith.constant 0 : i32
    %c0_i32_1 = arith.constant 0 : i32
    return %c0_i32, %c0_i32_0 : i32, i32
  }
  func.func @transform_4(%arg0: i32) -> (i32, i32) {
    %c0_i32 = arith.constant 0 : i32
    %c0_i32_0 = arith.constant 0 : i32
    %c0_i32_1 = arith.constant 0 : i32
    return %c0_i32, %c0_i32_0 : i32, i32
  }
  func.func @transform_5(%arg0: i32) -> (i32, i32) {
    %c0_i32 = arith.constant 0 : i32
    %c0_i32_0 = arith.constant 0 : i32
    %c0_i32_1 = arith.constant 0 : i32
    return %c0_i32, %c0_i32_0 : i32, i32
  }
  func.func @transform_6(%arg0: i32) -> (i32, i32) {
    %c0_i32 = arith.constant 0 : i32
    %c0_i32_0 = arith.constant 0 : i32
    %c0_i32_1 = arith.constant 0 : i32
    return %c0_i32, %c0_i32_0 : i32, i32
  }
  func.func @transform_7(%arg0: i32) -> (i32, i32) {
    %c0_i32 = arith.constant 0 : i32
    %c0_i32_0 = arith.constant 0 : i32
    %c0_i32_1 = arith.constant 0 : i32
    return %c0_i32, %c0_i32_0 : i32, i32
  }
  func.func @transform_8(%arg0: i32) -> (i32, i32) {
    %c0_i32 = arith.constant 0 : i32
    %c0_i32_0 = arith.constant 0 : i32
    %c0_i32_1 = arith.constant 0 : i32
    return %c0_i32, %c0_i32_0 : i32, i32
  }
  func.func @transform_9(%arg0: i32) -> (i32, i32) {
    %c0_i32 = arith.constant 0 : i32
    %c0_i32_0 = arith.constant 0 : i32
    %c0_i32_1 = arith.constant 0 : i32
    return %c0_i32, %c0_i32_0 : i32, i32
  }
  func.func @transform_10(%arg0: i32) -> (i32, i32) {
    %c0_i32 = arith.constant 0 : i32
    %c0_i32_0 = arith.constant 0 : i32
    %c0_i32_1 = arith.constant 0 : i32
    return %c0_i32, %c0_i32_0 : i32, i32
  }
  func.func @transform_11(%arg0: i32) -> (i32, i32) {
    %c0_i32 = arith.constant 0 : i32
    %c0_i32_0 = arith.constant 0 : i32
    %c0_i32_1 = arith.constant 0 : i32
    return %c0_i32, %c0_i32_0 : i32, i32
  }
  func.func @transform_12(%arg0: i32) -> (i32, i32) {
    %c0_i32 = arith.constant 0 : i32
    %c0_i32_0 = arith.constant 0 : i32
    %c0_i32_1 = arith.constant 0 : i32
    return %c0_i32, %c0_i32_0 : i32, i32
  }
  func.func @transform_13(%arg0: i32) -> (i32, i32) {
    %c0_i32 = arith.constant 0 : i32
    %c0_i32_0 = arith.constant 0 : i32
    return %arg0, %c0_i32 : i32, i32
  }
}

</mosaic_0001>

<sc_bundles>
// kernel: kernel.12.cloned.1.call-start
scs
__scs_entry_jumppad:
0x0: {  	(pc) =	sbr.rel $0x88, $3  }
0x1: {  	(tag) =	ssettag $0x0;
	lr =	simm.s32 $0x1  }
0x2: {  	[smem:$0x3F94] =	sst lr;
	_ =	strace $0xD0000000  }
0x3: {  	_ = 	snop  }
0x4: {  	_ = 	snop  }
0x5: {  	_ = 	snop  }
0x6: {  	_ = 	snop  }
0x7: {  	_ = 	snop  }
__scs_overlays_trampoline_lowered:
0x8: {  	[smem:$0x3FA3] =	sst s0  }
0x9: {  	[smem:$0x3FA4] =	sst s1  }
0xa: {  	[smem:$0x3FA5] =	sst s2  }
0xb: {  	[smem:$0x3FA6] =	sst s3  }
0xc: {  	[smem:$0x3FA7] =	sst s4  }
0xd: {  	[smem:$0x3FA8] =	sst s5  }
0xe: {  	[smem:$0x3FA9] =	sst s6  }
0xf: {  	[smem:$0x3FAA] =	sst s7  }
0x10: {  	[smem:$0x3FAB] =	sst s8  }
0x11: {  	[smem:$0x3FAC] =	sst s9;
	s0 =	simm.s32 @!p0 $0x0  }
0x12: {  	s1 =	sld [smem:$0x3F92];
	s0 =	simm.s32 @p0 $0x1  }
0x13: {  	[smem:$0x3FAD] =	sst s0;
	s0 =	simm.s32 @!p1 $0x0  }
0x14: {  	s2 =	sld [smem:$0x3F91];
	s0 =	simm.s32 @p1 $0x1  }
0x15: {  	[smem:$0x3FAE] =	sst s0;
	s0 =	simm.s32 @!p2 $0x0  }
0x16: {  	s3 =	sld [smem:$0x3FDB];
	s0 =	simm.s32 @p2 $0x1  }
0x17: {  	s4 =	simm.s32 $0x1BF5;
	[smem:$0x3FB0] =	sst s0  }
0x18: {  	s0 =	sld [smem:$0x3F93];
	_ =	swait.ge [sflag:s4], $0x0  }
0x19: {  	s7 =	sld [smem:$0x3F94]  }
0x1a: {  	s8 =	sadd.s32 $0xFFFFE003, lr  }
0x1b: {  	s9 =	sadd.s32 $0xFFFFFEF7, lr;
	s5 =	simm.s32 $0xFFFFFFFF;
	p2 =	slt.u32 s8, $0xFFFFF086  }
0x1c: {  	p1 =	slt.u32 s9, $0xF7A;
	s5 =	simm.s32 @!p2 $0x0  }
0x1d: {  	s5 =	simm.s32 @p1 $0x1;
	p0 =	seq.s32 s7, s2  }
0x1e: {  	s7 =	smul.u32 @!p0 $0xF7A, s2;
	p2 =	seq.s32 @!p0 s5, $0x0  }
0x1f: {  	s9 =	smul.u32 $0xF7A, s1;
	s8 =	simm.s32 @!p0 $0x1BF5;
	p2 =	por !p2, p0  }
0x20: {  	[sflag:s8] =	ssyncset.s32 @!p0 $0xFFFFF086;
	s6 =	sadd.s32 @!p0 s3, s7;
	s7 =	simm.s32 @!p0 $0x108  }
0x21: {  	s3 =	sadd.s32 s3, s9;
	s6 =	sadd.s32 @!p0 $0x88, s6;
	s7 =	simm.s32 @p2 $0x1082  }
0x22: {  	[simem:s7], [sflag:s8] =	dma.local @!p0 [hbm:s6], $0xF7A  }
0x23: {  	s9 =	sor.u32 $0xD0000000, s2;
	s6 =	simm.s32 $0x108;
	_ =	swait.ge @!p0 [sflag:s8], $0x0  }
0x24: {  	s3 =	sadd.s32 $0x88, s3;
	s6 =	simm.s32 @!p1 $0x1082;
	[sflag:s4] =	ssyncset.s32 $0xFFFFF086  }
0x25: {  	[simem:s6], [sflag:s4] =	dma.local [hbm:s3], $0xF7A  }
0x26: {  	[smem:$0x3F94] =	sst s1;
	(tag) =	ssettag s2;
	_ =	strace s9  }
0x27: {  	s1 =	sld [smem:$0x3FA4]  }
0x28: {  	s2 =	sld [smem:$0x3FA5]  }
0x29: {  	s4 =	sld [smem:$0x3FA7]  }
0x2a: {  	p0 =	seq.s32 s5, $0x0;
	s5 =	sld [smem:$0x3FA8]  }
0x2b: {  	s6 =	sld [smem:$0x3FA9]  }
0x2c: {  	s7 =	sld [smem:$0x3FAA]  }
0x2d: {  	s3 =	simm.s32 $0x108;
	s8 =	sld [smem:$0x3FAB]  }
0x2e: {  	s3 =	simm.s32 @!p0 $0x1082;
	s9 =	sld [smem:$0x3FAC]  }
0x2f: {  	lr =	sadd.s32 s0, s3;
	s0 =	sld [smem:$0x3FA3]  }
0x30: {  	s3 =	sld [smem:$0x3FA6]  }
0x31: {  	[smem:$0x3FAF] =	sst s10  }
0x32: {  	s10 =	sld [smem:$0x3FAD];
	_ =	sdelay $0x3  }
0x33: {  	p0 =	seq.s32 s10, $0x1;
	s10 =	sld [smem:$0x3FAF];
	_ =	sdelay $0x3  }
0x34: {  	[smem:$0x3FAF] =	sst s10  }
0x35: {  	s10 =	sld [smem:$0x3FAE];
	_ =	sdelay $0x3  }
0x36: {  	p1 =	seq.s32 s10, $0x1;
	s10 =	sld [smem:$0x3FAF];
	_ =	sdelay $0x3  }
0x37: {  	[smem:$0x3FAF] =	sst s10  }
0x38: {  	s10 =	sld [smem:$0x3FB0]  }
0x39: {  	_ = 	snop;
	(pc) =	sbr.ind lr, $3  }
0x3a: {  	_ = 	snop  }
0x3b: {  	_ = 	snop  }
0x3c: {  	p2 =	seq.s32 s10, $0x1;
	s10 =	sld [smem:$0x3FAF]  }
0x3d: {  	_ =	shalt  }
0x3e: {  	_ =	shalt  }
0x3f: {  	_ =	shalt  }
0x40: {  	_ =	shalt  }
0x41: {  	_ =	shalt  }
0x42: {  	_ =	shalt  }
0x43: {  	_ =	shalt  }
0x44: {  	_ =	shalt  }
0x45: {  	_ =	shalt  }
0x46: {  	_ =	shalt  }
0x47: {  	_ =	shalt  }
0x48: {  	_ =	shalt  }
0x49: {  	_ =	shalt  }
0x4a: {  	_ =	shalt  }
0x4b: {  	_ =	shalt  }
0x4c: {  	_ =	shalt  }
0x4d: {  	_ =	shalt  }
0x4e: {  	_ =	shalt  }
0x4f: {  	_ =	shalt  }
0x50: {  	_ =	shalt  }
0x51: {  	_ =	shalt  }
0x52: {  	_ =	shalt  }
0x53: {  	_ =	shalt  }
0x54: {  	_ =	shalt  }
0x55: {  	_ =	shalt  }
0x56: {  	_ =	shalt  }
0x57: {  	_ =	shalt  }
0x58: {  	_ =	shalt  }
0x59: {  	_ =	shalt  }
0x5a: {  	_ =	shalt  }
0x5b: {  	_ =	shalt  }
0x5c: {  	_ =	shalt  }
0x5d: {  	_ =	shalt  }
0x5e: {  	_ =	shalt  }
0x5f: {  	_ =	shalt  }
0x60: {  	_ =	shalt  }
0x61: {  	_ =	shalt  }
0x62: {  	_ =	shalt  }
0x63: {  	_ =	shalt  }
0x64: {  	_ =	shalt  }
0x65: {  	_ =	shalt  }
0x66: {  	_ =	shalt  }
0x67: {  	_ =	shalt  }
0x68: {  	_ =	shalt  }
0x69: {  	_ =	shalt  }
0x6a: {  	_ =	shalt  }
0x6b: {  	_ =	shalt  }
0x6c: {  	_ =	shalt  }
0x6d: {  	_ =	shalt  }
0x6e: {  	_ =	shalt  }
0x6f: {  	_ =	shalt  }
0x70: {  	_ =	shalt  }
0x71: {  	_ =	shalt  }
0x72: {  	_ =	shalt  }
0x73: {  	_ =	shalt  }
0x74: {  	_ =	shalt  }
0x75: {  	_ =	shalt  }
0x76: {  	_ =	shalt  }
0x77: {  	_ =	shalt  }
0x78: {  	_ =	shalt  }
0x79: {  	_ =	shalt  }
0x7a: {  	_ =	shalt  }
0x7b: {  	_ =	shalt  }
0x7c: {  	_ =	shalt  }
0x7d: {  	_ =	shalt  }
0x7e: {  	_ =	shalt  }
0x7f: {  	_ =	shalt  }
0x80: {  	_ =	shalt  }
0x81: {  	_ =	shalt  }
0x82: {  	_ =	shalt  }
0x83: {  	_ =	shalt  }
0x84: {  	_ =	shalt  }
0x85: {  	_ =	shalt  }
0x86: {  	_ =	shalt  }
0x87: {  	_ =	shalt  }
.Lfunc_end0:
.L_simem_size_0:
called_computation_lowered:
.L_overlay_start_0:
0x88: {  	s2 =	sld [smem:$0x3FD9]  }
0x89: {  	s3 =	sld [smem:$0x3FFE];
	_ =	sdelay $0x1  }
0x8a: {  	s1 =	srdreg.scid  }
0x8b: {  	s0 =	sand.u32 $0x1, s1  }
0x8c: {  	s17 =	sshll.u32 s0, $0xA;
	s2 =	sadd.s32 s3, s2  }
0x8d: {  	s2 =	sadd.s32 s2, s17  }
0x8e: {  	[smem:$0x3FBB] =	sst s2  }
0x8f: {  	_ = 	snop  }
0x90: {  	s2 =	sld [smem:$0x3FC9]  }
0x91: {  	s18 =	sld [smem:$0x3FD0];
	(tm) =	ssettm $0x1  }
0x92: {  	s4 =	sld [smem:$0x3FFB];
	_ =	sdelay $0x3  }
0x93: {  	_ =	strace s4  }
0x94: {  	s4 =	sld [smem:$0x3FFC];
	_ =	sdelay $0x3  }
0x95: {  	_ =	strace s4  }
0x96: {  	s4 =	sld [smem:$0x3FFD];
	_ =	sdelay $0x3  }
0x97: {  	_ =	strace s4  }
0x98: {  	_ =	strace $0x8FFFFFFF  }
0x99: {  	s19 =	sld [smem:$0x3FDB];
	_ =	sdelay $0x1  }
0x9a: {  	s5 =	simm.s32 $_scs_section_size  }
0x9b: {  	s6 =	simm.s32 $_size__tile_overlayer_lowered;
	s7 =	simm.s32 $_tile_overlayer_lowered  }
0x9c: {  	s22 =	simm.s32 $0x1BFF;
	s21 =	sshll.u32 s7, $0x1;
	s4 =	sadd.s32 s5, s19  }
0x9d: {  	s8 =	simm.s32 $0x0;
	s20 =	sshll.u32 s6, $0x1;
	s6 =	sadd.s32 s21, s4  }
0x9e: {  	[timem:s8], [sflag:s22] =	dma.local [hbm:s6], s20  }
0x9f: {  	_ =	swait.ge [sflag:s22], s20  }
0xa0: {  	s5 =	ssub.s32 $0x0, s20;
	[sflag:s22] =	ssyncset.done $0x0  }
0xa1: {  	[sflag:s22] =	ssyncadd.s32 s5;
	_ =	sdelay $0x1  }
0xa2: {  	s23 =	simm.s32 $0x1B8B  }
0xa3: {  	_ =	swait.ge [sflag:s23], $0x1  }
0xa4: {  	[sflag:s23] =	ssyncset.done $0x0  }
0xa5: {  	s25 =	simm.s32 $0x1B8E;
	s24 =	sld [smem:$0x3FFE];
	[sflag:s23] =	ssyncadd.s32 $0xFFFFFFFF  }
0xa6: {  	s26 =	simm.s32 $execute0_lowered;
	[smem:$0x3FD2] =	sst s25  }
0xa7: {  	s6 =	sshll.u32 s26, $0x1;
	_ =	strace $0x80000046;
	[dreg:$0x1] =	wrdreg $0xFFFFFFFF  }
0xa8: {  	s28 =	simm.s32 $_size_execute0_lowered;
	s4 =	sadd.s32 s4, s6;
	[dreg:$0x0] =	wrdreg $0x0  }
0xa9: {  	s6 =	sshll.u32 s28, $0x1;
	[dreg:$0x2] =	wrdreg s4  }
0xaa: {  	[dreg:$0x3] =	wrdreg s6  }
0xab: {  	[dreg:$0x4] =	wrdreg $0xC0  }
0xac: {  	_ =	task [dreg:s8], $0x5FFFF  }
0xad: {  	[dreg:$0x1] =	wrdreg $0xFFFFFFFF  }
0xae: {  	[dreg:$0x0] =	wrdreg $0x60  }
0xaf: {  	[dreg:$0x2] =	wrdreg s24  }
0xb0: {  	[dreg:$0x3] =	wrdreg s2  }
0xb1: {  	[dreg:$0x4] =	wrdreg s18  }
0xb2: {  	[dreg:$0x5] =	wrdreg $0x9  }
0xb3: {  	_ =	task.clear_ibuf [dreg:s8], $0x6FFFF;
	_ =	strace $0x90000046  }
0xb4: {  	s29 =	simm.s32 $0x9;
	_ =	strace $0x80000048  }
0xb5: {  	_ =	swait.ge [sflag:s29], $0x1  }
0xb6: {  	[sflag:s29] =	ssyncadd.s32 $0xFFFFFFFF  }
0xb7: {  	_ =	strace $0x90000048  }
0xb8: {  	_ =	sfence  }
0xb9: {  	s30 =	sld [smem:$0x0];
	_ =	sdelay $0x2  }
0xba: {  	s31 =	sshll.u32 s1, $0xD;
	s1 =	sshrl.u32 s1, $0x2  }
0xbb: {  	s3 =	sand.u32 $0x4000, s31;
	s1 =	sadd.s32 s1, s30  }
0xbc: {  	s0 =	sor.u32 s3, s0;
	s1 =	sshll.u32 s1, $0x11  }
0xbd: {  	s0 =	sor.u32 s1, s0  }
0xbe: {  	s0 =	sadd.s32 $0x8F2B, s0  }
0xbf: {  	[sflag:s0] =	ssyncadd.remote.s32 $0x1  }
0xc0: {  	_ =	sfence.sel $0xFFFF  }
0xc1: {  	[dreg:$0x0] =	wrdreg $0xFFFFFFFF;
	(pc) =	sbr.abs _section_cstart, $3  }
0xc2: {  	[dreg:$0x1] =	wrdreg $0xFFFFFFFF  }
0xc3: {  	_ =	task.clear_ibuf [dreg:s8], $0x2FFFF;
	_ =	strace $0x9FFFFFFF  }
0xc4: {  	(tm) =	ssettm $0x7FFFFFFF  }
0xc5: {  	_ =	shalt  }
tec
execute0_lowered:
.L_overlay_start_1:
0x0: {  	(tag) =	ssettag $0x1  }
0x1: {  	s5 =	rddreg [dreg:$0x0];
	s1 =	srdreg.scid  }
0x2: {  	s13 =	rddreg [dreg:$0x1];
	s0 =	stileid.u32;
	s15 =	sand.u32 $0x1, s1  }
0x3: {  	s14 =	rddreg [dreg:$0x2];
	s3 =	sshll.u32 s0, $0xA;
	s4 =	sshll.u32 s15, $0x9  }
0x4: {  	s2 =	simm.s32 $0x0;
	s1 =	rddreg [dreg:$0x3];
	s16 =	sor.u32 s4, s3  }
0x5: {  	[smem:$0x7FF] =	sst s2;
	s3 =	sshrl.u32 s16, $0x3  }
0x6: {  	_ =	strace $0x80000047;
	s4 =	sadd.s32 s13, s3;
	s3 =	simm.s32 $0x2  }
0x7: {  	[tilespmem:s2], [sflag:$0x2] =	stream.linear.gather [hbm4b:s4+s2], $0x80, $0x38;
	[tilespmem:$0x2080] =	vst v63  }
0x8: {  	_ =	swait.ge [sflag:s3], $0x80  }
0x9: {  	s6 =	simm.s32 $0x80;
	[sflag:s3] =	ssyncset.done $0x0  }
0xa: {  	s7 =	simm.s32 $0x1;
	s5 =	sadd.s32 $0xF47000, s5;
	[sflag:s3] =	ssyncadd.s32 $0xFFFFFF80  }
0xb: {  	[tilespmem:s6], [sflag:$0x1] =	stream.indirect.gather [hbm4b:s5+s6], $0x40, s2, s6, $0xb8;
	[tilespmem:$0x2080] =	vst v63  }
0xc: {  	_ =	swait.ge [sflag:s7], $0x2000  }
0xd: {  	s8 =	sshll.u32 s16, $0x3;
	[sflag:s7] =	ssyncset.done $0x0  }
0xe: {  	s8 =	sadd.s32 s14, s8;
	[sflag:s7] =	ssyncadd.s32 $0xFFFFE000  }
0xf: {  	[hbm4b:s8+s2] =	stream.linear.scatter [tilespmem:s6], [sflag:$0x2], $0x2000, $0x38;
	[tilespmem:$0x2080] =	vst v63  }
0x10: {  	s10 =	sor.u32 $0x80, s16;
	_ =	swait.ge [sflag:s3], $0x2000  }
0x11: {  	s9 =	sshrl.u32 s10, $0x3;
	[sflag:s3] =	ssyncset.done $0x0  }
0x12: {  	s9 =	sadd.s32 s13, s9;
	[sflag:s3] =	ssyncadd.s32 $0xFFFFE000  }
0x13: {  	[tilespmem:s2], [sflag:$0x2] =	stream.linear.gather [hbm4b:s9+s2], $0x80, $0x38;
	[tilespmem:$0x2080] =	vst v63  }
0x14: {  	_ =	swait.ge [sflag:s3], $0x80  }
0x15: {  	[sflag:s3] =	ssyncset.done $0x0  }
0x16: {  	[sflag:s3] =	ssyncadd.s32 $0xFFFFFF80  }
0x17: {  	[tilespmem:s6], [sflag:$0x1] =	stream.indirect.gather [hbm4b:s5+s6], $0x40, s2, s6, $0xb8;
	[tilespmem:$0x2080] =	vst v63  }
0x18: {  	_ =	swait.ge [sflag:s7], $0x2000  }
0x19: {  	s10 =	sshll.u32 s10, $0x3;
	[sflag:s7] =	ssyncset.done $0x0  }
0x1a: {  	s10 =	sadd.s32 s14, s10;
	[sflag:s7] =	ssyncadd.s32 $0xFFFFE000  }
0x1b: {  	[hbm4b:s10+s2] =	stream.linear.scatter [tilespmem:s6], [sflag:$0x2], $0x2000, $0x38;
	[tilespmem:$0x2080] =	vst v63  }
0x1c: {  	s12 =	sor.u32 $0x100, s16;
	_ =	swait.ge [sflag:s3], $0x2000  }
0x1d: {  	s11 =	sshrl.u32 s12, $0x3;
	[sflag:s3] =	ssyncset.done $0x0  }
0x1e: {  	s11 =	sadd.s32 s13, s11;
	[sflag:s3] =	ssyncadd.s32 $0xFFFFE000  }
0x1f: {  	[tilespmem:s2], [sflag:$0x2] =	stream.linear.gather [hbm4b:s11+s2], $0x80, $0x38;
	[tilespmem:$0x2080] =	vst v63  }
0x20: {  	_ =	swait.ge [sflag:s3], $0x80  }
0x21: {  	[sflag:s3] =	ssyncset.done $0x0  }
0x22: {  	[sflag:s3] =	ssyncadd.s32 $0xFFFFFF80  }
0x23: {  	[tilespmem:s6], [sflag:$0x1] =	stream.indirect.gather [hbm4b:s5+s6], $0x40, s2, s6, $0xb8;
	[tilespmem:$0x2080] =	vst v63  }
0x24: {  	_ =	swait.ge [sflag:s7], $0x2000  }
0x25: {  	s12 =	sshll.u32 s12, $0x3;
	[sflag:s7] =	ssyncset.done $0x0  }
0x26: {  	s12 =	sadd.s32 s14, s12;
	[sflag:s7] =	ssyncadd.s32 $0xFFFFE000  }
0x27: {  	[hbm4b:s12+s2] =	stream.linear.scatter [tilespmem:s6], [sflag:$0x2], $0x2000, $0x38;
	[tilespmem:$0x2080] =	vst v63  }
0x28: {  	s16 =	sor.u32 $0x180, s16;
	_ =	swait.ge [sflag:s3], $0x2000  }
0x29: {  	s17 =	sshrl.u32 s16, $0x3;
	[sflag:s3] =	ssyncset.done $0x0  }
0x2a: {  	s15 =	ssub.s32 $0x2, s15;
	s13 =	sadd.s32 s13, s17;
	[sflag:s3] =	ssyncadd.s32 $0xFFFFE000  }
0x2b: {  	[tilespmem:s2], [sflag:$0x2] =	stream.linear.gather [hbm4b:s13+s2], $0x80, $0x38;
	[tilespmem:$0x2080] =	vst v63  }
0x2c: {  	s31 =	sshrl.u32 s15, $0x1;
	_ =	swait.ge [sflag:s3], $0x80  }
0x2d: {  	s15 =	ssub.s32 s15, s31;
	[sflag:s3] =	ssyncset.done $0x0  }
0x2e: {  	s15 =	smax.u32 s15, $0x1;
	[sflag:s3] =	ssyncadd.s32 $0xFFFFFF80  }
0x2f: {  	[tilespmem:s6], [sflag:$0x1] =	stream.indirect.gather [hbm4b:s5+s6], $0x40, s2, s6, $0xb8;
	[tilespmem:$0x2080] =	vst v63  }
0x30: {  	p0 =	sne.s32 s15, $0x1;
	_ =	swait.ge [sflag:s7], $0x2000  }
.Ltmp0:
0x31: {  	s16 =	sshll.u32 s16, $0x3;
	[sflag:s7] =	ssyncset.done $0x0;
	(pc) =	sbr.rel @!p0 .LBB2_2-.Ltmp0, $4  }
0x32: {  	s14 =	sadd.s32 s14, s16;
	[sflag:s7] =	ssyncadd.s32 $0xFFFFE000  }
0x33: {  	[hbm4b:s14+s2] =	stream.linear.scatter [tilespmem:s6], [sflag:$0x2], $0x2000, $0x38;
	[tilespmem:$0x2080] =	vst v63  }
0x34: {  	_ =	swait.ge [sflag:s3], $0x2000  }
0x35: {  	s15 =	sadd.s32 $0xFFFFFFFF, s15;
	[sflag:s3] =	ssyncset.done $0x0  }
.LBB2_1:
0x36: {  	p0 =	sne.s32 s15, $0x1;
	s15 =	sadd.s32 $0xFFFFFFFF, s15;
	[sflag:s3] =	ssyncadd.s32 $0xFFFFE000  }
0x37: {  	[tilespmem:s2], [sflag:$0x2] =	stream.linear.gather [hbm4b:s4+s2], $0x80, $0x38;
	[tilespmem:$0x2080] =	vst v63  }
0x38: {  	_ =	swait.ge [sflag:s3], $0x80  }
0x39: {  	[sflag:s3] =	ssyncset.done $0x0  }
0x3a: {  	[sflag:s3] =	ssyncadd.s32 $0xFFFFFF80  }
0x3b: {  	[tilespmem:s6], [sflag:$0x1] =	stream.indirect.gather [hbm4b:s5+s6], $0x40, s2, s6, $0xb8;
	[tilespmem:$0x2080] =	vst v63  }
0x3c: {  	_ =	swait.ge [sflag:s7], $0x2000  }
0x3d: {  	[sflag:s7] =	ssyncset.done $0x0  }
0x3e: {  	[sflag:s7] =	ssyncadd.s32 $0xFFFFE000  }
0x3f: {  	[hbm4b:s8+s2] =	stream.linear.scatter [tilespmem:s6], [sflag:$0x2], $0x2000, $0x38;
	[tilespmem:$0x2080] =	vst v63  }
0x40: {  	_ =	swait.ge [sflag:s3], $0x2000  }
0x41: {  	[sflag:s3] =	ssyncset.done $0x0  }
0x42: {  	[sflag:s3] =	ssyncadd.s32 $0xFFFFE000  }
0x43: {  	[tilespmem:s2], [sflag:$0x2] =	stream.linear.gather [hbm4b:s9+s2], $0x80, $0x38;
	[tilespmem:$0x2080] =	vst v63  }
0x44: {  	_ =	swait.ge [sflag:s3], $0x80  }
0x45: {  	[sflag:s3] =	ssyncset.done $0x0  }
0x46: {  	[sflag:s3] =	ssyncadd.s32 $0xFFFFFF80  }
0x47: {  	[tilespmem:s6], [sflag:$0x1] =	stream.indirect.gather [hbm4b:s5+s6], $0x40, s2, s6, $0xb8;
	[tilespmem:$0x2080] =	vst v63  }
0x48: {  	_ =	swait.ge [sflag:s7], $0x2000  }
0x49: {  	[sflag:s7] =	ssyncset.done $0x0  }
0x4a: {  	[sflag:s7] =	ssyncadd.s32 $0xFFFFE000  }
0x4b: {  	[hbm4b:s10+s2] =	stream.linear.scatter [tilespmem:s6], [sflag:$0x2], $0x2000, $0x38;
	[tilespmem:$0x2080] =	vst v63  }
0x4c: {  	_ =	swait.ge [sflag:s3], $0x2000  }
0x4d: {  	[sflag:s3] =	ssyncset.done $0x0  }
0x4e: {  	[sflag:s3] =	ssyncadd.s32 $0xFFFFE000  }
0x4f: {  	[tilespmem:s2], [sflag:$0x2] =	stream.linear.gather [hbm4b:s11+s2], $0x80, $0x38;
	[tilespmem:$0x2080] =	vst v63  }
0x50: {  	_ =	swait.ge [sflag:s3], $0x80  }
0x51: {  	[sflag:s3] =	ssyncset.done $0x0  }
0x52: {  	[sflag:s3] =	ssyncadd.s32 $0xFFFFFF80  }
0x53: {  	[tilespmem:s6], [sflag:$0x1] =	stream.indirect.gather [hbm4b:s5+s6], $0x40, s2, s6, $0xb8;
	[tilespmem:$0x2080] =	vst v63  }
0x54: {  	_ =	swait.ge [sflag:s7], $0x2000  }
0x55: {  	[sflag:s7] =	ssyncset.done $0x0  }
0x56: {  	[sflag:s7] =	ssyncadd.s32 $0xFFFFE000  }
0x57: {  	[hbm4b:s12+s2] =	stream.linear.scatter [tilespmem:s6], [sflag:$0x2], $0x2000, $0x38;
	[tilespmem:$0x2080] =	vst v63  }
0x58: {  	_ =	swait.ge [sflag:s3], $0x2000  }
0x59: {  	[sflag:s3] =	ssyncset.done $0x0  }
0x5a: {  	[sflag:s3] =	ssyncadd.s32 $0xFFFFE000  }
0x5b: {  	[tilespmem:s2], [sflag:$0x2] =	stream.linear.gather [hbm4b:s13+s2], $0x80, $0x38;
	[tilespmem:$0x2080] =	vst v63  }
0x5c: {  	_ =	swait.ge [sflag:s3], $0x80  }
0x5d: {  	[sflag:s3] =	ssyncset.done $0x0  }
0x5e: {  	[sflag:s3] =	ssyncadd.s32 $0xFFFFFF80  }
0x5f: {  	[tilespmem:s6], [sflag:$0x1] =	stream.indirect.gather [hbm4b:s5+s6], $0x40, s2, s6, $0xb8;
	[tilespmem:$0x2080] =	vst v63  }
0x60: {  	_ =	swait.ge [sflag:s7], $0x2000  }
.Ltmp1:
0x61: {  	[sflag:s7] =	ssyncset.done $0x0;
	(pc) =	sbr.rel @p0 .LBB2_1-.Ltmp1, $4  }
0x62: {  	[sflag:s7] =	ssyncadd.s32 $0xFFFFE000  }
0x63: {  	[hbm4b:s14+s2] =	stream.linear.scatter [tilespmem:s6], [sflag:$0x2], $0x2000, $0x38;
	[tilespmem:$0x2080] =	vst v63  }
0x64: {  	_ =	swait.ge [sflag:s3], $0x2000  }
0x65: {  	[sflag:s3] =	ssyncset.done $0x0  }
.LBB2_2:
0x66: {  	[sflag:s3] =	ssyncadd.s32 $0xFFFFE000  }
0x67: {  	_ =	sfence.sel $0x180000  }
0x68: {  	[bflag:$0x0] =	sbarrier.arrive $0xFFFF  }
0x69: {  	p0 =	sne.s32 s0, $0x0;
	_ =	strace $0x90000047  }
0x6a: {  	s0 =	sadd.s32 @!p0 $0x100000, s1;
	[bflag:$0x2] =	sbarrier.arrive $0xFFFF  }
0x6b: {  	[sflag:s0] =	ssyncadd.tile.s32 @!p0 $0x1;
	_ =	shalt  }
.Lfunc_end2:
_tile_overlayer_lowered:
.L_overlay_start_2:
0x6c: {  	(tag) =	ssettag $0x2  }
0x6d: {  	s0 =	rddreg [dreg:$0x0];
	s2 =	stileid.u32  }
0x6e: {  	s1 =	rddreg [dreg:$0x1];
	p0 =	sne.s32 s2, $0x0  }
0x6f: {  	s3 =	rddreg [dreg:$0x2];
	[bflag:$0x3] =	sbarrier.arrive $0xFFFF;
	s2 =	simm.s32 @!p0 $0x1C02  }
0x70: {  	[timem:s3], [sflag:s2] =	dma.local @!p0 [hbm:s0], s1  }
0x71: {  	s0 =	simm.s32 @!p0 $0x2  }
0x72: {  	_ =	swait.ge @!p0 [sflag:s0], s1  }
0x73: {  	s1 =	ssub.s32 @!p0 $0x0, s1;
	[sflag:s0] =	ssyncset.done @!p0 $0x0  }
0x74: {  	[sflag:s0] =	ssyncadd.s32 @!p0 s1  }
0x75: {  	[bflag:$0x3] =	sbarrier.arrive $0xFFFF  }
0x76: {  	_ =	shalt  }

// kernel: kernel.15.cloned.1.call-start
scs
__scs_entry_jumppad:
0x0: {  	(pc) =	sbr.rel $0x88, $3  }
0x1: {  	(tag) =	ssettag $0x0;
	lr =	simm.s32 $0x1  }
0x2: {  	[smem:$0x3F94] =	sst lr;
	_ =	strace $0xD0000000  }
0x3: {  	_ = 	snop  }
0x4: {  	_ = 	snop  }
0x5: {  	_ = 	snop  }
0x6: {  	_ = 	snop  }
0x7: {  	_ = 	snop  }
__scs_overlays_trampoline_lowered:
0x8: {  	[smem:$0x3FA3] =	sst s0  }
0x9: {  	[smem:$0x3FA4] =	sst s1  }
0xa: {  	[smem:$0x3FA5] =	sst s2  }
0xb: {  	[smem:$0x3FA6] =	sst s3  }
0xc: {  	[smem:$0x3FA7] =	sst s4  }
0xd: {  	[smem:$0x3FA8] =	sst s5  }
0xe: {  	[smem:$0x3FA9] =	sst s6  }
0xf: {  	[smem:$0x3FAA] =	sst s7  }
0x10: {  	[smem:$0x3FAB] =	sst s8  }
0x11: {  	[smem:$0x3FAC] =	sst s9;
	s0 =	simm.s32 @!p0 $0x0  }
0x12: {  	s1 =	sld [smem:$0x3F92];
	s0 =	simm.s32 @p0 $0x1  }
0x13: {  	[smem:$0x3FAD] =	sst s0;
	s0 =	simm.s32 @!p1 $0x0  }
0x14: {  	s2 =	sld [smem:$0x3F91];
	s0 =	simm.s32 @p1 $0x1  }
0x15: {  	[smem:$0x3FAE] =	sst s0;
	s0 =	simm.s32 @!p2 $0x0  }
0x16: {  	s3 =	sld [smem:$0x3FDB];
	s0 =	simm.s32 @p2 $0x1  }
0x17: {  	s4 =	simm.s32 $0x1BF5;
	[smem:$0x3FB0] =	sst s0  }
0x18: {  	s0 =	sld [smem:$0x3F93];
	_ =	swait.ge [sflag:s4], $0x0  }
0x19: {  	s7 =	sld [smem:$0x3F94]  }
0x1a: {  	s8 =	sadd.s32 $0xFFFFE003, lr  }
0x1b: {  	s9 =	sadd.s32 $0xFFFFFEF7, lr;
	s5 =	simm.s32 $0xFFFFFFFF;
	p2 =	slt.u32 s8, $0xFFFFF086  }
0x1c: {  	p1 =	slt.u32 s9, $0xF7A;
	s5 =	simm.s32 @!p2 $0x0  }
0x1d: {  	s5 =	simm.s32 @p1 $0x1;
	p0 =	seq.s32 s7, s2  }
0x1e: {  	s7 =	smul.u32 @!p0 $0xF7A, s2;
	p2 =	seq.s32 @!p0 s5, $0x0  }
0x1f: {  	s9 =	smul.u32 $0xF7A, s1;
	s8 =	simm.s32 @!p0 $0x1BF5;
	p2 =	por !p2, p0  }
0x20: {  	[sflag:s8] =	ssyncset.s32 @!p0 $0xFFFFF086;
	s6 =	sadd.s32 @!p0 s3, s7;
	s7 =	simm.s32 @!p0 $0x108  }
0x21: {  	s3 =	sadd.s32 s3, s9;
	s6 =	sadd.s32 @!p0 $0x88, s6;
	s7 =	simm.s32 @p2 $0x1082  }
0x22: {  	[simem:s7], [sflag:s8] =	dma.local @!p0 [hbm:s6], $0xF7A  }
0x23: {  	s9 =	sor.u32 $0xD0000000, s2;
	s6 =	simm.s32 $0x108;
	_ =	swait.ge @!p0 [sflag:s8], $0x0  }
0x24: {  	s3 =	sadd.s32 $0x88, s3;
	s6 =	simm.s32 @!p1 $0x1082;
	[sflag:s4] =	ssyncset.s32 $0xFFFFF086  }
0x25: {  	[simem:s6], [sflag:s4] =	dma.local [hbm:s3], $0xF7A  }
0x26: {  	[smem:$0x3F94] =	sst s1;
	(tag) =	ssettag s2;
	_ =	strace s9  }
0x27: {  	s1 =	sld [smem:$0x3FA4]  }
0x28: {  	s2 =	sld [smem:$0x3FA5]  }
0x29: {  	s4 =	sld [smem:$0x3FA7]  }
0x2a: {  	p0 =	seq.s32 s5, $0x0;
	s5 =	sld [smem:$0x3FA8]  }
0x2b: {  	s6 =	sld [smem:$0x3FA9]  }
0x2c: {  	s7 =	sld [smem:$0x3FAA]  }
0x2d: {  	s3 =	simm.s32 $0x108;
	s8 =	sld [smem:$0x3FAB]  }
0x2e: {  	s3 =	simm.s32 @!p0 $0x1082;
	s9 =	sld [smem:$0x3FAC]  }
0x2f: {  	lr =	sadd.s32 s0, s3;
	s0 =	sld [smem:$0x3FA3]  }
0x30: {  	s3 =	sld [smem:$0x3FA6]  }
0x31: {  	[smem:$0x3FAF] =	sst s10  }
0x32: {  	s10 =	sld [smem:$0x3FAD];
	_ =	sdelay $0x3  }
0x33: {  	p0 =	seq.s32 s10, $0x1;
	s10 =	sld [smem:$0x3FAF];
	_ =	sdelay $0x3  }
0x34: {  	[smem:$0x3FAF] =	sst s10  }
0x35: {  	s10 =	sld [smem:$0x3FAE];
	_ =	sdelay $0x3  }
0x36: {  	p1 =	seq.s32 s10, $0x1;
	s10 =	sld [smem:$0x3FAF];
	_ =	sdelay $0x3  }
0x37: {  	[smem:$0x3FAF] =	sst s10  }
0x38: {  	s10 =	sld [smem:$0x3FB0]  }
0x39: {  	_ = 	snop;
	(pc) =	sbr.ind lr, $3  }
0x3a: {  	_ = 	snop  }
0x3b: {  	_ = 	snop  }
0x3c: {  	p2 =	seq.s32 s10, $0x1;
	s10 =	sld [smem:$0x3FAF]  }
0x3d: {  	_ =	shalt  }
0x3e: {  	_ =	shalt  }
0x3f: {  	_ =	shalt  }
0x40: {  	_ =	shalt  }
0x41: {  	_ =	shalt  }
0x42: {  	_ =	shalt  }
0x43: {  	_ =	shalt  }
0x44: {  	_ =	shalt  }
0x45: {  	_ =	shalt  }
0x46: {  	_ =	shalt  }
0x47: {  	_ =	shalt  }
0x48: {  	_ =	shalt  }
0x49: {  	_ =	shalt  }
0x4a: {  	_ =	shalt  }
0x4b: {  	_ =	shalt  }
0x4c: {  	_ =	shalt  }
0x4d: {  	_ =	shalt  }
0x4e: {  	_ =	shalt  }
0x4f: {  	_ =	shalt  }
0x50: {  	_ =	shalt  }
0x51: {  	_ =	shalt  }
0x52: {  	_ =	shalt  }
0x53: {  	_ =	shalt  }
0x54: {  	_ =	shalt  }
0x55: {  	_ =	shalt  }
0x56: {  	_ =	shalt  }
0x57: {  	_ =	shalt  }
0x58: {  	_ =	shalt  }
0x59: {  	_ =	shalt  }
0x5a: {  	_ =	shalt  }
0x5b: {  	_ =	shalt  }
0x5c: {  	_ =	shalt  }
0x5d: {  	_ =	shalt  }
0x5e: {  	_ =	shalt  }
0x5f: {  	_ =	shalt  }
0x60: {  	_ =	shalt  }
0x61: {  	_ =	shalt  }
0x62: {  	_ =	shalt  }
0x63: {  	_ =	shalt  }
0x64: {  	_ =	shalt  }
0x65: {  	_ =	shalt  }
0x66: {  	_ =	shalt  }
0x67: {  	_ =	shalt  }
0x68: {  	_ =	shalt  }
0x69: {  	_ =	shalt  }
0x6a: {  	_ =	shalt  }
0x6b: {  	_ =	shalt  }
0x6c: {  	_ =	shalt  }
0x6d: {  	_ =	shalt  }
0x6e: {  	_ =	shalt  }
0x6f: {  	_ =	shalt  }
0x70: {  	_ =	shalt  }
0x71: {  	_ =	shalt  }
0x72: {  	_ =	shalt  }
0x73: {  	_ =	shalt  }
0x74: {  	_ =	shalt  }
0x75: {  	_ =	shalt  }
0x76: {  	_ =	shalt  }
0x77: {  	_ =	shalt  }
0x78: {  	_ =	shalt  }
0x79: {  	_ =	shalt  }
0x7a: {  	_ =	shalt  }
0x7b: {  	_ =	shalt  }
0x7c: {  	_ =	shalt  }
0x7d: {  	_ =	shalt  }
0x7e: {  	_ =	shalt  }
0x7f: {  	_ =	shalt  }
0x80: {  	_ =	shalt  }
0x81: {  	_ =	shalt  }
0x82: {  	_ =	shalt  }
0x83: {  	_ =	shalt  }
0x84: {  	_ =	shalt  }
0x85: {  	_ =	shalt  }
0x86: {  	_ =	shalt  }
0x87: {  	_ =	shalt  }
.Lfunc_end0:
.L_simem_size_0:
called_computation.1_lowered:
.L_overlay_start_0:
0x88: {  	s2 =	sld [smem:$0x3FD9]  }
0x89: {  	s3 =	sld [smem:$0x3FFE];
	_ =	sdelay $0x1  }
0x8a: {  	s1 =	srdreg.scid  }
0x8b: {  	s0 =	sand.u32 $0x1, s1  }
0x8c: {  	s17 =	sshll.u32 s0, $0xA;
	s2 =	sadd.s32 s3, s2  }
0x8d: {  	s2 =	sadd.s32 s2, s17  }
0x8e: {  	[smem:$0x3FBB] =	sst s2  }
0x8f: {  	_ = 	snop  }
0x90: {  	(tm) =	ssettm $0x1  }
0x91: {  	s18 =	sld [smem:$0x3FFB];
	_ =	sdelay $0x3  }
0x92: {  	_ =	strace s18  }
0x93: {  	s2 =	sld [smem:$0x3FFC];
	_ =	sdelay $0x3  }
0x94: {  	_ =	strace s2  }
0x95: {  	s2 =	sld [smem:$0x3FFD];
	_ =	sdelay $0x3  }
0x96: {  	_ =	strace s2  }
0x97: {  	_ =	strace $0x8FFFFFFF  }
0x98: {  	s19 =	sld [smem:$0x3FDB];
	_ =	sdelay $0x1  }
0x99: {  	s20 =	simm.s32 $_scs_section_size  }
0x9a: {  	s4 =	simm.s32 $_size__tile_overlayer_lowered;
	s5 =	simm.s32 $_tile_overlayer_lowered  }
0x9b: {  	s6 =	simm.s32 $0x1BFF;
	s21 =	sshll.u32 s5, $0x1;
	s3 =	sadd.s32 s20, s19  }
0x9c: {  	s22 =	simm.s32 $0x0;
	s4 =	sshll.u32 s4, $0x1;
	s5 =	sadd.s32 s21, s3  }
0x9d: {  	[timem:s22], [sflag:s6] =	dma.local [hbm:s5], s4  }
0x9e: {  	_ =	swait.ge [sflag:s6], s4  }
0x9f: {  	s4 =	ssub.s32 $0x0, s4;
	[sflag:s6] =	ssyncset.done $0x0  }
0xa0: {  	[sflag:s6] =	ssyncadd.s32 s4;
	_ =	sdelay $0x1  }
0xa1: {  	s23 =	simm.s32 $0x1B8B  }
0xa2: {  	_ =	swait.ge [sflag:s23], $0x1  }
0xa3: {  	[sflag:s23] =	ssyncset.done $0x0  }
0xa4: {  	[sflag:s23] =	ssyncadd.s32 $0xFFFFFFFF  }
0xa5: {  	s4 =	sld [smem:$0x0]  }
0xa6: {  	s5 =	sand.u32 $0xFFFFFFFE, s1  }
0xa7: {  	p0 =	sne.s32 s1, s5  }
0xa8: {  	s5 =	sshll.u32 @p0 s5, $0xE  }
0xa9: {  	s5 =	sadd.s32 @p0 $0x11B8D, s5;
	s6 =	sshll.u32 @p0 s4, $0x11  }
0xaa: {  	s5 =	sor.u32 @p0 s6, s5  }
0xab: {  	[sflag:s5] =	ssyncadd.remote.s32 @p0 $0x1;
	_ =	sdelay $0x1  }
0xac: {  	s5 =	simm.s32 @p0 $0x1B8D  }
0xad: {  	_ =	swait.eq @p0 [sflag:s5], $0x1  }
0xae: {  	[sflag:s5] =	ssyncadd.s32 @p0 $0xFFFFFFFF  }
0xaf: {  	s6 =	sshll.u32 @!p0 s1, $0xE  }
0xb0: {  	s6 =	sor.u32 @!p0 $0x4000, s6;
	s5 =	simm.s32 @!p0 $0x1B8D  }
0xb1: {  	s4 =	sshll.u32 @!p0 s4, $0x11;
	s6 =	sadd.s32 @!p0 $0x11B8D, s6;
	_ =	swait.eq @!p0 [sflag:s5], $0x1  }
0xb2: {  	s4 =	sor.u32 @!p0 s4, s6;
	[sflag:s5] =	ssyncadd.s32 @!p0 $0xFFFFFFFF  }
0xb3: {  	s25 =	simm.s32 $0x1B8E;
	s24 =	sld [smem:$0x3FFE];
	[sflag:s4] =	ssyncadd.remote.s32 @!p0 $0x1  }
0xb4: {  	s26 =	simm.s32 $execute0_lowered;
	[smem:$0x3FD2] =	sst s25  }
0xb5: {  	s5 =	sshll.u32 s26, $0x1;
	_ =	strace $0x80000052;
	[dreg:$0x1] =	wrdreg $0xFFFFFFFF  }
0xb6: {  	s28 =	simm.s32 $_size_execute0_lowered;
	s3 =	sadd.s32 s3, s5;
	[dreg:$0x0] =	wrdreg $0x0  }
0xb7: {  	s5 =	sshll.u32 s28, $0x1;
	[dreg:$0x2] =	wrdreg s3  }
0xb8: {  	[dreg:$0x3] =	wrdreg s5  }
0xb9: {  	[dreg:$0x4] =	wrdreg $0xC0  }
0xba: {  	_ =	task [dreg:s22], $0x5FFFF  }
0xbb: {  	[dreg:$0x1] =	wrdreg $0xFFFFFFFF  }
0xbc: {  	[dreg:$0x0] =	wrdreg $0x60  }
0xbd: {  	[dreg:$0x2] =	wrdreg s24  }
0xbe: {  	[dreg:$0x3] =	wrdreg $0x132000  }
0xbf: {  	[dreg:$0x4] =	wrdreg $0x151400  }
0xc0: {  	[dreg:$0x5] =	wrdreg $0xA  }
0xc1: {  	_ =	task.clear_ibuf [dreg:s22], $0x6FFFF;
	_ =	strace $0x90000052  }
0xc2: {  	s29 =	simm.s32 $0xA;
	_ =	strace $0x80000054  }
0xc3: {  	_ =	swait.ge [sflag:s29], $0x1  }
0xc4: {  	[sflag:s29] =	ssyncadd.s32 $0xFFFFFFFF  }
0xc5: {  	_ =	strace $0x90000054  }
0xc6: {  	_ =	sfence  }
0xc7: {  	s30 =	sld [smem:$0x0];
	_ =	sdelay $0x2  }
0xc8: {  	s31 =	sshll.u32 s1, $0xD;
	s1 =	sshrl.u32 s1, $0x2  }
0xc9: {  	s4 =	sand.u32 $0x4000, s31;
	s1 =	sadd.s32 s1, s30  }
0xca: {  	s0 =	sor.u32 s4, s0;
	s1 =	sshll.u32 s1, $0x11  }
0xcb: {  	s0 =	sor.u32 s1, s0  }
0xcc: {  	s0 =	sadd.s32 $0x8F2B, s0  }
0xcd: {  	[sflag:s0] =	ssyncadd.remote.s32 $0x1  }
0xce: {  	_ =	sfence.sel $0xFFFF  }
0xcf: {  	[dreg:$0x0] =	wrdreg $0xFFFFFFFF;
	(pc) =	sbr.abs _section_cstart, $3  }
0xd0: {  	[dreg:$0x1] =	wrdreg $0xFFFFFFFF  }
0xd1: {  	_ =	task.clear_ibuf [dreg:s22], $0x2FFFF;
	_ =	strace $0x9FFFFFFF  }
0xd2: {  	(tm) =	ssettm $0x7FFFFFFF  }
0xd3: {  	_ =	shalt  }
tec
execute0_lowered:
.L_overlay_start_1:
0x0: {  	(tag) =	ssettag $0x1  }
0x1: {  	s0 =	rddreg [dreg:$0x0]  }
0x2: {  	s1 =	rddreg [dreg:$0x1]  }
0x3: {  	s2 =	rddreg [dreg:$0x2];
	s4 =	srdreg.scid  }
0x4: {  	s12 =	stileid.u32;
	s3 =	simm.s32 $0x0;
	s14 =	simm.s32 $0x5  }
0x5: {  	s15 =	simm.s32 $0x1900;
	s16 =	simm.s32 $0x80;
	s17 =	simm.s32 $0x3200  }
0x6: {  	s19 =	simm.s32 $0x7200;
	s20 =	simm.s32 $0x1980;
	s21 =	simm.s32 $0xF200  }
0x7: {  	s22 =	simm.s32 $0x1;
	s23 =	simm.s32 $0x3;
	s24 =	simm.s32 $0x2  }
0x8: {  	s25 =	simm.s32 $0x4;
	s4 =	sand.u32 $0x1, s4;
	s5 =	sshll.u32 s12, $0x1  }
0x9: {  	s26 =	simm.s32 $0x0;
	[smem:$0x7FF] =	sst s3;
	s9 =	sor.u32 s4, s5  }
0xa: {  	p0 =	sne.s32 s12, $0x0;
	_ =	strace $0x80000053;
	s6 =	smul.u32 $0x320, s9  }
.Ltmp0:
0xb: {  	s7 =	ssub.s32 $0x2, s4;
	s4 =	sadd.s32 $0x20800, s0;
	(pc) =	sbr.rel .LBB2_1-.Ltmp0, $4  }
0xc: {  	s5 =	sadd.s32 $0x24800, s0;
	s12 =	sshrl.u32 @!p0 s1, $0x3;
	s13 =	sshrl.u32 @!p0 s2, $0x3  }
0xd: {  	s8 =	sshrl.u32 s7, $0x1;
	s9 =	sshll.u32 s9, $0xB;
	s10 =	sadd.s32 s6, s0  }
0xe: {  	s11 =	ssub.s32 s7, s8;
	s6 =	sadd.s32 $0x9A1800, s0;
	s7 =	sadd.s32 $0x995000, s10  }
0xf: {  	s11 =	smax.u32 s11, $0x1;
	s8 =	sadd.s32 $0x99B400, s10;
	s10 =	sadd.s32 $0x9B1800, s0  }
.LBB2_8:
0x10: {  	s26 =	sadd.s32 $0x1, s26  }
0x11: {  	p1 =	sne.s32 s26, s11  }
.Ltmp1:
0x12: {  	_ = 	snop;
	(pc) =	sbr.rel @!p1 .LBB2_9-.Ltmp1, $1  }
0x13: {  	_ =	sdelay $0x3  }
.LBB2_1:
0x14: {  	s0 =	simm.s32 @!p0 $0x1C05;
	s28 =	simm.s32 @!p0 $0x5  }
0x15: {  	[spmem:s12], [sflag:s0] =	dma.local @!p0 [hbm:s4], $0x3E80  }
0x16: {  	_ =	swait.ge @!p0 [sflag:s28], $0x3E80  }
0x17: {  	[sflag:s28] =	ssyncset.done @!p0 $0x0  }
0x18: {  	[sflag:s28] =	ssyncadd.s32 @!p0 $0xFFFFC180  }
0x19: {  	[spmem:s13], [sflag:s0] =	dma.local @!p0 [hbm:s5], $0x3E80  }
0x1a: {  	_ =	swait.ge @!p0 [sflag:s28], $0x3E80  }
0x1b: {  	[sflag:s28] =	ssyncset.done @!p0 $0x0  }
0x1c: {  	[sflag:s28] =	ssyncadd.s32 @!p0 $0xFFFFC180  }
0x1d: {  	[bflag:$0x0] =	sbarrier.arrive $0xFFFF  }
0x1e: {  	[tilespmem:s3], [sflag:$0x5] =	stream.linear.gather [hbm4b:s7+s3], $0x1900, $0x38;
	[tilespmem:$0x17080] =	vst v63  }
0x1f: {  	_ =	swait.ge [sflag:s14], $0x1900  }
0x20: {  	[sflag:s14] =	ssyncset.done $0x0  }
0x21: {  	[sflag:s14] =	ssyncadd.s32 $0xFFFFE700  }
0x22: {  	[tilespmem:s15], [sflag:$0x5] =	stream.linear.gather [hbm4b:s8+s3], $0x1900, $0x38;
	[tilespmem:$0x17080] =	vst v63  }
0x23: {  	_ =	swait.ge [sflag:s14], $0x1900  }
0x24: {  	[sflag:s14] =	ssyncset.done $0x0  }
0x25: {  	[sflag:s14] =	ssyncadd.s32 $0xFFFFE700  }
0x26: {  	[tilespmem:s17], [sflag:$0x1] =	stream.indirect.gather [spmem:s1], $0x80, s3, s16, $0xb8;
	[tilespmem:$0x17080] =	vst v63  }
0x27: {  	s31 =	simm.s32 $0xB200  }
0x28: {  	[tilespmem:s31], [sflag:$0x3] =	stream.indirect.gather [spmem:s2], $0x80, s15, s16, $0xb8;
	[tilespmem:$0x17080] =	vst v63  }
0x29: {  	_ = 	snop  }
0x2a: {  	[tilespmem:s19], [sflag:$0x2] =	stream.indirect.gather [spmem:s1], $0x80, s16, s16, $0xb8;
	[tilespmem:$0x17080] =	vst v63  }
0x2b: {  	s28 =	simm.s32 $0x0  }
0x2c: {  	[tilespmem:s21], [sflag:$0x4] =	stream.indirect.gather [spmem:s2], $0x80, s20, s16, $0xb8;
	[tilespmem:$0x17080] =	vst v63  }
.LBB2_2:
0x2d: {  	_ =	swait.ge [sflag:s22], $0x4000  }
0x2e: {  	[sflag:s22] =	ssyncset.done $0x0  }
0x2f: {  	[sflag:s22] =	ssyncadd.s32 $0xFFFFC000  }
0x30: {  	_ =	swait.ge [sflag:s23], $0x4000  }
0x31: {  	[sflag:s23] =	ssyncset.done $0x0  }
0x32: {  	s29 =	simm.s32 $0x0;
	[sflag:s23] =	ssyncadd.s32 $0xFFFFC000  }
0x33: {  	v7 =	vld [tilespmem:s29+$0xB200]  }
0x34: {  	v11 =	vld [tilespmem:s29+$0xB210]  }
0x35: {  	v5 =	vld [tilespmem:s29+$0xB220]  }
0x36: {  	v4 =	vld [tilespmem:s29+$0xB230]  }
0x37: {  	v3 =	vld [tilespmem:s29+$0xB240]  }
0x38: {  	v2 =	vld [tilespmem:s29+$0xB250]  }
0x39: {  	v1 =	vld [tilespmem:s29+$0xB260]  }
0x3a: {  	v0 =	vld [tilespmem:s29+$0xB270]  }
0x3b: {  	v12 =	vld [tilespmem:s29+$0x3200]  }
0x3c: {  	v13 =	vld [tilespmem:s29+$0x3210]  }
0x3d: {  	v10 =	vld [tilespmem:s29+$0x3220]  }
0x3e: {  	v9 =	vld [tilespmem:s29+$0x3230]  }
0x3f: {  	v8 =	vld [tilespmem:s29+$0x3240]  }
0x40: {  	v6 =	vld [tilespmem:s29+$0x3250];
	v12 =	vadd.f32 v7, v12  }
0x41: {  	s30 =	simm.s32 $0x200;
	v11 =	vadd.f32 v11, v13;
	v7 =	vld [tilespmem:s29+$0x3260]  }
.LBB2_3:
0x42: {  	s0 =	sshra.s32 s30, $0x2;
	p1 =	sne.s32 s30, $0xFE00;
	[tilespmem:s29+$0x3200] =	vst v12;
	v5 =	vadd.f32 v5, v10;
	v10 =	vld [tilespmem:s29+$0x3270]  }
0x43: {  	v12 =	vld [tilespmem:s0+$0xB200];
	[tilespmem:s29+$0x3210] =	vst v11;
	v4 =	vadd.f32 v4, v9  }
0x44: {  	v11 =	vld [tilespmem:s0+$0xB210];
	[tilespmem:s29+$0x3220] =	vst v5;
	v3 =	vadd.f32 v3, v8  }
0x45: {  	v5 =	vld [tilespmem:s0+$0xB220];
	[tilespmem:s29+$0x3230] =	vst v4;
	v2 =	vadd.f32 v2, v6  }
0x46: {  	v4 =	vld [tilespmem:s0+$0xB230];
	[tilespmem:s29+$0x3240] =	vst v3;
	v1 =	vadd.f32 v1, v7  }
0x47: {  	v3 =	vld [tilespmem:s0+$0xB240];
	[tilespmem:s29+$0x3250] =	vst v2;
	v0 =	vadd.f32 v0, v10  }
0x48: {  	v2 =	vld [tilespmem:s0+$0xB250];
	[tilespmem:s29+$0x3260] =	vst v1  }
0x49: {  	v1 =	vld [tilespmem:s0+$0xB260];
	[tilespmem:s29+$0x3270] =	vst v0;
	s29 =	smov.u32 s0  }
0x4a: {  	v0 =	vld [tilespmem:s29+$0xB270]  }
0x4b: {  	v6 =	vld [tilespmem:s29+$0x3200]  }
0x4c: {  	v7 =	vld [tilespmem:s29+$0x3210]  }
.Ltmp2:
0x4d: {  	v10 =	vld [tilespmem:s29+$0x3220];
	(pc) =	sbr.rel @p1 .LBB2_3-.Ltmp2, $4  }
0x4e: {  	v9 =	vld [tilespmem:s29+$0x3230]  }
0x4f: {  	v8 =	vld [tilespmem:s29+$0x3240]  }
0x50: {  	v12 =	vadd.f32 v12, v6;
	v6 =	vld [tilespmem:s29+$0x3250]  }
0x51: {  	s30 =	sadd.s32 $0x200, s30;
	v11 =	vadd.f32 v11, v7;
	v7 =	vld [tilespmem:s29+$0x3260]  }
0x52: {  	[tilespmem:s29+$0x3200] =	vst v12;
	v5 =	vadd.f32 v5, v10;
	v10 =	vld [tilespmem:s29+$0x3270]  }
0x53: {  	[tilespmem:s29+$0x3210] =	vst v11;
	v4 =	vadd.f32 v4, v9  }
0x54: {  	[tilespmem:s29+$0x3220] =	vst v5;
	v3 =	vadd.f32 v3, v8  }
0x55: {  	[tilespmem:s29+$0x3230] =	vst v4;
	v2 =	vadd.f32 v2, v6  }
0x56: {  	[tilespmem:s29+$0x3240] =	vst v3;
	v1 =	vadd.f32 v1, v7  }
0x57: {  	s0 =	sshll.u32 s28, $0x11;
	[tilespmem:s29+$0x3250] =	vst v2;
	v0 =	vadd.f32 v0, v10  }
0x58: {  	s30 =	sor.u32 s9, s0;
	[tilespmem:s29+$0x3260] =	vst v1  }
0x59: {  	s0 =	sadd.s32 s6, s30;
	[tilespmem:s29+$0x3270] =	vst v0  }
0x5a: {  	[hbm4b:s0+s3] =	stream.linear.scatter [tilespmem:s17], [sflag:$0x5], $0x4000, $0x38;
	[tilespmem:$0x17080] =	vst v63  }
0x5b: {  	p1 =	seq.s32 s28, $0x18;
	_ =	swait.ge [sflag:s14], $0x4000  }
0x5c: {  	s31 =	simm.s32 @!p1 $0x80;
	s29 =	sshll.u32 s28, $0x8;
	[sflag:s14] =	ssyncset.done $0x0  }
0x5d: {  	s18 =	simm.s32 @!p1 $0x3200;
	s0 =	sadd.s32 @!p1 $0x100, s29;
	[sflag:s14] =	ssyncadd.s32 $0xFFFFC000  }
0x5e: {  	[tilespmem:s18], [sflag:$0x1] =	stream.indirect.gather @!p1 [spmem:s1], $0x80, s0, s31, $0xb8;
	[tilespmem:$0x17080] =	vst v63  }
0x5f: {  	s0 =	sadd.s32 @!p1 $0x1A00, s29;
	s18 =	simm.s32 @!p1 $0xB200  }
0x60: {  	[tilespmem:s18], [sflag:$0x3] =	stream.indirect.gather @!p1 [spmem:s2], $0x80, s0, s31, $0xb8;
	[tilespmem:$0x17080] =	vst v63  }
0x61: {  	_ =	swait.ge [sflag:s24], $0x4000  }
0x62: {  	[sflag:s24] =	ssyncset.done $0x0  }
0x63: {  	[sflag:s24] =	ssyncadd.s32 $0xFFFFC000  }
0x64: {  	_ =	swait.ge [sflag:s25], $0x4000  }
0x65: {  	[sflag:s25] =	ssyncset.done $0x0  }
0x66: {  	s31 =	simm.s32 $0x0;
	[sflag:s25] =	ssyncadd.s32 $0xFFFFC000  }
0x67: {  	v7 =	vld [tilespmem:s31+$0xF200]  }
0x68: {  	v11 =	vld [tilespmem:s31+$0xF210]  }
0x69: {  	v5 =	vld [tilespmem:s31+$0xF220]  }
0x6a: {  	v4 =	vld [tilespmem:s31+$0xF230]  }
0x6b: {  	v3 =	vld [tilespmem:s31+$0xF240]  }
0x6c: {  	v2 =	vld [tilespmem:s31+$0xF250]  }
0x6d: {  	v1 =	vld [tilespmem:s31+$0xF260]  }
0x6e: {  	v0 =	vld [tilespmem:s31+$0xF270]  }
0x6f: {  	v12 =	vld [tilespmem:s31+$0x7200]  }
0x70: {  	v13 =	vld [tilespmem:s31+$0x7210]  }
0x71: {  	v10 =	vld [tilespmem:s31+$0x7220]  }
0x72: {  	v9 =	vld [tilespmem:s31+$0x7230]  }
0x73: {  	v8 =	vld [tilespmem:s31+$0x7240]  }
0x74: {  	v6 =	vld [tilespmem:s31+$0x7250];
	v12 =	vadd.f32 v7, v12  }
0x75: {  	s0 =	simm.s32 $0x200;
	v11 =	vadd.f32 v11, v13;
	v7 =	vld [tilespmem:s31+$0x7260]  }
.LBB2_5:
0x76: {  	s18 =	sshra.s32 s0, $0x2;
	p2 =	sne.s32 s0, $0xFE00;
	[tilespmem:s31+$0x7200] =	vst v12;
	v5 =	vadd.f32 v5, v10;
	v10 =	vld [tilespmem:s31+$0x7270]  }
0x77: {  	v12 =	vld [tilespmem:s18+$0xF200];
	[tilespmem:s31+$0x7210] =	vst v11;
	v4 =	vadd.f32 v4, v9  }
0x78: {  	v11 =	vld [tilespmem:s18+$0xF210];
	[tilespmem:s31+$0x7220] =	vst v5;
	v3 =	vadd.f32 v3, v8  }
0x79: {  	v5 =	vld [tilespmem:s18+$0xF220];
	[tilespmem:s31+$0x7230] =	vst v4;
	v2 =	vadd.f32 v2, v6  }
0x7a: {  	v4 =	vld [tilespmem:s18+$0xF230];
	[tilespmem:s31+$0x7240] =	vst v3;
	v1 =	vadd.f32 v1, v7  }
0x7b: {  	v3 =	vld [tilespmem:s18+$0xF240];
	[tilespmem:s31+$0x7250] =	vst v2;
	v0 =	vadd.f32 v0, v10  }
0x7c: {  	v2 =	vld [tilespmem:s18+$0xF250];
	[tilespmem:s31+$0x7260] =	vst v1  }
0x7d: {  	v1 =	vld [tilespmem:s18+$0xF260];
	[tilespmem:s31+$0x7270] =	vst v0;
	s31 =	smov.u32 s18  }
0x7e: {  	v0 =	vld [tilespmem:s31+$0xF270]  }
0x7f: {  	v6 =	vld [tilespmem:s31+$0x7200]  }
0x80: {  	v7 =	vld [tilespmem:s31+$0x7210]  }
.Ltmp3:
0x81: {  	v10 =	vld [tilespmem:s31+$0x7220];
	(pc) =	sbr.rel @p2 .LBB2_5-.Ltmp3, $4  }
0x82: {  	v9 =	vld [tilespmem:s31+$0x7230]  }
0x83: {  	v8 =	vld [tilespmem:s31+$0x7240]  }
0x84: {  	v12 =	vadd.f32 v12, v6;
	v6 =	vld [tilespmem:s31+$0x7250]  }
0x85: {  	s0 =	sadd.s32 $0x200, s0;
	v11 =	vadd.f32 v11, v7;
	v7 =	vld [tilespmem:s31+$0x7260]  }
0x86: {  	[tilespmem:s31+$0x7200] =	vst v12;
	v5 =	vadd.f32 v5, v10;
	v63 =	vld [tilespmem:s31+$0x7270]  }
0x87: {  	[tilespmem:s31+$0x7210] =	vst v11;
	v4 =	vadd.f32 v4, v9  }
0x88: {  	[tilespmem:s31+$0x7220] =	vst v5;
	v3 =	vadd.f32 v3, v8  }
0x89: {  	[tilespmem:s31+$0x7230] =	vst v4;
	v2 =	vadd.f32 v2, v6  }
0x8a: {  	[tilespmem:s31+$0x7240] =	vst v3;
	v1 =	vadd.f32 v1, v7  }
0x8b: {  	[tilespmem:s31+$0x7250] =	vst v2;
	v0 =	vadd.f32 v0, v63  }
0x8c: {  	[tilespmem:s31+$0x7260] =	vst v1  }
.Ltmp4:
0x8d: {  	s0 =	sadd.s32 s30, s10;
	[tilespmem:s31+$0x7270] =	vst v0;
	(pc) =	sbr.rel @p1 .LBB2_8-.Ltmp4, $4  }
0x8e: {  	[hbm4b:s0+s3] =	stream.linear.scatter [tilespmem:s19], [sflag:$0x5], $0x4000, $0x38;
	[tilespmem:$0x17080] =	vst v63  }
0x8f: {  	_ =	swait.ge [sflag:s14], $0x4000  }
0x90: {  	[sflag:s14] =	ssyncset.done $0x0  }
0x91: {  	[sflag:s14] =	ssyncadd.s32 $0xFFFFC000  }
.Ltmp5:
0x92: {  	(pc) =	sbr.rel .LBB2_2-.Ltmp5, $4  }
0x93: {  	s0 =	sadd.s32 $0x180, s29  }
0x94: {  	[tilespmem:s19], [sflag:$0x2] =	stream.indirect.gather [spmem:s1], $0x80, s0, s16, $0xb8;
	[tilespmem:$0x17080] =	vst v63  }
0x95: {  	s31 =	sadd.s32 $0x1A80, s29;
	s28 =	sadd.s32 $0x1, s28  }
0x96: {  	[tilespmem:s21], [sflag:$0x4] =	stream.indirect.gather [spmem:s2], $0x80, s31, s16, $0xb8;
	[tilespmem:$0x17080] =	vst v63  }
.LBB2_9:
0x97: {  	_ =	sfence.sel $0x180000  }
0x98: {  	[bflag:$0x0] =	sbarrier.arrive $0xFFFF  }
0x99: {  	_ =	strace $0x90000053  }
0x9a: {  	[bflag:$0x2] =	sbarrier.arrive $0xFFFF  }
0x9b: {  	s0 =	rddreg [dreg:$0x3]  }
0x9c: {  	s0 =	sadd.s32 @!p0 $0x100000, s0  }
0x9d: {  	[sflag:s0] =	ssyncadd.tile.s32 @!p0 $0x1;
	_ =	shalt  }
.Lfunc_end2:
_tile_overlayer_lowered:
.L_overlay_start_2:
0x9e: {  	(tag) =	ssettag $0x2  }
0x9f: {  	s0 =	rddreg [dreg:$0x0];
	s2 =	stileid.u32  }
0xa0: {  	s1 =	rddreg [dreg:$0x1];
	p0 =	sne.s32 s2, $0x0  }
0xa1: {  	s3 =	rddreg [dreg:$0x2];
	[bflag:$0x3] =	sbarrier.arrive $0xFFFF;
	s2 =	simm.s32 @!p0 $0x1C05  }
0xa2: {  	[timem:s3], [sflag:s2] =	dma.local @!p0 [hbm:s0], s1  }
0xa3: {  	s0 =	simm.s32 @!p0 $0x5  }
0xa4: {  	_ =	swait.ge @!p0 [sflag:s0], s1  }
0xa5: {  	s1 =	ssub.s32 @!p0 $0x0, s1;
	[sflag:s0] =	ssyncset.done @!p0 $0x0  }
0xa6: {  	[sflag:s0] =	ssyncadd.s32 @!p0 s1  }
0xa7: {  	[bflag:$0x3] =	sbarrier.arrive $0xFFFF  }
0xa8: {  	_ =	shalt  }

// kernel: kernel.18.cloned.1.call-start
scs
__scs_entry_jumppad:
0x0: {  	(pc) =	sbr.rel $0x88, $3  }
0x1: {  	(tag) =	ssettag $0x0;
	lr =	simm.s32 $0x1  }
0x2: {  	[smem:$0x3F94] =	sst lr;
	_ =	strace $0xD0000000  }
0x3: {  	_ = 	snop  }
0x4: {  	_ = 	snop  }
0x5: {  	_ = 	snop  }
0x6: {  	_ = 	snop  }
0x7: {  	_ = 	snop  }
__scs_overlays_trampoline_lowered:
0x8: {  	[smem:$0x3FA3] =	sst s0  }
0x9: {  	[smem:$0x3FA4] =	sst s1  }
0xa: {  	[smem:$0x3FA5] =	sst s2  }
0xb: {  	[smem:$0x3FA6] =	sst s3  }
0xc: {  	[smem:$0x3FA7] =	sst s4  }
0xd: {  	[smem:$0x3FA8] =	sst s5  }
0xe: {  	[smem:$0x3FA9] =	sst s6  }
0xf: {  	[smem:$0x3FAA] =	sst s7  }
0x10: {  	[smem:$0x3FAB] =	sst s8  }
0x11: {  	[smem:$0x3FAC] =	sst s9;
	s0 =	simm.s32 @!p0 $0x0  }
0x12: {  	s1 =	sld [smem:$0x3F92];
	s0 =	simm.s32 @p0 $0x1  }
0x13: {  	[smem:$0x3FAD] =	sst s0;
	s0 =	simm.s32 @!p1 $0x0  }
0x14: {  	s2 =	sld [smem:$0x3F91];
	s0 =	simm.s32 @p1 $0x1  }
0x15: {  	[smem:$0x3FAE] =	sst s0;
	s0 =	simm.s32 @!p2 $0x0  }
0x16: {  	s3 =	sld [smem:$0x3FDB];
	s0 =	simm.s32 @p2 $0x1  }
0x17: {  	s4 =	simm.s32 $0x1BF5;
	[smem:$0x3FB0] =	sst s0  }
0x18: {  	s0 =	sld [smem:$0x3F93];
	_ =	swait.ge [sflag:s4], $0x0  }
0x19: {  	s7 =	sld [smem:$0x3F94]  }
0x1a: {  	s8 =	sadd.s32 $0xFFFFE003, lr  }
0x1b: {  	s9 =	sadd.s32 $0xFFFFFEF7, lr;
	s5 =	simm.s32 $0xFFFFFFFF;
	p2 =	slt.u32 s8, $0xFFFFF086  }
0x1c: {  	p1 =	slt.u32 s9, $0xF7A;
	s5 =	simm.s32 @!p2 $0x0  }
0x1d: {  	s5 =	simm.s32 @p1 $0x1;
	p0 =	seq.s32 s7, s2  }
0x1e: {  	s7 =	smul.u32 @!p0 $0xF7A, s2;
	p2 =	seq.s32 @!p0 s5, $0x0  }
0x1f: {  	s9 =	smul.u32 $0xF7A, s1;
	s8 =	simm.s32 @!p0 $0x1BF5;
	p2 =	por !p2, p0  }
0x20: {  	[sflag:s8] =	ssyncset.s32 @!p0 $0xFFFFF086;
	s6 =	sadd.s32 @!p0 s3, s7;
	s7 =	simm.s32 @!p0 $0x108  }
0x21: {  	s3 =	sadd.s32 s3, s9;
	s6 =	sadd.s32 @!p0 $0x88, s6;
	s7 =	simm.s32 @p2 $0x1082  }
0x22: {  	[simem:s7], [sflag:s8] =	dma.local @!p0 [hbm:s6], $0xF7A  }
0x23: {  	s9 =	sor.u32 $0xD0000000, s2;
	s6 =	simm.s32 $0x108;
	_ =	swait.ge @!p0 [sflag:s8], $0x0  }
0x24: {  	s3 =	sadd.s32 $0x88, s3;
	s6 =	simm.s32 @!p1 $0x1082;
	[sflag:s4] =	ssyncset.s32 $0xFFFFF086  }
0x25: {  	[simem:s6], [sflag:s4] =	dma.local [hbm:s3], $0xF7A  }
0x26: {  	[smem:$0x3F94] =	sst s1;
	(tag) =	ssettag s2;
	_ =	strace s9  }
0x27: {  	s1 =	sld [smem:$0x3FA4]  }
0x28: {  	s2 =	sld [smem:$0x3FA5]  }
0x29: {  	s4 =	sld [smem:$0x3FA7]  }
0x2a: {  	p0 =	seq.s32 s5, $0x0;
	s5 =	sld [smem:$0x3FA8]  }
0x2b: {  	s6 =	sld [smem:$0x3FA9]  }
0x2c: {  	s7 =	sld [smem:$0x3FAA]  }
0x2d: {  	s3 =	simm.s32 $0x108;
	s8 =	sld [smem:$0x3FAB]  }
0x2e: {  	s3 =	simm.s32 @!p0 $0x1082;
	s9 =	sld [smem:$0x3FAC]  }
0x2f: {  	lr =	sadd.s32 s0, s3;
	s0 =	sld [smem:$0x3FA3]  }
0x30: {  	s3 =	sld [smem:$0x3FA6]  }
0x31: {  	[smem:$0x3FAF] =	sst s10  }
0x32: {  	s10 =	sld [smem:$0x3FAD];
	_ =	sdelay $0x3  }
0x33: {  	p0 =	seq.s32 s10, $0x1;
	s10 =	sld [smem:$0x3FAF];
	_ =	sdelay $0x3  }
0x34: {  	[smem:$0x3FAF] =	sst s10  }
0x35: {  	s10 =	sld [smem:$0x3FAE];
	_ =	sdelay $0x3  }
0x36: {  	p1 =	seq.s32 s10, $0x1;
	s10 =	sld [smem:$0x3FAF];
	_ =	sdelay $0x3  }
0x37: {  	[smem:$0x3FAF] =	sst s10  }
0x38: {  	s10 =	sld [smem:$0x3FB0]  }
0x39: {  	_ = 	snop;
	(pc) =	sbr.ind lr, $3  }
0x3a: {  	_ = 	snop  }
0x3b: {  	_ = 	snop  }
0x3c: {  	p2 =	seq.s32 s10, $0x1;
	s10 =	sld [smem:$0x3FAF]  }
0x3d: {  	_ =	shalt  }
0x3e: {  	_ =	shalt  }
0x3f: {  	_ =	shalt  }
0x40: {  	_ =	shalt  }
0x41: {  	_ =	shalt  }
0x42: {  	_ =	shalt  }
0x43: {  	_ =	shalt  }
0x44: {  	_ =	shalt  }
0x45: {  	_ =	shalt  }
0x46: {  	_ =	shalt  }
0x47: {  	_ =	shalt  }
0x48: {  	_ =	shalt  }
0x49: {  	_ =	shalt  }
0x4a: {  	_ =	shalt  }
0x4b: {  	_ =	shalt  }
0x4c: {  	_ =	shalt  }
0x4d: {  	_ =	shalt  }
0x4e: {  	_ =	shalt  }
0x4f: {  	_ =	shalt  }
0x50: {  	_ =	shalt  }
0x51: {  	_ =	shalt  }
0x52: {  	_ =	shalt  }
0x53: {  	_ =	shalt  }
0x54: {  	_ =	shalt  }
0x55: {  	_ =	shalt  }
0x56: {  	_ =	shalt  }
0x57: {  	_ =	shalt  }
0x58: {  	_ =	shalt  }
0x59: {  	_ =	shalt  }
0x5a: {  	_ =	shalt  }
0x5b: {  	_ =	shalt  }
0x5c: {  	_ =	shalt  }
0x5d: {  	_ =	shalt  }
0x5e: {  	_ =	shalt  }
0x5f: {  	_ =	shalt  }
0x60: {  	_ =	shalt  }
0x61: {  	_ =	shalt  }
0x62: {  	_ =	shalt  }
0x63: {  	_ =	shalt  }
0x64: {  	_ =	shalt  }
0x65: {  	_ =	shalt  }
0x66: {  	_ =	shalt  }
0x67: {  	_ =	shalt  }
0x68: {  	_ =	shalt  }
0x69: {  	_ =	shalt  }
0x6a: {  	_ =	shalt  }
0x6b: {  	_ =	shalt  }
0x6c: {  	_ =	shalt  }
0x6d: {  	_ =	shalt  }
0x6e: {  	_ =	shalt  }
0x6f: {  	_ =	shalt  }
0x70: {  	_ =	shalt  }
0x71: {  	_ =	shalt  }
0x72: {  	_ =	shalt  }
0x73: {  	_ =	shalt  }
0x74: {  	_ =	shalt  }
0x75: {  	_ =	shalt  }
0x76: {  	_ =	shalt  }
0x77: {  	_ =	shalt  }
0x78: {  	_ =	shalt  }
0x79: {  	_ =	shalt  }
0x7a: {  	_ =	shalt  }
0x7b: {  	_ =	shalt  }
0x7c: {  	_ =	shalt  }
0x7d: {  	_ =	shalt  }
0x7e: {  	_ =	shalt  }
0x7f: {  	_ =	shalt  }
0x80: {  	_ =	shalt  }
0x81: {  	_ =	shalt  }
0x82: {  	_ =	shalt  }
0x83: {  	_ =	shalt  }
0x84: {  	_ =	shalt  }
0x85: {  	_ =	shalt  }
0x86: {  	_ =	shalt  }
0x87: {  	_ =	shalt  }
.Lfunc_end0:
.L_simem_size_0:
called_computation.2_lowered:
.L_overlay_start_0:
0x88: {  	s2 =	sld [smem:$0x3FD9]  }
0x89: {  	s3 =	sld [smem:$0x3FFE];
	_ =	sdelay $0x1  }
0x8a: {  	s1 =	srdreg.scid  }
0x8b: {  	s0 =	sand.u32 $0x1, s1  }
0x8c: {  	s17 =	sshll.u32 s0, $0xA;
	s2 =	sadd.s32 s3, s2  }
0x8d: {  	s2 =	sadd.s32 s2, s17  }
0x8e: {  	[smem:$0x3FBB] =	sst s2  }
0x8f: {  	_ = 	snop  }
0x90: {  	(tm) =	ssettm $0x1  }
0x91: {  	s18 =	sld [smem:$0x3FFB];
	_ =	sdelay $0x3  }
0x92: {  	_ =	strace s18  }
0x93: {  	s2 =	sld [smem:$0x3FFC];
	_ =	sdelay $0x3  }
0x94: {  	_ =	strace s2  }
0x95: {  	s2 =	sld [smem:$0x3FFD];
	_ =	sdelay $0x3  }
0x96: {  	_ =	strace s2  }
0x97: {  	_ =	strace $0x8FFFFFFF  }
0x98: {  	s19 =	sld [smem:$0x3FDB];
	_ =	sdelay $0x1  }
0x99: {  	s20 =	simm.s32 $_scs_section_size  }
0x9a: {  	s4 =	simm.s32 $_size__tile_overlayer_lowered;
	s5 =	simm.s32 $_tile_overlayer_lowered  }
0x9b: {  	s6 =	simm.s32 $0x1BFF;
	s21 =	sshll.u32 s5, $0x1;
	s3 =	sadd.s32 s20, s19  }
0x9c: {  	s22 =	simm.s32 $0x0;
	s4 =	sshll.u32 s4, $0x1;
	s5 =	sadd.s32 s21, s3  }
0x9d: {  	[timem:s22], [sflag:s6] =	dma.local [hbm:s5], s4  }
0x9e: {  	_ =	swait.ge [sflag:s6], s4  }
0x9f: {  	s4 =	ssub.s32 $0x0, s4;
	[sflag:s6] =	ssyncset.done $0x0  }
0xa0: {  	[sflag:s6] =	ssyncadd.s32 s4;
	_ =	sdelay $0x1  }
0xa1: {  	s23 =	simm.s32 $0x1B8B  }
0xa2: {  	_ =	swait.ge [sflag:s23], $0x1  }
0xa3: {  	[sflag:s23] =	ssyncset.done $0x0  }
0xa4: {  	[sflag:s23] =	ssyncadd.s32 $0xFFFFFFFF  }
0xa5: {  	s4 =	sld [smem:$0x0]  }
0xa6: {  	s5 =	sand.u32 $0xFFFFFFFE, s1  }
0xa7: {  	p0 =	sne.s32 s1, s5  }
0xa8: {  	s5 =	sshll.u32 @p0 s5, $0xE  }
0xa9: {  	s5 =	sadd.s32 @p0 $0x11B8D, s5;
	s6 =	sshll.u32 @p0 s4, $0x11  }
0xaa: {  	s5 =	sor.u32 @p0 s6, s5  }
0xab: {  	[sflag:s5] =	ssyncadd.remote.s32 @p0 $0x1;
	_ =	sdelay $0x1  }
0xac: {  	s5 =	simm.s32 @p0 $0x1B8D  }
0xad: {  	_ =	swait.eq @p0 [sflag:s5], $0x1  }
0xae: {  	[sflag:s5] =	ssyncadd.s32 @p0 $0xFFFFFFFF  }
0xaf: {  	s6 =	sshll.u32 @!p0 s1, $0xE  }
0xb0: {  	s6 =	sor.u32 @!p0 $0x4000, s6;
	s5 =	simm.s32 @!p0 $0x1B8D  }
0xb1: {  	s4 =	sshll.u32 @!p0 s4, $0x11;
	s6 =	sadd.s32 @!p0 $0x11B8D, s6;
	_ =	swait.eq @!p0 [sflag:s5], $0x1  }
0xb2: {  	s4 =	sor.u32 @!p0 s4, s6;
	[sflag:s5] =	ssyncadd.s32 @!p0 $0xFFFFFFFF  }
0xb3: {  	s25 =	simm.s32 $0x1B8E;
	s24 =	sld [smem:$0x3FFE];
	[sflag:s4] =	ssyncadd.remote.s32 @!p0 $0x1  }
0xb4: {  	s26 =	simm.s32 $execute0_lowered;
	[smem:$0x3FD2] =	sst s25  }
0xb5: {  	s5 =	sshll.u32 s26, $0x1;
	_ =	strace $0x8000004F;
	[dreg:$0x1] =	wrdreg $0xFFFFFFFF  }
0xb6: {  	s28 =	simm.s32 $_size_execute0_lowered;
	s3 =	sadd.s32 s3, s5;
	[dreg:$0x0] =	wrdreg $0x0  }
0xb7: {  	s5 =	sshll.u32 s28, $0x1;
	[dreg:$0x2] =	wrdreg s3  }
0xb8: {  	[dreg:$0x3] =	wrdreg s5  }
0xb9: {  	[dreg:$0x4] =	wrdreg $0xC0  }
0xba: {  	_ =	task [dreg:s22], $0x5FFFF  }
0xbb: {  	[dreg:$0x1] =	wrdreg $0xFFFFFFFF  }
0xbc: {  	[dreg:$0x0] =	wrdreg $0x60  }
0xbd: {  	[dreg:$0x2] =	wrdreg s24  }
0xbe: {  	[dreg:$0x3] =	wrdreg $0x132000  }
0xbf: {  	[dreg:$0x4] =	wrdreg $0x151400  }
0xc0: {  	[dreg:$0x5] =	wrdreg $0xB  }
0xc1: {  	_ =	task.clear_ibuf [dreg:s22], $0x6FFFF;
	_ =	strace $0x9000004F  }
0xc2: {  	s29 =	simm.s32 $0xB;
	_ =	strace $0x80000051  }
0xc3: {  	_ =	swait.ge [sflag:s29], $0x1  }
0xc4: {  	[sflag:s29] =	ssyncadd.s32 $0xFFFFFFFF  }
0xc5: {  	_ =	strace $0x90000051  }
0xc6: {  	_ =	sfence  }
0xc7: {  	s30 =	sld [smem:$0x0];
	_ =	sdelay $0x2  }
0xc8: {  	s31 =	sshll.u32 s1, $0xD;
	s1 =	sshrl.u32 s1, $0x2  }
0xc9: {  	s4 =	sand.u32 $0x4000, s31;
	s1 =	sadd.s32 s1, s30  }
0xca: {  	s0 =	sor.u32 s4, s0;
	s1 =	sshll.u32 s1, $0x11  }
0xcb: {  	s0 =	sor.u32 s1, s0  }
0xcc: {  	s0 =	sadd.s32 $0x8F2B, s0  }
0xcd: {  	[sflag:s0] =	ssyncadd.remote.s32 $0x1  }
0xce: {  	_ =	sfence.sel $0xFFFF  }
0xcf: {  	[dreg:$0x0] =	wrdreg $0xFFFFFFFF;
	(pc) =	sbr.abs _section_cstart, $3  }
0xd0: {  	[dreg:$0x1] =	wrdreg $0xFFFFFFFF  }
0xd1: {  	_ =	task.clear_ibuf [dreg:s22], $0x2FFFF;
	_ =	strace $0x9FFFFFFF  }
0xd2: {  	(tm) =	ssettm $0x7FFFFFFF  }
0xd3: {  	_ =	shalt  }
tec
execute0_lowered:
.L_overlay_start_1:
0x0: {  	(tag) =	ssettag $0x1  }
0x1: {  	s0 =	rddreg [dreg:$0x0]  }
0x2: {  	s1 =	rddreg [dreg:$0x1]  }
0x3: {  	s2 =	rddreg [dreg:$0x2];
	s4 =	srdreg.scid  }
0x4: {  	s12 =	stileid.u32;
	s3 =	simm.s32 $0x0;
	s14 =	simm.s32 $0x5  }
0x5: {  	s15 =	simm.s32 $0x1900;
	s16 =	simm.s32 $0x80;
	s17 =	simm.s32 $0x3200  }
0x6: {  	s19 =	simm.s32 $0x7200;
	s20 =	simm.s32 $0x1980;
	s21 =	simm.s32 $0xF200  }
0x7: {  	s22 =	simm.s32 $0x1;
	s23 =	simm.s32 $0x3;
	s24 =	simm.s32 $0x2  }
0x8: {  	s25 =	simm.s32 $0x4;
	s26 =	simm.s32 $0x0;
	s4 =	sand.u32 $0x1, s4  }
0x9: {  	s5 =	sshll.u32 s12, $0x1;
	[smem:$0x7FF] =	sst s3;
	p0 =	sne.s32 s12, $0x0  }
0xa: {  	s9 =	sor.u32 s4, s5;
	_ =	strace $0x80000050;
	s7 =	ssub.s32 $0x2, s4  }
.Ltmp0:
0xb: {  	s4 =	sadd.s32 $0x20800, s0;
	s5 =	sadd.s32 $0x24800, s0;
	(pc) =	sbr.rel .LBB2_1-.Ltmp0, $4  }
0xc: {  	s12 =	sshrl.u32 @!p0 s1, $0x3;
	s6 =	smul.u32 $0x320, s9;
	s8 =	sshrl.u32 s7, $0x1  }
0xd: {  	s13 =	sshrl.u32 @!p0 s2, $0x3;
	s9 =	sshll.u32 s9, $0xB;
	s11 =	ssub.s32 s7, s8  }
0xe: {  	s10 =	sadd.s32 s6, s0;
	s6 =	sadd.s32 $0x675000, s0;
	s11 =	smax.u32 s11, $0x1  }
0xf: {  	s7 =	sadd.s32 $0x6000, s10;
	s8 =	sadd.s32 $0x13400, s10;
	s10 =	sadd.s32 $0x685000, s0  }
.LBB2_8:
0x10: {  	s26 =	sadd.s32 $0x1, s26  }
0x11: {  	p1 =	sne.s32 s26, s11  }
.Ltmp1:
0x12: {  	_ = 	snop;
	(pc) =	sbr.rel @!p1 .LBB2_9-.Ltmp1, $1  }
0x13: {  	_ =	sdelay $0x3  }
.LBB2_1:
0x14: {  	s0 =	simm.s32 @!p0 $0x1C05;
	s28 =	simm.s32 @!p0 $0x5  }
0x15: {  	[spmem:s12], [sflag:s0] =	dma.local @!p0 [hbm:s4], $0x3E80  }
0x16: {  	_ =	swait.ge @!p0 [sflag:s28], $0x3E80  }
0x17: {  	[sflag:s28] =	ssyncset.done @!p0 $0x0  }
0x18: {  	[sflag:s28] =	ssyncadd.s32 @!p0 $0xFFFFC180  }
0x19: {  	[spmem:s13], [sflag:s0] =	dma.local @!p0 [hbm:s5], $0x3E80  }
0x1a: {  	_ =	swait.ge @!p0 [sflag:s28], $0x3E80  }
0x1b: {  	[sflag:s28] =	ssyncset.done @!p0 $0x0  }
0x1c: {  	[sflag:s28] =	ssyncadd.s32 @!p0 $0xFFFFC180  }
0x1d: {  	[bflag:$0x0] =	sbarrier.arrive $0xFFFF  }
0x1e: {  	[tilespmem:s3], [sflag:$0x5] =	stream.linear.gather [hbm4b:s7+s3], $0x1900, $0x38;
	[tilespmem:$0x17080] =	vst v63  }
0x1f: {  	_ =	swait.ge [sflag:s14], $0x1900  }
0x20: {  	[sflag:s14] =	ssyncset.done $0x0  }
0x21: {  	[sflag:s14] =	ssyncadd.s32 $0xFFFFE700  }
0x22: {  	[tilespmem:s15], [sflag:$0x5] =	stream.linear.gather [hbm4b:s8+s3], $0x1900, $0x38;
	[tilespmem:$0x17080] =	vst v63  }
0x23: {  	_ =	swait.ge [sflag:s14], $0x1900  }
0x24: {  	[sflag:s14] =	ssyncset.done $0x0  }
0x25: {  	[sflag:s14] =	ssyncadd.s32 $0xFFFFE700  }
0x26: {  	[tilespmem:s17], [sflag:$0x1] =	stream.indirect.gather [spmem:s1], $0x80, s3, s16, $0xb8;
	[tilespmem:$0x17080] =	vst v63  }
0x27: {  	s31 =	simm.s32 $0xB200  }
0x28: {  	[tilespmem:s31], [sflag:$0x3] =	stream.indirect.gather [spmem:s2], $0x80, s15, s16, $0xb8;
	[tilespmem:$0x17080] =	vst v63  }
0x29: {  	_ = 	snop  }
0x2a: {  	[tilespmem:s19], [sflag:$0x2] =	stream.indirect.gather [spmem:s1], $0x80, s16, s16, $0xb8;
	[tilespmem:$0x17080] =	vst v63  }
0x2b: {  	s28 =	simm.s32 $0x0  }
0x2c: {  	[tilespmem:s21], [sflag:$0x4] =	stream.indirect.gather [spmem:s2], $0x80, s20, s16, $0xb8;
	[tilespmem:$0x17080] =	vst v63  }
.LBB2_2:
0x2d: {  	_ =	swait.ge [sflag:s22], $0x4000  }
0x2e: {  	[sflag:s22] =	ssyncset.done $0x0  }
0x2f: {  	[sflag:s22] =	ssyncadd.s32 $0xFFFFC000  }
0x30: {  	_ =	swait.ge [sflag:s23], $0x4000  }
0x31: {  	[sflag:s23] =	ssyncset.done $0x0  }
0x32: {  	s29 =	simm.s32 $0x0;
	[sflag:s23] =	ssyncadd.s32 $0xFFFFC000  }
0x33: {  	v7 =	vld [tilespmem:s29+$0xB200]  }
0x34: {  	v11 =	vld [tilespmem:s29+$0xB210]  }
0x35: {  	v5 =	vld [tilespmem:s29+$0xB220]  }
0x36: {  	v4 =	vld [tilespmem:s29+$0xB230]  }
0x37: {  	v3 =	vld [tilespmem:s29+$0xB240]  }
0x38: {  	v2 =	vld [tilespmem:s29+$0xB250]  }
0x39: {  	v1 =	vld [tilespmem:s29+$0xB260]  }
0x3a: {  	v0 =	vld [tilespmem:s29+$0xB270]  }
0x3b: {  	v12 =	vld [tilespmem:s29+$0x3200]  }
0x3c: {  	v13 =	vld [tilespmem:s29+$0x3210]  }
0x3d: {  	v10 =	vld [tilespmem:s29+$0x3220]  }
0x3e: {  	v9 =	vld [tilespmem:s29+$0x3230]  }
0x3f: {  	v8 =	vld [tilespmem:s29+$0x3240]  }
0x40: {  	v6 =	vld [tilespmem:s29+$0x3250];
	v12 =	vadd.f32 v7, v12  }
0x41: {  	s30 =	simm.s32 $0x200;
	v11 =	vadd.f32 v11, v13;
	v7 =	vld [tilespmem:s29+$0x3260]  }
.LBB2_3:
0x42: {  	s0 =	sshra.s32 s30, $0x2;
	p1 =	sne.s32 s30, $0xFE00;
	[tilespmem:s29+$0x3200] =	vst v12;
	v5 =	vadd.f32 v5, v10;
	v10 =	vld [tilespmem:s29+$0x3270]  }
0x43: {  	v12 =	vld [tilespmem:s0+$0xB200];
	[tilespmem:s29+$0x3210] =	vst v11;
	v4 =	vadd.f32 v4, v9  }
0x44: {  	v11 =	vld [tilespmem:s0+$0xB210];
	[tilespmem:s29+$0x3220] =	vst v5;
	v3 =	vadd.f32 v3, v8  }
0x45: {  	v5 =	vld [tilespmem:s0+$0xB220];
	[tilespmem:s29+$0x3230] =	vst v4;
	v2 =	vadd.f32 v2, v6  }
0x46: {  	v4 =	vld [tilespmem:s0+$0xB230];
	[tilespmem:s29+$0x3240] =	vst v3;
	v1 =	vadd.f32 v1, v7  }
0x47: {  	v3 =	vld [tilespmem:s0+$0xB240];
	[tilespmem:s29+$0x3250] =	vst v2;
	v0 =	vadd.f32 v0, v10  }
0x48: {  	v2 =	vld [tilespmem:s0+$0xB250];
	[tilespmem:s29+$0x3260] =	vst v1  }
0x49: {  	v1 =	vld [tilespmem:s0+$0xB260];
	[tilespmem:s29+$0x3270] =	vst v0;
	s29 =	smov.u32 s0  }
0x4a: {  	v0 =	vld [tilespmem:s29+$0xB270]  }
0x4b: {  	v6 =	vld [tilespmem:s29+$0x3200]  }
0x4c: {  	v7 =	vld [tilespmem:s29+$0x3210]  }
.Ltmp2:
0x4d: {  	v10 =	vld [tilespmem:s29+$0x3220];
	(pc) =	sbr.rel @p1 .LBB2_3-.Ltmp2, $4  }
0x4e: {  	v9 =	vld [tilespmem:s29+$0x3230]  }
0x4f: {  	v8 =	vld [tilespmem:s29+$0x3240]  }
0x50: {  	v12 =	vadd.f32 v12, v6;
	v6 =	vld [tilespmem:s29+$0x3250]  }
0x51: {  	s30 =	sadd.s32 $0x200, s30;
	v11 =	vadd.f32 v11, v7;
	v7 =	vld [tilespmem:s29+$0x3260]  }
0x52: {  	[tilespmem:s29+$0x3200] =	vst v12;
	v5 =	vadd.f32 v5, v10;
	v10 =	vld [tilespmem:s29+$0x3270]  }
0x53: {  	[tilespmem:s29+$0x3210] =	vst v11;
	v4 =	vadd.f32 v4, v9  }
0x54: {  	[tilespmem:s29+$0x3220] =	vst v5;
	v3 =	vadd.f32 v3, v8  }
0x55: {  	[tilespmem:s29+$0x3230] =	vst v4;
	v2 =	vadd.f32 v2, v6  }
0x56: {  	[tilespmem:s29+$0x3240] =	vst v3;
	v1 =	vadd.f32 v1, v7  }
0x57: {  	s0 =	sshll.u32 s28, $0x11;
	[tilespmem:s29+$0x3250] =	vst v2;
	v0 =	vadd.f32 v0, v10  }
0x58: {  	s30 =	sor.u32 s9, s0;
	[tilespmem:s29+$0x3260] =	vst v1  }
0x59: {  	s0 =	sadd.s32 s6, s30;
	[tilespmem:s29+$0x3270] =	vst v0  }
0x5a: {  	[hbm4b:s0+s3] =	stream.linear.scatter [tilespmem:s17], [sflag:$0x5], $0x4000, $0x38;
	[tilespmem:$0x17080] =	vst v63  }
0x5b: {  	p1 =	seq.s32 s28, $0x18;
	_ =	swait.ge [sflag:s14], $0x4000  }
0x5c: {  	s31 =	simm.s32 @!p1 $0x80;
	s29 =	sshll.u32 s28, $0x8;
	[sflag:s14] =	ssyncset.done $0x0  }
0x5d: {  	s18 =	simm.s32 @!p1 $0x3200;
	s0 =	sadd.s32 @!p1 $0x100, s29;
	[sflag:s14] =	ssyncadd.s32 $0xFFFFC000  }
0x5e: {  	[tilespmem:s18], [sflag:$0x1] =	stream.indirect.gather @!p1 [spmem:s1], $0x80, s0, s31, $0xb8;
	[tilespmem:$0x17080] =	vst v63  }
0x5f: {  	s0 =	sadd.s32 @!p1 $0x1A00, s29;
	s18 =	simm.s32 @!p1 $0xB200  }
0x60: {  	[tilespmem:s18], [sflag:$0x3] =	stream.indirect.gather @!p1 [spmem:s2], $0x80, s0, s31, $0xb8;
	[tilespmem:$0x17080] =	vst v63  }
0x61: {  	_ =	swait.ge [sflag:s24], $0x4000  }
0x62: {  	[sflag:s24] =	ssyncset.done $0x0  }
0x63: {  	[sflag:s24] =	ssyncadd.s32 $0xFFFFC000  }
0x64: {  	_ =	swait.ge [sflag:s25], $0x4000  }
0x65: {  	[sflag:s25] =	ssyncset.done $0x0  }
0x66: {  	s31 =	simm.s32 $0x0;
	[sflag:s25] =	ssyncadd.s32 $0xFFFFC000  }
0x67: {  	v7 =	vld [tilespmem:s31+$0xF200]  }
0x68: {  	v11 =	vld [tilespmem:s31+$0xF210]  }
0x69: {  	v5 =	vld [tilespmem:s31+$0xF220]  }
0x6a: {  	v4 =	vld [tilespmem:s31+$0xF230]  }
0x6b: {  	v3 =	vld [tilespmem:s31+$0xF240]  }
0x6c: {  	v2 =	vld [tilespmem:s31+$0xF250]  }
0x6d: {  	v1 =	vld [tilespmem:s31+$0xF260]  }
0x6e: {  	v0 =	vld [tilespmem:s31+$0xF270]  }
0x6f: {  	v12 =	vld [tilespmem:s31+$0x7200]  }
0x70: {  	v13 =	vld [tilespmem:s31+$0x7210]  }
0x71: {  	v10 =	vld [tilespmem:s31+$0x7220]  }
0x72: {  	v9 =	vld [tilespmem:s31+$0x7230]  }
0x73: {  	v8 =	vld [tilespmem:s31+$0x7240]  }
0x74: {  	v6 =	vld [tilespmem:s31+$0x7250];
	v12 =	vadd.f32 v7, v12  }
0x75: {  	s0 =	simm.s32 $0x200;
	v11 =	vadd.f32 v11, v13;
	v7 =	vld [tilespmem:s31+$0x7260]  }
.LBB2_5:
0x76: {  	s18 =	sshra.s32 s0, $0x2;
	p2 =	sne.s32 s0, $0xFE00;
	[tilespmem:s31+$0x7200] =	vst v12;
	v5 =	vadd.f32 v5, v10;
	v10 =	vld [tilespmem:s31+$0x7270]  }
0x77: {  	v12 =	vld [tilespmem:s18+$0xF200];
	[tilespmem:s31+$0x7210] =	vst v11;
	v4 =	vadd.f32 v4, v9  }
0x78: {  	v11 =	vld [tilespmem:s18+$0xF210];
	[tilespmem:s31+$0x7220] =	vst v5;
	v3 =	vadd.f32 v3, v8  }
0x79: {  	v5 =	vld [tilespmem:s18+$0xF220];
	[tilespmem:s31+$0x7230] =	vst v4;
	v2 =	vadd.f32 v2, v6  }
0x7a: {  	v4 =	vld [tilespmem:s18+$0xF230];
	[tilespmem:s31+$0x7240] =	vst v3;
	v1 =	vadd.f32 v1, v7  }
0x7b: {  	v3 =	vld [tilespmem:s18+$0xF240];
	[tilespmem:s31+$0x7250] =	vst v2;
	v0 =	vadd.f32 v0, v10  }
0x7c: {  	v2 =	vld [tilespmem:s18+$0xF250];
	[tilespmem:s31+$0x7260] =	vst v1  }
0x7d: {  	v1 =	vld [tilespmem:s18+$0xF260];
	[tilespmem:s31+$0x7270] =	vst v0;
	s31 =	smov.u32 s18  }
0x7e: {  	v0 =	vld [tilespmem:s31+$0xF270]  }
0x7f: {  	v6 =	vld [tilespmem:s31+$0x7200]  }
0x80: {  	v7 =	vld [tilespmem:s31+$0x7210]  }
.Ltmp3:
0x81: {  	v10 =	vld [tilespmem:s31+$0x7220];
	(pc) =	sbr.rel @p2 .LBB2_5-.Ltmp3, $4  }
0x82: {  	v9 =	vld [tilespmem:s31+$0x7230]  }
0x83: {  	v8 =	vld [tilespmem:s31+$0x7240]  }
0x84: {  	v12 =	vadd.f32 v12, v6;
	v6 =	vld [tilespmem:s31+$0x7250]  }
0x85: {  	s0 =	sadd.s32 $0x200, s0;
	v11 =	vadd.f32 v11, v7;
	v7 =	vld [tilespmem:s31+$0x7260]  }
0x86: {  	[tilespmem:s31+$0x7200] =	vst v12;
	v5 =	vadd.f32 v5, v10;
	v63 =	vld [tilespmem:s31+$0x7270]  }
0x87: {  	[tilespmem:s31+$0x7210] =	vst v11;
	v4 =	vadd.f32 v4, v9  }
0x88: {  	[tilespmem:s31+$0x7220] =	vst v5;
	v3 =	vadd.f32 v3, v8  }
0x89: {  	[tilespmem:s31+$0x7230] =	vst v4;
	v2 =	vadd.f32 v2, v6  }
0x8a: {  	[tilespmem:s31+$0x7240] =	vst v3;
	v1 =	vadd.f32 v1, v7  }
0x8b: {  	[tilespmem:s31+$0x7250] =	vst v2;
	v0 =	vadd.f32 v0, v63  }
0x8c: {  	[tilespmem:s31+$0x7260] =	vst v1  }
.Ltmp4:
0x8d: {  	s0 =	sadd.s32 s30, s10;
	[tilespmem:s31+$0x7270] =	vst v0;
	(pc) =	sbr.rel @p1 .LBB2_8-.Ltmp4, $4  }
0x8e: {  	[hbm4b:s0+s3] =	stream.linear.scatter [tilespmem:s19], [sflag:$0x5], $0x4000, $0x38;
	[tilespmem:$0x17080] =	vst v63  }
0x8f: {  	_ =	swait.ge [sflag:s14], $0x4000  }
0x90: {  	[sflag:s14] =	ssyncset.done $0x0  }
0x91: {  	[sflag:s14] =	ssyncadd.s32 $0xFFFFC000  }
.Ltmp5:
0x92: {  	(pc) =	sbr.rel .LBB2_2-.Ltmp5, $4  }
0x93: {  	s0 =	sadd.s32 $0x180, s29  }
0x94: {  	[tilespmem:s19], [sflag:$0x2] =	stream.indirect.gather [spmem:s1], $0x80, s0, s16, $0xb8;
	[tilespmem:$0x17080] =	vst v63  }
0x95: {  	s31 =	sadd.s32 $0x1A80, s29;
	s28 =	sadd.s32 $0x1, s28  }
0x96: {  	[tilespmem:s21], [sflag:$0x4] =	stream.indirect.gather [spmem:s2], $0x80, s31, s16, $0xb8;
	[tilespmem:$0x17080] =	vst v63  }
.LBB2_9:
0x97: {  	_ =	sfence.sel $0x180000  }
0x98: {  	[bflag:$0x0] =	sbarrier.arrive $0xFFFF  }
0x99: {  	_ =	strace $0x90000050  }
0x9a: {  	[bflag:$0x2] =	sbarrier.arrive $0xFFFF  }
0x9b: {  	s0 =	rddreg [dreg:$0x3]  }
0x9c: {  	s0 =	sadd.s32 @!p0 $0x100000, s0  }
0x9d: {  	[sflag:s0] =	ssyncadd.tile.s32 @!p0 $0x1;
	_ =	shalt  }
.Lfunc_end2:
_tile_overlayer_lowered:
.L_overlay_start_2:
0x9e: {  	(tag) =	ssettag $0x2  }
0x9f: {  	s0 =	rddreg [dreg:$0x0];
	s2 =	stileid.u32  }
0xa0: {  	s1 =	rddreg [dreg:$0x1];
	p0 =	sne.s32 s2, $0x0  }
0xa1: {  	s3 =	rddreg [dreg:$0x2];
	[bflag:$0x3] =	sbarrier.arrive $0xFFFF;
	s2 =	simm.s32 @!p0 $0x1C05  }
0xa2: {  	[timem:s3], [sflag:s2] =	dma.local @!p0 [hbm:s0], s1  }
0xa3: {  	s0 =	simm.s32 @!p0 $0x5  }
0xa4: {  	_ =	swait.ge @!p0 [sflag:s0], s1  }
0xa5: {  	s1 =	ssub.s32 @!p0 $0x0, s1;
	[sflag:s0] =	ssyncset.done @!p0 $0x0  }
0xa6: {  	[sflag:s0] =	ssyncadd.s32 @!p0 s1  }
0xa7: {  	[bflag:$0x3] =	sbarrier.arrive $0xFFFF  }
0xa8: {  	_ =	shalt  }

// kernel: kernel.21.cloned.1.call-start
scs
__scs_entry_jumppad:
0x0: {  	(pc) =	sbr.rel $0x88, $3  }
0x1: {  	(tag) =	ssettag $0x0;
	lr =	simm.s32 $0x1  }
0x2: {  	[smem:$0x3F94] =	sst lr;
	_ =	strace $0xD0000000  }
0x3: {  	_ = 	snop  }
0x4: {  	_ = 	snop  }
0x5: {  	_ = 	snop  }
0x6: {  	_ = 	snop  }
0x7: {  	_ = 	snop  }
__scs_overlays_trampoline_lowered:
0x8: {  	[smem:$0x3FA3] =	sst s0  }
0x9: {  	[smem:$0x3FA4] =	sst s1  }
0xa: {  	[smem:$0x3FA5] =	sst s2  }
0xb: {  	[smem:$0x3FA6] =	sst s3  }
0xc: {  	[smem:$0x3FA7] =	sst s4  }
0xd: {  	[smem:$0x3FA8] =	sst s5  }
0xe: {  	[smem:$0x3FA9] =	sst s6  }
0xf: {  	[smem:$0x3FAA] =	sst s7  }
0x10: {  	[smem:$0x3FAB] =	sst s8  }
0x11: {  	[smem:$0x3FAC] =	sst s9;
	s0 =	simm.s32 @!p0 $0x0  }
0x12: {  	s1 =	sld [smem:$0x3F92];
	s0 =	simm.s32 @p0 $0x1  }
0x13: {  	[smem:$0x3FAD] =	sst s0;
	s0 =	simm.s32 @!p1 $0x0  }
0x14: {  	s2 =	sld [smem:$0x3F91];
	s0 =	simm.s32 @p1 $0x1  }
0x15: {  	[smem:$0x3FAE] =	sst s0;
	s0 =	simm.s32 @!p2 $0x0  }
0x16: {  	s3 =	sld [smem:$0x3FDB];
	s0 =	simm.s32 @p2 $0x1  }
0x17: {  	s4 =	simm.s32 $0x1BF5;
	[smem:$0x3FB0] =	sst s0  }
0x18: {  	s0 =	sld [smem:$0x3F93];
	_ =	swait.ge [sflag:s4], $0x0  }
0x19: {  	s7 =	sld [smem:$0x3F94]  }
0x1a: {  	s8 =	sadd.s32 $0xFFFFE003, lr  }
0x1b: {  	s9 =	sadd.s32 $0xFFFFFEF7, lr;
	s5 =	simm.s32 $0xFFFFFFFF;
	p2 =	slt.u32 s8, $0xFFFFF086  }
0x1c: {  	p1 =	slt.u32 s9, $0xF7A;
	s5 =	simm.s32 @!p2 $0x0  }
0x1d: {  	s5 =	simm.s32 @p1 $0x1;
	p0 =	seq.s32 s7, s2  }
0x1e: {  	s7 =	smul.u32 @!p0 $0xF7A, s2;
	p2 =	seq.s32 @!p0 s5, $0x0  }
0x1f: {  	s9 =	smul.u32 $0xF7A, s1;
	s8 =	simm.s32 @!p0 $0x1BF5;
	p2 =	por !p2, p0  }
0x20: {  	[sflag:s8] =	ssyncset.s32 @!p0 $0xFFFFF086;
	s6 =	sadd.s32 @!p0 s3, s7;
	s7 =	simm.s32 @!p0 $0x108  }
0x21: {  	s3 =	sadd.s32 s3, s9;
	s6 =	sadd.s32 @!p0 $0x88, s6;
	s7 =	simm.s32 @p2 $0x1082  }
0x22: {  	[simem:s7], [sflag:s8] =	dma.local @!p0 [hbm:s6], $0xF7A  }
0x23: {  	s9 =	sor.u32 $0xD0000000, s2;
	s6 =	simm.s32 $0x108;
	_ =	swait.ge @!p0 [sflag:s8], $0x0  }
0x24: {  	s3 =	sadd.s32 $0x88, s3;
	s6 =	simm.s32 @!p1 $0x1082;
	[sflag:s4] =	ssyncset.s32 $0xFFFFF086  }
0x25: {  	[simem:s6], [sflag:s4] =	dma.local [hbm:s3], $0xF7A  }
0x26: {  	[smem:$0x3F94] =	sst s1;
	(tag) =	ssettag s2;
	_ =	strace s9  }
0x27: {  	s1 =	sld [smem:$0x3FA4]  }
0x28: {  	s2 =	sld [smem:$0x3FA5]  }
0x29: {  	s4 =	sld [smem:$0x3FA7]  }
0x2a: {  	p0 =	seq.s32 s5, $0x0;
	s5 =	sld [smem:$0x3FA8]  }
0x2b: {  	s6 =	sld [smem:$0x3FA9]  }
0x2c: {  	s7 =	sld [smem:$0x3FAA]  }
0x2d: {  	s3 =	simm.s32 $0x108;
	s8 =	sld [smem:$0x3FAB]  }
0x2e: {  	s3 =	simm.s32 @!p0 $0x1082;
	s9 =	sld [smem:$0x3FAC]  }
0x2f: {  	lr =	sadd.s32 s0, s3;
	s0 =	sld [smem:$0x3FA3]  }
0x30: {  	s3 =	sld [smem:$0x3FA6]  }
0x31: {  	[smem:$0x3FAF] =	sst s10  }
0x32: {  	s10 =	sld [smem:$0x3FAD];
	_ =	sdelay $0x3  }
0x33: {  	p0 =	seq.s32 s10, $0x1;
	s10 =	sld [smem:$0x3FAF];
	_ =	sdelay $0x3  }
0x34: {  	[smem:$0x3FAF] =	sst s10  }
0x35: {  	s10 =	sld [smem:$0x3FAE];
	_ =	sdelay $0x3  }
0x36: {  	p1 =	seq.s32 s10, $0x1;
	s10 =	sld [smem:$0x3FAF];
	_ =	sdelay $0x3  }
0x37: {  	[smem:$0x3FAF] =	sst s10  }
0x38: {  	s10 =	sld [smem:$0x3FB0]  }
0x39: {  	_ = 	snop;
	(pc) =	sbr.ind lr, $3  }
0x3a: {  	_ = 	snop  }
0x3b: {  	_ = 	snop  }
0x3c: {  	p2 =	seq.s32 s10, $0x1;
	s10 =	sld [smem:$0x3FAF]  }
0x3d: {  	_ =	shalt  }
0x3e: {  	_ =	shalt  }
0x3f: {  	_ =	shalt  }
0x40: {  	_ =	shalt  }
0x41: {  	_ =	shalt  }
0x42: {  	_ =	shalt  }
0x43: {  	_ =	shalt  }
0x44: {  	_ =	shalt  }
0x45: {  	_ =	shalt  }
0x46: {  	_ =	shalt  }
0x47: {  	_ =	shalt  }
0x48: {  	_ =	shalt  }
0x49: {  	_ =	shalt  }
0x4a: {  	_ =	shalt  }
0x4b: {  	_ =	shalt  }
0x4c: {  	_ =	shalt  }
0x4d: {  	_ =	shalt  }
0x4e: {  	_ =	shalt  }
0x4f: {  	_ =	shalt  }
0x50: {  	_ =	shalt  }
0x51: {  	_ =	shalt  }
0x52: {  	_ =	shalt  }
0x53: {  	_ =	shalt  }
0x54: {  	_ =	shalt  }
0x55: {  	_ =	shalt  }
0x56: {  	_ =	shalt  }
0x57: {  	_ =	shalt  }
0x58: {  	_ =	shalt  }
0x59: {  	_ =	shalt  }
0x5a: {  	_ =	shalt  }
0x5b: {  	_ =	shalt  }
0x5c: {  	_ =	shalt  }
0x5d: {  	_ =	shalt  }
0x5e: {  	_ =	shalt  }
0x5f: {  	_ =	shalt  }
0x60: {  	_ =	shalt  }
0x61: {  	_ =	shalt  }
0x62: {  	_ =	shalt  }
0x63: {  	_ =	shalt  }
0x64: {  	_ =	shalt  }
0x65: {  	_ =	shalt  }
0x66: {  	_ =	shalt  }
0x67: {  	_ =	shalt  }
0x68: {  	_ =	shalt  }
0x69: {  	_ =	shalt  }
0x6a: {  	_ =	shalt  }
0x6b: {  	_ =	shalt  }
0x6c: {  	_ =	shalt  }
0x6d: {  	_ =	shalt  }
0x6e: {  	_ =	shalt  }
0x6f: {  	_ =	shalt  }
0x70: {  	_ =	shalt  }
0x71: {  	_ =	shalt  }
0x72: {  	_ =	shalt  }
0x73: {  	_ =	shalt  }
0x74: {  	_ =	shalt  }
0x75: {  	_ =	shalt  }
0x76: {  	_ =	shalt  }
0x77: {  	_ =	shalt  }
0x78: {  	_ =	shalt  }
0x79: {  	_ =	shalt  }
0x7a: {  	_ =	shalt  }
0x7b: {  	_ =	shalt  }
0x7c: {  	_ =	shalt  }
0x7d: {  	_ =	shalt  }
0x7e: {  	_ =	shalt  }
0x7f: {  	_ =	shalt  }
0x80: {  	_ =	shalt  }
0x81: {  	_ =	shalt  }
0x82: {  	_ =	shalt  }
0x83: {  	_ =	shalt  }
0x84: {  	_ =	shalt  }
0x85: {  	_ =	shalt  }
0x86: {  	_ =	shalt  }
0x87: {  	_ =	shalt  }
.Lfunc_end0:
.L_simem_size_0:
called_computation.3_lowered:
.L_overlay_start_0:
0x88: {  	s2 =	sld [smem:$0x3FD9]  }
0x89: {  	s3 =	sld [smem:$0x3FFE];
	_ =	sdelay $0x1  }
0x8a: {  	s1 =	srdreg.scid  }
0x8b: {  	s0 =	sand.u32 $0x1, s1  }
0x8c: {  	s17 =	sshll.u32 s0, $0xA;
	s2 =	sadd.s32 s3, s2  }
0x8d: {  	s2 =	sadd.s32 s2, s17  }
0x8e: {  	[smem:$0x3FBB] =	sst s2  }
0x8f: {  	_ = 	snop  }
0x90: {  	(tm) =	ssettm $0x1  }
0x91: {  	s18 =	sld [smem:$0x3FFB];
	_ =	sdelay $0x3  }
0x92: {  	_ =	strace s18  }
0x93: {  	s2 =	sld [smem:$0x3FFC];
	_ =	sdelay $0x3  }
0x94: {  	_ =	strace s2  }
0x95: {  	s2 =	sld [smem:$0x3FFD];
	_ =	sdelay $0x3  }
0x96: {  	_ =	strace s2  }
0x97: {  	_ =	strace $0x8FFFFFFF  }
0x98: {  	s19 =	sld [smem:$0x3FDB];
	_ =	sdelay $0x1  }
0x99: {  	s20 =	simm.s32 $_scs_section_size  }
0x9a: {  	s4 =	simm.s32 $_size__tile_overlayer_lowered;
	s5 =	simm.s32 $_tile_overlayer_lowered  }
0x9b: {  	s6 =	simm.s32 $0x1BFF;
	s21 =	sshll.u32 s5, $0x1;
	s3 =	sadd.s32 s20, s19  }
0x9c: {  	s22 =	simm.s32 $0x0;
	s4 =	sshll.u32 s4, $0x1;
	s5 =	sadd.s32 s21, s3  }
0x9d: {  	[timem:s22], [sflag:s6] =	dma.local [hbm:s5], s4  }
0x9e: {  	_ =	swait.ge [sflag:s6], s4  }
0x9f: {  	s4 =	ssub.s32 $0x0, s4;
	[sflag:s6] =	ssyncset.done $0x0  }
0xa0: {  	[sflag:s6] =	ssyncadd.s32 s4;
	_ =	sdelay $0x1  }
0xa1: {  	s23 =	simm.s32 $0x1B8B  }
0xa2: {  	_ =	swait.ge [sflag:s23], $0x1  }
0xa3: {  	[sflag:s23] =	ssyncset.done $0x0  }
0xa4: {  	[sflag:s23] =	ssyncadd.s32 $0xFFFFFFFF  }
0xa5: {  	s4 =	sld [smem:$0x0]  }
0xa6: {  	s5 =	sand.u32 $0xFFFFFFFE, s1  }
0xa7: {  	p0 =	sne.s32 s1, s5  }
0xa8: {  	s5 =	sshll.u32 @p0 s5, $0xE  }
0xa9: {  	s5 =	sadd.s32 @p0 $0x11B8D, s5;
	s6 =	sshll.u32 @p0 s4, $0x11  }
0xaa: {  	s5 =	sor.u32 @p0 s6, s5  }
0xab: {  	[sflag:s5] =	ssyncadd.remote.s32 @p0 $0x1;
	_ =	sdelay $0x1  }
0xac: {  	s5 =	simm.s32 @p0 $0x1B8D  }
0xad: {  	_ =	swait.eq @p0 [sflag:s5], $0x1  }
0xae: {  	[sflag:s5] =	ssyncadd.s32 @p0 $0xFFFFFFFF  }
0xaf: {  	s6 =	sshll.u32 @!p0 s1, $0xE  }
0xb0: {  	s6 =	sor.u32 @!p0 $0x4000, s6;
	s5 =	simm.s32 @!p0 $0x1B8D  }
0xb1: {  	s4 =	sshll.u32 @!p0 s4, $0x11;
	s6 =	sadd.s32 @!p0 $0x11B8D, s6;
	_ =	swait.eq @!p0 [sflag:s5], $0x1  }
0xb2: {  	s4 =	sor.u32 @!p0 s4, s6;
	[sflag:s5] =	ssyncadd.s32 @!p0 $0xFFFFFFFF  }
0xb3: {  	s25 =	simm.s32 $0x1B8E;
	s24 =	sld [smem:$0x3FFE];
	[sflag:s4] =	ssyncadd.remote.s32 @!p0 $0x1  }
0xb4: {  	s26 =	simm.s32 $execute0_lowered;
	[smem:$0x3FD2] =	sst s25  }
0xb5: {  	s5 =	sshll.u32 s26, $0x1;
	_ =	strace $0x8000004C;
	[dreg:$0x1] =	wrdreg $0xFFFFFFFF  }
0xb6: {  	s28 =	simm.s32 $_size_execute0_lowered;
	s3 =	sadd.s32 s3, s5;
	[dreg:$0x0] =	wrdreg $0x0  }
0xb7: {  	s5 =	sshll.u32 s28, $0x1;
	[dreg:$0x2] =	wrdreg s3  }
0xb8: {  	[dreg:$0x3] =	wrdreg s5  }
0xb9: {  	[dreg:$0x4] =	wrdreg $0xC0  }
0xba: {  	_ =	task [dreg:s22], $0x5FFFF  }
0xbb: {  	[dreg:$0x1] =	wrdreg $0xFFFFFFFF  }
0xbc: {  	[dreg:$0x0] =	wrdreg $0x60  }
0xbd: {  	[dreg:$0x2] =	wrdreg s24  }
0xbe: {  	[dreg:$0x3] =	wrdreg $0x132000  }
0xbf: {  	[dreg:$0x4] =	wrdreg $0x151400  }
0xc0: {  	[dreg:$0x5] =	wrdreg $0xC  }
0xc1: {  	_ =	task.clear_ibuf [dreg:s22], $0x6FFFF;
	_ =	strace $0x9000004C  }
0xc2: {  	s29 =	simm.s32 $0xC;
	_ =	strace $0x8000004E  }
0xc3: {  	_ =	swait.ge [sflag:s29], $0x1  }
0xc4: {  	[sflag:s29] =	ssyncadd.s32 $0xFFFFFFFF  }
0xc5: {  	_ =	strace $0x9000004E  }
0xc6: {  	_ =	sfence  }
0xc7: {  	s30 =	sld [smem:$0x0];
	_ =	sdelay $0x2  }
0xc8: {  	s31 =	sshll.u32 s1, $0xD;
	s1 =	sshrl.u32 s1, $0x2  }
0xc9: {  	s4 =	sand.u32 $0x4000, s31;
	s1 =	sadd.s32 s1, s30  }
0xca: {  	s0 =	sor.u32 s4, s0;
	s1 =	sshll.u32 s1, $0x11  }
0xcb: {  	s0 =	sor.u32 s1, s0  }
0xcc: {  	s0 =	sadd.s32 $0x8F2B, s0  }
0xcd: {  	[sflag:s0] =	ssyncadd.remote.s32 $0x1  }
0xce: {  	_ =	sfence.sel $0xFFFF  }
0xcf: {  	[dreg:$0x0] =	wrdreg $0xFFFFFFFF;
	(pc) =	sbr.abs _section_cstart, $3  }
0xd0: {  	[dreg:$0x1] =	wrdreg $0xFFFFFFFF  }
0xd1: {  	_ =	task.clear_ibuf [dreg:s22], $0x2FFFF;
	_ =	strace $0x9FFFFFFF  }
0xd2: {  	(tm) =	ssettm $0x7FFFFFFF  }
0xd3: {  	_ =	shalt  }
tec
execute0_lowered:
.L_overlay_start_1:
0x0: {  	(tag) =	ssettag $0x1  }
0x1: {  	s1 =	rddreg [dreg:$0x0]  }
0x2: {  	s0 =	rddreg [dreg:$0x1]  }
0x3: {  	s3 =	srdreg.scid;
	s12 =	stileid.u32  }
0x4: {  	s2 =	rddreg [dreg:$0x2];
	s14 =	simm.s32 $0x5;
	s15 =	simm.s32 $0x1900  }
0x5: {  	s16 =	simm.s32 $0x80;
	s17 =	simm.s32 $0x3200;
	s19 =	simm.s32 $0x7200  }
0x6: {  	s20 =	simm.s32 $0x1980;
	s21 =	simm.s32 $0xF200;
	s22 =	simm.s32 $0x1  }
0x7: {  	s23 =	simm.s32 $0x3;
	s24 =	simm.s32 $0x2;
	s25 =	simm.s32 $0x4  }
0x8: {  	s26 =	simm.s32 $0x0;
	s6 =	sand.u32 $0x1, s3;
	s4 =	sshll.u32 s12, $0x1  }
0x9: {  	s3 =	simm.s32 $0x0;
	s5 =	sadd.s32 $0x24800, s1;
	p0 =	sne.s32 s12, $0x0  }
0xa: {  	s9 =	sor.u32 s6, s4;
	[smem:$0x7FF] =	sst s3;
	s4 =	sadd.s32 $0x20800, s1  }
.Ltmp0:
0xb: {  	s10 =	ssub.s32 $0x2, s6;
	s6 =	sadd.s32 $0x355000, s1;
	(pc) =	sbr.rel .LBB2_1-.Ltmp0, $4  }
0xc: {  	s12 =	sshrl.u32 @!p0 s0, $0x3;
	s13 =	sshrl.u32 @!p0 s2, $0x3;
	s7 =	smul.u32 $0x320, s9  }
0xd: {  	_ =	strace $0x8000004D;
	s11 =	sshrl.u32 s10, $0x1;
	s9 =	sshll.u32 s9, $0xB  }
0xe: {  	s11 =	ssub.s32 s10, s11;
	s10 =	sadd.s32 $0x365000, s1;
	s8 =	sadd.s32 s7, s1  }
0xf: {  	s11 =	smax.u32 s11, $0x1;
	s7 =	sadd.s32 $0x348800, s8;
	s8 =	sadd.s32 $0x34EC00, s8  }
.LBB2_8:
0x10: {  	s26 =	sadd.s32 $0x1, s26  }
0x11: {  	p1 =	sne.s32 s26, s11  }
.Ltmp1:
0x12: {  	_ = 	snop;
	(pc) =	sbr.rel @!p1 .LBB2_9-.Ltmp1, $1  }
0x13: {  	_ =	sdelay $0x3  }
.LBB2_1:
0x14: {  	s1 =	simm.s32 @!p0 $0x1C05;
	s28 =	simm.s32 @!p0 $0x5  }
0x15: {  	[spmem:s12], [sflag:s1] =	dma.local @!p0 [hbm:s4], $0x3E80  }
0x16: {  	_ =	swait.ge @!p0 [sflag:s28], $0x3E80  }
0x17: {  	[sflag:s28] =	ssyncset.done @!p0 $0x0  }
0x18: {  	[sflag:s28] =	ssyncadd.s32 @!p0 $0xFFFFC180  }
0x19: {  	[spmem:s13], [sflag:s1] =	dma.local @!p0 [hbm:s5], $0x3E80  }
0x1a: {  	_ =	swait.ge @!p0 [sflag:s28], $0x3E80  }
0x1b: {  	[sflag:s28] =	ssyncset.done @!p0 $0x0  }
0x1c: {  	[sflag:s28] =	ssyncadd.s32 @!p0 $0xFFFFC180  }
0x1d: {  	[bflag:$0x0] =	sbarrier.arrive $0xFFFF  }
0x1e: {  	[tilespmem:s3], [sflag:$0x5] =	stream.linear.gather [hbm4b:s7+s3], $0x1900, $0x38;
	[tilespmem:$0x17080] =	vst v63  }
0x1f: {  	_ =	swait.ge [sflag:s14], $0x1900  }
0x20: {  	[sflag:s14] =	ssyncset.done $0x0  }
0x21: {  	[sflag:s14] =	ssyncadd.s32 $0xFFFFE700  }
0x22: {  	[tilespmem:s15], [sflag:$0x5] =	stream.linear.gather [hbm4b:s8+s3], $0x1900, $0x38;
	[tilespmem:$0x17080] =	vst v63  }
0x23: {  	_ =	swait.ge [sflag:s14], $0x1900  }
0x24: {  	[sflag:s14] =	ssyncset.done $0x0  }
0x25: {  	[sflag:s14] =	ssyncadd.s32 $0xFFFFE700  }
0x26: {  	[tilespmem:s17], [sflag:$0x1] =	stream.indirect.gather [spmem:s0], $0x80, s3, s16, $0xb8;
	[tilespmem:$0x17080] =	vst v63  }
0x27: {  	s31 =	simm.s32 $0xB200  }
0x28: {  	[tilespmem:s31], [sflag:$0x3] =	stream.indirect.gather [spmem:s2], $0x80, s15, s16, $0xb8;
	[tilespmem:$0x17080] =	vst v63  }
0x29: {  	_ = 	snop  }
0x2a: {  	[tilespmem:s19], [sflag:$0x2] =	stream.indirect.gather [spmem:s0], $0x80, s16, s16, $0xb8;
	[tilespmem:$0x17080] =	vst v63  }
0x2b: {  	s28 =	simm.s32 $0x0  }
0x2c: {  	[tilespmem:s21], [sflag:$0x4] =	stream.indirect.gather [spmem:s2], $0x80, s20, s16, $0xb8;
	[tilespmem:$0x17080] =	vst v63  }
.LBB2_2:
0x2d: {  	_ =	swait.ge [sflag:s22], $0x4000  }
0x2e: {  	[sflag:s22] =	ssyncset.done $0x0  }
0x2f: {  	[sflag:s22] =	ssyncadd.s32 $0xFFFFC000  }
0x30: {  	_ =	swait.ge [sflag:s23], $0x4000  }
0x31: {  	[sflag:s23] =	ssyncset.done $0x0  }
0x32: {  	s29 =	simm.s32 $0x0;
	[sflag:s23] =	ssyncadd.s32 $0xFFFFC000  }
0x33: {  	v7 =	vld [tilespmem:s29+$0xB200]  }
0x34: {  	v11 =	vld [tilespmem:s29+$0xB210]  }
0x35: {  	v5 =	vld [tilespmem:s29+$0xB220]  }
0x36: {  	v4 =	vld [tilespmem:s29+$0xB230]  }
0x37: {  	v3 =	vld [tilespmem:s29+$0xB240]  }
0x38: {  	v2 =	vld [tilespmem:s29+$0xB250]  }
0x39: {  	v1 =	vld [tilespmem:s29+$0xB260]  }
0x3a: {  	v0 =	vld [tilespmem:s29+$0xB270]  }
0x3b: {  	v12 =	vld [tilespmem:s29+$0x3200]  }
0x3c: {  	v13 =	vld [tilespmem:s29+$0x3210]  }
0x3d: {  	v10 =	vld [tilespmem:s29+$0x3220]  }
0x3e: {  	v9 =	vld [tilespmem:s29+$0x3230]  }
0x3f: {  	v8 =	vld [tilespmem:s29+$0x3240]  }
0x40: {  	v6 =	vld [tilespmem:s29+$0x3250];
	v12 =	vadd.f32 v7, v12  }
0x41: {  	s30 =	simm.s32 $0x200;
	v11 =	vadd.f32 v11, v13;
	v7 =	vld [tilespmem:s29+$0x3260]  }
.LBB2_3:
0x42: {  	s1 =	sshra.s32 s30, $0x2;
	p1 =	sne.s32 s30, $0xFE00;
	[tilespmem:s29+$0x3200] =	vst v12;
	v5 =	vadd.f32 v5, v10;
	v10 =	vld [tilespmem:s29+$0x3270]  }
0x43: {  	v12 =	vld [tilespmem:s1+$0xB200];
	[tilespmem:s29+$0x3210] =	vst v11;
	v4 =	vadd.f32 v4, v9  }
0x44: {  	v11 =	vld [tilespmem:s1+$0xB210];
	[tilespmem:s29+$0x3220] =	vst v5;
	v3 =	vadd.f32 v3, v8  }
0x45: {  	v5 =	vld [tilespmem:s1+$0xB220];
	[tilespmem:s29+$0x3230] =	vst v4;
	v2 =	vadd.f32 v2, v6  }
0x46: {  	v4 =	vld [tilespmem:s1+$0xB230];
	[tilespmem:s29+$0x3240] =	vst v3;
	v1 =	vadd.f32 v1, v7  }
0x47: {  	v3 =	vld [tilespmem:s1+$0xB240];
	[tilespmem:s29+$0x3250] =	vst v2;
	v0 =	vadd.f32 v0, v10  }
0x48: {  	v2 =	vld [tilespmem:s1+$0xB250];
	[tilespmem:s29+$0x3260] =	vst v1  }
0x49: {  	v1 =	vld [tilespmem:s1+$0xB260];
	[tilespmem:s29+$0x3270] =	vst v0;
	s29 =	smov.u32 s1  }
0x4a: {  	v0 =	vld [tilespmem:s29+$0xB270]  }
0x4b: {  	v6 =	vld [tilespmem:s29+$0x3200]  }
0x4c: {  	v7 =	vld [tilespmem:s29+$0x3210]  }
.Ltmp2:
0x4d: {  	v10 =	vld [tilespmem:s29+$0x3220];
	(pc) =	sbr.rel @p1 .LBB2_3-.Ltmp2, $4  }
0x4e: {  	v9 =	vld [tilespmem:s29+$0x3230]  }
0x4f: {  	v8 =	vld [tilespmem:s29+$0x3240]  }
0x50: {  	v12 =	vadd.f32 v12, v6;
	v6 =	vld [tilespmem:s29+$0x3250]  }
0x51: {  	s30 =	sadd.s32 $0x200, s30;
	v11 =	vadd.f32 v11, v7;
	v7 =	vld [tilespmem:s29+$0x3260]  }
0x52: {  	[tilespmem:s29+$0x3200] =	vst v12;
	v5 =	vadd.f32 v5, v10;
	v10 =	vld [tilespmem:s29+$0x3270]  }
0x53: {  	[tilespmem:s29+$0x3210] =	vst v11;
	v4 =	vadd.f32 v4, v9  }
0x54: {  	[tilespmem:s29+$0x3220] =	vst v5;
	v3 =	vadd.f32 v3, v8  }
0x55: {  	[tilespmem:s29+$0x3230] =	vst v4;
	v2 =	vadd.f32 v2, v6  }
0x56: {  	[tilespmem:s29+$0x3240] =	vst v3;
	v1 =	vadd.f32 v1, v7  }
0x57: {  	s1 =	sshll.u32 s28, $0x11;
	[tilespmem:s29+$0x3250] =	vst v2;
	v0 =	vadd.f32 v0, v10  }
0x58: {  	s30 =	sor.u32 s9, s1;
	[tilespmem:s29+$0x3260] =	vst v1  }
0x59: {  	s1 =	sadd.s32 s6, s30;
	[tilespmem:s29+$0x3270] =	vst v0  }
0x5a: {  	[hbm4b:s1+s3] =	stream.linear.scatter [tilespmem:s17], [sflag:$0x5], $0x4000, $0x38;
	[tilespmem:$0x17080] =	vst v63  }
0x5b: {  	p1 =	seq.s32 s28, $0x18;
	_ =	swait.ge [sflag:s14], $0x4000  }
0x5c: {  	s31 =	simm.s32 @!p1 $0x80;
	s29 =	sshll.u32 s28, $0x8;
	[sflag:s14] =	ssyncset.done $0x0  }
0x5d: {  	s18 =	simm.s32 @!p1 $0x3200;
	s1 =	sadd.s32 @!p1 $0x100, s29;
	[sflag:s14] =	ssyncadd.s32 $0xFFFFC000  }
0x5e: {  	[tilespmem:s18], [sflag:$0x1] =	stream.indirect.gather @!p1 [spmem:s0], $0x80, s1, s31, $0xb8;
	[tilespmem:$0x17080] =	vst v63  }
0x5f: {  	s1 =	sadd.s32 @!p1 $0x1A00, s29;
	s18 =	simm.s32 @!p1 $0xB200  }
0x60: {  	[tilespmem:s18], [sflag:$0x3] =	stream.indirect.gather @!p1 [spmem:s2], $0x80, s1, s31, $0xb8;
	[tilespmem:$0x17080] =	vst v63  }
0x61: {  	_ =	swait.ge [sflag:s24], $0x4000  }
0x62: {  	[sflag:s24] =	ssyncset.done $0x0  }
0x63: {  	[sflag:s24] =	ssyncadd.s32 $0xFFFFC000  }
0x64: {  	_ =	swait.ge [sflag:s25], $0x4000  }
0x65: {  	[sflag:s25] =	ssyncset.done $0x0  }
0x66: {  	s31 =	simm.s32 $0x0;
	[sflag:s25] =	ssyncadd.s32 $0xFFFFC000  }
0x67: {  	v7 =	vld [tilespmem:s31+$0xF200]  }
0x68: {  	v11 =	vld [tilespmem:s31+$0xF210]  }
0x69: {  	v5 =	vld [tilespmem:s31+$0xF220]  }
0x6a: {  	v4 =	vld [tilespmem:s31+$0xF230]  }
0x6b: {  	v3 =	vld [tilespmem:s31+$0xF240]  }
0x6c: {  	v2 =	vld [tilespmem:s31+$0xF250]  }
0x6d: {  	v1 =	vld [tilespmem:s31+$0xF260]  }
0x6e: {  	v0 =	vld [tilespmem:s31+$0xF270]  }
0x6f: {  	v12 =	vld [tilespmem:s31+$0x7200]  }
0x70: {  	v13 =	vld [tilespmem:s31+$0x7210]  }
0x71: {  	v10 =	vld [tilespmem:s31+$0x7220]  }
0x72: {  	v9 =	vld [tilespmem:s31+$0x7230]  }
0x73: {  	v8 =	vld [tilespmem:s31+$0x7240]  }
0x74: {  	v6 =	vld [tilespmem:s31+$0x7250];
	v12 =	vadd.f32 v7, v12  }
0x75: {  	s1 =	simm.s32 $0x200;
	v11 =	vadd.f32 v11, v13;
	v7 =	vld [tilespmem:s31+$0x7260]  }
.LBB2_5:
0x76: {  	s18 =	sshra.s32 s1, $0x2;
	p2 =	sne.s32 s1, $0xFE00;
	[tilespmem:s31+$0x7200] =	vst v12;
	v5 =	vadd.f32 v5, v10;
	v10 =	vld [tilespmem:s31+$0x7270]  }
0x77: {  	v12 =	vld [tilespmem:s18+$0xF200];
	[tilespmem:s31+$0x7210] =	vst v11;
	v4 =	vadd.f32 v4, v9  }
0x78: {  	v11 =	vld [tilespmem:s18+$0xF210];
	[tilespmem:s31+$0x7220] =	vst v5;
	v3 =	vadd.f32 v3, v8  }
0x79: {  	v5 =	vld [tilespmem:s18+$0xF220];
	[tilespmem:s31+$0x7230] =	vst v4;
	v2 =	vadd.f32 v2, v6  }
0x7a: {  	v4 =	vld [tilespmem:s18+$0xF230];
	[tilespmem:s31+$0x7240] =	vst v3;
	v1 =	vadd.f32 v1, v7  }
0x7b: {  	v3 =	vld [tilespmem:s18+$0xF240];
	[tilespmem:s31+$0x7250] =	vst v2;
	v0 =	vadd.f32 v0, v10  }
0x7c: {  	v2 =	vld [tilespmem:s18+$0xF250];
	[tilespmem:s31+$0x7260] =	vst v1  }
0x7d: {  	v1 =	vld [tilespmem:s18+$0xF260];
	[tilespmem:s31+$0x7270] =	vst v0;
	s31 =	smov.u32 s18  }
0x7e: {  	v0 =	vld [tilespmem:s31+$0xF270]  }
0x7f: {  	v6 =	vld [tilespmem:s31+$0x7200]  }
0x80: {  	v7 =	vld [tilespmem:s31+$0x7210]  }
.Ltmp3:
0x81: {  	v10 =	vld [tilespmem:s31+$0x7220];
	(pc) =	sbr.rel @p2 .LBB2_5-.Ltmp3, $4  }
0x82: {  	v9 =	vld [tilespmem:s31+$0x7230]  }
0x83: {  	v8 =	vld [tilespmem:s31+$0x7240]  }
0x84: {  	v12 =	vadd.f32 v12, v6;
	v6 =	vld [tilespmem:s31+$0x7250]  }
0x85: {  	s1 =	sadd.s32 $0x200, s1;
	v11 =	vadd.f32 v11, v7;
	v7 =	vld [tilespmem:s31+$0x7260]  }
0x86: {  	[tilespmem:s31+$0x7200] =	vst v12;
	v5 =	vadd.f32 v5, v10;
	v63 =	vld [tilespmem:s31+$0x7270]  }
0x87: {  	[tilespmem:s31+$0x7210] =	vst v11;
	v4 =	vadd.f32 v4, v9  }
0x88: {  	[tilespmem:s31+$0x7220] =	vst v5;
	v3 =	vadd.f32 v3, v8  }
0x89: {  	[tilespmem:s31+$0x7230] =	vst v4;
	v2 =	vadd.f32 v2, v6  }
0x8a: {  	[tilespmem:s31+$0x7240] =	vst v3;
	v1 =	vadd.f32 v1, v7  }
0x8b: {  	[tilespmem:s31+$0x7250] =	vst v2;
	v0 =	vadd.f32 v0, v63  }
0x8c: {  	[tilespmem:s31+$0x7260] =	vst v1  }
.Ltmp4:
0x8d: {  	s1 =	sadd.s32 s30, s10;
	[tilespmem:s31+$0x7270] =	vst v0;
	(pc) =	sbr.rel @p1 .LBB2_8-.Ltmp4, $4  }
0x8e: {  	[hbm4b:s1+s3] =	stream.linear.scatter [tilespmem:s19], [sflag:$0x5], $0x4000, $0x38;
	[tilespmem:$0x17080] =	vst v63  }
0x8f: {  	_ =	swait.ge [sflag:s14], $0x4000  }
0x90: {  	[sflag:s14] =	ssyncset.done $0x0  }
0x91: {  	[sflag:s14] =	ssyncadd.s32 $0xFFFFC000  }
.Ltmp5:
0x92: {  	(pc) =	sbr.rel .LBB2_2-.Ltmp5, $4  }
0x93: {  	s1 =	sadd.s32 $0x180, s29  }
0x94: {  	[tilespmem:s19], [sflag:$0x2] =	stream.indirect.gather [spmem:s0], $0x80, s1, s16, $0xb8;
	[tilespmem:$0x17080] =	vst v63  }
0x95: {  	s31 =	sadd.s32 $0x1A80, s29;
	s28 =	sadd.s32 $0x1, s28  }
0x96: {  	[tilespmem:s21], [sflag:$0x4] =	stream.indirect.gather [spmem:s2], $0x80, s31, s16, $0xb8;
	[tilespmem:$0x17080] =	vst v63  }
.LBB2_9:
0x97: {  	_ =	sfence.sel $0x180000  }
0x98: {  	[bflag:$0x0] =	sbarrier.arrive $0xFFFF  }
0x99: {  	_ =	strace $0x9000004D  }
0x9a: {  	[bflag:$0x2] =	sbarrier.arrive $0xFFFF  }
0x9b: {  	s0 =	rddreg [dreg:$0x3]  }
0x9c: {  	s0 =	sadd.s32 @!p0 $0x100000, s0  }
0x9d: {  	[sflag:s0] =	ssyncadd.tile.s32 @!p0 $0x1;
	_ =	shalt  }
.Lfunc_end2:
_tile_overlayer_lowered:
.L_overlay_start_2:
0x9e: {  	(tag) =	ssettag $0x2  }
0x9f: {  	s0 =	rddreg [dreg:$0x0];
	s2 =	stileid.u32  }
0xa0: {  	s1 =	rddreg [dreg:$0x1];
	p0 =	sne.s32 s2, $0x0  }
0xa1: {  	s3 =	rddreg [dreg:$0x2];
	[bflag:$0x3] =	sbarrier.arrive $0xFFFF;
	s2 =	simm.s32 @!p0 $0x1C05  }
0xa2: {  	[timem:s3], [sflag:s2] =	dma.local @!p0 [hbm:s0], s1  }
0xa3: {  	s0 =	simm.s32 @!p0 $0x5  }
0xa4: {  	_ =	swait.ge @!p0 [sflag:s0], s1  }
0xa5: {  	s1 =	ssub.s32 @!p0 $0x0, s1;
	[sflag:s0] =	ssyncset.done @!p0 $0x0  }
0xa6: {  	[sflag:s0] =	ssyncadd.s32 @!p0 s1  }
0xa7: {  	[bflag:$0x3] =	sbarrier.arrive $0xFFFF  }
0xa8: {  	_ =	shalt  }

// kernel: kernel.24.cloned.1.call-start
scs
__scs_entry_jumppad:
0x0: {  	(pc) =	sbr.rel $0x88, $3  }
0x1: {  	(tag) =	ssettag $0x0;
	lr =	simm.s32 $0x1  }
0x2: {  	[smem:$0x3F94] =	sst lr;
	_ =	strace $0xD0000000  }
0x3: {  	_ = 	snop  }
0x4: {  	_ = 	snop  }
0x5: {  	_ = 	snop  }
0x6: {  	_ = 	snop  }
0x7: {  	_ = 	snop  }
__scs_overlays_trampoline_lowered:
0x8: {  	[smem:$0x3FA3] =	sst s0  }
0x9: {  	[smem:$0x3FA4] =	sst s1  }
0xa: {  	[smem:$0x3FA5] =	sst s2  }
0xb: {  	[smem:$0x3FA6] =	sst s3  }
0xc: {  	[smem:$0x3FA7] =	sst s4  }
0xd: {  	[smem:$0x3FA8] =	sst s5  }
0xe: {  	[smem:$0x3FA9] =	sst s6  }
0xf: {  	[smem:$0x3FAA] =	sst s7  }
0x10: {  	[smem:$0x3FAB] =	sst s8  }
0x11: {  	[smem:$0x3FAC] =	sst s9;
	s0 =	simm.s32 @!p0 $0x0  }
0x12: {  	s1 =	sld [smem:$0x3F92];
	s0 =	simm.s32 @p0 $0x1  }
0x13: {  	[smem:$0x3FAD] =	sst s0;
	s0 =	simm.s32 @!p1 $0x0  }
0x14: {  	s2 =	sld [smem:$0x3F91];
	s0 =	simm.s32 @p1 $0x1  }
0x15: {  	[smem:$0x3FAE] =	sst s0;
	s0 =	simm.s32 @!p2 $0x0  }
0x16: {  	s3 =	sld [smem:$0x3FDB];
	s0 =	simm.s32 @p2 $0x1  }
0x17: {  	s4 =	simm.s32 $0x1BF5;
	[smem:$0x3FB0] =	sst s0  }
0x18: {  	s0 =	sld [smem:$0x3F93];
	_ =	swait.ge [sflag:s4], $0x0  }
0x19: {  	s7 =	sld [smem:$0x3F94]  }
0x1a: {  	s8 =	sadd.s32 $0xFFFFE003, lr  }
0x1b: {  	s9 =	sadd.s32 $0xFFFFFEF7, lr;
	s5 =	simm.s32 $0xFFFFFFFF;
	p2 =	slt.u32 s8, $0xFFFFF086  }
0x1c: {  	p1 =	slt.u32 s9, $0xF7A;
	s5 =	simm.s32 @!p2 $0x0  }
0x1d: {  	s5 =	simm.s32 @p1 $0x1;
	p0 =	seq.s32 s7, s2  }
0x1e: {  	s7 =	smul.u32 @!p0 $0xF7A, s2;
	p2 =	seq.s32 @!p0 s5, $0x0  }
0x1f: {  	s9 =	smul.u32 $0xF7A, s1;
	s8 =	simm.s32 @!p0 $0x1BF5;
	p2 =	por !p2, p0  }
0x20: {  	[sflag:s8] =	ssyncset.s32 @!p0 $0xFFFFF086;
	s6 =	sadd.s32 @!p0 s3, s7;
	s7 =	simm.s32 @!p0 $0x108  }
0x21: {  	s3 =	sadd.s32 s3, s9;
	s6 =	sadd.s32 @!p0 $0x88, s6;
	s7 =	simm.s32 @p2 $0x1082  }
0x22: {  	[simem:s7], [sflag:s8] =	dma.local @!p0 [hbm:s6], $0xF7A  }
0x23: {  	s9 =	sor.u32 $0xD0000000, s2;
	s6 =	simm.s32 $0x108;
	_ =	swait.ge @!p0 [sflag:s8], $0x0  }
0x24: {  	s3 =	sadd.s32 $0x88, s3;
	s6 =	simm.s32 @!p1 $0x1082;
	[sflag:s4] =	ssyncset.s32 $0xFFFFF086  }
0x25: {  	[simem:s6], [sflag:s4] =	dma.local [hbm:s3], $0xF7A  }
0x26: {  	[smem:$0x3F94] =	sst s1;
	(tag) =	ssettag s2;
	_ =	strace s9  }
0x27: {  	s1 =	sld [smem:$0x3FA4]  }
0x28: {  	s2 =	sld [smem:$0x3FA5]  }
0x29: {  	s4 =	sld [smem:$0x3FA7]  }
0x2a: {  	p0 =	seq.s32 s5, $0x0;
	s5 =	sld [smem:$0x3FA8]  }
0x2b: {  	s6 =	sld [smem:$0x3FA9]  }
0x2c: {  	s7 =	sld [smem:$0x3FAA]  }
0x2d: {  	s3 =	simm.s32 $0x108;
	s8 =	sld [smem:$0x3FAB]  }
0x2e: {  	s3 =	simm.s32 @!p0 $0x1082;
	s9 =	sld [smem:$0x3FAC]  }
0x2f: {  	lr =	sadd.s32 s0, s3;
	s0 =	sld [smem:$0x3FA3]  }
0x30: {  	s3 =	sld [smem:$0x3FA6]  }
0x31: {  	[smem:$0x3FAF] =	sst s10  }
0x32: {  	s10 =	sld [smem:$0x3FAD];
	_ =	sdelay $0x3  }
0x33: {  	p0 =	seq.s32 s10, $0x1;
	s10 =	sld [smem:$0x3FAF];
	_ =	sdelay $0x3  }
0x34: {  	[smem:$0x3FAF] =	sst s10  }
0x35: {  	s10 =	sld [smem:$0x3FAE];
	_ =	sdelay $0x3  }
0x36: {  	p1 =	seq.s32 s10, $0x1;
	s10 =	sld [smem:$0x3FAF];
	_ =	sdelay $0x3  }
0x37: {  	[smem:$0x3FAF] =	sst s10  }
0x38: {  	s10 =	sld [smem:$0x3FB0]  }
0x39: {  	_ = 	snop;
	(pc) =	sbr.ind lr, $3  }
0x3a: {  	_ = 	snop  }
0x3b: {  	_ = 	snop  }
0x3c: {  	p2 =	seq.s32 s10, $0x1;
	s10 =	sld [smem:$0x3FAF]  }
0x3d: {  	_ =	shalt  }
0x3e: {  	_ =	shalt  }
0x3f: {  	_ =	shalt  }
0x40: {  	_ =	shalt  }
0x41: {  	_ =	shalt  }
0x42: {  	_ =	shalt  }
0x43: {  	_ =	shalt  }
0x44: {  	_ =	shalt  }
0x45: {  	_ =	shalt  }
0x46: {  	_ =	shalt  }
0x47: {  	_ =	shalt  }
0x48: {  	_ =	shalt  }
0x49: {  	_ =	shalt  }
0x4a: {  	_ =	shalt  }
0x4b: {  	_ =	shalt  }
0x4c: {  	_ =	shalt  }
0x4d: {  	_ =	shalt  }
0x4e: {  	_ =	shalt  }
0x4f: {  	_ =	shalt  }
0x50: {  	_ =	shalt  }
0x51: {  	_ =	shalt  }
0x52: {  	_ =	shalt  }
0x53: {  	_ =	shalt  }
0x54: {  	_ =	shalt  }
0x55: {  	_ =	shalt  }
0x56: {  	_ =	shalt  }
0x57: {  	_ =	shalt  }
0x58: {  	_ =	shalt  }
0x59: {  	_ =	shalt  }
0x5a: {  	_ =	shalt  }
0x5b: {  	_ =	shalt  }
0x5c: {  	_ =	shalt  }
0x5d: {  	_ =	shalt  }
0x5e: {  	_ =	shalt  }
0x5f: {  	_ =	shalt  }
0x60: {  	_ =	shalt  }
0x61: {  	_ =	shalt  }
0x62: {  	_ =	shalt  }
0x63: {  	_ =	shalt  }
0x64: {  	_ =	shalt  }
0x65: {  	_ =	shalt  }
0x66: {  	_ =	shalt  }
0x67: {  	_ =	shalt  }
0x68: {  	_ =	shalt  }
0x69: {  	_ =	shalt  }
0x6a: {  	_ =	shalt  }
0x6b: {  	_ =	shalt  }
0x6c: {  	_ =	shalt  }
0x6d: {  	_ =	shalt  }
0x6e: {  	_ =	shalt  }
0x6f: {  	_ =	shalt  }
0x70: {  	_ =	shalt  }
0x71: {  	_ =	shalt  }
0x72: {  	_ =	shalt  }
0x73: {  	_ =	shalt  }
0x74: {  	_ =	shalt  }
0x75: {  	_ =	shalt  }
0x76: {  	_ =	shalt  }
0x77: {  	_ =	shalt  }
0x78: {  	_ =	shalt  }
0x79: {  	_ =	shalt  }
0x7a: {  	_ =	shalt  }
0x7b: {  	_ =	shalt  }
0x7c: {  	_ =	shalt  }
0x7d: {  	_ =	shalt  }
0x7e: {  	_ =	shalt  }
0x7f: {  	_ =	shalt  }
0x80: {  	_ =	shalt  }
0x81: {  	_ =	shalt  }
0x82: {  	_ =	shalt  }
0x83: {  	_ =	shalt  }
0x84: {  	_ =	shalt  }
0x85: {  	_ =	shalt  }
0x86: {  	_ =	shalt  }
0x87: {  	_ =	shalt  }
.Lfunc_end0:
.L_simem_size_0:
called_computation.4_lowered:
.L_overlay_start_0:
0x88: {  	s2 =	sld [smem:$0x3FD9]  }
0x89: {  	s3 =	sld [smem:$0x3FFE];
	_ =	sdelay $0x1  }
0x8a: {  	s1 =	srdreg.scid  }
0x8b: {  	s0 =	sand.u32 $0x1, s1  }
0x8c: {  	s17 =	sshll.u32 s0, $0xA;
	s2 =	sadd.s32 s3, s2  }
0x8d: {  	s2 =	sadd.s32 s2, s17  }
0x8e: {  	[smem:$0x3FBB] =	sst s2  }
0x8f: {  	_ = 	snop  }
0x90: {  	(tm) =	ssettm $0x1  }
0x91: {  	s18 =	sld [smem:$0x3FFB];
	_ =	sdelay $0x3  }
0x92: {  	_ =	strace s18  }
0x93: {  	s2 =	sld [smem:$0x3FFC];
	_ =	sdelay $0x3  }
0x94: {  	_ =	strace s2  }
0x95: {  	s2 =	sld [smem:$0x3FFD];
	_ =	sdelay $0x3  }
0x96: {  	_ =	strace s2  }
0x97: {  	_ =	strace $0x8FFFFFFF  }
0x98: {  	s19 =	sld [smem:$0x3FDB];
	_ =	sdelay $0x1  }
0x99: {  	s20 =	simm.s32 $_scs_section_size  }
0x9a: {  	s4 =	simm.s32 $_size__tile_overlayer_lowered;
	s5 =	simm.s32 $_tile_overlayer_lowered  }
0x9b: {  	s6 =	simm.s32 $0x1BFF;
	s21 =	sshll.u32 s5, $0x1;
	s3 =	sadd.s32 s20, s19  }
0x9c: {  	s22 =	simm.s32 $0x0;
	s4 =	sshll.u32 s4, $0x1;
	s5 =	sadd.s32 s21, s3  }
0x9d: {  	[timem:s22], [sflag:s6] =	dma.local [hbm:s5], s4  }
0x9e: {  	_ =	swait.ge [sflag:s6], s4  }
0x9f: {  	s4 =	ssub.s32 $0x0, s4;
	[sflag:s6] =	ssyncset.done $0x0  }
0xa0: {  	[sflag:s6] =	ssyncadd.s32 s4;
	_ =	sdelay $0x1  }
0xa1: {  	s23 =	simm.s32 $0x1B8B  }
0xa2: {  	_ =	swait.ge [sflag:s23], $0x1  }
0xa3: {  	[sflag:s23] =	ssyncset.done $0x0  }
0xa4: {  	[sflag:s23] =	ssyncadd.s32 $0xFFFFFFFF  }
0xa5: {  	s4 =	sld [smem:$0x0]  }
0xa6: {  	s5 =	sand.u32 $0xFFFFFFFE, s1  }
0xa7: {  	p0 =	sne.s32 s1, s5  }
0xa8: {  	s5 =	sshll.u32 @p0 s5, $0xE  }
0xa9: {  	s5 =	sadd.s32 @p0 $0x11B8D, s5;
	s6 =	sshll.u32 @p0 s4, $0x11  }
0xaa: {  	s5 =	sor.u32 @p0 s6, s5  }
0xab: {  	[sflag:s5] =	ssyncadd.remote.s32 @p0 $0x1;
	_ =	sdelay $0x1  }
0xac: {  	s5 =	simm.s32 @p0 $0x1B8D  }
0xad: {  	_ =	swait.eq @p0 [sflag:s5], $0x1  }
0xae: {  	[sflag:s5] =	ssyncadd.s32 @p0 $0xFFFFFFFF  }
0xaf: {  	s6 =	sshll.u32 @!p0 s1, $0xE  }
0xb0: {  	s6 =	sor.u32 @!p0 $0x4000, s6;
	s5 =	simm.s32 @!p0 $0x1B8D  }
0xb1: {  	s4 =	sshll.u32 @!p0 s4, $0x11;
	s6 =	sadd.s32 @!p0 $0x11B8D, s6;
	_ =	swait.eq @!p0 [sflag:s5], $0x1  }
0xb2: {  	s4 =	sor.u32 @!p0 s4, s6;
	[sflag:s5] =	ssyncadd.s32 @!p0 $0xFFFFFFFF  }
0xb3: {  	s25 =	simm.s32 $0x1B8E;
	s24 =	sld [smem:$0x3FFE];
	[sflag:s4] =	ssyncadd.remote.s32 @!p0 $0x1  }
0xb4: {  	s26 =	simm.s32 $execute0_lowered;
	[smem:$0x3FD2] =	sst s25  }
0xb5: {  	s5 =	sshll.u32 s26, $0x1;
	_ =	strace $0x80000049;
	[dreg:$0x1] =	wrdreg $0xFFFFFFFF  }
0xb6: {  	s28 =	simm.s32 $_size_execute0_lowered;
	s3 =	sadd.s32 s3, s5;
	[dreg:$0x0] =	wrdreg $0x0  }
0xb7: {  	s5 =	sshll.u32 s28, $0x1;
	[dreg:$0x2] =	wrdreg s3  }
0xb8: {  	[dreg:$0x3] =	wrdreg s5  }
0xb9: {  	[dreg:$0x4] =	wrdreg $0xC0  }
0xba: {  	_ =	task [dreg:s22], $0x5FFFF  }
0xbb: {  	[dreg:$0x1] =	wrdreg $0xFFFFFFFF  }
0xbc: {  	[dreg:$0x0] =	wrdreg $0x60  }
0xbd: {  	[dreg:$0x2] =	wrdreg s24  }
0xbe: {  	[dreg:$0x3] =	wrdreg $0x132000  }
0xbf: {  	[dreg:$0x4] =	wrdreg $0x151400  }
0xc0: {  	[dreg:$0x5] =	wrdreg $0xD  }
0xc1: {  	_ =	task.clear_ibuf [dreg:s22], $0x6FFFF;
	_ =	strace $0x90000049  }
0xc2: {  	s29 =	simm.s32 $0xD;
	_ =	strace $0x8000004B  }
0xc3: {  	_ =	swait.ge [sflag:s29], $0x1  }
0xc4: {  	[sflag:s29] =	ssyncadd.s32 $0xFFFFFFFF  }
0xc5: {  	_ =	strace $0x9000004B  }
0xc6: {  	_ =	sfence  }
0xc7: {  	s30 =	sld [smem:$0x0];
	_ =	sdelay $0x2  }
0xc8: {  	s31 =	sshll.u32 s1, $0xD;
	s1 =	sshrl.u32 s1, $0x2  }
0xc9: {  	s4 =	sand.u32 $0x4000, s31;
	s1 =	sadd.s32 s1, s30  }
0xca: {  	s0 =	sor.u32 s4, s0;
	s1 =	sshll.u32 s1, $0x11  }
0xcb: {  	s0 =	sor.u32 s1, s0  }
0xcc: {  	s0 =	sadd.s32 $0x8F2B, s0  }
0xcd: {  	[sflag:s0] =	ssyncadd.remote.s32 $0x1  }
0xce: {  	_ =	sfence.sel $0xFFFF  }
0xcf: {  	[dreg:$0x0] =	wrdreg $0xFFFFFFFF;
	(pc) =	sbr.abs _section_cstart, $3  }
0xd0: {  	[dreg:$0x1] =	wrdreg $0xFFFFFFFF  }
0xd1: {  	_ =	task.clear_ibuf [dreg:s22], $0x2FFFF;
	_ =	strace $0x9FFFFFFF  }
0xd2: {  	(tm) =	ssettm $0x7FFFFFFF  }
0xd3: {  	_ =	shalt  }
tec
execute0_lowered:
.L_overlay_start_1:
0x0: {  	(tag) =	ssettag $0x1  }
0x1: {  	s0 =	rddreg [dreg:$0x0]  }
0x2: {  	s1 =	rddreg [dreg:$0x1]  }
0x3: {  	s2 =	rddreg [dreg:$0x2];
	s4 =	srdreg.scid  }
0x4: {  	s12 =	stileid.u32;
	s3 =	simm.s32 $0x0;
	s14 =	simm.s32 $0x5  }
0x5: {  	s15 =	simm.s32 $0x1900;
	s16 =	simm.s32 $0x80;
	s17 =	simm.s32 $0x3200  }
0x6: {  	s19 =	simm.s32 $0x7200;
	s20 =	simm.s32 $0x1980;
	s21 =	simm.s32 $0xF200  }
0x7: {  	s22 =	simm.s32 $0x1;
	s23 =	simm.s32 $0x3;
	s24 =	simm.s32 $0x2  }
0x8: {  	s25 =	simm.s32 $0x4;
	s26 =	simm.s32 $0x0;
	s4 =	sand.u32 $0x1, s4  }
0x9: {  	s5 =	sshll.u32 s12, $0x1;
	[smem:$0x7FF] =	sst s3;
	p0 =	sne.s32 s12, $0x0  }
0xa: {  	s9 =	sor.u32 s4, s5;
	_ =	strace $0x8000004A;
	s7 =	ssub.s32 $0x2, s4  }
.Ltmp0:
0xb: {  	s4 =	sadd.s32 $0x20800, s0;
	s5 =	sadd.s32 $0x24800, s0;
	(pc) =	sbr.rel .LBB2_1-.Ltmp0, $4  }
0xc: {  	s12 =	sshrl.u32 @!p0 s1, $0x3;
	s6 =	smul.u32 $0x320, s9;
	s8 =	sshrl.u32 s7, $0x1  }
0xd: {  	s13 =	sshrl.u32 @!p0 s2, $0x3;
	s9 =	sshll.u32 s9, $0xB;
	s11 =	ssub.s32 s7, s8  }
0xe: {  	s10 =	sadd.s32 s6, s0;
	s6 =	sadd.s32 $0x28800, s0;
	s11 =	smax.u32 s11, $0x1  }
0xf: {  	s7 =	sadd.s32 $0xD000, s10;
	s8 =	sadd.s32 $0x1A400, s10;
	s10 =	sadd.s32 $0x38800, s0  }
.LBB2_8:
0x10: {  	s26 =	sadd.s32 $0x1, s26  }
0x11: {  	p1 =	sne.s32 s26, s11  }
.Ltmp1:
0x12: {  	_ = 	snop;
	(pc) =	sbr.rel @!p1 .LBB2_9-.Ltmp1, $1  }
0x13: {  	_ =	sdelay $0x3  }
.LBB2_1:
0x14: {  	s0 =	simm.s32 @!p0 $0x1C05;
	s28 =	simm.s32 @!p0 $0x5  }
0x15: {  	[spmem:s12], [sflag:s0] =	dma.local @!p0 [hbm:s4], $0x3E80  }
0x16: {  	_ =	swait.ge @!p0 [sflag:s28], $0x3E80  }
0x17: {  	[sflag:s28] =	ssyncset.done @!p0 $0x0  }
0x18: {  	[sflag:s28] =	ssyncadd.s32 @!p0 $0xFFFFC180  }
0x19: {  	[spmem:s13], [sflag:s0] =	dma.local @!p0 [hbm:s5], $0x3E80  }
0x1a: {  	_ =	swait.ge @!p0 [sflag:s28], $0x3E80  }
0x1b: {  	[sflag:s28] =	ssyncset.done @!p0 $0x0  }
0x1c: {  	[sflag:s28] =	ssyncadd.s32 @!p0 $0xFFFFC180  }
0x1d: {  	[bflag:$0x0] =	sbarrier.arrive $0xFFFF  }
0x1e: {  	[tilespmem:s3], [sflag:$0x5] =	stream.linear.gather [hbm4b:s7+s3], $0x1900, $0x38;
	[tilespmem:$0x17080] =	vst v63  }
0x1f: {  	_ =	swait.ge [sflag:s14], $0x1900  }
0x20: {  	[sflag:s14] =	ssyncset.done $0x0  }
0x21: {  	[sflag:s14] =	ssyncadd.s32 $0xFFFFE700  }
0x22: {  	[tilespmem:s15], [sflag:$0x5] =	stream.linear.gather [hbm4b:s8+s3], $0x1900, $0x38;
	[tilespmem:$0x17080] =	vst v63  }
0x23: {  	_ =	swait.ge [sflag:s14], $0x1900  }
0x24: {  	[sflag:s14] =	ssyncset.done $0x0  }
0x25: {  	[sflag:s14] =	ssyncadd.s32 $0xFFFFE700  }
0x26: {  	[tilespmem:s17], [sflag:$0x1] =	stream.indirect.gather [spmem:s1], $0x80, s3, s16, $0xb8;
	[tilespmem:$0x17080] =	vst v63  }
0x27: {  	s31 =	simm.s32 $0xB200  }
0x28: {  	[tilespmem:s31], [sflag:$0x3] =	stream.indirect.gather [spmem:s2], $0x80, s15, s16, $0xb8;
	[tilespmem:$0x17080] =	vst v63  }
0x29: {  	_ = 	snop  }
0x2a: {  	[tilespmem:s19], [sflag:$0x2] =	stream.indirect.gather [spmem:s1], $0x80, s16, s16, $0xb8;
	[tilespmem:$0x17080] =	vst v63  }
0x2b: {  	s28 =	simm.s32 $0x0  }
0x2c: {  	[tilespmem:s21], [sflag:$0x4] =	stream.indirect.gather [spmem:s2], $0x80, s20, s16, $0xb8;
	[tilespmem:$0x17080] =	vst v63  }
.LBB2_2:
0x2d: {  	_ =	swait.ge [sflag:s22], $0x4000  }
0x2e: {  	[sflag:s22] =	ssyncset.done $0x0  }
0x2f: {  	[sflag:s22] =	ssyncadd.s32 $0xFFFFC000  }
0x30: {  	_ =	swait.ge [sflag:s23], $0x4000  }
0x31: {  	[sflag:s23] =	ssyncset.done $0x0  }
0x32: {  	s29 =	simm.s32 $0x0;
	[sflag:s23] =	ssyncadd.s32 $0xFFFFC000  }
0x33: {  	v7 =	vld [tilespmem:s29+$0xB200]  }
0x34: {  	v11 =	vld [tilespmem:s29+$0xB210]  }
0x35: {  	v5 =	vld [tilespmem:s29+$0xB220]  }
0x36: {  	v4 =	vld [tilespmem:s29+$0xB230]  }
0x37: {  	v3 =	vld [tilespmem:s29+$0xB240]  }
0x38: {  	v2 =	vld [tilespmem:s29+$0xB250]  }
0x39: {  	v1 =	vld [tilespmem:s29+$0xB260]  }
0x3a: {  	v0 =	vld [tilespmem:s29+$0xB270]  }
0x3b: {  	v12 =	vld [tilespmem:s29+$0x3200]  }
0x3c: {  	v13 =	vld [tilespmem:s29+$0x3210]  }
0x3d: {  	v10 =	vld [tilespmem:s29+$0x3220]  }
0x3e: {  	v9 =	vld [tilespmem:s29+$0x3230]  }
0x3f: {  	v8 =	vld [tilespmem:s29+$0x3240]  }
0x40: {  	v6 =	vld [tilespmem:s29+$0x3250];
	v12 =	vadd.f32 v7, v12  }
0x41: {  	s30 =	simm.s32 $0x200;
	v11 =	vadd.f32 v11, v13;
	v7 =	vld [tilespmem:s29+$0x3260]  }
.LBB2_3:
0x42: {  	s0 =	sshra.s32 s30, $0x2;
	p1 =	sne.s32 s30, $0xFE00;
	[tilespmem:s29+$0x3200] =	vst v12;
	v5 =	vadd.f32 v5, v10;
	v10 =	vld [tilespmem:s29+$0x3270]  }
0x43: {  	v12 =	vld [tilespmem:s0+$0xB200];
	[tilespmem:s29+$0x3210] =	vst v11;
	v4 =	vadd.f32 v4, v9  }
0x44: {  	v11 =	vld [tilespmem:s0+$0xB210];
	[tilespmem:s29+$0x3220] =	vst v5;
	v3 =	vadd.f32 v3, v8  }
0x45: {  	v5 =	vld [tilespmem:s0+$0xB220];
	[tilespmem:s29+$0x3230] =	vst v4;
	v2 =	vadd.f32 v2, v6  }
0x46: {  	v4 =	vld [tilespmem:s0+$0xB230];
	[tilespmem:s29+$0x3240] =	vst v3;
	v1 =	vadd.f32 v1, v7  }
0x47: {  	v3 =	vld [tilespmem:s0+$0xB240];
	[tilespmem:s29+$0x3250] =	vst v2;
	v0 =	vadd.f32 v0, v10  }
0x48: {  	v2 =	vld [tilespmem:s0+$0xB250];
	[tilespmem:s29+$0x3260] =	vst v1  }
0x49: {  	v1 =	vld [tilespmem:s0+$0xB260];
	[tilespmem:s29+$0x3270] =	vst v0;
	s29 =	smov.u32 s0  }
0x4a: {  	v0 =	vld [tilespmem:s29+$0xB270]  }
0x4b: {  	v6 =	vld [tilespmem:s29+$0x3200]  }
0x4c: {  	v7 =	vld [tilespmem:s29+$0x3210]  }
.Ltmp2:
0x4d: {  	v10 =	vld [tilespmem:s29+$0x3220];
	(pc) =	sbr.rel @p1 .LBB2_3-.Ltmp2, $4  }
0x4e: {  	v9 =	vld [tilespmem:s29+$0x3230]  }
0x4f: {  	v8 =	vld [tilespmem:s29+$0x3240]  }
0x50: {  	v12 =	vadd.f32 v12, v6;
	v6 =	vld [tilespmem:s29+$0x3250]  }
0x51: {  	s30 =	sadd.s32 $0x200, s30;
	v11 =	vadd.f32 v11, v7;
	v7 =	vld [tilespmem:s29+$0x3260]  }
0x52: {  	[tilespmem:s29+$0x3200] =	vst v12;
	v5 =	vadd.f32 v5, v10;
	v10 =	vld [tilespmem:s29+$0x3270]  }
0x53: {  	[tilespmem:s29+$0x3210] =	vst v11;
	v4 =	vadd.f32 v4, v9  }
0x54: {  	[tilespmem:s29+$0x3220] =	vst v5;
	v3 =	vadd.f32 v3, v8  }
0x55: {  	[tilespmem:s29+$0x3230] =	vst v4;
	v2 =	vadd.f32 v2, v6  }
0x56: {  	[tilespmem:s29+$0x3240] =	vst v3;
	v1 =	vadd.f32 v1, v7  }
0x57: {  	s0 =	sshll.u32 s28, $0x11;
	[tilespmem:s29+$0x3250] =	vst v2;
	v0 =	vadd.f32 v0, v10  }
0x58: {  	s30 =	sor.u32 s9, s0;
	[tilespmem:s29+$0x3260] =	vst v1  }
0x59: {  	s0 =	sadd.s32 s6, s30;
	[tilespmem:s29+$0x3270] =	vst v0  }
0x5a: {  	[hbm4b:s0+s3] =	stream.linear.scatter [tilespmem:s17], [sflag:$0x5], $0x4000, $0x38;
	[tilespmem:$0x17080] =	vst v63  }
0x5b: {  	p1 =	seq.s32 s28, $0x18;
	_ =	swait.ge [sflag:s14], $0x4000  }
0x5c: {  	s31 =	simm.s32 @!p1 $0x80;
	s29 =	sshll.u32 s28, $0x8;
	[sflag:s14] =	ssyncset.done $0x0  }
0x5d: {  	s18 =	simm.s32 @!p1 $0x3200;
	s0 =	sadd.s32 @!p1 $0x100, s29;
	[sflag:s14] =	ssyncadd.s32 $0xFFFFC000  }
0x5e: {  	[tilespmem:s18], [sflag:$0x1] =	stream.indirect.gather @!p1 [spmem:s1], $0x80, s0, s31, $0xb8;
	[tilespmem:$0x17080] =	vst v63  }
0x5f: {  	s0 =	sadd.s32 @!p1 $0x1A00, s29;
	s18 =	simm.s32 @!p1 $0xB200  }
0x60: {  	[tilespmem:s18], [sflag:$0x3] =	stream.indirect.gather @!p1 [spmem:s2], $0x80, s0, s31, $0xb8;
	[tilespmem:$0x17080] =	vst v63  }
0x61: {  	_ =	swait.ge [sflag:s24], $0x4000  }
0x62: {  	[sflag:s24] =	ssyncset.done $0x0  }
0x63: {  	[sflag:s24] =	ssyncadd.s32 $0xFFFFC000  }
0x64: {  	_ =	swait.ge [sflag:s25], $0x4000  }
0x65: {  	[sflag:s25] =	ssyncset.done $0x0  }
0x66: {  	s31 =	simm.s32 $0x0;
	[sflag:s25] =	ssyncadd.s32 $0xFFFFC000  }
0x67: {  	v7 =	vld [tilespmem:s31+$0xF200]  }
0x68: {  	v11 =	vld [tilespmem:s31+$0xF210]  }
0x69: {  	v5 =	vld [tilespmem:s31+$0xF220]  }
0x6a: {  	v4 =	vld [tilespmem:s31+$0xF230]  }
0x6b: {  	v3 =	vld [tilespmem:s31+$0xF240]  }
0x6c: {  	v2 =	vld [tilespmem:s31+$0xF250]  }
0x6d: {  	v1 =	vld [tilespmem:s31+$0xF260]  }
0x6e: {  	v0 =	vld [tilespmem:s31+$0xF270]  }
0x6f: {  	v12 =	vld [tilespmem:s31+$0x7200]  }
0x70: {  	v13 =	vld [tilespmem:s31+$0x7210]  }
0x71: {  	v10 =	vld [tilespmem:s31+$0x7220]  }
0x72: {  	v9 =	vld [tilespmem:s31+$0x7230]  }
0x73: {  	v8 =	vld [tilespmem:s31+$0x7240]  }
0x74: {  	v6 =	vld [tilespmem:s31+$0x7250];
	v12 =	vadd.f32 v7, v12  }
0x75: {  	s0 =	simm.s32 $0x200;
	v11 =	vadd.f32 v11, v13;
	v7 =	vld [tilespmem:s31+$0x7260]  }
.LBB2_5:
0x76: {  	s18 =	sshra.s32 s0, $0x2;
	p2 =	sne.s32 s0, $0xFE00;
	[tilespmem:s31+$0x7200] =	vst v12;
	v5 =	vadd.f32 v5, v10;
	v10 =	vld [tilespmem:s31+$0x7270]  }
0x77: {  	v12 =	vld [tilespmem:s18+$0xF200];
	[tilespmem:s31+$0x7210] =	vst v11;
	v4 =	vadd.f32 v4, v9  }
0x78: {  	v11 =	vld [tilespmem:s18+$0xF210];
	[tilespmem:s31+$0x7220] =	vst v5;
	v3 =	vadd.f32 v3, v8  }
0x79: {  	v5 =	vld [tilespmem:s18+$0xF220];
	[tilespmem:s31+$0x7230] =	vst v4;
	v2 =	vadd.f32 v2, v6  }
0x7a: {  	v4 =	vld [tilespmem:s18+$0xF230];
	[tilespmem:s31+$0x7240] =	vst v3;
	v1 =	vadd.f32 v1, v7  }
0x7b: {  	v3 =	vld [tilespmem:s18+$0xF240];
	[tilespmem:s31+$0x7250] =	vst v2;
	v0 =	vadd.f32 v0, v10  }
0x7c: {  	v2 =	vld [tilespmem:s18+$0xF250];
	[tilespmem:s31+$0x7260] =	vst v1  }
0x7d: {  	v1 =	vld [tilespmem:s18+$0xF260];
	[tilespmem:s31+$0x7270] =	vst v0;
	s31 =	smov.u32 s18  }
0x7e: {  	v0 =	vld [tilespmem:s31+$0xF270]  }
0x7f: {  	v6 =	vld [tilespmem:s31+$0x7200]  }
0x80: {  	v7 =	vld [tilespmem:s31+$0x7210]  }
.Ltmp3:
0x81: {  	v10 =	vld [tilespmem:s31+$0x7220];
	(pc) =	sbr.rel @p2 .LBB2_5-.Ltmp3, $4  }
0x82: {  	v9 =	vld [tilespmem:s31+$0x7230]  }
0x83: {  	v8 =	vld [tilespmem:s31+$0x7240]  }
0x84: {  	v12 =	vadd.f32 v12, v6;
	v6 =	vld [tilespmem:s31+$0x7250]  }
0x85: {  	s0 =	sadd.s32 $0x200, s0;
	v11 =	vadd.f32 v11, v7;
	v7 =	vld [tilespmem:s31+$0x7260]  }
0x86: {  	[tilespmem:s31+$0x7200] =	vst v12;
	v5 =	vadd.f32 v5, v10;
	v63 =	vld [tilespmem:s31+$0x7270]  }
0x87: {  	[tilespmem:s31+$0x7210] =	vst v11;
	v4 =	vadd.f32 v4, v9  }
0x88: {  	[tilespmem:s31+$0x7220] =	vst v5;
	v3 =	vadd.f32 v3, v8  }
0x89: {  	[tilespmem:s31+$0x7230] =	vst v4;
	v2 =	vadd.f32 v2, v6  }
0x8a: {  	[tilespmem:s31+$0x7240] =	vst v3;
	v1 =	vadd.f32 v1, v7  }
0x8b: {  	[tilespmem:s31+$0x7250] =	vst v2;
	v0 =	vadd.f32 v0, v63  }
0x8c: {  	[tilespmem:s31+$0x7260] =	vst v1  }
.Ltmp4:
0x8d: {  	s0 =	sadd.s32 s30, s10;
	[tilespmem:s31+$0x7270] =	vst v0;
	(pc) =	sbr.rel @p1 .LBB2_8-.Ltmp4, $4  }
0x8e: {  	[hbm4b:s0+s3] =	stream.linear.scatter [tilespmem:s19], [sflag:$0x5], $0x4000, $0x38;
	[tilespmem:$0x17080] =	vst v63  }
0x8f: {  	_ =	swait.ge [sflag:s14], $0x4000  }
0x90: {  	[sflag:s14] =	ssyncset.done $0x0  }
0x91: {  	[sflag:s14] =	ssyncadd.s32 $0xFFFFC000  }
.Ltmp5:
0x92: {  	(pc) =	sbr.rel .LBB2_2-.Ltmp5, $4  }
0x93: {  	s0 =	sadd.s32 $0x180, s29  }
0x94: {  	[tilespmem:s19], [sflag:$0x2] =	stream.indirect.gather [spmem:s1], $0x80, s0, s16, $0xb8;
	[tilespmem:$0x17080] =	vst v63  }
0x95: {  	s31 =	sadd.s32 $0x1A80, s29;
	s28 =	sadd.s32 $0x1, s28  }
0x96: {  	[tilespmem:s21], [sflag:$0x4] =	stream.indirect.gather [spmem:s2], $0x80, s31, s16, $0xb8;
	[tilespmem:$0x17080] =	vst v63  }
.LBB2_9:
0x97: {  	_ =	sfence.sel $0x180000  }
0x98: {  	[bflag:$0x0] =	sbarrier.arrive $0xFFFF  }
0x99: {  	_ =	strace $0x9000004A  }
0x9a: {  	[bflag:$0x2] =	sbarrier.arrive $0xFFFF  }
0x9b: {  	s0 =	rddreg [dreg:$0x3]  }
0x9c: {  	s0 =	sadd.s32 @!p0 $0x100000, s0  }
0x9d: {  	[sflag:s0] =	ssyncadd.tile.s32 @!p0 $0x1;
	_ =	shalt  }
.Lfunc_end2:
_tile_overlayer_lowered:
.L_overlay_start_2:
0x9e: {  	(tag) =	ssettag $0x2  }
0x9f: {  	s0 =	rddreg [dreg:$0x0];
	s2 =	stileid.u32  }
0xa0: {  	s1 =	rddreg [dreg:$0x1];
	p0 =	sne.s32 s2, $0x0  }
0xa1: {  	s3 =	rddreg [dreg:$0x2];
	[bflag:$0x3] =	sbarrier.arrive $0xFFFF;
	s2 =	simm.s32 @!p0 $0x1C05  }
0xa2: {  	[timem:s3], [sflag:s2] =	dma.local @!p0 [hbm:s0], s1  }
0xa3: {  	s0 =	simm.s32 @!p0 $0x5  }
0xa4: {  	_ =	swait.ge @!p0 [sflag:s0], s1  }
0xa5: {  	s1 =	ssub.s32 @!p0 $0x0, s1;
	[sflag:s0] =	ssyncset.done @!p0 $0x0  }
0xa6: {  	[sflag:s0] =	ssyncadd.s32 @!p0 s1  }
0xa7: {  	[bflag:$0x3] =	sbarrier.arrive $0xFFFF  }
0xa8: {  	_ =	shalt  }

</sc_bundles>
